<compile_context>
chip_gen: v7x
topology: tpu7x:2x2x1
jax: 0.10.2.dev20260603
libtpu: 0.0.44.dev20260713+nightly
codegen_flags: <defaults>
</compile_context>

<pallas_src>
import functools

import jax
import jax.numpy as jnp
from jax import lax
from jax.experimental import pallas as pl
from jax.experimental.pallas import tpu as pltpu
from jax.experimental.pallas import tpu_sc as plsc

H1, C1 = 4, 128
H2, C2 = 4, 256

_NC, _NS = 2, 16
_NW = _NC * _NS
_CB = 256
_WS = 8


def _sc_segsum(vals, idx, n_out):
    E, D = vals.shape
    assert E % (_NW * 16) == 0
    epw = E // _NW
    ntp = -(-n_out // 128) * 128
    valsT = vals.T
    zeros = jnp.zeros((ntp,), jnp.float32)
    mesh = plsc.VectorSubcoreMesh(core_axis_name="c", subcore_axis_name="s")

    @functools.partial(
        pl.kernel, mesh=mesh,
        out_type=jax.ShapeDtypeStruct((_NW, D, ntp), jnp.float32),
        compiler_params=pltpu.CompilerParams(use_tc_tiling_on_sc=False),
        scratch_types=[
            pltpu.VMEM((epw,), jnp.int32),
            pltpu.VMEM((epw,), jnp.float32),
            pltpu.VMEM((ntp,), jnp.float32),
        ],
    )
    def k(valsT_hbm, idx_hbm, zeros_hbm, out_hbm, ibuf, cbuf, table):
        c = lax.axis_index("c")
        sid = lax.axis_index("s")
        w = c * _NS + sid
        ebase = w * epw
        pltpu.sync_copy(idx_hbm.at[pl.ds(ebase, epw)], ibuf)

        def col_body(d, _):
            pltpu.sync_copy(zeros_hbm, table)
            pltpu.sync_copy(valsT_hbm.at[d, pl.ds(ebase, epw)], cbuf)

            def grp(g, _):
                i16 = ibuf[pl.ds(g * 16, 16)]
                x16 = cbuf[pl.ds(g * 16, 16)]
                plsc.addupdate_scatter(table, [i16], x16)
                return 0

            lax.fori_loop(0, epw // 16, grp, 0)
            pltpu.sync_copy(table, out_hbm.at[w, d])
            return 0

        lax.fori_loop(0, D, col_body, 0)

    out = k(valsT, idx, zeros)
    return out.sum(axis=0).T[:n_out]


def _pad_rows(a, ep):
    E = a.shape[0]
    return a if E == ep else jnp.pad(a, ((0, ep - E),) + ((0, 0),) * (a.ndim - 1))


def _mm_kern(a_ref, b_ref, o_ref):
    o_ref[...] = jnp.dot(a_ref[...], b_ref[...],
                         preferred_element_type=jnp.float32)


def _pmm(a, b, bm=512):
    M, K = a.shape
    _, N = b.shape
    pad = (-M) % bm
    if pad:
        a = jnp.pad(a, ((0, pad), (0, 0)))
    Mp = M + pad
    out = pl.pallas_call(
        _mm_kern,
        grid=(Mp // bm,),
        in_specs=[pl.BlockSpec((bm, K), lambda i: (i, 0)),
                  pl.BlockSpec((K, N), lambda i: (0, 0))],
        out_specs=pl.BlockSpec((bm, N), lambda i: (i, 0)),
        out_shape=jax.ShapeDtypeStruct((Mp, N), jnp.float32),
    )(a, b)
    return out[:M] if pad else out


def _layer1(xa, src, dst, ea, emask, Wqa, Wka, Wva, We, Wsa):
    N = xa.shape[0]
    D = xa.shape[1]
    Wqa_h = Wqa.reshape(D, H1, C1)
    Wka_h = Wka.reshape(D, H1, C1)
    We_h = We.reshape(4, H1, C1)
    M1 = jnp.einsum('dhc,ehc->hde', Wqa_h, Wka_h)
    B1 = jnp.einsum('dhc,ehc->hde', Wqa_h, We_h)
    zk = jnp.einsum('ne,hde->nhd', xa, M1)
    ze = jnp.einsum('nd,hde->nhe', xa, B1)
    srctab = jnp.concatenate([zk.reshape(N, H1 * D), xa], axis=1)
    dsttab = jnp.concatenate([xa, ze.reshape(N, H1 * 4)], axis=1)
    sg = srctab[src]
    dg = jnp.take(dsttab, dst, axis=0, indices_are_sorted=True)
    zk_s = sg[:, :H1 * D].reshape(-1, H1, D)
    xa_s = sg[:, H1 * D:]
    xa_d = dg[:, :D]
    ze_d = dg[:, D:].reshape(-1, H1, 4)
    logits = (jnp.einsum('ed,ehd->eh', xa_d, zk_s)
              + jnp.einsum('ehd,ed->eh', ze_d, ea)) / jnp.sqrt(float(C1))
    p = jnp.exp(logits) * emask[:, None]
    ssum = jax.ops.segment_sum(p, dst, num_segments=N,
                               indices_are_sorted=True)
    alpha = p / (ssum[dst] + 1e-16)
    pt = jnp.concatenate(
        [(alpha[:, :, None] * xa_s[:, None, :]).reshape(-1, H1 * D),
         (alpha[:, :, None] * ea[:, None, :]).reshape(-1, H1 * 4),
         jnp.zeros((alpha.shape[0], 8), jnp.float32)], axis=1)
    PT = jax.ops.segment_sum(pt, dst, num_segments=N,
                             indices_are_sorted=True)
    P = PT[:, :H1 * D].reshape(N, H1, D)
    T = PT[:, H1 * D:H1 * D + H1 * 4].reshape(N, H1, 4)
    out = (jnp.einsum('nhd,dhc->nhc', P, Wva.reshape(D, H1, C1))
           + jnp.einsum('nhd,dhc->nhc', T, We_h)).reshape(N, H1 * C1)
    return out + xa @ Wsa


def _layer2(ha, src, dst, ea, emask, Wqa, Wka, Wva, We, Wsa):
    N = ha.shape[0]
    qkvs = _pmm(ha, jnp.concatenate([Wqa, Wka, Wva, Wsa], axis=1))
    HC = H2 * C2
    q = qkvs[:, :HC].reshape(N, H2, C2)
    k = qkvs[:, HC:2 * HC].reshape(N, H2, C2)
    v = qkvs[:, 2 * HC:3 * HC].reshape(N, H2, C2)
    s = qkvs[:, 3 * HC:]
    We_h = We.reshape(4, H2, C2)
    ze = jnp.einsum('nhc,dhc->nhd', q, We_h)
    sg = jnp.concatenate([k.reshape(N, HC), v.reshape(N, HC)], axis=1)[src]
    dg = jnp.take(jnp.concatenate([q.reshape(N, HC),
                                   ze.reshape(N, H2 * 4)], axis=1),
                  dst, axis=0, indices_are_sorted=True)
    k_s = sg[:, :HC].reshape(-1, H2, C2)
    v_s = sg[:, HC:].reshape(-1, H2, C2)
    q_d = dg[:, :HC].reshape(-1, H2, C2)
    ze_d = dg[:, HC:].reshape(-1, H2, 4)
    logits = (jnp.einsum('ehc,ehc->eh', q_d, k_s)
              + jnp.einsum('ehd,ed->eh', ze_d, ea)) / jnp.sqrt(float(C2))
    p = jnp.exp(logits) * emask[:, None]
    ssum = jax.ops.segment_sum(p, dst, num_segments=N,
                               indices_are_sorted=True)
    alpha = p / (ssum[dst] + 1e-16)
    msg = jnp.concatenate(
        [(alpha[:, :, None] * v_s).reshape(-1, HC),
         (alpha[:, :, None] * ea[:, None, :]).reshape(-1, H2 * 4)], axis=1)
    UT = jax.ops.segment_sum(msg, dst, num_segments=N,
                             indices_are_sorted=True)
    U = UT[:, :HC].reshape(N, H2, C2)
    T = UT[:, HC:].reshape(N, H2, 4)
    out = (U + jnp.einsum('nhd,dhc->nhc', T, We_h)).reshape(N, HC)
    return out + s


def kernel(x, edge_index, edge_attr, batch, fp_batch,
           Wq1, bq1, Wk1, bk1, Wv1, bv1, We1, Ws1, bs1,
           Wq2, bq2, Wk2, bk2, Wv2, bv2, We2, Ws2, bs2,
           Wfp, bfp, Wf, bf):
    N = x.shape[0]
    E = edge_index.shape[1]
    dst0 = edge_index[1].astype(jnp.int32)
    order = jnp.argsort(dst0)
    src = edge_index[0].astype(jnp.int32)[order]
    dst = dst0[order]
    ea = edge_attr[order]
    emask = jnp.ones((E,), jnp.float32)
    xa = jnp.concatenate([x, jnp.ones((N, 1), jnp.float32)], axis=1)

    def aug(W, b):
        return jnp.concatenate([W, b[None, :]], axis=0)

    h1 = _layer1(xa, src, dst, ea, emask,
                 aug(Wq1, bq1), aug(Wk1, bk1), aug(Wv1, bv1), We1,
                 aug(Ws1, bs1))
    h1 = jax.nn.relu(h1)
    h1a = jnp.concatenate([h1, jnp.ones((N, 1), jnp.float32)], axis=1)
    h2 = _layer2(h1a, src, dst, ea, emask,
                 aug(Wq2, bq2), aug(Wk2, bk2), aug(Wv2, bv2), We2,
                 aug(Ws2, bs2))
    B = fp_batch.shape[0]
    h2c = jnp.concatenate([h2, jnp.ones((N, 1), jnp.float32)], axis=1)
    sc = jax.ops.segment_sum(h2c, batch, num_segments=B,
                             indices_are_sorted=True)
    g = sc[:, :-1] / jnp.maximum(sc[:, -1:], 1.0)
    fp = _pmm(fp_batch, Wfp, bm=1024) + bfp
    return _pmm(jnp.concatenate([g, fp], axis=-1), Wf, bm=1024) + bf

# --- scband reference (transcript-rebuilt; emitter-appended) ---
"""Pipeline reference for scband-drug-encoder-824633721748 (READ-ONLY COPY).

The authoritative reference and input builder live on the scoring server;
editing this copy changes nothing except your own understanding.
"""

import jax, jax.numpy as jnp
import numpy as np

N_NODES = 10000
N_EDGES = 160000
N_GRAPHS = 1024


def _lin(key, fan_in, fan_out, bias=True):
    k1, k2 = jax.random.split(key)
    W = jax.random.normal(k1, (fan_in, fan_out), dtype=jnp.float32) * (1.0 / np.sqrt(fan_in))
    if bias:
        b = jax.random.normal(k2, (fan_out,), dtype=jnp.float32) * 0.01
        return W, b
    return W


def setup_inputs(seed: int = 0):
    key = jax.random.key(seed)
    ks = jax.random.split(key, 20)
    inp = {}
    inp['x'] = jax.random.normal(ks[0], (N_NODES, 9), dtype=jnp.float32)
    inp['edge_index'] = jax.random.randint(ks[1], (2, N_EDGES), 0, N_NODES)
    inp['edge_attr'] = jax.random.normal(ks[2], (N_EDGES, 4), dtype=jnp.float32)
    inp['batch'] = jnp.sort(jax.random.randint(ks[3], (N_NODES,), 0, N_GRAPHS))
    inp['fp_batch'] = jax.random.normal(ks[4], (N_GRAPHS, 2048), dtype=jnp.float32)
    # gnn1: TransformerConv(9, 128, heads=4, edge_dim=4) -> H*C = 512
    inp['Wq1'], inp['bq1'] = _lin(ks[5], 9, 512)
    inp['Wk1'], inp['bk1'] = _lin(ks[6], 9, 512)
    inp['Wv1'], inp['bv1'] = _lin(ks[7], 9, 512)
    inp['We1'] = _lin(ks[8], 4, 512, bias=False)
    inp['Ws1'], inp['bs1'] = _lin(ks[9], 9, 512)
    # gnn2: TransformerConv(512, 256, heads=4, edge_dim=4) -> H*C = 1024
    inp['Wq2'], inp['bq2'] = _lin(ks[10], 512, 1024)
    inp['Wk2'], inp['bk2'] = _lin(ks[11], 512, 1024)
    inp['Wv2'], inp['bv2'] = _lin(ks[12], 512, 1024)
    inp['We2'] = _lin(ks[13], 4, 1024, bias=False)
    inp['Ws2'], inp['bs2'] = _lin(ks[14], 512, 1024)
    inp['Wfp'], inp['bfp'] = _lin(ks[15], 2048, 256)
    inp['Wf'], inp['bf'] = _lin(ks[16], 1024 + 256, 1024)
    return inp


def _segment_softmax(alpha, seg, num_segments):
    m = jax.ops.segment_max(alpha, seg, num_segments=num_segments)
    m = jnp.where(jnp.isfinite(m), m, 0.0)
    a = jnp.exp(alpha - m[seg])
    s = jax.ops.segment_sum(a, seg, num_segments=num_segments)
    return a / (s[seg] + 1e-16)


def _transformer_conv(x, src, dst, edge_attr, Wq, bq, Wk, bk, Wv, bv, We, Ws, bs, H, C):
    N = x.shape[0]
    q = (x @ Wq + bq).reshape(N, H, C)
    k = (x @ Wk + bk).reshape(N, H, C)
    v = (x @ Wv + bv).reshape(N, H, C)
    e = (edge_attr @ We).reshape(-1, H, C)
    k_j = k[src] + e
    alpha = (q[dst] * k_j).sum(-1) / jnp.sqrt(float(C))
    alpha = _segment_softmax(alpha, dst, N)
    msg = (v[src] + e) * alpha[:, :, None]
    out = jax.ops.segment_sum(msg, dst, num_segments=N).reshape(N, H * C)
    return out + x @ Ws + bs


def reference(x, edge_index, edge_attr, batch, fp_batch,
              Wq1, bq1, Wk1, bk1, Wv1, bv1, We1, Ws1, bs1,
              Wq2, bq2, Wk2, bk2, Wv2, bv2, We2, Ws2, bs2,
              Wfp, bfp, Wf, bf):
    src, dst = edge_index[0], edge_index[1]
    h = _transformer_conv(x, src, dst, edge_attr, Wq1, bq1, Wk1, bk1, Wv1, bv1, We1, Ws1, bs1, 4, 128)
    h = jax.nn.relu(h)
    h = _transformer_conv(h, src, dst, edge_attr, Wq2, bq2, Wk2, bk2, Wv2, bv2, We2, Ws2, bs2, 4, 256)
    B = fp_batch.shape[0]
    s = jax.ops.segment_sum(h, batch, num_segments=B)
    cnt = jax.ops.segment_sum(jnp.ones((h.shape[0],), dtype=h.dtype), batch, num_segments=B)
    g = s / jnp.maximum(cnt, 1.0)[:, None]
    fp = fp_batch @ Wfp + bfp
    return jnp.concatenate([g, fp], axis=-1) @ Wf + bf

if __name__ == "__main__":
    import jax
    _d = setup_inputs()
    print(jax.jit(kernel)(*tuple(_d.values())))

</pallas_src>

<mosaic_0001>
module attributes {stable_mosaic.version = 14 : i64} {
  func.func @_mm_kern(%arg0: i32, %arg1: memref<512x513xf32, #tpu.memory_space<vmem>>, %arg2: memref<513x4096xf32, #tpu.memory_space<vmem>>, %arg3: memref<512x4096xf32, #tpu.memory_space<vmem>>) attributes {dimension_semantics = [#tpu.dimension_semantics<arbitrary>], iteration_bounds = array<i64: 20>, scalar_prefetch = 0 : i64, scratch_operands = 0 : i64, tpu.core_type = #tpu.core_type<tc>, window_params = [{transform_indices = @transform_0, window_bounds = array<i64: 512, 513>}, {pipeline_mode = #tpu.pipeline_mode<synchronous>, transform_indices = @transform_1, window_bounds = array<i64: 513, 4096>}, {transform_indices = @transform_2, window_bounds = array<i64: 512, 4096>}]} {
    %get3A = arith.constant 0 : index
    %get3A_0 = arith.constant 0 : index
    %get3A_1 = vector.load %arg1[%get3A, %get3A_0] : memref<512x513xf32, #tpu.memory_space<vmem>>, vector<512x513xf32>
    %get3A_2 = arith.constant 0 : index
    %get3A_3 = arith.constant 0 : index
    %get3A_4 = vector.load %arg2[%get3A_2, %get3A_3] : memref<513x4096xf32, #tpu.memory_space<vmem>>, vector<513x4096xf32>
    %dot_general3A = arith.constant dense<0.000000e+00> : vector<512x4096xf32>
    %dot_general3A_5 = tpu.matmul %get3A_1, %get3A_4, %dot_general3A {dimension_numbers = #tpu.dot_dimension_numbers<[1], [0], [0], [1], [0, 0, 1, 1], [], []>, transpose_lhs_hint = false} : vector<512x513xf32>, vector<513x4096xf32>, vector<512x4096xf32> -> vector<512x4096xf32>
    %swap3A = arith.constant 0 : index
    %swap3A_6 = arith.constant 0 : index
    %swap3A_7 = vector.load %arg3[%swap3A, %swap3A_6] : memref<512x4096xf32, #tpu.memory_space<vmem>>, vector<512x4096xf32>
    tpu.vector_store %arg3[%swap3A, %swap3A_6], %dot_general3A_5 {strides = array<i32>} : memref<512x4096xf32, #tpu.memory_space<vmem>>, vector<512x4096xf32>,
    return
  }
  func.func @transform_0(%arg0: i32) -> (i32, i32) {
    %c0_i32 = arith.constant 0 : i32
    %c0_i32_0 = arith.constant 0 : i32
    return %arg0, %c0_i32 : i32, i32
  }
  func.func @transform_1(%arg0: i32) -> (i32, i32) {
    %c0_i32 = arith.constant 0 : i32
    %c0_i32_0 = arith.constant 0 : i32
    %c0_i32_1 = arith.constant 0 : i32
    return %c0_i32, %c0_i32_0 : i32, i32
  }
  func.func @transform_2(%arg0: i32) -> (i32, i32) {
    %c0_i32 = arith.constant 0 : i32
    %c0_i32_0 = arith.constant 0 : i32
    return %arg0, %c0_i32 : i32, i32
  }
}

module attributes {stable_mosaic.version = 14 : i64} {
  func.func @_mm_kern(%arg0: i32, %arg1: memref<1024x2048xf32, #tpu.memory_space<vmem>>, %arg2: memref<2048x256xf32, #tpu.memory_space<vmem>>, %arg3: memref<1024x256xf32, #tpu.memory_space<vmem>>) attributes {dimension_semantics = [#tpu.dimension_semantics<arbitrary>], iteration_bounds = array<i64: 1>, scalar_prefetch = 0 : i64, scratch_operands = 0 : i64, tpu.core_type = #tpu.core_type<tc>, window_params = [{transform_indices = @transform_0, window_bounds = array<i64: 1024, 2048>}, {pipeline_mode = #tpu.pipeline_mode<synchronous>, transform_indices = @transform_1, window_bounds = array<i64: 2048, 256>}, {transform_indices = @transform_2, window_bounds = array<i64: 1024, 256>}]} {
    %get3A = arith.constant 0 : index
    %get3A_0 = arith.constant 0 : index
    %get3A_1 = vector.load %arg1[%get3A, %get3A_0] : memref<1024x2048xf32, #tpu.memory_space<vmem>>, vector<1024x2048xf32>
    %get3A_2 = arith.constant 0 : index
    %get3A_3 = arith.constant 0 : index
    %get3A_4 = vector.load %arg2[%get3A_2, %get3A_3] : memref<2048x256xf32, #tpu.memory_space<vmem>>, vector<2048x256xf32>
    %dot_general3A = arith.constant dense<0.000000e+00> : vector<1024x256xf32>
    %dot_general3A_5 = tpu.matmul %get3A_1, %get3A_4, %dot_general3A {dimension_numbers = #tpu.dot_dimension_numbers<[1], [0], [0], [1], [0, 0, 1, 1], [], []>, transpose_lhs_hint = false} : vector<1024x2048xf32>, vector<2048x256xf32>, vector<1024x256xf32> -> vector<1024x256xf32>
    %swap3A = arith.constant 0 : index
    %swap3A_6 = arith.constant 0 : index
    %swap3A_7 = vector.load %arg3[%swap3A, %swap3A_6] : memref<1024x256xf32, #tpu.memory_space<vmem>>, vector<1024x256xf32>
    tpu.vector_store %arg3[%swap3A, %swap3A_6], %dot_general3A_5 {strides = array<i32>} : memref<1024x256xf32, #tpu.memory_space<vmem>>, vector<1024x256xf32>,
    return
  }
  func.func @transform_0(%arg0: i32) -> (i32, i32) {
    %c0_i32 = arith.constant 0 : i32
    %c0_i32_0 = arith.constant 0 : i32
    return %arg0, %c0_i32 : i32, i32
  }
  func.func @transform_1(%arg0: i32) -> (i32, i32) {
    %c0_i32 = arith.constant 0 : i32
    %c0_i32_0 = arith.constant 0 : i32
    %c0_i32_1 = arith.constant 0 : i32
    return %c0_i32, %c0_i32_0 : i32, i32
  }
  func.func @transform_2(%arg0: i32) -> (i32, i32) {
    %c0_i32 = arith.constant 0 : i32
    %c0_i32_0 = arith.constant 0 : i32
    return %arg0, %c0_i32 : i32, i32
  }
}

module attributes {stable_mosaic.version = 14 : i64} {
  func.func @_mm_kern(%arg0: i32, %arg1: memref<1024x1280xf32, #tpu.memory_space<vmem>>, %arg2: memref<1280x1024xf32, #tpu.memory_space<vmem>>, %arg3: memref<1024x1024xf32, #tpu.memory_space<vmem>>) attributes {dimension_semantics = [#tpu.dimension_semantics<arbitrary>], iteration_bounds = array<i64: 1>, scalar_prefetch = 0 : i64, scratch_operands = 0 : i64, tpu.core_type = #tpu.core_type<tc>, window_params = [{transform_indices = @transform_0, window_bounds = array<i64: 1024, 1280>}, {pipeline_mode = #tpu.pipeline_mode<synchronous>, transform_indices = @transform_1, window_bounds = array<i64: 1280, 1024>}, {transform_indices = @transform_2, window_bounds = array<i64: 1024, 1024>}]} {
    %get3A = arith.constant 0 : index
    %get3A_0 = arith.constant 0 : index
    %get3A_1 = vector.load %arg1[%get3A, %get3A_0] : memref<1024x1280xf32, #tpu.memory_space<vmem>>, vector<1024x1280xf32>
    %get3A_2 = arith.constant 0 : index
    %get3A_3 = arith.constant 0 : index
    %get3A_4 = vector.load %arg2[%get3A_2, %get3A_3] : memref<1280x1024xf32, #tpu.memory_space<vmem>>, vector<1280x1024xf32>
    %dot_general3A = arith.constant dense<0.000000e+00> : vector<1024x1024xf32>
    %dot_general3A_5 = tpu.matmul %get3A_1, %get3A_4, %dot_general3A {dimension_numbers = #tpu.dot_dimension_numbers<[1], [0], [0], [1], [0, 0, 1, 1], [], []>, transpose_lhs_hint = false} : vector<1024x1280xf32>, vector<1280x1024xf32>, vector<1024x1024xf32> -> vector<1024x1024xf32>
    %swap3A = arith.constant 0 : index
    %swap3A_6 = arith.constant 0 : index
    %swap3A_7 = vector.load %arg3[%swap3A, %swap3A_6] : memref<1024x1024xf32, #tpu.memory_space<vmem>>, vector<1024x1024xf32>
    tpu.vector_store %arg3[%swap3A, %swap3A_6], %dot_general3A_5 {strides = array<i32>} : memref<1024x1024xf32, #tpu.memory_space<vmem>>, vector<1024x1024xf32>,
    return
  }
  func.func @transform_0(%arg0: i32) -> (i32, i32) {
    %c0_i32 = arith.constant 0 : i32
    %c0_i32_0 = arith.constant 0 : i32
    return %arg0, %c0_i32 : i32, i32
  }
  func.func @transform_1(%arg0: i32) -> (i32, i32) {
    %c0_i32 = arith.constant 0 : i32
    %c0_i32_0 = arith.constant 0 : i32
    %c0_i32_1 = arith.constant 0 : i32
    return %c0_i32, %c0_i32_0 : i32, i32
  }
  func.func @transform_2(%arg0: i32) -> (i32, i32) {
    %c0_i32 = arith.constant 0 : i32
    %c0_i32_0 = arith.constant 0 : i32
    return %arg0, %c0_i32 : i32, i32
  }
}

</mosaic_0001>

<sc_bundles>
// kernel: gather_offload_async_start.1
scs
__scs_entry_jumppad:
0x0: {  	(pc) =	sbr.rel $0x88, $3  }
0x1: {  	(tag) =	ssettag $0x0;
	lr =	simm.s32 $0x1  }
0x2: {  	[smem:$0x3F86] =	sst lr;
	_ =	strace $0xD0000000  }
0x3: {  	_ = 	snop  }
0x4: {  	_ = 	snop  }
0x5: {  	_ = 	snop  }
0x6: {  	_ = 	snop  }
0x7: {  	_ = 	snop  }
__scs_overlays_trampoline_lowered:
0x8: {  	[smem:$0x3F95] =	sst s0  }
0x9: {  	[smem:$0x3F96] =	sst s1  }
0xa: {  	[smem:$0x3F97] =	sst s2  }
0xb: {  	[smem:$0x3F98] =	sst s3  }
0xc: {  	[smem:$0x3F99] =	sst s4  }
0xd: {  	[smem:$0x3F9A] =	sst s5  }
0xe: {  	[smem:$0x3F9B] =	sst s6  }
0xf: {  	[smem:$0x3F9C] =	sst s7  }
0x10: {  	[smem:$0x3F9D] =	sst s8  }
0x11: {  	[smem:$0x3F9E] =	sst s9;
	s0 =	simm.s32 @!p0 $0x0  }
0x12: {  	s1 =	sld [smem:$0x3F84];
	s0 =	simm.s32 @p0 $0x1  }
0x13: {  	[smem:$0x3F9F] =	sst s0;
	s0 =	simm.s32 @!p1 $0x0  }
0x14: {  	s2 =	sld [smem:$0x3F83];
	s0 =	simm.s32 @p1 $0x1  }
0x15: {  	[smem:$0x3FA0] =	sst s0;
	s0 =	simm.s32 @!p2 $0x0  }
0x16: {  	s3 =	sld [smem:$0x3FDB];
	s0 =	simm.s32 @p2 $0x1  }
0x17: {  	s4 =	simm.s32 $0x1BF5;
	[smem:$0x3FA2] =	sst s0  }
0x18: {  	s0 =	sld [smem:$0x3F85];
	_ =	swait.ge [sflag:s4], $0x0  }
0x19: {  	s7 =	sld [smem:$0x3F86]  }
0x1a: {  	s8 =	sadd.s32 $0xFFFFE003, lr  }
0x1b: {  	s9 =	sadd.s32 $0xFFFFFEF7, lr;
	s5 =	simm.s32 $0xFFFFFFFF;
	p2 =	slt.u32 s8, $0xFFFFF086  }
0x1c: {  	p1 =	slt.u32 s9, $0xF7A;
	s5 =	simm.s32 @!p2 $0x0  }
0x1d: {  	s5 =	simm.s32 @p1 $0x1;
	p0 =	seq.s32 s7, s2  }
0x1e: {  	s7 =	smul.u32 @!p0 $0xF7A, s2;
	p2 =	seq.s32 @!p0 s5, $0x0  }
0x1f: {  	s9 =	smul.u32 $0xF7A, s1;
	s8 =	simm.s32 @!p0 $0x1BF5;
	p2 =	por !p2, p0  }
0x20: {  	[sflag:s8] =	ssyncset.s32 @!p0 $0xFFFFF086;
	s6 =	sadd.s32 @!p0 s3, s7;
	s7 =	simm.s32 @!p0 $0x108  }
0x21: {  	s3 =	sadd.s32 s3, s9;
	s6 =	sadd.s32 @!p0 $0x88, s6;
	s7 =	simm.s32 @p2 $0x1082  }
0x22: {  	[simem:s7], [sflag:s8] =	dma.local @!p0 [hbm:s6], $0xF7A  }
0x23: {  	s9 =	sor.u32 $0xD0000000, s2;
	s6 =	simm.s32 $0x108;
	_ =	swait.ge @!p0 [sflag:s8], $0x0  }
0x24: {  	s3 =	sadd.s32 $0x88, s3;
	s6 =	simm.s32 @!p1 $0x1082;
	[sflag:s4] =	ssyncset.s32 $0xFFFFF086  }
0x25: {  	[simem:s6], [sflag:s4] =	dma.local [hbm:s3], $0xF7A  }
0x26: {  	[smem:$0x3F86] =	sst s1;
	(tag) =	ssettag s2;
	_ =	strace s9  }
0x27: {  	s1 =	sld [smem:$0x3F96]  }
0x28: {  	s2 =	sld [smem:$0x3F97]  }
0x29: {  	s4 =	sld [smem:$0x3F99]  }
0x2a: {  	p0 =	seq.s32 s5, $0x0;
	s5 =	sld [smem:$0x3F9A]  }
0x2b: {  	s6 =	sld [smem:$0x3F9B]  }
0x2c: {  	s7 =	sld [smem:$0x3F9C]  }
0x2d: {  	s3 =	simm.s32 $0x108;
	s8 =	sld [smem:$0x3F9D]  }
0x2e: {  	s3 =	simm.s32 @!p0 $0x1082;
	s9 =	sld [smem:$0x3F9E]  }
0x2f: {  	lr =	sadd.s32 s0, s3;
	s0 =	sld [smem:$0x3F95]  }
0x30: {  	s3 =	sld [smem:$0x3F98]  }
0x31: {  	[smem:$0x3FA1] =	sst s10  }
0x32: {  	s10 =	sld [smem:$0x3F9F];
	_ =	sdelay $0x3  }
0x33: {  	p0 =	seq.s32 s10, $0x1;
	s10 =	sld [smem:$0x3FA1];
	_ =	sdelay $0x3  }
0x34: {  	[smem:$0x3FA1] =	sst s10  }
0x35: {  	s10 =	sld [smem:$0x3FA0];
	_ =	sdelay $0x3  }
0x36: {  	p1 =	seq.s32 s10, $0x1;
	s10 =	sld [smem:$0x3FA1];
	_ =	sdelay $0x3  }
0x37: {  	[smem:$0x3FA1] =	sst s10  }
0x38: {  	s10 =	sld [smem:$0x3FA2]  }
0x39: {  	_ = 	snop;
	(pc) =	sbr.ind lr, $3  }
0x3a: {  	_ = 	snop  }
0x3b: {  	_ = 	snop  }
0x3c: {  	p2 =	seq.s32 s10, $0x1;
	s10 =	sld [smem:$0x3FA1]  }
0x3d: {  	_ =	shalt  }
0x3e: {  	_ =	shalt  }
0x3f: {  	_ =	shalt  }
0x40: {  	_ =	shalt  }
0x41: {  	_ =	shalt  }
0x42: {  	_ =	shalt  }
0x43: {  	_ =	shalt  }
0x44: {  	_ =	shalt  }
0x45: {  	_ =	shalt  }
0x46: {  	_ =	shalt  }
0x47: {  	_ =	shalt  }
0x48: {  	_ =	shalt  }
0x49: {  	_ =	shalt  }
0x4a: {  	_ =	shalt  }
0x4b: {  	_ =	shalt  }
0x4c: {  	_ =	shalt  }
0x4d: {  	_ =	shalt  }
0x4e: {  	_ =	shalt  }
0x4f: {  	_ =	shalt  }
0x50: {  	_ =	shalt  }
0x51: {  	_ =	shalt  }
0x52: {  	_ =	shalt  }
0x53: {  	_ =	shalt  }
0x54: {  	_ =	shalt  }
0x55: {  	_ =	shalt  }
0x56: {  	_ =	shalt  }
0x57: {  	_ =	shalt  }
0x58: {  	_ =	shalt  }
0x59: {  	_ =	shalt  }
0x5a: {  	_ =	shalt  }
0x5b: {  	_ =	shalt  }
0x5c: {  	_ =	shalt  }
0x5d: {  	_ =	shalt  }
0x5e: {  	_ =	shalt  }
0x5f: {  	_ =	shalt  }
0x60: {  	_ =	shalt  }
0x61: {  	_ =	shalt  }
0x62: {  	_ =	shalt  }
0x63: {  	_ =	shalt  }
0x64: {  	_ =	shalt  }
0x65: {  	_ =	shalt  }
0x66: {  	_ =	shalt  }
0x67: {  	_ =	shalt  }
0x68: {  	_ =	shalt  }
0x69: {  	_ =	shalt  }
0x6a: {  	_ =	shalt  }
0x6b: {  	_ =	shalt  }
0x6c: {  	_ =	shalt  }
0x6d: {  	_ =	shalt  }
0x6e: {  	_ =	shalt  }
0x6f: {  	_ =	shalt  }
0x70: {  	_ =	shalt  }
0x71: {  	_ =	shalt  }
0x72: {  	_ =	shalt  }
0x73: {  	_ =	shalt  }
0x74: {  	_ =	shalt  }
0x75: {  	_ =	shalt  }
0x76: {  	_ =	shalt  }
0x77: {  	_ =	shalt  }
0x78: {  	_ =	shalt  }
0x79: {  	_ =	shalt  }
0x7a: {  	_ =	shalt  }
0x7b: {  	_ =	shalt  }
0x7c: {  	_ =	shalt  }
0x7d: {  	_ =	shalt  }
0x7e: {  	_ =	shalt  }
0x7f: {  	_ =	shalt  }
0x80: {  	_ =	shalt  }
0x81: {  	_ =	shalt  }
0x82: {  	_ =	shalt  }
0x83: {  	_ =	shalt  }
0x84: {  	_ =	shalt  }
0x85: {  	_ =	shalt  }
0x86: {  	_ =	shalt  }
0x87: {  	_ =	shalt  }
.Lfunc_end0:
.L_simem_size_0:
called_computation.9_lowered:
.L_overlay_start_0:
0x88: {  	s2 =	sld [smem:$0x3FD9]  }
0x89: {  	s3 =	sld [smem:$0x3FFE];
	_ =	sdelay $0x1  }
0x8a: {  	s1 =	srdreg.scid  }
0x8b: {  	s0 =	sand.u32 $0x1, s1  }
0x8c: {  	s16 =	sshll.u32 s0, $0xA;
	s2 =	sadd.s32 s3, s2  }
0x8d: {  	s2 =	sadd.s32 s2, s16  }
0x8e: {  	[smem:$0x3FAD] =	sst s2  }
0x8f: {  	_ = 	snop  }
0x90: {  	(tm) =	ssettm $0x1  }
0x91: {  	s17 =	sld [smem:$0x3FFB];
	_ =	sdelay $0x3  }
0x92: {  	_ =	strace s17  }
0x93: {  	s2 =	sld [smem:$0x3FFC];
	_ =	sdelay $0x3  }
0x94: {  	_ =	strace s2  }
0x95: {  	s2 =	sld [smem:$0x3FFD];
	_ =	sdelay $0x3  }
0x96: {  	_ =	strace s2  }
0x97: {  	_ =	strace $0x8FFFFFFF  }
0x98: {  	s18 =	sld [smem:$0x3FDB];
	_ =	sdelay $0x1  }
0x99: {  	s19 =	simm.s32 $_scs_section_size  }
0x9a: {  	s4 =	simm.s32 $_size__tile_overlayer_lowered;
	s5 =	simm.s32 $_tile_overlayer_lowered  }
0x9b: {  	s22 =	simm.s32 $0x1BFF;
	s21 =	sshll.u32 s5, $0x1;
	s2 =	sadd.s32 s19, s18  }
0x9c: {  	s6 =	simm.s32 $0x0;
	s20 =	sshll.u32 s4, $0x1;
	s4 =	sadd.s32 s21, s2  }
0x9d: {  	[timem:s6], [sflag:s22] =	dma.local [hbm:s4], s20  }
0x9e: {  	_ =	swait.ge [sflag:s22], s20  }
0x9f: {  	s3 =	ssub.s32 $0x0, s20;
	[sflag:s22] =	ssyncset.done $0x0  }
0xa0: {  	[sflag:s22] =	ssyncadd.s32 s3;
	_ =	sdelay $0x1  }
0xa1: {  	s23 =	simm.s32 $0x1B8B  }
0xa2: {  	_ =	swait.ge [sflag:s23], $0x1  }
0xa3: {  	[sflag:s23] =	ssyncset.done $0x0  }
0xa4: {  	s25 =	simm.s32 $0x1B8E;
	s24 =	sld [smem:$0x3FFE];
	[sflag:s23] =	ssyncadd.s32 $0xFFFFFFFF  }
0xa5: {  	s26 =	simm.s32 $execute0_lowered;
	[smem:$0x3FD2] =	sst s25  }
0xa6: {  	s4 =	sshll.u32 s26, $0x1;
	_ =	strace $0x80000049;
	[dreg:$0x1] =	wrdreg $0xFFFFFFFF  }
0xa7: {  	s28 =	simm.s32 $_size_execute0_lowered;
	s2 =	sadd.s32 s2, s4;
	[dreg:$0x0] =	wrdreg $0x0  }
0xa8: {  	s4 =	sshll.u32 s28, $0x1;
	[dreg:$0x2] =	wrdreg s2  }
0xa9: {  	[dreg:$0x3] =	wrdreg s4  }
0xaa: {  	[dreg:$0x4] =	wrdreg $0xC0  }
0xab: {  	_ =	task [dreg:s6], $0x5FFFF  }
0xac: {  	[dreg:$0x1] =	wrdreg $0xFFFFFFFF  }
0xad: {  	[dreg:$0x0] =	wrdreg $0x60  }
0xae: {  	[dreg:$0x2] =	wrdreg s24  }
0xaf: {  	[dreg:$0x3] =	wrdreg $0x9  }
0xb0: {  	_ =	task.clear_ibuf [dreg:s6], $0x4FFFF;
	_ =	strace $0x90000049  }
0xb1: {  	s29 =	simm.s32 $0x9;
	_ =	strace $0x8000004B  }
0xb2: {  	_ =	swait.ge [sflag:s29], $0x1  }
0xb3: {  	[sflag:s29] =	ssyncadd.s32 $0xFFFFFFFF  }
0xb4: {  	_ =	strace $0x9000004B  }
0xb5: {  	_ =	sfence  }
0xb6: {  	s30 =	sld [smem:$0x0];
	_ =	sdelay $0x2  }
0xb7: {  	s31 =	sshll.u32 s1, $0xD;
	s1 =	sshrl.u32 s1, $0x2  }
0xb8: {  	s3 =	sand.u32 $0x4000, s31;
	s1 =	sadd.s32 s1, s30  }
0xb9: {  	s0 =	sor.u32 s3, s0;
	s1 =	sshll.u32 s1, $0x11  }
0xba: {  	s0 =	sor.u32 s1, s0  }
0xbb: {  	s0 =	sadd.s32 $0x8F2B, s0  }
0xbc: {  	[sflag:s0] =	ssyncadd.remote.s32 $0x1  }
0xbd: {  	_ =	sfence.sel $0xFFFF  }
0xbe: {  	[dreg:$0x0] =	wrdreg $0xFFFFFFFF;
	(pc) =	sbr.abs _section_cstart, $3  }
0xbf: {  	[dreg:$0x1] =	wrdreg $0xFFFFFFFF  }
0xc0: {  	_ =	task.clear_ibuf [dreg:s6], $0x2FFFF;
	_ =	strace $0x9FFFFFFF  }
0xc1: {  	(tm) =	ssettm $0x7FFFFFFF  }
tec
execute0_lowered:
.L_overlay_start_1:
0x0: {  	(tag) =	ssettag $0x1  }
0x1: {  	s8 =	rddreg [dreg:$0x0]  }
0x2: {  	s0 =	rddreg [dreg:$0x1];
	_ =	strace $0x8000004A;
	s1 =	stileid.u32  }
0x3: {  	s3 =	srdreg.scid;
	s4 =	simm.s32 $0x1;
	s7 =	simm.s32 $0x1  }
0x4: {  	s9 =	simm.s32 $0x1;
	s10 =	simm.s32 $0x3;
	s13 =	simm.s32 $0x0  }
0x5: {  	s12 =	simm.s32 $0x0;
	s5 =	sand.u32 $0x1, s3;
	s6 =	sshll.u32 s1, $0x1  }
0x6: {  	s2 =	sadd.s32 $0x3C00, s8;
	s3 =	sadd.s32 $0x8C00, s8;
	s5 =	sor.u32 s6, s5  }
.Ltmp0:
0x7: {  	[sflag:s4] =	ssyncpa.u1 $0x0;
	p0 =	slt.u32 s5, $0x9;
	(pc) =	sbr.rel .LBB2_1-.Ltmp0, $4  }
0x8: {  	s6 =	simm.s32 $0x2;
	s7 =	simm.s32 @!p0 $0x0;
	p0 =	sne.s32 s5, $0x8  }
0x9: {  	[sflag:s6] =	ssyncpa.u1 $0x0;
	s5 =	smul.u32 $0xFA0, s5;
	s9 =	simm.s32 @!p0 $0x0  }
0xa: {  	s8 =	sadd.s32 $0x5C000, s8;
	[sflag:s10] =	ssyncpa.u1 $0x0;
	s7 =	sadd.s32 s9, s7  }
0xb: {  	vm0 =	vmmov $0xffff;
	s10 =	simm.s32 $0x0;
	s11 =	smov.u32 s5;
	s9 =	sadd.s32 $0x1, s7  }
.LBB2_4:
0xc: {  	v2 =	vnsel vm1, $0x0, v2  }
0xd: {  	vm1 =	vgt.s32 v0, $0x0;
	v2 =	vmin.u32 v2, $0x270FF  }
0xe: {  	v0 =	vnsel vm1, $0x0, v0  }
0xf: {  	v0 =	vmin.u32 v0, $0x270FF  }
0x10: {  	[tilespmem:s18], [sflag:$0x1] =	stream.indirect_vreg.gather [hbm4b:s2+s10], $0x1, v1, vm0, $0x4038;
	[tilespmem:$0x3E80] =	vst v63  }
0x11: {  	(ifvalue) =	ssetifvalue $0x7FFFFFFF  }
0x12: {  	[tilespmem:s15], [sflag:$0x1] =	stream.indirect_vreg.gather [hbm4b:s2+s10], $0x1, v2, vm0, $0x4038;
	[tilespmem:$0x3E80] =	vst v63  }
0x13: {  	s29 =	sadd.s32 $0x10, s15;
	(ifvalue) =	ssetifvalue $0x7FFFFFFF  }
0x14: {  	[tilespmem:s29], [sflag:$0x1] =	stream.indirect_vreg.gather [hbm4b:s2+s10], $0x1, v0, vm0, $0x4038;
	[tilespmem:$0x3E80] =	vst v63  }
0x15: {  	_ =	swait.ge [sflag:s4], $0xFA0  }
0x16: {  	s30 =	sshrl.u32 s13, $0x3;
	[sflag:s4] =	ssyncset.done $0x0  }
0x17: {  	s31 =	sand.u32 $0x7, s13;
	s15 =	sadd.s32 s8, s30;
	[sflag:s4] =	ssyncadd.s32 $0xFFFFF060  }
0x18: {  	[hbm4b:s15+s31] =	stream.linear.scatter [tilespmem:s14], [sflag:$0x3], $0xFA0, $0x38;
	[tilespmem:$0x3E80] =	vst v63  }
.LBB2_5:
0x19: {  	s15 =	sadd.s32 $0x1F400, s11  }
0x1a: {  	p1 =	sgt.s32 s15, $0x270FF  }
0x1b: {  	s15 =	smov.u32 @p1 s5;
	p1 =	sne.s32 s12, s9  }
.Ltmp1:
0x1c: {  	p0 =	slt.u32 s12, $0x2;
	(pc) =	sbr.rel @!p1 .LBB2_6-.Ltmp1, $4  }
0x1d: {  	s14 =	simm.s32 @!p0 $0x3  }
0x1e: {  	_ =	swait.ge @!p0 [sflag:s14], $0xFA0  }
0x1f: {  	s16 =	sadd.s32 $0x1, s12;
	s13 =	smov.u32 s11;
	[sflag:s14] =	ssyncset.done @!p0 $0x0  }
0x20: {  	s12 =	smov.u32 s16;
	s11 =	smov.u32 s15;
	[sflag:s14] =	ssyncadd.s32 @!p0 $0xFFFFF060  }
.LBB2_1:
0x21: {  	p0 =	sge.u32 s12, s7  }
0x22: {  	s14 =	sxor.u32 @!p0 $0x1, s12  }
0x23: {  	s14 =	smul.u32 @!p0 $0x3E80, s14  }
0x24: {  	s31 =	sadd.s32 $0xFFFFFFFF, s12;
	s15 =	sshrl.u32 @!p0 s11, $0x3  }
0x25: {  	s16 =	sand.u32 @!p0 $0x7, s11;
	s15 =	sadd.s32 @!p0 s3, s15;
	s14 =	sshra.s32 @!p0 s14, $0x2  }
0x26: {  	[tilespmem:s14], [sflag:$0x2] =	stream.linear.gather @!p0 [hbm4b:s15+s16], $0xFA0, $0x38;
	[tilespmem:$0x3E80] =	vst v63  }
0x27: {  	p0 =	sge.u32 s31, s7  }
.Ltmp2:
0x28: {  	_ = 	snop;
	(pc) =	sbr.rel @p0 .LBB2_5-.Ltmp2, $1  }
0x29: {  	_ =	sdelay $0x3  }
0x2a: {  	s14 =	sand.u32 $0x1, s12  }
0x2b: {  	_ =	swait.ge [sflag:s6], $0xFA0;
	p0 =	seq.s32 s14, $0x1;
	s14 =	simm.s32 $0xFA0  }
0x2c: {  	[sflag:s6] =	ssyncset.done $0x0;
	s14 =	simm.s32 @!p0 $0x0  }
0x2d: {  	[sflag:s6] =	ssyncadd.s32 $0xFFFFF060;
	(ifvalue) =	ssetifvalue $0x7FFFFFFF;
	v0 =	vld.msk [tilespmem:s14+$0x0 ss:$0x1], $0xffff;
	_ =	sdelay $0x4  }
0x2e: {  	s15 =	sadd.s32 $0x10, s14;
	vm1 =	vgt.s32 v0, $0x0  }
0x2f: {  	v2 =	vld.msk [tilespmem:s15+$0x0 ss:$0x1], $0xffff;
	v1 =	vnsel vm1, $0x0, v0  }
0x30: {  	v1 =	vmin.u32 v1, $0x270FF;
	_ =	sdelay $0x2  }
0x31: {  	s17 =	simm.s32 $0x20;
	s14 =	sadd.s32 $0x1F40, s14;
	s16 =	sadd.s32 $0x10, s15  }
0x32: {  	s15 =	sadd.s32 $0x10, s14;
	s18 =	smov.u32 s14;
	v0 =	vld.msk [tilespmem:s16+$0x0 ss:$0x1], $0xffff;
	vm1 =	vgt.s32 v2, $0x0;
	(ifvalue) =	ssetifvalue $0x7FFFFFFF  }
.LBB2_3:
0x33: {  	[tilespmem:s18], [sflag:$0x1] =	stream.indirect_vreg.gather [hbm4b:s2+s10], $0x1, v1, vm0, $0x4038;
	[tilespmem:$0x3E80] =	vst v63  }
0x34: {  	s17 =	sadd.s32 $0x10, s17  }
0x35: {  	v2 =	vnsel vm1, $0x0, v2;
	p0 =	slt.u32 s17, $0xF90  }
.Ltmp3:
0x36: {  	s18 =	smov.u32 s15;
	v1 =	vmin.u32 v2, $0x270FF;
	(pc) =	sbr.rel @p0 .LBB2_3-.Ltmp3, $3  }
0x37: {  	_ =	sdelay $0x1  }
0x38: {  	s16 =	sadd.s32 $0x10, s16  }
0x39: {  	vm1 =	vgt.s32 v0, $0x0;
	s15 =	sadd.s32 $0x10, s15;
	v2 =	vmov v0;
	(ifvalue) =	ssetifvalue $0x7FFFFFFF;
	v0 =	vld.msk [tilespmem:s16+$0x0 ss:$0x1], $0xffff  }
.Ltmp4:
0x3a: {  	_ = 	snop;
	(pc) =	sbr.rel .LBB2_4-.Ltmp4, $1  }
0x3b: {  	_ =	sdelay $0x3  }
.LBB2_6:
0x3c: {  	_ =	sfence.sel $0x180000  }
0x3d: {  	s2 =	simm.s32 $0x2;
	[bflag:$0x0] =	sbarrier.arrive $0xFFFF  }
0x3e: {  	s30 =	simm.s32 $0x3;
	[sflag:s2] =	ssyncpa.u1 $0x1  }
0x3f: {  	s31 =	simm.s32 $0x1;
	[sflag:s30] =	ssyncpa.u1 $0x1  }
0x40: {  	[sflag:s31] =	ssyncpa.u1 $0x1  }
0x41: {  	p0 =	sne.s32 s1, $0x0;
	_ =	strace $0x9000004A  }
0x42: {  	s0 =	sadd.s32 @!p0 $0x100000, s0;
	[bflag:$0x2] =	sbarrier.arrive $0xFFFF  }
0x43: {  	[sflag:s0] =	ssyncadd.tile.s32 @!p0 $0x1;
	_ =	shalt  }
.Lfunc_end2:
_tile_overlayer_lowered:
.L_overlay_start_2:
0x44: {  	(tag) =	ssettag $0x2  }
0x45: {  	s0 =	rddreg [dreg:$0x0];
	s2 =	stileid.u32  }
0x46: {  	s1 =	rddreg [dreg:$0x1];
	p0 =	sne.s32 s2, $0x0  }
0x47: {  	s3 =	rddreg [dreg:$0x2];
	[bflag:$0x3] =	sbarrier.arrive $0xFFFF;
	s2 =	simm.s32 @!p0 $0x1C01  }
0x48: {  	[timem:s3], [sflag:s2] =	dma.local @!p0 [hbm:s0], s1  }
0x49: {  	s0 =	simm.s32 @!p0 $0x1  }
0x4a: {  	_ =	swait.ge @!p0 [sflag:s0], s1  }
0x4b: {  	s1 =	ssub.s32 @!p0 $0x0, s1;
	[sflag:s0] =	ssyncset.done @!p0 $0x0  }
0x4c: {  	[sflag:s0] =	ssyncadd.s32 @!p0 s1  }
0x4d: {  	[bflag:$0x3] =	sbarrier.arrive $0xFFFF  }
0x4e: {  	_ =	shalt  }

// kernel: gather_offload_async_start.2
scs
__scs_entry_jumppad:
0x0: {  	(pc) =	sbr.rel $0x88, $3  }
0x1: {  	(tag) =	ssettag $0x0;
	lr =	simm.s32 $0x1  }
0x2: {  	[smem:$0x3F86] =	sst lr;
	_ =	strace $0xD0000000  }
0x3: {  	_ = 	snop  }
0x4: {  	_ = 	snop  }
0x5: {  	_ = 	snop  }
0x6: {  	_ = 	snop  }
0x7: {  	_ = 	snop  }
__scs_overlays_trampoline_lowered:
0x8: {  	[smem:$0x3F95] =	sst s0  }
0x9: {  	[smem:$0x3F96] =	sst s1  }
0xa: {  	[smem:$0x3F97] =	sst s2  }
0xb: {  	[smem:$0x3F98] =	sst s3  }
0xc: {  	[smem:$0x3F99] =	sst s4  }
0xd: {  	[smem:$0x3F9A] =	sst s5  }
0xe: {  	[smem:$0x3F9B] =	sst s6  }
0xf: {  	[smem:$0x3F9C] =	sst s7  }
0x10: {  	[smem:$0x3F9D] =	sst s8  }
0x11: {  	[smem:$0x3F9E] =	sst s9;
	s0 =	simm.s32 @!p0 $0x0  }
0x12: {  	s1 =	sld [smem:$0x3F84];
	s0 =	simm.s32 @p0 $0x1  }
0x13: {  	[smem:$0x3F9F] =	sst s0;
	s0 =	simm.s32 @!p1 $0x0  }
0x14: {  	s2 =	sld [smem:$0x3F83];
	s0 =	simm.s32 @p1 $0x1  }
0x15: {  	[smem:$0x3FA0] =	sst s0;
	s0 =	simm.s32 @!p2 $0x0  }
0x16: {  	s3 =	sld [smem:$0x3FDB];
	s0 =	simm.s32 @p2 $0x1  }
0x17: {  	s4 =	simm.s32 $0x1BF5;
	[smem:$0x3FA2] =	sst s0  }
0x18: {  	s0 =	sld [smem:$0x3F85];
	_ =	swait.ge [sflag:s4], $0x0  }
0x19: {  	s7 =	sld [smem:$0x3F86]  }
0x1a: {  	s8 =	sadd.s32 $0xFFFFE003, lr  }
0x1b: {  	s9 =	sadd.s32 $0xFFFFFEF7, lr;
	s5 =	simm.s32 $0xFFFFFFFF;
	p2 =	slt.u32 s8, $0xFFFFF086  }
0x1c: {  	p1 =	slt.u32 s9, $0xF7A;
	s5 =	simm.s32 @!p2 $0x0  }
0x1d: {  	s5 =	simm.s32 @p1 $0x1;
	p0 =	seq.s32 s7, s2  }
0x1e: {  	s7 =	smul.u32 @!p0 $0xF7A, s2;
	p2 =	seq.s32 @!p0 s5, $0x0  }
0x1f: {  	s9 =	smul.u32 $0xF7A, s1;
	s8 =	simm.s32 @!p0 $0x1BF5;
	p2 =	por !p2, p0  }
0x20: {  	[sflag:s8] =	ssyncset.s32 @!p0 $0xFFFFF086;
	s6 =	sadd.s32 @!p0 s3, s7;
	s7 =	simm.s32 @!p0 $0x108  }
0x21: {  	s3 =	sadd.s32 s3, s9;
	s6 =	sadd.s32 @!p0 $0x88, s6;
	s7 =	simm.s32 @p2 $0x1082  }
0x22: {  	[simem:s7], [sflag:s8] =	dma.local @!p0 [hbm:s6], $0xF7A  }
0x23: {  	s9 =	sor.u32 $0xD0000000, s2;
	s6 =	simm.s32 $0x108;
	_ =	swait.ge @!p0 [sflag:s8], $0x0  }
0x24: {  	s3 =	sadd.s32 $0x88, s3;
	s6 =	simm.s32 @!p1 $0x1082;
	[sflag:s4] =	ssyncset.s32 $0xFFFFF086  }
0x25: {  	[simem:s6], [sflag:s4] =	dma.local [hbm:s3], $0xF7A  }
0x26: {  	[smem:$0x3F86] =	sst s1;
	(tag) =	ssettag s2;
	_ =	strace s9  }
0x27: {  	s1 =	sld [smem:$0x3F96]  }
0x28: {  	s2 =	sld [smem:$0x3F97]  }
0x29: {  	s4 =	sld [smem:$0x3F99]  }
0x2a: {  	p0 =	seq.s32 s5, $0x0;
	s5 =	sld [smem:$0x3F9A]  }
0x2b: {  	s6 =	sld [smem:$0x3F9B]  }
0x2c: {  	s7 =	sld [smem:$0x3F9C]  }
0x2d: {  	s3 =	simm.s32 $0x108;
	s8 =	sld [smem:$0x3F9D]  }
0x2e: {  	s3 =	simm.s32 @!p0 $0x1082;
	s9 =	sld [smem:$0x3F9E]  }
0x2f: {  	lr =	sadd.s32 s0, s3;
	s0 =	sld [smem:$0x3F95]  }
0x30: {  	s3 =	sld [smem:$0x3F98]  }
0x31: {  	[smem:$0x3FA1] =	sst s10  }
0x32: {  	s10 =	sld [smem:$0x3F9F];
	_ =	sdelay $0x3  }
0x33: {  	p0 =	seq.s32 s10, $0x1;
	s10 =	sld [smem:$0x3FA1];
	_ =	sdelay $0x3  }
0x34: {  	[smem:$0x3FA1] =	sst s10  }
0x35: {  	s10 =	sld [smem:$0x3FA0];
	_ =	sdelay $0x3  }
0x36: {  	p1 =	seq.s32 s10, $0x1;
	s10 =	sld [smem:$0x3FA1];
	_ =	sdelay $0x3  }
0x37: {  	[smem:$0x3FA1] =	sst s10  }
0x38: {  	s10 =	sld [smem:$0x3FA2]  }
0x39: {  	_ = 	snop;
	(pc) =	sbr.ind lr, $3  }
0x3a: {  	_ = 	snop  }
0x3b: {  	_ = 	snop  }
0x3c: {  	p2 =	seq.s32 s10, $0x1;
	s10 =	sld [smem:$0x3FA1]  }
0x3d: {  	_ =	shalt  }
0x3e: {  	_ =	shalt  }
0x3f: {  	_ =	shalt  }
0x40: {  	_ =	shalt  }
0x41: {  	_ =	shalt  }
0x42: {  	_ =	shalt  }
0x43: {  	_ =	shalt  }
0x44: {  	_ =	shalt  }
0x45: {  	_ =	shalt  }
0x46: {  	_ =	shalt  }
0x47: {  	_ =	shalt  }
0x48: {  	_ =	shalt  }
0x49: {  	_ =	shalt  }
0x4a: {  	_ =	shalt  }
0x4b: {  	_ =	shalt  }
0x4c: {  	_ =	shalt  }
0x4d: {  	_ =	shalt  }
0x4e: {  	_ =	shalt  }
0x4f: {  	_ =	shalt  }
0x50: {  	_ =	shalt  }
0x51: {  	_ =	shalt  }
0x52: {  	_ =	shalt  }
0x53: {  	_ =	shalt  }
0x54: {  	_ =	shalt  }
0x55: {  	_ =	shalt  }
0x56: {  	_ =	shalt  }
0x57: {  	_ =	shalt  }
0x58: {  	_ =	shalt  }
0x59: {  	_ =	shalt  }
0x5a: {  	_ =	shalt  }
0x5b: {  	_ =	shalt  }
0x5c: {  	_ =	shalt  }
0x5d: {  	_ =	shalt  }
0x5e: {  	_ =	shalt  }
0x5f: {  	_ =	shalt  }
0x60: {  	_ =	shalt  }
0x61: {  	_ =	shalt  }
0x62: {  	_ =	shalt  }
0x63: {  	_ =	shalt  }
0x64: {  	_ =	shalt  }
0x65: {  	_ =	shalt  }
0x66: {  	_ =	shalt  }
0x67: {  	_ =	shalt  }
0x68: {  	_ =	shalt  }
0x69: {  	_ =	shalt  }
0x6a: {  	_ =	shalt  }
0x6b: {  	_ =	shalt  }
0x6c: {  	_ =	shalt  }
0x6d: {  	_ =	shalt  }
0x6e: {  	_ =	shalt  }
0x6f: {  	_ =	shalt  }
0x70: {  	_ =	shalt  }
0x71: {  	_ =	shalt  }
0x72: {  	_ =	shalt  }
0x73: {  	_ =	shalt  }
0x74: {  	_ =	shalt  }
0x75: {  	_ =	shalt  }
0x76: {  	_ =	shalt  }
0x77: {  	_ =	shalt  }
0x78: {  	_ =	shalt  }
0x79: {  	_ =	shalt  }
0x7a: {  	_ =	shalt  }
0x7b: {  	_ =	shalt  }
0x7c: {  	_ =	shalt  }
0x7d: {  	_ =	shalt  }
0x7e: {  	_ =	shalt  }
0x7f: {  	_ =	shalt  }
0x80: {  	_ =	shalt  }
0x81: {  	_ =	shalt  }
0x82: {  	_ =	shalt  }
0x83: {  	_ =	shalt  }
0x84: {  	_ =	shalt  }
0x85: {  	_ =	shalt  }
0x86: {  	_ =	shalt  }
0x87: {  	_ =	shalt  }
.Lfunc_end0:
.L_simem_size_0:
called_computation.10_lowered:
.L_overlay_start_0:
0x88: {  	s2 =	sld [smem:$0x3FD9]  }
0x89: {  	s3 =	sld [smem:$0x3FFE];
	_ =	sdelay $0x1  }
0x8a: {  	s1 =	srdreg.scid  }
0x8b: {  	s0 =	sand.u32 $0x1, s1  }
0x8c: {  	s16 =	sshll.u32 s0, $0xA;
	s2 =	sadd.s32 s3, s2  }
0x8d: {  	s2 =	sadd.s32 s2, s16  }
0x8e: {  	[smem:$0x3FAD] =	sst s2  }
0x8f: {  	_ = 	snop  }
0x90: {  	(tm) =	ssettm $0x1  }
0x91: {  	s17 =	sld [smem:$0x3FFB];
	_ =	sdelay $0x3  }
0x92: {  	_ =	strace s17  }
0x93: {  	s2 =	sld [smem:$0x3FFC];
	_ =	sdelay $0x3  }
0x94: {  	_ =	strace s2  }
0x95: {  	s2 =	sld [smem:$0x3FFD];
	_ =	sdelay $0x3  }
0x96: {  	_ =	strace s2  }
0x97: {  	_ =	strace $0x8FFFFFFF  }
0x98: {  	s18 =	sld [smem:$0x3FDB];
	_ =	sdelay $0x1  }
0x99: {  	s19 =	simm.s32 $_scs_section_size  }
0x9a: {  	s4 =	simm.s32 $_size__tile_overlayer_lowered;
	s5 =	simm.s32 $_tile_overlayer_lowered  }
0x9b: {  	s22 =	simm.s32 $0x1BFF;
	s21 =	sshll.u32 s5, $0x1;
	s2 =	sadd.s32 s19, s18  }
0x9c: {  	s6 =	simm.s32 $0x0;
	s20 =	sshll.u32 s4, $0x1;
	s4 =	sadd.s32 s21, s2  }
0x9d: {  	[timem:s6], [sflag:s22] =	dma.local [hbm:s4], s20  }
0x9e: {  	_ =	swait.ge [sflag:s22], s20  }
0x9f: {  	s3 =	ssub.s32 $0x0, s20;
	[sflag:s22] =	ssyncset.done $0x0  }
0xa0: {  	[sflag:s22] =	ssyncadd.s32 s3;
	_ =	sdelay $0x1  }
0xa1: {  	s23 =	simm.s32 $0x1B8B  }
0xa2: {  	_ =	swait.ge [sflag:s23], $0x1  }
0xa3: {  	[sflag:s23] =	ssyncset.done $0x0  }
0xa4: {  	s25 =	simm.s32 $0x1B8E;
	s24 =	sld [smem:$0x3FFE];
	[sflag:s23] =	ssyncadd.s32 $0xFFFFFFFF  }
0xa5: {  	s26 =	simm.s32 $execute0_lowered;
	[smem:$0x3FD2] =	sst s25  }
0xa6: {  	s4 =	sshll.u32 s26, $0x1;
	_ =	strace $0x8000004C;
	[dreg:$0x1] =	wrdreg $0xFFFFFFFF  }
0xa7: {  	s28 =	simm.s32 $_size_execute0_lowered;
	s2 =	sadd.s32 s2, s4;
	[dreg:$0x0] =	wrdreg $0x0  }
0xa8: {  	s4 =	sshll.u32 s28, $0x1;
	[dreg:$0x2] =	wrdreg s2  }
0xa9: {  	[dreg:$0x3] =	wrdreg s4  }
0xaa: {  	[dreg:$0x4] =	wrdreg $0xC0  }
0xab: {  	_ =	task [dreg:s6], $0x5FFFF  }
0xac: {  	[dreg:$0x1] =	wrdreg $0xFFFFFFFF  }
0xad: {  	[dreg:$0x0] =	wrdreg $0x60  }
0xae: {  	[dreg:$0x2] =	wrdreg s24  }
0xaf: {  	[dreg:$0x3] =	wrdreg $0x9  }
0xb0: {  	_ =	task.clear_ibuf [dreg:s6], $0x4FFFF;
	_ =	strace $0x9000004C  }
0xb1: {  	s29 =	simm.s32 $0x9;
	_ =	strace $0x8000004E  }
0xb2: {  	_ =	swait.ge [sflag:s29], $0x1  }
0xb3: {  	[sflag:s29] =	ssyncadd.s32 $0xFFFFFFFF  }
0xb4: {  	_ =	strace $0x9000004E  }
0xb5: {  	_ =	sfence  }
0xb6: {  	s30 =	sld [smem:$0x0];
	_ =	sdelay $0x2  }
0xb7: {  	s31 =	sshll.u32 s1, $0xD;
	s1 =	sshrl.u32 s1, $0x2  }
0xb8: {  	s3 =	sand.u32 $0x4000, s31;
	s1 =	sadd.s32 s1, s30  }
0xb9: {  	s0 =	sor.u32 s3, s0;
	s1 =	sshll.u32 s1, $0x11  }
0xba: {  	s0 =	sor.u32 s1, s0  }
0xbb: {  	s0 =	sadd.s32 $0x8F2B, s0  }
0xbc: {  	[sflag:s0] =	ssyncadd.remote.s32 $0x1  }
0xbd: {  	_ =	sfence.sel $0xFFFF  }
0xbe: {  	[dreg:$0x0] =	wrdreg $0xFFFFFFFF;
	(pc) =	sbr.abs _section_cstart, $3  }
0xbf: {  	[dreg:$0x1] =	wrdreg $0xFFFFFFFF  }
0xc0: {  	_ =	task.clear_ibuf [dreg:s6], $0x2FFFF;
	_ =	strace $0x9FFFFFFF  }
0xc1: {  	(tm) =	ssettm $0x7FFFFFFF  }
tec
execute0_lowered:
.L_overlay_start_1:
0x0: {  	(tag) =	ssettag $0x1  }
0x1: {  	s0 =	srdreg.scid  }
0x2: {  	s1 =	sshll.u32 s0, $0x4  }
0x3: {  	s0 =	stileid.u32;
	s1 =	sand.u32 $0x10, s1  }
0x4: {  	s1 =	sor.u32 s0, s1  }
0x5: {  	s2 =	smul.u32 $0xF, s1  }
0x6: {  	s3 =	smin.u32 s1, $0x14  }
0x7: {  	s2 =	sadd.s32 s3, s2  }
0x8: {  	p0 =	slt.u32 s1, $0x14;
	s1 =	simm.s32 $0x1400;
	s2 =	smul.u32 $0x140, s2  }
0x9: {  	s1 =	simm.s32 @!p0 $0x12C0  }
0xa: {  	s1 =	sadd.s32 s1, s2  }
0xb: {  	s3 =	smin.u32 s1, $0x27100  }
0xc: {  	s7 =	ssub.s32 s3, s2  }
0xd: {  	p0 =	sgt.s32 s7, $0x0  }
0xe: {  	s7 =	simm.s32 @!p0 $0x0  }
0xf: {  	s31 =	smulhi.u32 $0x66666667, s7  }
0x10: {  	s9 =	rddreg [dreg:$0x0];
	s6 =	simm.s32 $0x1;
	s11 =	simm.s32 $0x3  }
0x11: {  	s13 =	simm.s32 $0x0;
	s12 =	simm.s32 $0x0;
	s8 =	sshrl.u32 s31, $0x7  }
0x12: {  	s4 =	sadd.s32 $0x61000, s9;
	s5 =	sadd.s32 $0x8C00, s9;
	s10 =	smul.u32 $0x140, s8  }
.Ltmp0:
0x13: {  	s9 =	sadd.s32 $0x93FA00, s9;
	s1 =	rddreg [dreg:$0x1];
	(pc) =	sbr.rel .LBB2_1-.Ltmp0, $4  }
0x14: {  	_ =	strace $0x8000004D;
	p0 =	sne.s32 s7, s10;
	s10 =	simm.s32 $0x1  }
0x15: {  	[sflag:s6] =	ssyncpa.u1 $0x0;
	s7 =	simm.s32 $0x2;
	s10 =	simm.s32 @!p0 $0x0  }
0x16: {  	[sflag:s7] =	ssyncpa.u1 $0x0;
	p0 =	por $0x0, $0x0;
	s8 =	sadd.s32 s10, s8  }
0x17: {  	vm0 =	vmmov $0xff;
	vm1 =	vcmask $0x3F20;
	[sflag:s11] =	ssyncpa.u1 $0x0;
	s11 =	smov.u32 s2;
	s10 =	sadd.s32 $0x1, s8  }
.LBB2_6:
0x18: {  	[hbm:s17] =	stream.linear.scatter [tilespmem:s14], [sflag:$0x3], $0x400, $0x38;
	[tilespmem:$0x14280] =	vst v63  }
.LBB2_7:
0x19: {  	s13 =	sadd.s32 $0x140, s11  }
0x1a: {  	s15 =	smov.u32 s2;
	p2 =	slt.s32 s13, s3  }
0x1b: {  	s15 =	smov.u32 @p2 s13;
	p2 =	sne.s32 s12, s10  }
.Ltmp1:
0x1c: {  	p1 =	slt.u32 s12, $0x2;
	(pc) =	sbr.rel @!p2 .LBB2_8-.Ltmp1, $4  }
0x1d: {  	s14 =	simm.s32 @!p1 $0x3  }
0x1e: {  	s16 =	sadd.s32 $0x1, s12;
	_ =	swait.ge @!p1 [sflag:s14], $0xA000  }
0x1f: {  	p0 =	por !p0, !p0;
	s13 =	smov.u32 s11;
	[sflag:s14] =	ssyncset.done @!p1 $0x0  }
0x20: {  	s12 =	smov.u32 s16;
	s11 =	smov.u32 s15;
	[sflag:s14] =	ssyncadd.s32 @!p1 $0xFFFF6000  }
.LBB2_1:
0x21: {  	p1 =	sge.u32 s12, s8  }
0x22: {  	s14 =	sxor.u32 @!p1 $0xFFFFFFFF, s12  }
0x23: {  	s14 =	sand.u32 @!p1 $0x1, s14  }
0x24: {  	s14 =	smul.u32 @!p1 $0x500, s14  }
0x25: {  	s31 =	sadd.s32 $0xFFFFFFFF, s12;
	s15 =	sshrl.u32 @!p1 s11, $0x3  }
0x26: {  	s16 =	sand.u32 @!p1 $0x7, s11;
	s15 =	sadd.s32 @!p1 s5, s15;
	s14 =	sshrl.u32 @!p1 s14, $0x2  }
0x27: {  	[tilespmem:s14], [sflag:$0x2] =	stream.linear.gather @!p1 [hbm4b:s15+s16], $0x140, $0x38;
	[tilespmem:$0x14280] =	vst v63  }
0x28: {  	p1 =	sge.u32 s31, s8  }
.Ltmp2:
0x29: {  	_ = 	snop;
	(pc) =	sbr.rel @p1 .LBB2_7-.Ltmp2, $1  }
0x2a: {  	_ =	sdelay $0x3  }
0x2b: {  	s14 =	simm.s32 $0x1  }
0x2c: {  	s14 =	simm.s32 @!p0 $0x0  }
0x2d: {  	s15 =	smul.u32 $0x500, s14  }
0x2e: {  	_ =	swait.ge [sflag:s7], $0x140  }
0x2f: {  	[sflag:s7] =	ssyncset.done $0x0;
	s16 =	sshrl.u32 s15, $0x2  }
0x30: {  	[sflag:s7] =	ssyncadd.s32 $0xFFFFFEC0;
	s15 =	sadd.s32 $0x0, s16  }
0x31: {  	v0 =	vld.msk [tilespmem:s15+$0x0 ss:$0x1], $0xffff;
	_ =	sdelay $0x4  }
0x32: {  	vm2 =	vgt.s32 v0, $0x0  }
0x33: {  	v0 =	vnsel vm2, $0x0, v0  }
0x34: {  	v0 =	vmin.u32 v0, $0x270FF  }
0x35: {  	v0 =	vshll.u32 v0, $0x4  }
0x36: {  	s14 =	smul.u32 $0x28000, s14;
	_ =	sdelay $0x1  }
0x37: {  	s14 =	sshrl.u32 s14, $0x2  }
0x38: {  	s14 =	sor.u32 $0x280, s14  }
0x39: {  	[tilespmem:s14], [sflag:$0x1] =	stream.indirect_vreg.gather [hbm:s4], $0x80, v0, vm0, $0x38;
	[tilespmem:$0x14280] =	vst v63  }
0x3a: {  	s17 =	sadd.s32 $0x10, s16;
	s15 =	sadd.s32 $0x400, s14  }
0x3b: {  	[tilespmem:s15], [sflag:$0x1] =	stream.indirect_vreg.gather [hbm:s4], $0x80, v0, vm1, $0x38;
	[tilespmem:$0x14280] =	vst v63  }
0x3c: {  	s18 =	simm.s32 $0x80;
	v0 =	vld.msk [tilespmem:s17+$0x0 ss:$0x1], $0xffff;
	s17 =	smov.u32 s14  }
.LBB2_3:
0x3d: {  	p1 =	sne.s32 s18, $0x4C0;
	_ =	sdelay $0x4  }
0x3e: {  	vm2 =	vgt.s32 v0, $0x0  }
0x3f: {  	v0 =	vnsel vm2, $0x0, v0  }
0x40: {  	v0 =	vmin.u32 v0, $0x270FF  }
0x41: {  	v0 =	vshll.u32 v0, $0x4;
	_ =	sdelay $0x3  }
.Ltmp3:
0x42: {  	s19 =	sshra.s32 s18, $0x2;
	s17 =	sadd.s32 $0x800, s17;
	(pc) =	sbr.rel @p1 .LBB2_3-.Ltmp3, $4  }
0x43: {  	[tilespmem:s17], [sflag:$0x1] =	stream.indirect_vreg.gather [hbm:s4], $0x80, v0, vm0, $0x38;
	[tilespmem:$0x14280] =	vst v63  }
0x44: {  	s19 =	sadd.s32 s19, s16;
	s20 =	sadd.s32 $0x400, s17  }
0x45: {  	[tilespmem:s20], [sflag:$0x1] =	stream.indirect_vreg.gather [hbm:s4], $0x80, v0, vm1, $0x38;
	[tilespmem:$0x14280] =	vst v63  }
0x46: {  	s18 =	sadd.s32 $0x40, s18;
	v0 =	vld.msk [tilespmem:s19+$0x0 ss:$0x1], $0xffff  }
0x47: {  	_ =	sdelay $0x3  }
0x48: {  	vm2 =	vgt.s32 v0, $0x0  }
0x49: {  	v0 =	vnsel vm2, $0x0, v0  }
0x4a: {  	v0 =	vmin.u32 v0, $0x270FF  }
0x4b: {  	v0 =	vshll.u32 v0, $0x4;
	_ =	sdelay $0x3  }
0x4c: {  	s16 =	sadd.s32 $0x800, s17  }
0x4d: {  	[tilespmem:s16], [sflag:$0x1] =	stream.indirect_vreg.gather [hbm:s4], $0x80, v0, vm0, $0x38;
	[tilespmem:$0x14280] =	vst v63  }
0x4e: {  	s16 =	sadd.s32 $0x400, s16  }
0x4f: {  	[tilespmem:s16], [sflag:$0x1] =	stream.indirect_vreg.gather [hbm:s4], $0x80, v0, vm1, $0x38;
	[tilespmem:$0x14280] =	vst v63  }
0x50: {  	s13 =	sshll.u32 s13, $0x4;
	_ =	swait.ge [sflag:s6], $0xA000  }
0x51: {  	s13 =	sadd.s32 s13, s9;
	[sflag:s6] =	ssyncset.done $0x0  }
0x52: {  	s17 =	sadd.s32 $0x0, s13;
	s16 =	simm.s32 $0x80;
	[sflag:s6] =	ssyncadd.s32 $0xFFFF6000  }
.LBB2_5:
0x53: {  	[hbm:s17] =	stream.linear.scatter [tilespmem:s14], [sflag:$0x3], $0x400, $0x38;
	[tilespmem:$0x14280] =	vst v63  }
0x54: {  	s17 =	smov.u32 s16;
	s14 =	smov.u32 s15;
	p1 =	sne.s32 s16, $0x1380  }
.Ltmp4:
0x55: {  	s16 =	sadd.s32 $0x80, s16;
	(pc) =	sbr.rel @p1 .LBB2_5-.Ltmp4, $2  }
0x56: {  	_ =	sdelay $0x2  }
0x57: {  	s15 =	sadd.s32 $0x400, s15;
	s17 =	sadd.s32 s17, s13  }
.Ltmp5:
0x58: {  	_ = 	snop;
	(pc) =	sbr.rel .LBB2_6-.Ltmp5, $1  }
0x59: {  	_ =	sdelay $0x3  }
.LBB2_8:
0x5a: {  	_ =	sfence.sel $0x180000  }
0x5b: {  	s2 =	simm.s32 $0x2;
	[bflag:$0x0] =	sbarrier.arrive $0xFFFF  }
0x5c: {  	s30 =	simm.s32 $0x3;
	[sflag:s2] =	ssyncpa.u1 $0x1  }
0x5d: {  	s31 =	simm.s32 $0x1;
	[sflag:s30] =	ssyncpa.u1 $0x1  }
0x5e: {  	[sflag:s31] =	ssyncpa.u1 $0x1  }
0x5f: {  	p0 =	sne.s32 s0, $0x0;
	_ =	strace $0x9000004D  }
0x60: {  	s0 =	sadd.s32 @!p0 $0x100000, s1;
	[bflag:$0x2] =	sbarrier.arrive $0xFFFF  }
0x61: {  	[sflag:s0] =	ssyncadd.tile.s32 @!p0 $0x1;
	_ =	shalt  }
.Lfunc_end2:
_tile_overlayer_lowered:
.L_overlay_start_2:
0x62: {  	(tag) =	ssettag $0x2  }
0x63: {  	s0 =	rddreg [dreg:$0x0];
	s2 =	stileid.u32  }
0x64: {  	s1 =	rddreg [dreg:$0x1];
	p0 =	sne.s32 s2, $0x0  }
0x65: {  	s3 =	rddreg [dreg:$0x2];
	[bflag:$0x3] =	sbarrier.arrive $0xFFFF;
	s2 =	simm.s32 @!p0 $0x1C01  }
0x66: {  	[timem:s3], [sflag:s2] =	dma.local @!p0 [hbm:s0], s1  }
0x67: {  	s0 =	simm.s32 @!p0 $0x1  }
0x68: {  	_ =	swait.ge @!p0 [sflag:s0], s1  }
0x69: {  	s1 =	ssub.s32 @!p0 $0x0, s1;
	[sflag:s0] =	ssyncset.done @!p0 $0x0  }
0x6a: {  	[sflag:s0] =	ssyncadd.s32 @!p0 s1  }
0x6b: {  	[bflag:$0x3] =	sbarrier.arrive $0xFFFF  }
0x6c: {  	_ =	shalt  }

// kernel: gather_offload_async_start.3
scs
__scs_entry_jumppad:
0x0: {  	(pc) =	sbr.rel $0x88, $3  }
0x1: {  	(tag) =	ssettag $0x0;
	lr =	simm.s32 $0x1  }
0x2: {  	[smem:$0x3F86] =	sst lr;
	_ =	strace $0xD0000000  }
0x3: {  	_ = 	snop  }
0x4: {  	_ = 	snop  }
0x5: {  	_ = 	snop  }
0x6: {  	_ = 	snop  }
0x7: {  	_ = 	snop  }
__scs_overlays_trampoline_lowered:
0x8: {  	[smem:$0x3F95] =	sst s0  }
0x9: {  	[smem:$0x3F96] =	sst s1  }
0xa: {  	[smem:$0x3F97] =	sst s2  }
0xb: {  	[smem:$0x3F98] =	sst s3  }
0xc: {  	[smem:$0x3F99] =	sst s4  }
0xd: {  	[smem:$0x3F9A] =	sst s5  }
0xe: {  	[smem:$0x3F9B] =	sst s6  }
0xf: {  	[smem:$0x3F9C] =	sst s7  }
0x10: {  	[smem:$0x3F9D] =	sst s8  }
0x11: {  	[smem:$0x3F9E] =	sst s9;
	s0 =	simm.s32 @!p0 $0x0  }
0x12: {  	s1 =	sld [smem:$0x3F84];
	s0 =	simm.s32 @p0 $0x1  }
0x13: {  	[smem:$0x3F9F] =	sst s0;
	s0 =	simm.s32 @!p1 $0x0  }
0x14: {  	s2 =	sld [smem:$0x3F83];
	s0 =	simm.s32 @p1 $0x1  }
0x15: {  	[smem:$0x3FA0] =	sst s0;
	s0 =	simm.s32 @!p2 $0x0  }
0x16: {  	s3 =	sld [smem:$0x3FDB];
	s0 =	simm.s32 @p2 $0x1  }
0x17: {  	s4 =	simm.s32 $0x1BF5;
	[smem:$0x3FA2] =	sst s0  }
0x18: {  	s0 =	sld [smem:$0x3F85];
	_ =	swait.ge [sflag:s4], $0x0  }
0x19: {  	s7 =	sld [smem:$0x3F86]  }
0x1a: {  	s8 =	sadd.s32 $0xFFFFE003, lr  }
0x1b: {  	s9 =	sadd.s32 $0xFFFFFEF7, lr;
	s5 =	simm.s32 $0xFFFFFFFF;
	p2 =	slt.u32 s8, $0xFFFFF086  }
0x1c: {  	p1 =	slt.u32 s9, $0xF7A;
	s5 =	simm.s32 @!p2 $0x0  }
0x1d: {  	s5 =	simm.s32 @p1 $0x1;
	p0 =	seq.s32 s7, s2  }
0x1e: {  	s7 =	smul.u32 @!p0 $0xF7A, s2;
	p2 =	seq.s32 @!p0 s5, $0x0  }
0x1f: {  	s9 =	smul.u32 $0xF7A, s1;
	s8 =	simm.s32 @!p0 $0x1BF5;
	p2 =	por !p2, p0  }
0x20: {  	[sflag:s8] =	ssyncset.s32 @!p0 $0xFFFFF086;
	s6 =	sadd.s32 @!p0 s3, s7;
	s7 =	simm.s32 @!p0 $0x108  }
0x21: {  	s3 =	sadd.s32 s3, s9;
	s6 =	sadd.s32 @!p0 $0x88, s6;
	s7 =	simm.s32 @p2 $0x1082  }
0x22: {  	[simem:s7], [sflag:s8] =	dma.local @!p0 [hbm:s6], $0xF7A  }
0x23: {  	s9 =	sor.u32 $0xD0000000, s2;
	s6 =	simm.s32 $0x108;
	_ =	swait.ge @!p0 [sflag:s8], $0x0  }
0x24: {  	s3 =	sadd.s32 $0x88, s3;
	s6 =	simm.s32 @!p1 $0x1082;
	[sflag:s4] =	ssyncset.s32 $0xFFFFF086  }
0x25: {  	[simem:s6], [sflag:s4] =	dma.local [hbm:s3], $0xF7A  }
0x26: {  	[smem:$0x3F86] =	sst s1;
	(tag) =	ssettag s2;
	_ =	strace s9  }
0x27: {  	s1 =	sld [smem:$0x3F96]  }
0x28: {  	s2 =	sld [smem:$0x3F97]  }
0x29: {  	s4 =	sld [smem:$0x3F99]  }
0x2a: {  	p0 =	seq.s32 s5, $0x0;
	s5 =	sld [smem:$0x3F9A]  }
0x2b: {  	s6 =	sld [smem:$0x3F9B]  }
0x2c: {  	s7 =	sld [smem:$0x3F9C]  }
0x2d: {  	s3 =	simm.s32 $0x108;
	s8 =	sld [smem:$0x3F9D]  }
0x2e: {  	s3 =	simm.s32 @!p0 $0x1082;
	s9 =	sld [smem:$0x3F9E]  }
0x2f: {  	lr =	sadd.s32 s0, s3;
	s0 =	sld [smem:$0x3F95]  }
0x30: {  	s3 =	sld [smem:$0x3F98]  }
0x31: {  	[smem:$0x3FA1] =	sst s10  }
0x32: {  	s10 =	sld [smem:$0x3F9F];
	_ =	sdelay $0x3  }
0x33: {  	p0 =	seq.s32 s10, $0x1;
	s10 =	sld [smem:$0x3FA1];
	_ =	sdelay $0x3  }
0x34: {  	[smem:$0x3FA1] =	sst s10  }
0x35: {  	s10 =	sld [smem:$0x3FA0];
	_ =	sdelay $0x3  }
0x36: {  	p1 =	seq.s32 s10, $0x1;
	s10 =	sld [smem:$0x3FA1];
	_ =	sdelay $0x3  }
0x37: {  	[smem:$0x3FA1] =	sst s10  }
0x38: {  	s10 =	sld [smem:$0x3FA2]  }
0x39: {  	_ = 	snop;
	(pc) =	sbr.ind lr, $3  }
0x3a: {  	_ = 	snop  }
0x3b: {  	_ = 	snop  }
0x3c: {  	p2 =	seq.s32 s10, $0x1;
	s10 =	sld [smem:$0x3FA1]  }
0x3d: {  	_ =	shalt  }
0x3e: {  	_ =	shalt  }
0x3f: {  	_ =	shalt  }
0x40: {  	_ =	shalt  }
0x41: {  	_ =	shalt  }
0x42: {  	_ =	shalt  }
0x43: {  	_ =	shalt  }
0x44: {  	_ =	shalt  }
0x45: {  	_ =	shalt  }
0x46: {  	_ =	shalt  }
0x47: {  	_ =	shalt  }
0x48: {  	_ =	shalt  }
0x49: {  	_ =	shalt  }
0x4a: {  	_ =	shalt  }
0x4b: {  	_ =	shalt  }
0x4c: {  	_ =	shalt  }
0x4d: {  	_ =	shalt  }
0x4e: {  	_ =	shalt  }
0x4f: {  	_ =	shalt  }
0x50: {  	_ =	shalt  }
0x51: {  	_ =	shalt  }
0x52: {  	_ =	shalt  }
0x53: {  	_ =	shalt  }
0x54: {  	_ =	shalt  }
0x55: {  	_ =	shalt  }
0x56: {  	_ =	shalt  }
0x57: {  	_ =	shalt  }
0x58: {  	_ =	shalt  }
0x59: {  	_ =	shalt  }
0x5a: {  	_ =	shalt  }
0x5b: {  	_ =	shalt  }
0x5c: {  	_ =	shalt  }
0x5d: {  	_ =	shalt  }
0x5e: {  	_ =	shalt  }
0x5f: {  	_ =	shalt  }
0x60: {  	_ =	shalt  }
0x61: {  	_ =	shalt  }
0x62: {  	_ =	shalt  }
0x63: {  	_ =	shalt  }
0x64: {  	_ =	shalt  }
0x65: {  	_ =	shalt  }
0x66: {  	_ =	shalt  }
0x67: {  	_ =	shalt  }
0x68: {  	_ =	shalt  }
0x69: {  	_ =	shalt  }
0x6a: {  	_ =	shalt  }
0x6b: {  	_ =	shalt  }
0x6c: {  	_ =	shalt  }
0x6d: {  	_ =	shalt  }
0x6e: {  	_ =	shalt  }
0x6f: {  	_ =	shalt  }
0x70: {  	_ =	shalt  }
0x71: {  	_ =	shalt  }
0x72: {  	_ =	shalt  }
0x73: {  	_ =	shalt  }
0x74: {  	_ =	shalt  }
0x75: {  	_ =	shalt  }
0x76: {  	_ =	shalt  }
0x77: {  	_ =	shalt  }
0x78: {  	_ =	shalt  }
0x79: {  	_ =	shalt  }
0x7a: {  	_ =	shalt  }
0x7b: {  	_ =	shalt  }
0x7c: {  	_ =	shalt  }
0x7d: {  	_ =	shalt  }
0x7e: {  	_ =	shalt  }
0x7f: {  	_ =	shalt  }
0x80: {  	_ =	shalt  }
0x81: {  	_ =	shalt  }
0x82: {  	_ =	shalt  }
0x83: {  	_ =	shalt  }
0x84: {  	_ =	shalt  }
0x85: {  	_ =	shalt  }
0x86: {  	_ =	shalt  }
0x87: {  	_ =	shalt  }
.Lfunc_end0:
.L_simem_size_0:
called_computation.11_lowered:
.L_overlay_start_0:
0x88: {  	s2 =	sld [smem:$0x3FD9]  }
0x89: {  	s3 =	sld [smem:$0x3FFE];
	_ =	sdelay $0x1  }
0x8a: {  	s1 =	srdreg.scid  }
0x8b: {  	s0 =	sand.u32 $0x1, s1  }
0x8c: {  	s17 =	sshll.u32 s0, $0xA;
	s2 =	sadd.s32 s3, s2  }
0x8d: {  	s2 =	sadd.s32 s2, s17  }
0x8e: {  	[smem:$0x3FAD] =	sst s2  }
0x8f: {  	_ = 	snop  }
0x90: {  	(tm) =	ssettm $0x1  }
0x91: {  	s18 =	sld [smem:$0x3FFB];
	_ =	sdelay $0x3  }
0x92: {  	_ =	strace s18  }
0x93: {  	s2 =	sld [smem:$0x3FFC];
	_ =	sdelay $0x3  }
0x94: {  	_ =	strace s2  }
0x95: {  	s2 =	sld [smem:$0x3FFD];
	_ =	sdelay $0x3  }
0x96: {  	_ =	strace s2  }
0x97: {  	_ =	strace $0x8FFFFFFF  }
0x98: {  	s19 =	sld [smem:$0x3FDB];
	_ =	sdelay $0x1  }
0x99: {  	s20 =	simm.s32 $_scs_section_size  }
0x9a: {  	s4 =	simm.s32 $_size__tile_overlayer_lowered;
	s5 =	simm.s32 $_tile_overlayer_lowered  }
0x9b: {  	s6 =	simm.s32 $0x1BFF;
	s21 =	sshll.u32 s5, $0x1;
	s3 =	sadd.s32 s20, s19  }
0x9c: {  	s22 =	simm.s32 $0x0;
	s4 =	sshll.u32 s4, $0x1;
	s5 =	sadd.s32 s21, s3  }
0x9d: {  	[timem:s22], [sflag:s6] =	dma.local [hbm:s5], s4  }
0x9e: {  	_ =	swait.ge [sflag:s6], s4  }
0x9f: {  	s4 =	ssub.s32 $0x0, s4;
	[sflag:s6] =	ssyncset.done $0x0  }
0xa0: {  	[sflag:s6] =	ssyncadd.s32 s4;
	_ =	sdelay $0x1  }
0xa1: {  	s23 =	simm.s32 $0x1B8B  }
0xa2: {  	_ =	swait.ge [sflag:s23], $0x1  }
0xa3: {  	[sflag:s23] =	ssyncset.done $0x0  }
0xa4: {  	[sflag:s23] =	ssyncadd.s32 $0xFFFFFFFF  }
0xa5: {  	s4 =	sld [smem:$0x0]  }
0xa6: {  	s5 =	sand.u32 $0xFFFFFFFE, s1  }
0xa7: {  	p0 =	sne.s32 s1, s5  }
0xa8: {  	s5 =	sshll.u32 @p0 s5, $0xE  }
0xa9: {  	s5 =	sadd.s32 @p0 $0x11B8D, s5;
	s6 =	sshll.u32 @p0 s4, $0x11  }
0xaa: {  	s5 =	sor.u32 @p0 s6, s5  }
0xab: {  	[sflag:s5] =	ssyncadd.remote.s32 @p0 $0x1;
	_ =	sdelay $0x1  }
0xac: {  	s5 =	simm.s32 @p0 $0x1B8D  }
0xad: {  	_ =	swait.eq @p0 [sflag:s5], $0x1  }
0xae: {  	[sflag:s5] =	ssyncadd.s32 @p0 $0xFFFFFFFF  }
0xaf: {  	s6 =	sshll.u32 @!p0 s1, $0xE  }
0xb0: {  	s6 =	sor.u32 @!p0 $0x4000, s6;
	s5 =	simm.s32 @!p0 $0x1B8D  }
0xb1: {  	s4 =	sshll.u32 @!p0 s4, $0x11;
	s6 =	sadd.s32 @!p0 $0x11B8D, s6;
	_ =	swait.eq @!p0 [sflag:s5], $0x1  }
0xb2: {  	s4 =	sor.u32 @!p0 s4, s6;
	[sflag:s5] =	ssyncadd.s32 @!p0 $0xFFFFFFFF  }
0xb3: {  	s25 =	simm.s32 $0x1B8E;
	s24 =	sld [smem:$0x3FFE];
	[sflag:s4] =	ssyncadd.remote.s32 @!p0 $0x1  }
0xb4: {  	s26 =	simm.s32 $execute0_lowered;
	[smem:$0x3FD2] =	sst s25  }
0xb5: {  	s5 =	sshll.u32 s26, $0x1;
	_ =	strace $0x8000005E;
	[dreg:$0x1] =	wrdreg $0xFFFFFFFF  }
0xb6: {  	s28 =	simm.s32 $_size_execute0_lowered;
	s3 =	sadd.s32 s3, s5;
	[dreg:$0x0] =	wrdreg $0x0  }
0xb7: {  	s5 =	sshll.u32 s28, $0x1;
	[dreg:$0x2] =	wrdreg s3  }
0xb8: {  	[dreg:$0x3] =	wrdreg s5  }
0xb9: {  	[dreg:$0x4] =	wrdreg $0xC0  }
0xba: {  	_ =	task [dreg:s22], $0x5FFFF  }
0xbb: {  	[dreg:$0x1] =	wrdreg $0xFFFFFFFF  }
0xbc: {  	[dreg:$0x0] =	wrdreg $0x60  }
0xbd: {  	[dreg:$0x2] =	wrdreg s24  }
0xbe: {  	[dreg:$0x3] =	wrdreg $0x9  }
0xbf: {  	_ =	task.clear_ibuf [dreg:s22], $0x4FFFF;
	_ =	strace $0x9000005E  }
0xc0: {  	s29 =	simm.s32 $0x9;
	_ =	strace $0x80000060  }
0xc1: {  	_ =	swait.ge [sflag:s29], $0x1  }
0xc2: {  	[sflag:s29] =	ssyncadd.s32 $0xFFFFFFFF  }
0xc3: {  	_ =	strace $0x90000060  }
0xc4: {  	_ =	sfence  }
0xc5: {  	s30 =	sld [smem:$0x0];
	_ =	sdelay $0x2  }
0xc6: {  	s31 =	sshll.u32 s1, $0xD;
	s1 =	sshrl.u32 s1, $0x2  }
0xc7: {  	s4 =	sand.u32 $0x4000, s31;
	s1 =	sadd.s32 s1, s30  }
0xc8: {  	s0 =	sor.u32 s4, s0;
	s1 =	sshll.u32 s1, $0x11  }
0xc9: {  	s0 =	sor.u32 s1, s0  }
0xca: {  	s0 =	sadd.s32 $0x8F2B, s0  }
0xcb: {  	[sflag:s0] =	ssyncadd.remote.s32 $0x1  }
0xcc: {  	_ =	sfence.sel $0xFFFF  }
0xcd: {  	[dreg:$0x0] =	wrdreg $0xFFFFFFFF;
	(pc) =	sbr.abs _section_cstart, $3  }
0xce: {  	[dreg:$0x1] =	wrdreg $0xFFFFFFFF  }
0xcf: {  	_ =	task.clear_ibuf [dreg:s22], $0x2FFFF;
	_ =	strace $0x9FFFFFFF  }
0xd0: {  	(tm) =	ssettm $0x7FFFFFFF  }
0xd1: {  	_ =	shalt  }
tec
execute0_lowered:
.L_overlay_start_1:
0x0: {  	(tag) =	ssettag $0x1  }
0x1: {  	s0 =	srdreg.scid  }
0x2: {  	s1 =	sshll.u32 s0, $0x4  }
0x3: {  	s0 =	stileid.u32;
	s1 =	sand.u32 $0x10, s1  }
0x4: {  	s2 =	sor.u32 s0, s1  }
0x5: {  	s3 =	smul.u32 $0x138, s2  }
0x6: {  	s2 =	smin.u32 s2, $0x10  }
0x7: {  	s2 =	sadd.s32 s2, s3  }
0x8: {  	s10 =	rddreg [dreg:$0x0];
	s2 =	sshll.u32 s2, $0x4  }
0x9: {  	_ =	strace $0x8000005F;
	s7 =	simm.s32 $0x1;
	s31 =	ssub.s32 s2, s1  }
0xa: {  	s8 =	simm.s32 $0x2;
	s11 =	simm.s32 $0x3;
	s3 =	sadd.s32 $0x1390, s31  }
0xb: {  	s13 =	simm.s32 $0x0;
	p3 =	por $0x0, $0x0;
	s3 =	smin.u32 s3, $0x27100  }
.Ltmp0:
0xc: {  	s12 =	simm.s32 $0x80;
	s9 =	ssub.s32 s3, s2;
	(pc) =	sbr.rel .LBB2_1-.Ltmp0, $4  }
0xd: {  	s4 =	sadd.s32 $0x61000, s10;
	s5 =	sadd.s32 $0x8C00, s10;
	p0 =	sgt.s32 s9, $0x0  }
0xe: {  	s6 =	sadd.s32 $0x1F2FA00, s10;
	[sflag:s7] =	ssyncpa.u1 $0x0;
	s9 =	simm.s32 @!p0 $0x0  }
0xf: {  	s10 =	sadd.s32 $0x49C00, s10;
	[sflag:s8] =	ssyncpa.u1 $0x0;
	s9 =	sshrl.u32 s9, $0x4  }
0x10: {  	v0 =	vlaneseq.u32;
	[sflag:s11] =	ssyncpa.u1 $0x0;
	s14 =	smov.u32 s2;
	s11 =	sadd.s32 $0x1, s9  }
.LBB2_6:
0x11: {  	s1 =	sadd.s32 s19, s17  }
0x12: {  	v2 =	vld.msk [tilespmem:s1+$0x0 ss:$0x1], $0x1;
	_ =	sdelay $0x2  }
0x13: {  	(v2sf) =	vpush v1, $0x1  }
0x14: {  	(v2sf) =	vpush v1, $0x0  }
0x15: {  	(v2sf) =	vpush v2, $0x0;
	_ =	sdelay $0xc  }
0x16: {  	p0 =	seq.s32 s20, $0x3C;
	s1 =	simm.s32 $0x1;
	s17 =	spop (v2sf)  }
0x17: {  	s1 =	simm.s32 @!p0 $0x2;
	s17 =	simm.s32 @p1 $0xFFFFFFFF;
	s26 =	spop (v2sf)  }
0x18: {  	v1 =	vmov s1;
	p0 =	sne.s32 s26, s17;
	s17 =	simm.s32 $0x1;
	s28 =	spop (v2sf)  }
0x19: {  	vm0 =	vgt.u32 v1, v0;
	s17 =	simm.s32 @!p0 $0x0;
	s29 =	sshll.u32 s28, $0xB;
	s1 =	sshll.u32 s28, $0x7  }
0x1a: {  	s17 =	sadd.s32 s17, s18;
	s20 =	sand.u32 $0xFFFFC000, s29;
	s1 =	sand.u32 $0x380, s1  }
0x1b: {  	s17 =	sshll.u32 s17, $0xD;
	s1 =	sor.u32 s1, s20  }
0x1c: {  	s17 =	sshra.s32 s17, $0x2;
	s1 =	sshrl.u32 s1, $0x3  }
0x1d: {  	s15 =	sadd.s32 s19, s15;
	s16 =	sadd.s32 s17, s16;
	s1 =	sadd.s32 s6, s1  }
0x1e: {  	[hbm:s1] =	stream.strided.scatter [tilespmem:s16], [sflag:$0x3], $0x800, s12, s12, $0x38;
	[tilespmem:$0x10040] =	vst v63  }
0x1f: {  	v1 =	vld.msk [tilespmem:s15+$0x0 ss:$0x1], vm0;
	_ =	sdelay $0x4  }
0x20: {  	(v2sf) =	vpush v1, $0x1  }
0x21: {  	(v2sf) =	vpush v1, $0x0;
	_ =	sdelay $0xb  }
0x22: {  	s1 =	sld [smem:$0x7FC];
	_ =	sdelay $0x1  }
0x23: {  	s30 =	spop (v2sf)  }
0x24: {  	p3 =	seq.s32 s1, $0x1;
	s31 =	spop (v2sf)  }
.LBB2_7:
0x25: {  	p2 =	sne.s32 s13, s11  }
.Ltmp1:
0x26: {  	p0 =	slt.u32 s13, $0x2;
	(pc) =	sbr.rel @!p2 .LBB2_8-.Ltmp1, $4  }
0x27: {  	s15 =	sadd.s32 $0x10, s14;
	s1 =	simm.s32 @!p0 $0x3  }
0x28: {  	s14 =	smov.u32 s2;
	s16 =	sadd.s32 $0x1, s13;
	_ =	swait.ge @!p0 [sflag:s1], $0x8000  }
0x29: {  	p3 =	por !p3, !p3;
	p1 =	slt.s32 s15, s3;
	[sflag:s1] =	ssyncset.done @!p0 $0x0  }
0x2a: {  	s13 =	smov.u32 s16;
	s14 =	smov.u32 @p1 s15;
	[sflag:s1] =	ssyncadd.s32 @!p0 $0xFFFF8000  }
.LBB2_1:
0x2b: {  	p0 =	sge.u32 s13, s9  }
0x2c: {  	s15 =	sxor.u32 @!p0 $0xFFFFFFFF, s13  }
0x2d: {  	s16 =	sshrl.u32 @!p0 s14, $0x3;
	s15 =	sshll.u32 @!p0 s15, $0x4  }
0x2e: {  	s18 =	sand.u32 @!p0 $0x7, s14;
	s17 =	sadd.s32 @!p0 s5, s16;
	s15 =	sand.u32 @!p0 $0x10, s15  }
0x2f: {  	[tilespmem:s15], [sflag:$0x2] =	stream.linear.gather @!p0 [hbm4b:s17+s18], $0x10, $0x38;
	[tilespmem:$0x10040] =	vst v63  }
0x30: {  	s31 =	sadd.s32 $0xFFFFFFFF, s13;
	s16 =	sadd.s32 @!p0 s10, s16;
	s15 =	sor.u32 @!p0 $0x20, s15  }
0x31: {  	[tilespmem:s15], [sflag:$0x2] =	stream.linear.gather @!p0 [hbm4b:s16+s18], $0x10, $0x38;
	[tilespmem:$0x10040] =	vst v63  }
0x32: {  	p0 =	sge.u32 s31, s9  }
.Ltmp2:
0x33: {  	_ = 	snop;
	(pc) =	sbr.rel @p0 .LBB2_7-.Ltmp2, $1  }
0x34: {  	_ =	sdelay $0x3  }
0x35: {  	p0 =	por $0x0, $0x0;
	s15 =	simm.s32 $0x1  }
0x36: {  	s15 =	simm.s32 @!p0 $0x2  }
0x37: {  	v1 =	vmov s15  }
0x38: {  	s1 =	simm.s32 @!p3 $0x0;
	vm0 =	vgt.u32 v1, v0  }
0x39: {  	s1 =	simm.s32 @p3 $0x1  }
0x3a: {  	s15 =	simm.s32 $0x1;
	[smem:$0x7FC] =	sst s1  }
0x3b: {  	s15 =	simm.s32 @!p3 $0x0;
	_ =	swait.ge [sflag:s8], $0x20  }
0x3c: {  	s15 =	sshll.u32 s15, $0x4;
	[sflag:s8] =	ssyncset.done $0x0  }
0x3d: {  	[sflag:s8] =	ssyncadd.s32 $0xFFFFFFE0;
	s16 =	sadd.s32 $0x0, s15  }
0x3e: {  	v2 =	vld.msk [tilespmem:s16+$0x0 ss:$0x1], vm0;
	_ =	sdelay $0x4  }
0x3f: {  	(v2sf) =	vpush v2, $0x1  }
0x40: {  	p1 =	por $0x0, $0x0;
	s16 =	simm.s32 $0x1;
	(v2sf) =	vpush v2, $0x0  }
0x41: {  	s16 =	simm.s32 @!p1 $0x2  }
0x42: {  	v1 =	vmov s16  }
0x43: {  	vm12 =	vgt.u32 v1, v0;
	_ =	sdelay $0x3  }
0x44: {  	p2 =	por $0x0, $0x0;
	s17 =	simm.s32 $0x1  }
0x45: {  	s17 =	simm.s32 @!p2 $0x2;
	s26 =	sadd.s32 $0x1, s15  }
0x46: {  	v1 =	vmov s17;
	v3 =	vld.msk [tilespmem:s26+$0x0 ss:$0x1], vm12  }
0x47: {  	vm13 =	vgt.u32 v1, v0;
	_ =	sdelay $0x2  }
0x48: {  	p0 =	por p0, p0  }
0x49: {  	p0 =	por p0, p0;
	(v2sf) =	vpush v3, $0x1;
	s16 =	spop (v2sf)  }
0x4a: {  	s30 =	sadd.s32 $0x2, s15;
	s16 =	simm.s32 @p0 $0xFFFFFFFF;
	s18 =	spop (v2sf)  }
0x4b: {  	v1 =	vld.msk [tilespmem:s30+$0x0 ss:$0x1], vm13;
	(v2sf) =	vpush v3, $0x0;
	p0 =	seq.s32 s18, s16  }
0x4c: {  	vm0 =	vgt.s32 @!p0 v2, $0x0  }
0x4d: {  	v2 =	vnsel @!p0 vm0, $0x0, v2  }
0x4e: {  	v2 =	vmin.u32 @!p0 v2, $0x270F  }
0x4f: {  	(v2sf) =	vpush @!p0 v2, $0x0  }
0x50: {  	(v2sf) =	vpush v1, $0x1  }
0x51: {  	(v2sf) =	vpush v1, $0x0  }
0x52: {  	s31 =	sand.u32 $0x1, s13;
	p4 =	por $0x0, $0x0;
	s19 =	simm.s32 $0x0  }
0x53: {  	s23 =	simm.s32 $0x14;
	s21 =	simm.s32 $0x18;
	s18 =	simm.s32 $0x1  }
0x54: {  	s24 =	simm.s32 $0x1;
	p2 =	por p2, p2;
	s18 =	simm.s32 @!p4 $0x2  }
0x55: {  	p2 =	por p2, p2;
	s28 =	sadd.s32 $0x4, s15;
	p1 =	por p1, p1;
	v2 =	vmov s18  }
0x56: {  	p1 =	por p1, p1;
	s17 =	sor.u32 $0x20, s15;
	s16 =	sshll.u32 s31, $0xF;
	vm14 =	vgt.u32 v2, v0  }
0x57: {  	s26 =	sadd.s32 $0x3, s15;
	s16 =	sor.u32 $0x40, s16;
	s22 =	simm.s32 @!p0 $0x1  }
0x58: {  	p5 =	por p0, p0;
	p4 =	por p4, p4;
	s18 =	spop (v2sf)  }
0x59: {  	s22 =	smov.u32 @p0 s19;
	s18 =	simm.s32 @p1 $0xFFFFFFFF;
	p1 =	por $0x0, $0x0  }
0x5a: {  	s19 =	simm.s32 @!p0 $0x80;
	s24 =	simm.s32 @!p1 $0x2;
	s25 =	spop (v2sf)  }
0x5b: {  	s20 =	sadd.s32 @!p0 $0x0, s16;
	p5 =	por p5, p5;
	v4 =	vmov s24;
	p3 =	seq.s32 s25, s18  }
0x5c: {  	v2 =	vld.msk [tilespmem:s26+$0x0 ss:$0x1], vm14;
	s26 =	simm.s32 $0x1C;
	vm15 =	vgt.u32 v4, v0;
	s18 =	sadd.s32 @!p3 $0x1, s22;
	s24 =	sshll.u32 @!p3 s22, $0xD  }
0x5d: {  	vm1 =	vgt.s32 @!p3 v3, $0x0;
	s24 =	sshra.s32 @!p3 s24, $0x2;
	s18 =	smov.u32 @p3 s22;
	s22 =	simm.s32 @!p3 $0x80  }
0x5e: {  	v3 =	vnsel @!p3 vm1, $0x0, v3;
	s25 =	sadd.s32 @!p3 s24, s16;
	s24 =	spop @!p0 (v2sf);
	p0 =	por p3, p3  }
0x5f: {  	v3 =	vmin.u32 @!p3 v3, $0x270F;
	s1 =	simm.s32 @!p0 $0x0;
	s29 =	spop (v2sf);
	s30 =	sshll.u32 @!p5 s24, $0x4  }
0x60: {  	(v2sf) =	vpush @!p3 v3, $0x0;
	s1 =	simm.s32 @p0 $0x1;
	s29 =	simm.s32 @p2 $0xFFFFFFFF;
	s31 =	spop (v2sf)  }
0x61: {  	(v2sf) =	vpush v2, $0x1;
	s30 =	sand.u32 @!p5 $0x70, s30;
	[smem:$0x7FD] =	sst s1;
	p6 =	seq.s32 s31, s29  }
0x62: {  	(v2sf) =	vpush v2, $0x0;
	s29 =	sshll.u32 @!p5 s24, $0x8;
	s24 =	smov.u32 s18;
	v3 =	vld.msk [tilespmem:s28+$0x0 ss:$0x1], vm15;
	s28 =	sadd.s32 @!p5 s4, s30  }
.LBB2_3:
0x63: {  	s1 =	simm.s32 @!p3 $0x0  }
0x64: {  	s30 =	smov.u32 s18;
	s18 =	sadd.s32 @!p6 $0x1, s18;
	s31 =	smov.u32 s21  }
0x65: {  	s21 =	smov.u32 s26;
	s26 =	sadd.s32 $0x4, s26;
	p0 =	por p5, p5  }
0x66: {  	s1 =	simm.s32 @p3 $0x1;
	p3 =	por p6, p6;
	p2 =	sne.s32 s26, $0x40  }
0x67: {  	[smem:$0x7FA] =	sst s1;
	s1 =	smov.u32 s25;
	s25 =	simm.s32 @!p2 $0x0  }
0x68: {  	vm0 =	vgt.s32 @!p6 v1, $0x0;
	p6 =	por p4, p4;
	p4 =	por p1, p1;
	s25 =	simm.s32 @p2 $0x1  }
0x69: {  	p1 =	seq.s32 s23, $0x3C;
	[smem:$0x7FB] =	sst s25;
	s25 =	simm.s32 $0x1  }
0x6a: {  	s18 =	smov.u32 @p3 s30;
	s24 =	sshll.u32 @!p3 s24, $0xD;
	s25 =	simm.s32 @!p1 $0x2  }
0x6b: {  	s30 =	simm.s32 @!p3 $0x80;
	v5 =	vmov s25;
	s25 =	sand.u32 @!p0 $0x3FF800, s29;
	s29 =	sshra.s32 @!p3 s24, $0x2  }
0x6c: {  	s28 =	sadd.s32 @!p0 s25, s28;
	s25 =	sadd.s32 @!p3 s29, s16;
	s29 =	sld [smem:$0x7FD]  }
0x6d: {  	[tilespmem:s20], [sflag:$0x1] =	stream.strided.gather @!p0 [hbm:s28], $0x800, s19, s19, $0x38;
	[tilespmem:$0x10040] =	vst v63  }
0x6e: {  	s19 =	smov.u32 s22;
	s22 =	smov.u32 s30;
	s30 =	sld [smem:$0x7FA]  }
0x6f: {  	p2 =	seq.s32 s29, $0x1  }
0x70: {  	p5 =	por p2, p2;
	p2 =	por p3, p3  }
0x71: {  	p0 =	seq.s32 s30, $0x1;
	s29 =	simm.s32 @!p2 $0x0  }
0x72: {  	s20 =	smov.u32 s1;
	s28 =	spop @!p0 (v2sf);
	s29 =	simm.s32 @p2 $0x1  }
0x73: {  	s1 =	sshra.s32 s23, $0x2;
	[smem:$0x7FD] =	sst s29;
	s29 =	spop (v2sf)  }
0x74: {  	s23 =	smov.u32 s31;
	s29 =	simm.s32 @p6 $0xFFFFFFFF;
	s31 =	spop (v2sf)  }
0x75: {  	p6 =	seq.s32 s31, s29;
	s31 =	sld [smem:$0x7FB];
	_ =	sdelay $0x1  }
0x76: {  	vm15 =	vgt.u32 v5, v0  }
0x77: {  	p0 =	seq.s32 s31, $0x1  }
.Ltmp3:
0x78: {  	v4 =	vnsel @!p3 vm0, $0x0, v1;
	(pc) =	sbr.rel @p0 .LBB2_3-.Ltmp3, $4  }
0x79: {  	v4 =	vmin.u32 @!p3 v4, $0x270F  }
0x7a: {  	(v2sf) =	vpush @!p3 v4, $0x0;
	s30 =	sshll.u32 @!p5 s28, $0x4  }
0x7b: {  	v1 =	vmov v2;
	v2 =	vmov v3;
	(v2sf) =	vpush v3, $0x1;
	s1 =	sadd.s32 s1, s15;
	s30 =	sand.u32 @!p5 $0x70, s30  }
0x7c: {  	s24 =	smov.u32 s18;
	(v2sf) =	vpush v2, $0x0;
	v3 =	vld.msk [tilespmem:s1+$0x0 ss:$0x1], vm15;
	s29 =	sshll.u32 @!p5 s28, $0x8;
	s28 =	sadd.s32 @!p5 s4, s30  }
0x7d: {  	_ = 	snop  }
0x7e: {  	vm0 =	vgt.s32 @!p6 v1, $0x0  }
0x7f: {  	v1 =	vnsel @!p6 vm0, $0x0, v1  }
0x80: {  	v1 =	vmin.u32 @!p6 v1, $0x270F  }
0x81: {  	(v2sf) =	vpush @!p6 v1, $0x0  }
0x82: {  	(v2sf) =	vpush v3, $0x1  }
0x83: {  	p0 =	seq.s32 s23, $0x3C;
	s1 =	simm.s32 $0x1;
	(v2sf) =	vpush v3, $0x0  }
0x84: {  	s1 =	simm.s32 @!p0 $0x2  }
0x85: {  	v1 =	vmov s1  }
0x86: {  	vm14 =	vgt.u32 v1, v0;
	_ =	sdelay $0x1  }
0x87: {  	p2 =	por p4, p4  }
0x88: {  	s31 =	sshra.s32 s23, $0x2;
	p4 =	seq.s32 s21, $0x3C;
	s1 =	spop @!p3 (v2sf)  }
0x89: {  	s30 =	simm.s32 $0x1;
	s23 =	sadd.s32 s31, s15;
	s26 =	spop (v2sf)  }
0x8a: {  	s30 =	simm.s32 @!p4 $0x2;
	s26 =	simm.s32 @p2 $0xFFFFFFFF;
	s31 =	spop (v2sf)  }
0x8b: {  	v4 =	vmov s30;
	v1 =	vld.msk [tilespmem:s23+$0x0 ss:$0x1], vm14;
	p3 =	seq.s32 s31, s26  }
0x8c: {  	vm1 =	vgt.u32 v4, v0;
	vm0 =	vgt.s32 @!p3 v2, $0x0  }
0x8d: {  	v2 =	vnsel @!p3 vm0, $0x0, v2  }
0x8e: {  	v2 =	vmin.u32 @!p3 v2, $0x270F  }
0x8f: {  	p1 =	por p1, p1;
	s23 =	spop @!p6 (v2sf);
	(v2sf) =	vpush @!p3 v2, $0x0  }
0x90: {  	p1 =	por p1, p1;
	s30 =	sshra.s32 s21, $0x2;
	s26 =	spop (v2sf);
	(v2sf) =	vpush v1, $0x1  }
0x91: {  	s21 =	sadd.s32 s30, s15;
	s26 =	simm.s32 @p1 $0xFFFFFFFF;
	s31 =	spop (v2sf);
	(v2sf) =	vpush v1, $0x0  }
0x92: {  	v2 =	vld.msk [tilespmem:s21+$0x0 ss:$0x1], vm1;
	p1 =	seq.s32 s31, s26  }
0x93: {  	s30 =	sld [smem:$0x7FD];
	vm0 =	vgt.s32 @!p1 v3, $0x0  }
0x94: {  	v3 =	vnsel @!p1 vm0, $0x0, v3  }
0x95: {  	p2 =	por p5, p5;
	v3 =	vmin.u32 @!p1 v3, $0x270F  }
0x96: {  	p5 =	seq.s32 s30, $0x1;
	s21 =	sand.u32 @!p2 $0x3FF800, s29;
	(v2sf) =	vpush @!p1 v3, $0x0  }
0x97: {  	p5 =	por p5, p5;
	s21 =	sadd.s32 @!p2 s21, s28;
	(v2sf) =	vpush v2, $0x1  }
0x98: {  	[tilespmem:s20], [sflag:$0x1] =	stream.strided.gather @!p2 [hbm:s21], $0x800, s19, s19, $0x38;
	(v2sf) =	vpush v2, $0x0;
	[tilespmem:$0x10040] =	vst v63  }
0x99: {  	p0 =	por p0, p0;
	s19 =	sshll.u32 @!p5 s1, $0x4  }
0x9a: {  	s1 =	sshll.u32 @!p5 s1, $0x8;
	p2 =	por p5, p5;
	s19 =	sand.u32 @!p5 $0x70, s19  }
0x9b: {  	p0 =	por p0, p0;
	s1 =	sand.u32 @!p2 $0x3FF800, s1;
	s19 =	sadd.s32 @!p5 s4, s19  }
0x9c: {  	p5 =	por p6, p6;
	s1 =	sadd.s32 @!p2 s1, s19;
	s19 =	sshll.u32 @!p6 s24, $0xD  }
0x9d: {  	[tilespmem:s25], [sflag:$0x1] =	stream.strided.gather @!p2 [hbm:s1], $0x800, s22, s22, $0x38;
	[tilespmem:$0x10040] =	vst v63  }
0x9e: {  	s1 =	sadd.s32 @!p6 $0x1, s18;
	p2 =	por p5, p5;
	s21 =	spop @!p3 (v2sf)  }
0x9f: {  	s20 =	sshll.u32 @!p2 s23, $0x4;
	s23 =	sshll.u32 @!p2 s23, $0x8;
	s22 =	spop (v2sf)  }
0xa0: {  	s20 =	sand.u32 @!p2 $0x70, s20;
	s22 =	simm.s32 @p0 $0xFFFFFFFF;
	s31 =	spop (v2sf)  }
0xa1: {  	s20 =	sadd.s32 @!p2 s4, s20;
	p0 =	por p2, p2;
	p2 =	seq.s32 s31, s22  }
0xa2: {  	s1 =	smov.u32 @p6 s18;
	s18 =	sshra.s32 @!p6 s19, $0x2;
	s19 =	sand.u32 @!p0 $0x3FF800, s23;
	vm0 =	vgt.s32 @!p2 v1, $0x0  }
0xa3: {  	s18 =	sadd.s32 @!p6 s18, s16;
	s22 =	simm.s32 @!p6 $0x80;
	s19 =	sadd.s32 @!p0 s19, s20;
	v1 =	vnsel @!p2 vm0, $0x0, v1  }
0xa4: {  	[tilespmem:s18], [sflag:$0x1] =	stream.strided.gather @!p0 [hbm:s19], $0x800, s22, s22, $0x38;
	v1 =	vmin.u32 @!p2 v1, $0x270F;
	[tilespmem:$0x10040] =	vst v63  }
0xa5: {  	p4 =	por p4, p4;
	p5 =	por p3, p3;
	s19 =	spop @!p1 (v2sf);
	(v2sf) =	vpush @!p2 v1, $0x0  }
0xa6: {  	s18 =	sadd.s32 @!p3 $0x1, s1;
	p0 =	por p4, p4;
	s20 =	spop (v2sf)  }
0xa7: {  	s18 =	smov.u32 @p3 s1;
	s20 =	simm.s32 @p0 $0xFFFFFFFF;
	s24 =	spop (v2sf)  }
0xa8: {  	s1 =	sshll.u32 @!p3 s1, $0xD;
	p0 =	por p5, p5;
	p4 =	seq.s32 s24, s20  }
0xa9: {  	p6 =	por p1, p1;
	s1 =	sshra.s32 @!p3 s1, $0x2;
	s22 =	sshll.u32 @!p0 s21, $0x4;
	vm0 =	vgt.s32 @!p4 v2, $0x0  }
0xaa: {  	s21 =	sshll.u32 @!p0 s21, $0x8;
	p5 =	por p0, p0;
	s22 =	sand.u32 @!p0 $0x70, s22;
	v1 =	vnsel @!p4 vm0, $0x0, v2  }
0xab: {  	s1 =	sadd.s32 @!p3 s1, s16;
	s21 =	sand.u32 @!p5 $0x3FF800, s21;
	s22 =	sadd.s32 @!p0 s4, s22;
	v1 =	vmin.u32 @!p4 v1, $0x270F  }
0xac: {  	s20 =	simm.s32 @!p3 $0x80;
	p0 =	por p6, p6;
	s21 =	sadd.s32 @!p5 s21, s22;
	(v2sf) =	vpush @!p4 v1, $0x0  }
0xad: {  	[tilespmem:s1], [sflag:$0x1] =	stream.strided.gather @!p5 [hbm:s21], $0x800, s20, s20, $0x38;
	[tilespmem:$0x10040] =	vst v63  }
0xae: {  	p3 =	por p0, p0;
	s20 =	sshll.u32 @!p0 s19, $0x4  }
0xaf: {  	s1 =	sshll.u32 @!p1 s18, $0xD;
	s19 =	sshll.u32 @!p0 s19, $0x8;
	s20 =	sand.u32 @!p0 $0x70, s20  }
0xb0: {  	s1 =	sshra.s32 @!p1 s1, $0x2;
	s19 =	sand.u32 @!p3 $0x3FF800, s19;
	s20 =	sadd.s32 @!p0 s4, s20  }
0xb1: {  	s21 =	simm.s32 @!p1 $0x80;
	s1 =	sadd.s32 @!p1 s1, s16;
	s19 =	sadd.s32 @!p3 s19, s20  }
0xb2: {  	[tilespmem:s1], [sflag:$0x1] =	stream.strided.gather @!p3 [hbm:s19], $0x800, s21, s21, $0x38;
	[tilespmem:$0x10040] =	vst v63  }
0xb3: {  	p5 =	por p2, p2;
	s1 =	sadd.s32 @!p1 $0x1, s18  }
0xb4: {  	p0 =	por p5, p5;
	s1 =	smov.u32 @p1 s18;
	s18 =	spop @!p2 (v2sf)  }
0xb5: {  	p1 =	por p0, p0;
	s20 =	sshll.u32 @!p0 s18, $0x4  }
0xb6: {  	s19 =	sshll.u32 @!p2 s1, $0xD;
	s18 =	sshll.u32 @!p0 s18, $0x8;
	s20 =	sand.u32 @!p0 $0x70, s20  }
0xb7: {  	s19 =	sshra.s32 @!p2 s19, $0x2;
	s18 =	sand.u32 @!p1 $0x3FF800, s18;
	s20 =	sadd.s32 @!p0 s4, s20  }
0xb8: {  	s21 =	simm.s32 @!p2 $0x80;
	s19 =	sadd.s32 @!p2 s19, s16;
	s18 =	sadd.s32 @!p1 s18, s20  }
0xb9: {  	[tilespmem:s19], [sflag:$0x1] =	stream.strided.gather @!p1 [hbm:s18], $0x800, s21, s21, $0x38;
	[tilespmem:$0x10040] =	vst v63  }
0xba: {  	p6 =	por p4, p4;
	s18 =	sadd.s32 @!p2 $0x1, s1  }
0xbb: {  	p0 =	por p6, p6;
	s19 =	spop @!p4 (v2sf);
	s18 =	smov.u32 @p2 s1  }
0xbc: {  	s1 =	sshll.u32 @!p0 s19, $0x4;
	s20 =	sadd.s32 @!p4 $0x1, s18  }
0xbd: {  	s21 =	sshll.u32 @!p4 s18, $0xD;
	s19 =	sshll.u32 @!p0 s19, $0x8;
	s1 =	sand.u32 @!p0 $0x70, s1  }
0xbe: {  	s20 =	smov.u32 @p4 s18;
	s1 =	sadd.s32 @!p0 s4, s1;
	p0 =	por p0, p0  }
0xbf: {  	s18 =	sshra.s32 @!p4 s21, $0x2;
	s21 =	simm.s32 @!p4 $0x80;
	s19 =	sand.u32 @!p0 $0x3FF800, s19  }
0xc0: {  	s18 =	sadd.s32 @!p4 s18, s16;
	s25 =	sshll.u32 s20, $0xB;
	s1 =	sadd.s32 @!p0 s19, s1  }
0xc1: {  	[tilespmem:s18], [sflag:$0x1] =	stream.strided.gather @!p0 [hbm:s1], $0x800, s21, s21, $0x38;
	[tilespmem:$0x10040] =	vst v63  }
0xc2: {  	s1 =	sand.u32 $0x3FFFF800, s25  }
0xc3: {  	_ =	swait.ge [sflag:s7], s1  }
0xc4: {  	s1 =	ssub.s32 $0x0, s1;
	[sflag:s7] =	ssyncset.done $0x0  }
0xc5: {  	s26 =	sadd.s32 $0x0, s17;
	[sflag:s7] =	ssyncadd.s32 s1  }
0xc6: {  	v1 =	vld.msk [tilespmem:s26+$0x0 ss:$0x1], $0x1;
	_ =	sdelay $0x4  }
0xc7: {  	(v2sf) =	vpush v1, $0x0;
	_ =	sdelay $0xc  }
0xc8: {  	p0 =	por $0x0, $0x0;
	s1 =	simm.s32 $0x1  }
0xc9: {  	s1 =	simm.s32 @!p0 $0x2  }
0xca: {  	v1 =	vmov s1;
	s28 =	spop (v2sf)  }
0xcb: {  	vm15 =	vgt.u32 v1, v0;
	s29 =	sshll.u32 s28, $0xB;
	s18 =	sshll.u32 s28, $0x7  }
0xcc: {  	s1 =	sand.u32 $0xFFFFC000, s29;
	s18 =	sand.u32 $0x380, s18  }
0xcd: {  	s1 =	sor.u32 s18, s1  }
0xce: {  	s30 =	sadd.s32 $0x0, s16;
	s31 =	sadd.s32 $0x0, s15;
	s1 =	sshrl.u32 s1, $0x3  }
0xcf: {  	s20 =	simm.s32 $0x4;
	s19 =	simm.s32 $0x1;
	s1 =	sadd.s32 s6, s1  }
0xd0: {  	[hbm:s1] =	stream.strided.scatter [tilespmem:s30], [sflag:$0x3], $0x800, s12, s12, $0x38;
	[tilespmem:$0x10040] =	vst v63  }
0xd1: {  	s21 =	simm.s32 $0x8;
	p1 =	por p0, p0;
	s18 =	simm.s32 $0x0;
	v1 =	vld.msk [tilespmem:s31+$0x0 ss:$0x1], vm15  }
.LBB2_5:
0xd2: {  	p2 =	sne.s32 s21, $0x3C;
	s1 =	sadd.s32 s19, s17  }
0xd3: {  	v2 =	vld.msk [tilespmem:s1+$0x0 ss:$0x1], $0x1;
	_ =	sdelay $0x3  }
0xd4: {  	(v2sf) =	vpush v1, $0x1  }
0xd5: {  	(v2sf) =	vpush v1, $0x0  }
0xd6: {  	(v2sf) =	vpush v2, $0x0;
	_ =	sdelay $0xb  }
0xd7: {  	p0 =	seq.s32 s20, $0x3C;
	s20 =	smov.u32 s21;
	s1 =	simm.s32 $0x1  }
0xd8: {  	s1 =	simm.s32 @!p0 $0x2;
	s22 =	spop (v2sf)  }
0xd9: {  	s22 =	simm.s32 @p1 $0xFFFFFFFF;
	s23 =	spop (v2sf);
	p1 =	por p0, p0  }
0xda: {  	v1 =	vmov s1;
	s1 =	spop (v2sf);
	p0 =	sne.s32 s23, s22;
	s23 =	simm.s32 $0x1  }
0xdb: {  	vm0 =	vgt.u32 v1, v0;
	s22 =	sshll.u32 s1, $0xB;
	s1 =	sshll.u32 s1, $0x7;
	s23 =	simm.s32 @!p0 $0x0  }
0xdc: {  	s22 =	sand.u32 $0xFFFFC000, s22;
	s1 =	sand.u32 $0x380, s1;
	s18 =	sadd.s32 s23, s18  }
.Ltmp4:
0xdd: {  	s1 =	sor.u32 s1, s22;
	s22 =	sshll.u32 s18, $0xD;
	(pc) =	sbr.rel @p2 .LBB2_5-.Ltmp4, $4  }
0xde: {  	s1 =	sshrl.u32 s1, $0x3;
	s22 =	sshra.s32 s22, $0x2  }
0xdf: {  	s23 =	sadd.s32 s19, s15;
	s22 =	sadd.s32 s22, s16;
	s1 =	sadd.s32 s6, s1  }
0xe0: {  	[hbm:s1] =	stream.strided.scatter [tilespmem:s22], [sflag:$0x3], $0x800, s12, s12, $0x38;
	[tilespmem:$0x10040] =	vst v63  }
0xe1: {  	s21 =	sadd.s32 $0x4, s21;
	s19 =	sshra.s32 s20, $0x2;
	v1 =	vld.msk [tilespmem:s23+$0x0 ss:$0x1], vm0  }
.Ltmp5:
0xe2: {  	_ = 	snop;
	(pc) =	sbr.rel .LBB2_6-.Ltmp5, $1  }
0xe3: {  	_ =	sdelay $0x3  }
.LBB2_8:
0xe4: {  	_ =	sfence.sel $0x180000  }
0xe5: {  	s1 =	simm.s32 $0x2;
	[bflag:$0x0] =	sbarrier.arrive $0xFFFF  }
0xe6: {  	s30 =	simm.s32 $0x3;
	[sflag:s1] =	ssyncpa.u1 $0x1  }
0xe7: {  	s31 =	simm.s32 $0x1;
	[sflag:s30] =	ssyncpa.u1 $0x1  }
0xe8: {  	[sflag:s31] =	ssyncpa.u1 $0x1  }
0xe9: {  	_ =	strace $0x9000005F  }
0xea: {  	[bflag:$0x2] =	sbarrier.arrive $0xFFFF  }
0xeb: {  	p0 =	sne.s32 s0, $0x0;
	s0 =	rddreg [dreg:$0x1]  }
0xec: {  	s0 =	sadd.s32 @!p0 $0x100000, s0  }
0xed: {  	[sflag:s0] =	ssyncadd.tile.s32 @!p0 $0x1;
	_ =	shalt  }
.Lfunc_end2:
_tile_overlayer_lowered:
.L_overlay_start_2:
0xee: {  	(tag) =	ssettag $0x2  }
0xef: {  	s0 =	rddreg [dreg:$0x0];
	s2 =	stileid.u32  }
0xf0: {  	s1 =	rddreg [dreg:$0x1];
	p0 =	sne.s32 s2, $0x0  }
0xf1: {  	s3 =	rddreg [dreg:$0x2];
	[bflag:$0x3] =	sbarrier.arrive $0xFFFF;
	s2 =	simm.s32 @!p0 $0x1C01  }
0xf2: {  	[timem:s3], [sflag:s2] =	dma.local @!p0 [hbm:s0], s1  }
0xf3: {  	s0 =	simm.s32 @!p0 $0x1  }
0xf4: {  	_ =	swait.ge @!p0 [sflag:s0], s1  }
0xf5: {  	s1 =	ssub.s32 @!p0 $0x0, s1;
	[sflag:s0] =	ssyncset.done @!p0 $0x0  }
0xf6: {  	[sflag:s0] =	ssyncadd.s32 @!p0 s1  }
0xf7: {  	[bflag:$0x3] =	sbarrier.arrive $0xFFFF  }
0xf8: {  	_ =	shalt  }

// kernel: gather_offload_async_start.4
scs
__scs_entry_jumppad:
0x0: {  	(pc) =	sbr.rel $0x88, $3  }
0x1: {  	(tag) =	ssettag $0x0;
	lr =	simm.s32 $0x1  }
0x2: {  	[smem:$0x3F86] =	sst lr;
	_ =	strace $0xD0000000  }
0x3: {  	_ = 	snop  }
0x4: {  	_ = 	snop  }
0x5: {  	_ = 	snop  }
0x6: {  	_ = 	snop  }
0x7: {  	_ = 	snop  }
__scs_overlays_trampoline_lowered:
0x8: {  	[smem:$0x3F95] =	sst s0  }
0x9: {  	[smem:$0x3F96] =	sst s1  }
0xa: {  	[smem:$0x3F97] =	sst s2  }
0xb: {  	[smem:$0x3F98] =	sst s3  }
0xc: {  	[smem:$0x3F99] =	sst s4  }
0xd: {  	[smem:$0x3F9A] =	sst s5  }
0xe: {  	[smem:$0x3F9B] =	sst s6  }
0xf: {  	[smem:$0x3F9C] =	sst s7  }
0x10: {  	[smem:$0x3F9D] =	sst s8  }
0x11: {  	[smem:$0x3F9E] =	sst s9;
	s0 =	simm.s32 @!p0 $0x0  }
0x12: {  	s1 =	sld [smem:$0x3F84];
	s0 =	simm.s32 @p0 $0x1  }
0x13: {  	[smem:$0x3F9F] =	sst s0;
	s0 =	simm.s32 @!p1 $0x0  }
0x14: {  	s2 =	sld [smem:$0x3F83];
	s0 =	simm.s32 @p1 $0x1  }
0x15: {  	[smem:$0x3FA0] =	sst s0;
	s0 =	simm.s32 @!p2 $0x0  }
0x16: {  	s3 =	sld [smem:$0x3FDB];
	s0 =	simm.s32 @p2 $0x1  }
0x17: {  	s4 =	simm.s32 $0x1BF5;
	[smem:$0x3FA2] =	sst s0  }
0x18: {  	s0 =	sld [smem:$0x3F85];
	_ =	swait.ge [sflag:s4], $0x0  }
0x19: {  	s7 =	sld [smem:$0x3F86]  }
0x1a: {  	s8 =	sadd.s32 $0xFFFFE003, lr  }
0x1b: {  	s9 =	sadd.s32 $0xFFFFFEF7, lr;
	s5 =	simm.s32 $0xFFFFFFFF;
	p2 =	slt.u32 s8, $0xFFFFF086  }
0x1c: {  	p1 =	slt.u32 s9, $0xF7A;
	s5 =	simm.s32 @!p2 $0x0  }
0x1d: {  	s5 =	simm.s32 @p1 $0x1;
	p0 =	seq.s32 s7, s2  }
0x1e: {  	s7 =	smul.u32 @!p0 $0xF7A, s2;
	p2 =	seq.s32 @!p0 s5, $0x0  }
0x1f: {  	s9 =	smul.u32 $0xF7A, s1;
	s8 =	simm.s32 @!p0 $0x1BF5;
	p2 =	por !p2, p0  }
0x20: {  	[sflag:s8] =	ssyncset.s32 @!p0 $0xFFFFF086;
	s6 =	sadd.s32 @!p0 s3, s7;
	s7 =	simm.s32 @!p0 $0x108  }
0x21: {  	s3 =	sadd.s32 s3, s9;
	s6 =	sadd.s32 @!p0 $0x88, s6;
	s7 =	simm.s32 @p2 $0x1082  }
0x22: {  	[simem:s7], [sflag:s8] =	dma.local @!p0 [hbm:s6], $0xF7A  }
0x23: {  	s9 =	sor.u32 $0xD0000000, s2;
	s6 =	simm.s32 $0x108;
	_ =	swait.ge @!p0 [sflag:s8], $0x0  }
0x24: {  	s3 =	sadd.s32 $0x88, s3;
	s6 =	simm.s32 @!p1 $0x1082;
	[sflag:s4] =	ssyncset.s32 $0xFFFFF086  }
0x25: {  	[simem:s6], [sflag:s4] =	dma.local [hbm:s3], $0xF7A  }
0x26: {  	[smem:$0x3F86] =	sst s1;
	(tag) =	ssettag s2;
	_ =	strace s9  }
0x27: {  	s1 =	sld [smem:$0x3F96]  }
0x28: {  	s2 =	sld [smem:$0x3F97]  }
0x29: {  	s4 =	sld [smem:$0x3F99]  }
0x2a: {  	p0 =	seq.s32 s5, $0x0;
	s5 =	sld [smem:$0x3F9A]  }
0x2b: {  	s6 =	sld [smem:$0x3F9B]  }
0x2c: {  	s7 =	sld [smem:$0x3F9C]  }
0x2d: {  	s3 =	simm.s32 $0x108;
	s8 =	sld [smem:$0x3F9D]  }
0x2e: {  	s3 =	simm.s32 @!p0 $0x1082;
	s9 =	sld [smem:$0x3F9E]  }
0x2f: {  	lr =	sadd.s32 s0, s3;
	s0 =	sld [smem:$0x3F95]  }
0x30: {  	s3 =	sld [smem:$0x3F98]  }
0x31: {  	[smem:$0x3FA1] =	sst s10  }
0x32: {  	s10 =	sld [smem:$0x3F9F];
	_ =	sdelay $0x3  }
0x33: {  	p0 =	seq.s32 s10, $0x1;
	s10 =	sld [smem:$0x3FA1];
	_ =	sdelay $0x3  }
0x34: {  	[smem:$0x3FA1] =	sst s10  }
0x35: {  	s10 =	sld [smem:$0x3FA0];
	_ =	sdelay $0x3  }
0x36: {  	p1 =	seq.s32 s10, $0x1;
	s10 =	sld [smem:$0x3FA1];
	_ =	sdelay $0x3  }
0x37: {  	[smem:$0x3FA1] =	sst s10  }
0x38: {  	s10 =	sld [smem:$0x3FA2]  }
0x39: {  	_ = 	snop;
	(pc) =	sbr.ind lr, $3  }
0x3a: {  	_ = 	snop  }
0x3b: {  	_ = 	snop  }
0x3c: {  	p2 =	seq.s32 s10, $0x1;
	s10 =	sld [smem:$0x3FA1]  }
0x3d: {  	_ =	shalt  }
0x3e: {  	_ =	shalt  }
0x3f: {  	_ =	shalt  }
0x40: {  	_ =	shalt  }
0x41: {  	_ =	shalt  }
0x42: {  	_ =	shalt  }
0x43: {  	_ =	shalt  }
0x44: {  	_ =	shalt  }
0x45: {  	_ =	shalt  }
0x46: {  	_ =	shalt  }
0x47: {  	_ =	shalt  }
0x48: {  	_ =	shalt  }
0x49: {  	_ =	shalt  }
0x4a: {  	_ =	shalt  }
0x4b: {  	_ =	shalt  }
0x4c: {  	_ =	shalt  }
0x4d: {  	_ =	shalt  }
0x4e: {  	_ =	shalt  }
0x4f: {  	_ =	shalt  }
0x50: {  	_ =	shalt  }
0x51: {  	_ =	shalt  }
0x52: {  	_ =	shalt  }
0x53: {  	_ =	shalt  }
0x54: {  	_ =	shalt  }
0x55: {  	_ =	shalt  }
0x56: {  	_ =	shalt  }
0x57: {  	_ =	shalt  }
0x58: {  	_ =	shalt  }
0x59: {  	_ =	shalt  }
0x5a: {  	_ =	shalt  }
0x5b: {  	_ =	shalt  }
0x5c: {  	_ =	shalt  }
0x5d: {  	_ =	shalt  }
0x5e: {  	_ =	shalt  }
0x5f: {  	_ =	shalt  }
0x60: {  	_ =	shalt  }
0x61: {  	_ =	shalt  }
0x62: {  	_ =	shalt  }
0x63: {  	_ =	shalt  }
0x64: {  	_ =	shalt  }
0x65: {  	_ =	shalt  }
0x66: {  	_ =	shalt  }
0x67: {  	_ =	shalt  }
0x68: {  	_ =	shalt  }
0x69: {  	_ =	shalt  }
0x6a: {  	_ =	shalt  }
0x6b: {  	_ =	shalt  }
0x6c: {  	_ =	shalt  }
0x6d: {  	_ =	shalt  }
0x6e: {  	_ =	shalt  }
0x6f: {  	_ =	shalt  }
0x70: {  	_ =	shalt  }
0x71: {  	_ =	shalt  }
0x72: {  	_ =	shalt  }
0x73: {  	_ =	shalt  }
0x74: {  	_ =	shalt  }
0x75: {  	_ =	shalt  }
0x76: {  	_ =	shalt  }
0x77: {  	_ =	shalt  }
0x78: {  	_ =	shalt  }
0x79: {  	_ =	shalt  }
0x7a: {  	_ =	shalt  }
0x7b: {  	_ =	shalt  }
0x7c: {  	_ =	shalt  }
0x7d: {  	_ =	shalt  }
0x7e: {  	_ =	shalt  }
0x7f: {  	_ =	shalt  }
0x80: {  	_ =	shalt  }
0x81: {  	_ =	shalt  }
0x82: {  	_ =	shalt  }
0x83: {  	_ =	shalt  }
0x84: {  	_ =	shalt  }
0x85: {  	_ =	shalt  }
0x86: {  	_ =	shalt  }
0x87: {  	_ =	shalt  }
.Lfunc_end0:
.L_simem_size_0:
called_computation.12_lowered:
.L_overlay_start_0:
0x88: {  	s2 =	sld [smem:$0x3FD9]  }
0x89: {  	s3 =	sld [smem:$0x3FFE];
	_ =	sdelay $0x1  }
0x8a: {  	s1 =	srdreg.scid  }
0x8b: {  	s0 =	sand.u32 $0x1, s1  }
0x8c: {  	s16 =	sshll.u32 s0, $0xA;
	s2 =	sadd.s32 s3, s2  }
0x8d: {  	s2 =	sadd.s32 s2, s16  }
0x8e: {  	[smem:$0x3FAD] =	sst s2  }
0x8f: {  	_ = 	snop  }
0x90: {  	(tm) =	ssettm $0x1  }
0x91: {  	s17 =	sld [smem:$0x3FFB];
	_ =	sdelay $0x3  }
0x92: {  	_ =	strace s17  }
0x93: {  	s2 =	sld [smem:$0x3FFC];
	_ =	sdelay $0x3  }
0x94: {  	_ =	strace s2  }
0x95: {  	s2 =	sld [smem:$0x3FFD];
	_ =	sdelay $0x3  }
0x96: {  	_ =	strace s2  }
0x97: {  	_ =	strace $0x8FFFFFFF  }
0x98: {  	s18 =	sld [smem:$0x3FDB];
	_ =	sdelay $0x1  }
0x99: {  	s19 =	simm.s32 $_scs_section_size  }
0x9a: {  	s4 =	simm.s32 $_size__tile_overlayer_lowered;
	s5 =	simm.s32 $_tile_overlayer_lowered  }
0x9b: {  	s22 =	simm.s32 $0x1BFF;
	s21 =	sshll.u32 s5, $0x1;
	s2 =	sadd.s32 s19, s18  }
0x9c: {  	s6 =	simm.s32 $0x0;
	s20 =	sshll.u32 s4, $0x1;
	s4 =	sadd.s32 s21, s2  }
0x9d: {  	[timem:s6], [sflag:s22] =	dma.local [hbm:s4], s20  }
0x9e: {  	_ =	swait.ge [sflag:s22], s20  }
0x9f: {  	s3 =	ssub.s32 $0x0, s20;
	[sflag:s22] =	ssyncset.done $0x0  }
0xa0: {  	[sflag:s22] =	ssyncadd.s32 s3;
	_ =	sdelay $0x1  }
0xa1: {  	s23 =	simm.s32 $0x1B8B  }
0xa2: {  	_ =	swait.ge [sflag:s23], $0x1  }
0xa3: {  	[sflag:s23] =	ssyncset.done $0x0  }
0xa4: {  	s25 =	simm.s32 $0x1B8E;
	s24 =	sld [smem:$0x3FFE];
	[sflag:s23] =	ssyncadd.s32 $0xFFFFFFFF  }
0xa5: {  	s26 =	simm.s32 $execute0_lowered;
	[smem:$0x3FD2] =	sst s25  }
0xa6: {  	s4 =	sshll.u32 s26, $0x1;
	_ =	strace $0x8000005B;
	[dreg:$0x1] =	wrdreg $0xFFFFFFFF  }
0xa7: {  	s28 =	simm.s32 $_size_execute0_lowered;
	s2 =	sadd.s32 s2, s4;
	[dreg:$0x0] =	wrdreg $0x0  }
0xa8: {  	s4 =	sshll.u32 s28, $0x1;
	[dreg:$0x2] =	wrdreg s2  }
0xa9: {  	[dreg:$0x3] =	wrdreg s4  }
0xaa: {  	[dreg:$0x4] =	wrdreg $0xC0  }
0xab: {  	_ =	task [dreg:s6], $0x5FFFF  }
0xac: {  	[dreg:$0x1] =	wrdreg $0xFFFFFFFF  }
0xad: {  	[dreg:$0x0] =	wrdreg $0x60  }
0xae: {  	[dreg:$0x2] =	wrdreg s24  }
0xaf: {  	[dreg:$0x3] =	wrdreg $0xA  }
0xb0: {  	_ =	task.clear_ibuf [dreg:s6], $0x4FFFF;
	_ =	strace $0x9000005B  }
0xb1: {  	s29 =	simm.s32 $0xA;
	_ =	strace $0x8000005D  }
0xb2: {  	_ =	swait.ge [sflag:s29], $0x1  }
0xb3: {  	[sflag:s29] =	ssyncadd.s32 $0xFFFFFFFF  }
0xb4: {  	_ =	strace $0x9000005D  }
0xb5: {  	_ =	sfence  }
0xb6: {  	s30 =	sld [smem:$0x0];
	_ =	sdelay $0x2  }
0xb7: {  	s31 =	sshll.u32 s1, $0xD;
	s1 =	sshrl.u32 s1, $0x2  }
0xb8: {  	s3 =	sand.u32 $0x4000, s31;
	s1 =	sadd.s32 s1, s30  }
0xb9: {  	s0 =	sor.u32 s3, s0;
	s1 =	sshll.u32 s1, $0x11  }
0xba: {  	s0 =	sor.u32 s1, s0  }
0xbb: {  	s0 =	sadd.s32 $0x8F2B, s0  }
0xbc: {  	[sflag:s0] =	ssyncadd.remote.s32 $0x1  }
0xbd: {  	_ =	sfence.sel $0xFFFF  }
0xbe: {  	[dreg:$0x0] =	wrdreg $0xFFFFFFFF;
	(pc) =	sbr.abs _section_cstart, $3  }
0xbf: {  	[dreg:$0x1] =	wrdreg $0xFFFFFFFF  }
0xc0: {  	_ =	task.clear_ibuf [dreg:s6], $0x2FFFF;
	_ =	strace $0x9FFFFFFF  }
0xc1: {  	(tm) =	ssettm $0x7FFFFFFF  }
tec
execute0_lowered:
.L_overlay_start_1:
0x0: {  	(tag) =	ssettag $0x1  }
0x1: {  	s7 =	rddreg [dreg:$0x0]  }
0x2: {  	s1 =	srdreg.scid;
	s0 =	rddreg [dreg:$0x1]  }
0x3: {  	_ =	strace $0x8000005C;
	s3 =	simm.s32 $0x1;
	s5 =	simm.s32 $0x2  }
0x4: {  	s9 =	simm.s32 $0x3;
	s11 =	simm.s32 $0x0;
	s2 =	sshll.u32 s1, $0x4  }
.Ltmp0:
0x5: {  	s1 =	stileid.u32;
	s4 =	sand.u32 $0x10, s2;
	(pc) =	sbr.rel .LBB2_1-.Ltmp0, $4  }
0x6: {  	p0 =	por $0x0, $0x0;
	[sflag:s3] =	ssyncpa.u1 $0x0;
	s4 =	sor.u32 s1, s4  }
0x7: {  	s6 =	sadd.s32 $0x3C00, s7;
	[sflag:s5] =	ssyncpa.u1 $0x0;
	s4 =	smul.u32 $0x1388, s4  }
0x8: {  	s2 =	sadd.s32 $0x7D7000, s7;
	s7 =	sadd.s32 $0x936A00, s7;
	[sflag:s9] =	ssyncpa.u1 $0x0  }
0x9: {  	vm0 =	vmmov $0xff;
	vm1 =	vcmask $0x3F20;
	s9 =	simm.s32 $0x0;
	s8 =	sadd.s32 $0x1388, s4;
	s10 =	smov.u32 s4  }
.LBB2_11:
0xa: {  	p1 =	slt.u32 s9, $0x2;
	s11 =	sadd.s32 $0x28, s10  }
0xb: {  	s13 =	smov.u32 s4;
	s9 =	sadd.s32 $0x1, s9;
	p2 =	slt.s32 s11, s8  }
0xc: {  	s13 =	smov.u32 @p2 s11;
	p2 =	sne.s32 s9, $0x7F  }
.Ltmp1:
0xd: {  	_ = 	snop;
	(pc) =	sbr.rel @!p2 .LBB2_12-.Ltmp1, $4  }
0xe: {  	s12 =	simm.s32 @!p1 $0x3  }
0xf: {  	_ =	swait.ge @!p1 [sflag:s12], $0xB400  }
0x10: {  	p0 =	por !p0, !p0;
	[sflag:s12] =	ssyncset.done @!p1 $0x0  }
0x11: {  	s11 =	smov.u32 s10;
	s10 =	smov.u32 s13;
	[sflag:s12] =	ssyncadd.s32 @!p1 $0xFFFF4C00  }
.LBB2_1:
0x12: {  	p1 =	sgt.u32 s9, $0x7C  }
0x13: {  	s12 =	sxor.u32 @!p1 $0xFFFFFFFF, s9  }
0x14: {  	s12 =	sand.u32 @!p1 $0x1, s12  }
0x15: {  	s12 =	smul.u32 @!p1 $0xA0, s12  }
0x16: {  	s31 =	sadd.s32 $0xFFFFFFFF, s9;
	s13 =	sshrl.u32 @!p1 s10, $0x3  }
0x17: {  	s14 =	sand.u32 @!p1 $0x7, s10;
	s13 =	sadd.s32 @!p1 s6, s13;
	s12 =	sshrl.u32 @!p1 s12, $0x2  }
0x18: {  	[tilespmem:s12], [sflag:$0x2] =	stream.linear.gather @!p1 [hbm4b:s13+s14], $0x28, $0x38;
	[tilespmem:$0x16850] =	vst v63  }
0x19: {  	p1 =	sgt.u32 s31, $0x7C  }
.Ltmp2:
0x1a: {  	_ = 	snop;
	(pc) =	sbr.rel @p1 .LBB2_11-.Ltmp2, $1  }
0x1b: {  	_ =	sdelay $0x3  }
0x1c: {  	s12 =	simm.s32 $0x1;
	s13 =	sand.u32 $0x1, s9  }
0x1d: {  	s12 =	simm.s32 @!p0 $0x0;
	s14 =	smul.u32 $0xA0, s13  }
0x1e: {  	_ =	swait.ge [sflag:s5], $0x28;
	s12 =	smul.u32 $0x2D000, s12  }
0x1f: {  	s16 =	simm.s32 $0x0;
	p2 =	por $0x1, $0x1;
	[sflag:s5] =	ssyncset.done $0x0  }
0x20: {  	[sflag:s5] =	ssyncadd.s32 $0xFFFFFFD8;
	s14 =	sshrl.u32 s14, $0x2;
	s15 =	sshrl.u32 s12, $0x2  }
0x21: {  	s12 =	sor.u32 $0x50, s15;
	s13 =	sadd.s32 $0x9050, s15;
	s15 =	sadd.s32 $0x50, s15  }
.LBB2_3:
0x22: {  	s17 =	sshll.u32 s16, $0x4  }
0x23: {  	s17 =	sand.u32 $0x3FFFFFF0, s17  }
0x24: {  	s17 =	sadd.s32 s17, s14  }
0x25: {  	v0 =	vld.msk [tilespmem:s17+$0x0 ss:$0x1], $0xffff;
	_ =	sdelay $0x4  }
0x26: {  	vm2 =	vgt.s32 v0, $0x0  }
0x27: {  	v0 =	vnsel vm2, $0x0, v0  }
0x28: {  	v0 =	vmin.u32 v0, $0x270F  }
0x29: {  	v1 =	vshrl.u32 v0, $0x3  }
0x2a: {  	v0 =	vshll.u32 v0, $0x7;
	v1 =	vmul.u32 $0x2400, v1  }
0x2b: {  	v0 =	vand.u32 $0x380, v0  }
0x2c: {  	v0 =	vor.u32 v0, v1  }
0x2d: {  	s31 =	smul.u32 $0x12000, s16;
	v0 =	vshrl.u32 v0, $0x3;
	_ =	sdelay $0x1  }
0x2e: {  	s16 =	sshra.s32 s31, $0x2  }
0x2f: {  	s16 =	sadd.s32 s16, s15  }
0x30: {  	s18 =	sadd.s32 $0x0, s16  }
0x31: {  	[tilespmem:s18], [sflag:$0x1] =	stream.indirect_vreg.gather [hbm:s2], $0x80, v0, vm0, $0x38;
	[tilespmem:$0x16850] =	vst v63  }
0x32: {  	p1 =	por p2, p2;
	s17 =	simm.s32 $0x1000;
	v1 =	vadd.s32 $0x80, v0;
	s18 =	sadd.s32 $0x2400, s18  }
.LBB2_4:
0x33: {  	[tilespmem:s18], [sflag:$0x1] =	stream.indirect_vreg.gather [hbm:s2], $0x80, v0, vm1, $0x38;
	[tilespmem:$0x16850] =	vst v63  }
0x34: {  	v0 =	vmov v1;
	s18 =	smov.u32 s17;
	p2 =	sne.s32 s17, $0x8000  }
.Ltmp3:
0x35: {  	s17 =	sadd.s32 $0x1000, s17;
	(pc) =	sbr.rel @p2 .LBB2_4-.Ltmp3, $4  }
0x36: {  	s18 =	sshra.s32 s18, $0x2  }
0x37: {  	s18 =	sadd.s32 s18, s16  }
0x38: {  	[tilespmem:s18], [sflag:$0x1] =	stream.indirect_vreg.gather [hbm:s2], $0x80, v1, vm0, $0x38;
	[tilespmem:$0x16850] =	vst v63  }
0x39: {  	s18 =	sadd.s32 $0x2400, s18;
	v1 =	vadd.s32 $0x80, v1  }
0x3a: {  	_ = 	snop  }
.Ltmp4:
0x3b: {  	_ = 	snop;
	(pc) =	sbr.rel @p1 .LBB2_3-.Ltmp4, $3  }
0x3c: {  	_ =	sdelay $0x1  }
0x3d: {  	[tilespmem:s18], [sflag:$0x1] =	stream.indirect_vreg.gather [hbm:s2], $0x80, v0, vm1, $0x38;
	[tilespmem:$0x16850] =	vst v63  }
0x3e: {  	s16 =	simm.s32 $0x1;
	p2 =	por $0x0, $0x0  }
0x3f: {  	v0 =	vld.msk [tilespmem:s14+$0x20 ss:$0x1], $0xff;
	_ =	sdelay $0x4  }
0x40: {  	vm2 =	vgt.s32 v0, $0x0  }
0x41: {  	v0 =	vnsel vm2, $0x0, v0  }
0x42: {  	v0 =	vmin.u32 v0, $0x270F  }
0x43: {  	v1 =	vshrl.u32 v0, $0x3  }
0x44: {  	v0 =	vshll.u32 v0, $0x7;
	v1 =	vmul.u32 $0x2400, v1  }
0x45: {  	v0 =	vand.u32 $0x380, v0  }
0x46: {  	v0 =	vor.u32 v0, v1  }
0x47: {  	v0 =	vshrl.u32 v0, $0x3;
	_ =	sdelay $0x3  }
0x48: {  	s14 =	simm.s32 $0x1000;
	s15 =	sadd.s32 $0x0, s13  }
.LBB2_7:
0x49: {  	[tilespmem:s15], [sflag:$0x1] =	stream.indirect_vreg.gather [hbm:s2], $0x80, v0, vm0, $0x38;
	[tilespmem:$0x16850] =	vst v63  }
0x4a: {  	v0 =	vadd.s32 $0x80, v0;
	s15 =	smov.u32 s14;
	p1 =	sne.s32 s14, $0x8000  }
.Ltmp5:
0x4b: {  	s14 =	sadd.s32 $0x1000, s14;
	(pc) =	sbr.rel @p1 .LBB2_7-.Ltmp5, $3  }
0x4c: {  	_ =	sdelay $0x1  }
0x4d: {  	s15 =	sshra.s32 s15, $0x2  }
0x4e: {  	s15 =	sadd.s32 s15, s13  }
0x4f: {  	_ =	sdelay $0x3  }
0x50: {  	[tilespmem:s15], [sflag:$0x1] =	stream.indirect_vreg.gather [hbm:s2], $0x80, v0, vm0, $0x38;
	[tilespmem:$0x16850] =	vst v63  }
0x51: {  	s13 =	sshrl.u32 s11, $0x3  }
0x52: {  	s13 =	smul.u32 $0x480, s13  }
0x53: {  	s31 =	sshll.u32 s11, $0x4  }
0x54: {  	_ =	swait.ge [sflag:s3], $0xB400;
	s11 =	sand.u32 $0x70, s31;
	s13 =	sadd.s32 s13, s7  }
0x55: {  	s14 =	sadd.s32 $0x2400, s12;
	[sflag:s3] =	ssyncset.done $0x0;
	s11 =	sadd.s32 s11, s13  }
0x56: {  	[sflag:s3] =	ssyncadd.s32 $0xFFFF4C00;
	s13 =	simm.s32 $0x480;
	s15 =	sadd.s32 $0x0, s11  }
.LBB2_9:
0x57: {  	[hbm:s15] =	stream.linear.scatter [tilespmem:s12], [sflag:$0x3], $0x2400, $0x38;
	[tilespmem:$0x16850] =	vst v63  }
0x58: {  	s15 =	smov.u32 s13;
	s12 =	smov.u32 s14;
	p1 =	sne.s32 s13, $0x1200  }
.Ltmp6:
0x59: {  	s13 =	sadd.s32 $0x480, s13;
	(pc) =	sbr.rel @p1 .LBB2_9-.Ltmp6, $2  }
0x5a: {  	_ =	sdelay $0x2  }
0x5b: {  	s14 =	sadd.s32 $0x2400, s14;
	s15 =	sadd.s32 s15, s11  }
.Ltmp7:
0x5c: {  	(pc) =	sbr.rel .LBB2_11-.Ltmp7, $2  }
0x5d: {  	_ =	sdelay $0x2  }
0x5e: {  	[hbm:s15] =	stream.linear.scatter [tilespmem:s12], [sflag:$0x3], $0x2400, $0x38;
	[tilespmem:$0x16850] =	vst v63  }
.LBB2_12:
0x5f: {  	_ =	sfence.sel $0x180000  }
0x60: {  	s2 =	simm.s32 $0x2;
	[bflag:$0x0] =	sbarrier.arrive $0xFFFF  }
0x61: {  	s30 =	simm.s32 $0x3;
	[sflag:s2] =	ssyncpa.u1 $0x1  }
0x62: {  	s31 =	simm.s32 $0x1;
	[sflag:s30] =	ssyncpa.u1 $0x1  }
0x63: {  	[sflag:s31] =	ssyncpa.u1 $0x1  }
0x64: {  	p0 =	sne.s32 s1, $0x0;
	_ =	strace $0x9000005C  }
0x65: {  	s0 =	sadd.s32 @!p0 $0x100000, s0;
	[bflag:$0x2] =	sbarrier.arrive $0xFFFF  }
0x66: {  	[sflag:s0] =	ssyncadd.tile.s32 @!p0 $0x1;
	_ =	shalt  }
.Lfunc_end2:
_tile_overlayer_lowered:
.L_overlay_start_2:
0x67: {  	(tag) =	ssettag $0x2  }
0x68: {  	s0 =	rddreg [dreg:$0x0];
	s2 =	stileid.u32  }
0x69: {  	s1 =	rddreg [dreg:$0x1];
	p0 =	sne.s32 s2, $0x0  }
0x6a: {  	s3 =	rddreg [dreg:$0x2];
	[bflag:$0x3] =	sbarrier.arrive $0xFFFF;
	s2 =	simm.s32 @!p0 $0x1C01  }
0x6b: {  	[timem:s3], [sflag:s2] =	dma.local @!p0 [hbm:s0], s1  }
0x6c: {  	s0 =	simm.s32 @!p0 $0x1  }
0x6d: {  	_ =	swait.ge @!p0 [sflag:s0], s1  }
0x6e: {  	s1 =	ssub.s32 @!p0 $0x0, s1;
	[sflag:s0] =	ssyncset.done @!p0 $0x0  }
0x6f: {  	[sflag:s0] =	ssyncadd.s32 @!p0 s1  }
0x70: {  	[bflag:$0x3] =	sbarrier.arrive $0xFFFF  }
0x71: {  	_ =	shalt  }

// kernel: gather_offload_async_start
scs
__scs_entry_jumppad:
0x0: {  	(pc) =	sbr.rel $0x88, $3  }
0x1: {  	(tag) =	ssettag $0x0;
	lr =	simm.s32 $0x1  }
0x2: {  	[smem:$0x3F86] =	sst lr;
	_ =	strace $0xD0000000  }
0x3: {  	_ = 	snop  }
0x4: {  	_ = 	snop  }
0x5: {  	_ = 	snop  }
0x6: {  	_ = 	snop  }
0x7: {  	_ = 	snop  }
__scs_overlays_trampoline_lowered:
0x8: {  	[smem:$0x3F95] =	sst s0  }
0x9: {  	[smem:$0x3F96] =	sst s1  }
0xa: {  	[smem:$0x3F97] =	sst s2  }
0xb: {  	[smem:$0x3F98] =	sst s3  }
0xc: {  	[smem:$0x3F99] =	sst s4  }
0xd: {  	[smem:$0x3F9A] =	sst s5  }
0xe: {  	[smem:$0x3F9B] =	sst s6  }
0xf: {  	[smem:$0x3F9C] =	sst s7  }
0x10: {  	[smem:$0x3F9D] =	sst s8  }
0x11: {  	[smem:$0x3F9E] =	sst s9;
	s0 =	simm.s32 @!p0 $0x0  }
0x12: {  	s1 =	sld [smem:$0x3F84];
	s0 =	simm.s32 @p0 $0x1  }
0x13: {  	[smem:$0x3F9F] =	sst s0;
	s0 =	simm.s32 @!p1 $0x0  }
0x14: {  	s2 =	sld [smem:$0x3F83];
	s0 =	simm.s32 @p1 $0x1  }
0x15: {  	[smem:$0x3FA0] =	sst s0;
	s0 =	simm.s32 @!p2 $0x0  }
0x16: {  	s3 =	sld [smem:$0x3FDB];
	s0 =	simm.s32 @p2 $0x1  }
0x17: {  	s4 =	simm.s32 $0x1BF5;
	[smem:$0x3FA2] =	sst s0  }
0x18: {  	s0 =	sld [smem:$0x3F85];
	_ =	swait.ge [sflag:s4], $0x0  }
0x19: {  	s7 =	sld [smem:$0x3F86]  }
0x1a: {  	s8 =	sadd.s32 $0xFFFFE003, lr  }
0x1b: {  	s9 =	sadd.s32 $0xFFFFFEF7, lr;
	s5 =	simm.s32 $0xFFFFFFFF;
	p2 =	slt.u32 s8, $0xFFFFF086  }
0x1c: {  	p1 =	slt.u32 s9, $0xF7A;
	s5 =	simm.s32 @!p2 $0x0  }
0x1d: {  	s5 =	simm.s32 @p1 $0x1;
	p0 =	seq.s32 s7, s2  }
0x1e: {  	s7 =	smul.u32 @!p0 $0xF7A, s2;
	p2 =	seq.s32 @!p0 s5, $0x0  }
0x1f: {  	s9 =	smul.u32 $0xF7A, s1;
	s8 =	simm.s32 @!p0 $0x1BF5;
	p2 =	por !p2, p0  }
0x20: {  	[sflag:s8] =	ssyncset.s32 @!p0 $0xFFFFF086;
	s6 =	sadd.s32 @!p0 s3, s7;
	s7 =	simm.s32 @!p0 $0x108  }
0x21: {  	s3 =	sadd.s32 s3, s9;
	s6 =	sadd.s32 @!p0 $0x88, s6;
	s7 =	simm.s32 @p2 $0x1082  }
0x22: {  	[simem:s7], [sflag:s8] =	dma.local @!p0 [hbm:s6], $0xF7A  }
0x23: {  	s9 =	sor.u32 $0xD0000000, s2;
	s6 =	simm.s32 $0x108;
	_ =	swait.ge @!p0 [sflag:s8], $0x0  }
0x24: {  	s3 =	sadd.s32 $0x88, s3;
	s6 =	simm.s32 @!p1 $0x1082;
	[sflag:s4] =	ssyncset.s32 $0xFFFFF086  }
0x25: {  	[simem:s6], [sflag:s4] =	dma.local [hbm:s3], $0xF7A  }
0x26: {  	[smem:$0x3F86] =	sst s1;
	(tag) =	ssettag s2;
	_ =	strace s9  }
0x27: {  	s1 =	sld [smem:$0x3F96]  }
0x28: {  	s2 =	sld [smem:$0x3F97]  }
0x29: {  	s4 =	sld [smem:$0x3F99]  }
0x2a: {  	p0 =	seq.s32 s5, $0x0;
	s5 =	sld [smem:$0x3F9A]  }
0x2b: {  	s6 =	sld [smem:$0x3F9B]  }
0x2c: {  	s7 =	sld [smem:$0x3F9C]  }
0x2d: {  	s3 =	simm.s32 $0x108;
	s8 =	sld [smem:$0x3F9D]  }
0x2e: {  	s3 =	simm.s32 @!p0 $0x1082;
	s9 =	sld [smem:$0x3F9E]  }
0x2f: {  	lr =	sadd.s32 s0, s3;
	s0 =	sld [smem:$0x3F95]  }
0x30: {  	s3 =	sld [smem:$0x3F98]  }
0x31: {  	[smem:$0x3FA1] =	sst s10  }
0x32: {  	s10 =	sld [smem:$0x3F9F];
	_ =	sdelay $0x3  }
0x33: {  	p0 =	seq.s32 s10, $0x1;
	s10 =	sld [smem:$0x3FA1];
	_ =	sdelay $0x3  }
0x34: {  	[smem:$0x3FA1] =	sst s10  }
0x35: {  	s10 =	sld [smem:$0x3FA0];
	_ =	sdelay $0x3  }
0x36: {  	p1 =	seq.s32 s10, $0x1;
	s10 =	sld [smem:$0x3FA1];
	_ =	sdelay $0x3  }
0x37: {  	[smem:$0x3FA1] =	sst s10  }
0x38: {  	s10 =	sld [smem:$0x3FA2]  }
0x39: {  	_ = 	snop;
	(pc) =	sbr.ind lr, $3  }
0x3a: {  	_ = 	snop  }
0x3b: {  	_ = 	snop  }
0x3c: {  	p2 =	seq.s32 s10, $0x1;
	s10 =	sld [smem:$0x3FA1]  }
0x3d: {  	_ =	shalt  }
0x3e: {  	_ =	shalt  }
0x3f: {  	_ =	shalt  }
0x40: {  	_ =	shalt  }
0x41: {  	_ =	shalt  }
0x42: {  	_ =	shalt  }
0x43: {  	_ =	shalt  }
0x44: {  	_ =	shalt  }
0x45: {  	_ =	shalt  }
0x46: {  	_ =	shalt  }
0x47: {  	_ =	shalt  }
0x48: {  	_ =	shalt  }
0x49: {  	_ =	shalt  }
0x4a: {  	_ =	shalt  }
0x4b: {  	_ =	shalt  }
0x4c: {  	_ =	shalt  }
0x4d: {  	_ =	shalt  }
0x4e: {  	_ =	shalt  }
0x4f: {  	_ =	shalt  }
0x50: {  	_ =	shalt  }
0x51: {  	_ =	shalt  }
0x52: {  	_ =	shalt  }
0x53: {  	_ =	shalt  }
0x54: {  	_ =	shalt  }
0x55: {  	_ =	shalt  }
0x56: {  	_ =	shalt  }
0x57: {  	_ =	shalt  }
0x58: {  	_ =	shalt  }
0x59: {  	_ =	shalt  }
0x5a: {  	_ =	shalt  }
0x5b: {  	_ =	shalt  }
0x5c: {  	_ =	shalt  }
0x5d: {  	_ =	shalt  }
0x5e: {  	_ =	shalt  }
0x5f: {  	_ =	shalt  }
0x60: {  	_ =	shalt  }
0x61: {  	_ =	shalt  }
0x62: {  	_ =	shalt  }
0x63: {  	_ =	shalt  }
0x64: {  	_ =	shalt  }
0x65: {  	_ =	shalt  }
0x66: {  	_ =	shalt  }
0x67: {  	_ =	shalt  }
0x68: {  	_ =	shalt  }
0x69: {  	_ =	shalt  }
0x6a: {  	_ =	shalt  }
0x6b: {  	_ =	shalt  }
0x6c: {  	_ =	shalt  }
0x6d: {  	_ =	shalt  }
0x6e: {  	_ =	shalt  }
0x6f: {  	_ =	shalt  }
0x70: {  	_ =	shalt  }
0x71: {  	_ =	shalt  }
0x72: {  	_ =	shalt  }
0x73: {  	_ =	shalt  }
0x74: {  	_ =	shalt  }
0x75: {  	_ =	shalt  }
0x76: {  	_ =	shalt  }
0x77: {  	_ =	shalt  }
0x78: {  	_ =	shalt  }
0x79: {  	_ =	shalt  }
0x7a: {  	_ =	shalt  }
0x7b: {  	_ =	shalt  }
0x7c: {  	_ =	shalt  }
0x7d: {  	_ =	shalt  }
0x7e: {  	_ =	shalt  }
0x7f: {  	_ =	shalt  }
0x80: {  	_ =	shalt  }
0x81: {  	_ =	shalt  }
0x82: {  	_ =	shalt  }
0x83: {  	_ =	shalt  }
0x84: {  	_ =	shalt  }
0x85: {  	_ =	shalt  }
0x86: {  	_ =	shalt  }
0x87: {  	_ =	shalt  }
.Lfunc_end0:
.L_simem_size_0:
called_computation.8_lowered:
.L_overlay_start_0:
0x88: {  	s2 =	sld [smem:$0x3FD9]  }
0x89: {  	s3 =	sld [smem:$0x3FFE];
	_ =	sdelay $0x1  }
0x8a: {  	s1 =	srdreg.scid  }
0x8b: {  	s0 =	sand.u32 $0x1, s1  }
0x8c: {  	s17 =	sshll.u32 s0, $0xA;
	s2 =	sadd.s32 s3, s2  }
0x8d: {  	s2 =	sadd.s32 s2, s17  }
0x8e: {  	[smem:$0x3FAD] =	sst s2  }
0x8f: {  	_ = 	snop  }
0x90: {  	s2 =	sld [smem:$0x3FD0];
	(tm) =	ssettm $0x1  }
0x91: {  	s18 =	sld [smem:$0x3FFB];
	_ =	sdelay $0x3  }
0x92: {  	_ =	strace s18  }
0x93: {  	s3 =	sld [smem:$0x3FFC];
	_ =	sdelay $0x3  }
0x94: {  	_ =	strace s3  }
0x95: {  	s3 =	sld [smem:$0x3FFD];
	_ =	sdelay $0x3  }
0x96: {  	_ =	strace s3  }
0x97: {  	_ =	strace $0x8FFFFFFF  }
0x98: {  	s19 =	sld [smem:$0x3FDB];
	_ =	sdelay $0x1  }
0x99: {  	s4 =	simm.s32 $_scs_section_size  }
0x9a: {  	s5 =	simm.s32 $_size__tile_overlayer_lowered;
	s6 =	simm.s32 $_tile_overlayer_lowered  }
0x9b: {  	s22 =	simm.s32 $0x1BFF;
	s21 =	sshll.u32 s6, $0x1;
	s3 =	sadd.s32 s4, s19  }
0x9c: {  	s7 =	simm.s32 $0x0;
	s20 =	sshll.u32 s5, $0x1;
	s5 =	sadd.s32 s21, s3  }
0x9d: {  	[timem:s7], [sflag:s22] =	dma.local [hbm:s5], s20  }
0x9e: {  	_ =	swait.ge [sflag:s22], s20  }
0x9f: {  	s4 =	ssub.s32 $0x0, s20;
	[sflag:s22] =	ssyncset.done $0x0  }
0xa0: {  	[sflag:s22] =	ssyncadd.s32 s4;
	_ =	sdelay $0x1  }
0xa1: {  	s23 =	simm.s32 $0x1B8B  }
0xa2: {  	_ =	swait.ge [sflag:s23], $0x1  }
0xa3: {  	[sflag:s23] =	ssyncset.done $0x0  }
0xa4: {  	s25 =	simm.s32 $0x1B8E;
	s24 =	sld [smem:$0x3FFE];
	[sflag:s23] =	ssyncadd.s32 $0xFFFFFFFF  }
0xa5: {  	s26 =	simm.s32 $execute0_lowered;
	[smem:$0x3FD2] =	sst s25  }
0xa6: {  	s5 =	sshll.u32 s26, $0x1;
	_ =	strace $0x80000046;
	[dreg:$0x1] =	wrdreg $0xFFFFFFFF  }
0xa7: {  	s28 =	simm.s32 $_size_execute0_lowered;
	s3 =	sadd.s32 s3, s5;
	[dreg:$0x0] =	wrdreg $0x0  }
0xa8: {  	s5 =	sshll.u32 s28, $0x1;
	[dreg:$0x2] =	wrdreg s3  }
0xa9: {  	[dreg:$0x3] =	wrdreg s5  }
0xaa: {  	[dreg:$0x4] =	wrdreg $0xC0  }
0xab: {  	_ =	task [dreg:s7], $0x5FFFF  }
0xac: {  	[dreg:$0x1] =	wrdreg $0xFFFFFFFF  }
0xad: {  	[dreg:$0x0] =	wrdreg $0x60  }
0xae: {  	[dreg:$0x2] =	wrdreg s2  }
0xaf: {  	[dreg:$0x3] =	wrdreg s24  }
0xb0: {  	[dreg:$0x4] =	wrdreg $0x9  }
0xb1: {  	_ =	task.clear_ibuf [dreg:s7], $0x5FFFF;
	_ =	strace $0x90000046  }
0xb2: {  	s29 =	simm.s32 $0x9;
	_ =	strace $0x80000048  }
0xb3: {  	_ =	swait.ge [sflag:s29], $0x1  }
0xb4: {  	[sflag:s29] =	ssyncadd.s32 $0xFFFFFFFF  }
0xb5: {  	_ =	strace $0x90000048  }
0xb6: {  	_ =	sfence  }
0xb7: {  	s30 =	sld [smem:$0x0];
	_ =	sdelay $0x2  }
0xb8: {  	s31 =	sshll.u32 s1, $0xD;
	s1 =	sshrl.u32 s1, $0x2  }
0xb9: {  	s3 =	sand.u32 $0x4000, s31;
	s1 =	sadd.s32 s1, s30  }
0xba: {  	s0 =	sor.u32 s3, s0;
	s1 =	sshll.u32 s1, $0x11  }
0xbb: {  	s0 =	sor.u32 s1, s0  }
0xbc: {  	s0 =	sadd.s32 $0x8F2B, s0  }
0xbd: {  	[sflag:s0] =	ssyncadd.remote.s32 $0x1  }
0xbe: {  	_ =	sfence.sel $0xFFFF  }
0xbf: {  	[dreg:$0x0] =	wrdreg $0xFFFFFFFF;
	(pc) =	sbr.abs _section_cstart, $3  }
0xc0: {  	[dreg:$0x1] =	wrdreg $0xFFFFFFFF  }
0xc1: {  	_ =	task.clear_ibuf [dreg:s7], $0x2FFFF;
	_ =	strace $0x9FFFFFFF  }
0xc2: {  	(tm) =	ssettm $0x7FFFFFFF  }
0xc3: {  	_ =	shalt  }
tec
execute0_lowered:
.L_overlay_start_1:
0x0: {  	(tag) =	ssettag $0x1  }
0x1: {  	s2 =	rddreg [dreg:$0x0]  }
0x2: {  	s8 =	rddreg [dreg:$0x1]  }
0x3: {  	s0 =	rddreg [dreg:$0x2];
	s1 =	stileid.u32  }
0x4: {  	s3 =	srdreg.scid;
	_ =	strace $0x80000047;
	s4 =	simm.s32 $0x1  }
0x5: {  	s7 =	simm.s32 $0x1;
	s9 =	simm.s32 $0x1;
	s10 =	simm.s32 $0x3  }
0x6: {  	s13 =	simm.s32 $0x0;
	s5 =	sand.u32 $0x1, s3;
	s6 =	sshll.u32 s1, $0x1  }
0x7: {  	s12 =	simm.s32 $0x0;
	s3 =	sadd.s32 $0x8C00, s8;
	s5 =	sor.u32 s6, s5  }
.Ltmp0:
0x8: {  	[sflag:s4] =	ssyncpa.u1 $0x0;
	p0 =	slt.u32 s5, $0x9;
	(pc) =	sbr.rel .LBB2_1-.Ltmp0, $4  }
0x9: {  	s6 =	simm.s32 $0x2;
	s7 =	simm.s32 @!p0 $0x0;
	p0 =	sne.s32 s5, $0x8  }
0xa: {  	[sflag:s6] =	ssyncpa.u1 $0x0;
	s5 =	smul.u32 $0xFA0, s5;
	s9 =	simm.s32 @!p0 $0x0  }
0xb: {  	s8 =	sadd.s32 $0x5C000, s8;
	[sflag:s10] =	ssyncpa.u1 $0x0;
	s7 =	sadd.s32 s9, s7  }
0xc: {  	vm0 =	vmmov $0xffff;
	s10 =	simm.s32 $0x0;
	s11 =	smov.u32 s5;
	s9 =	sadd.s32 $0x1, s7  }
.LBB2_4:
0xd: {  	v2 =	vnsel vm1, $0x0, v2  }
0xe: {  	vm1 =	vgt.s32 v0, $0x0;
	v2 =	vmin.u32 v2, $0x270FF  }
0xf: {  	v0 =	vnsel vm1, $0x0, v0  }
0x10: {  	v0 =	vmin.u32 v0, $0x270FF  }
0x11: {  	[tilespmem:s18], [sflag:$0x1] =	stream.indirect_vreg.gather [hbm4b:s2+s10], $0x1, v1, vm0, $0x4038;
	[tilespmem:$0x3E80] =	vst v63  }
0x12: {  	(ifvalue) =	ssetifvalue $0x7FFFFFFF  }
0x13: {  	[tilespmem:s15], [sflag:$0x1] =	stream.indirect_vreg.gather [hbm4b:s2+s10], $0x1, v2, vm0, $0x4038;
	[tilespmem:$0x3E80] =	vst v63  }
0x14: {  	s29 =	sadd.s32 $0x10, s15;
	(ifvalue) =	ssetifvalue $0x7FFFFFFF  }
0x15: {  	[tilespmem:s29], [sflag:$0x1] =	stream.indirect_vreg.gather [hbm4b:s2+s10], $0x1, v0, vm0, $0x4038;
	[tilespmem:$0x3E80] =	vst v63  }
0x16: {  	_ =	swait.ge [sflag:s4], $0xFA0  }
0x17: {  	s30 =	sshrl.u32 s13, $0x3;
	[sflag:s4] =	ssyncset.done $0x0  }
0x18: {  	s31 =	sand.u32 $0x7, s13;
	s15 =	sadd.s32 s8, s30;
	[sflag:s4] =	ssyncadd.s32 $0xFFFFF060  }
0x19: {  	[hbm4b:s15+s31] =	stream.linear.scatter [tilespmem:s14], [sflag:$0x3], $0xFA0, $0x38;
	[tilespmem:$0x3E80] =	vst v63  }
.LBB2_5:
0x1a: {  	s15 =	sadd.s32 $0x1F400, s11  }
0x1b: {  	p1 =	sgt.s32 s15, $0x270FF  }
0x1c: {  	s15 =	smov.u32 @p1 s5;
	p1 =	sne.s32 s12, s9  }
.Ltmp1:
0x1d: {  	p0 =	slt.u32 s12, $0x2;
	(pc) =	sbr.rel @!p1 .LBB2_6-.Ltmp1, $4  }
0x1e: {  	s14 =	simm.s32 @!p0 $0x3  }
0x1f: {  	_ =	swait.ge @!p0 [sflag:s14], $0xFA0  }
0x20: {  	s16 =	sadd.s32 $0x1, s12;
	s13 =	smov.u32 s11;
	[sflag:s14] =	ssyncset.done @!p0 $0x0  }
0x21: {  	s12 =	smov.u32 s16;
	s11 =	smov.u32 s15;
	[sflag:s14] =	ssyncadd.s32 @!p0 $0xFFFFF060  }
.LBB2_1:
0x22: {  	p0 =	sge.u32 s12, s7  }
0x23: {  	s14 =	sxor.u32 @!p0 $0x1, s12  }
0x24: {  	s14 =	smul.u32 @!p0 $0x3E80, s14  }
0x25: {  	s31 =	sadd.s32 $0xFFFFFFFF, s12;
	s15 =	sshrl.u32 @!p0 s11, $0x3  }
0x26: {  	s16 =	sand.u32 @!p0 $0x7, s11;
	s15 =	sadd.s32 @!p0 s3, s15;
	s14 =	sshra.s32 @!p0 s14, $0x2  }
0x27: {  	[tilespmem:s14], [sflag:$0x2] =	stream.linear.gather @!p0 [hbm4b:s15+s16], $0xFA0, $0x38;
	[tilespmem:$0x3E80] =	vst v63  }
0x28: {  	p0 =	sge.u32 s31, s7  }
.Ltmp2:
0x29: {  	_ = 	snop;
	(pc) =	sbr.rel @p0 .LBB2_5-.Ltmp2, $1  }
0x2a: {  	_ =	sdelay $0x3  }
0x2b: {  	s14 =	sand.u32 $0x1, s12  }
0x2c: {  	_ =	swait.ge [sflag:s6], $0xFA0;
	p0 =	seq.s32 s14, $0x1;
	s14 =	simm.s32 $0xFA0  }
0x2d: {  	[sflag:s6] =	ssyncset.done $0x0;
	s14 =	simm.s32 @!p0 $0x0  }
0x2e: {  	[sflag:s6] =	ssyncadd.s32 $0xFFFFF060;
	(ifvalue) =	ssetifvalue $0x7FFFFFFF;
	v0 =	vld.msk [tilespmem:s14+$0x0 ss:$0x1], $0xffff;
	_ =	sdelay $0x4  }
0x2f: {  	s15 =	sadd.s32 $0x10, s14;
	vm1 =	vgt.s32 v0, $0x0  }
0x30: {  	v2 =	vld.msk [tilespmem:s15+$0x0 ss:$0x1], $0xffff;
	v1 =	vnsel vm1, $0x0, v0  }
0x31: {  	v1 =	vmin.u32 v1, $0x270FF;
	_ =	sdelay $0x2  }
0x32: {  	s17 =	simm.s32 $0x20;
	s14 =	sadd.s32 $0x1F40, s14;
	s16 =	sadd.s32 $0x10, s15  }
0x33: {  	s15 =	sadd.s32 $0x10, s14;
	s18 =	smov.u32 s14;
	v0 =	vld.msk [tilespmem:s16+$0x0 ss:$0x1], $0xffff;
	vm1 =	vgt.s32 v2, $0x0;
	(ifvalue) =	ssetifvalue $0x7FFFFFFF  }
.LBB2_3:
0x34: {  	[tilespmem:s18], [sflag:$0x1] =	stream.indirect_vreg.gather [hbm4b:s2+s10], $0x1, v1, vm0, $0x4038;
	[tilespmem:$0x3E80] =	vst v63  }
0x35: {  	s17 =	sadd.s32 $0x10, s17  }
0x36: {  	v2 =	vnsel vm1, $0x0, v2;
	p0 =	slt.u32 s17, $0xF90  }
.Ltmp3:
0x37: {  	s18 =	smov.u32 s15;
	v1 =	vmin.u32 v2, $0x270FF;
	(pc) =	sbr.rel @p0 .LBB2_3-.Ltmp3, $3  }
0x38: {  	_ =	sdelay $0x1  }
0x39: {  	s16 =	sadd.s32 $0x10, s16  }
0x3a: {  	vm1 =	vgt.s32 v0, $0x0;
	s15 =	sadd.s32 $0x10, s15;
	v2 =	vmov v0;
	(ifvalue) =	ssetifvalue $0x7FFFFFFF;
	v0 =	vld.msk [tilespmem:s16+$0x0 ss:$0x1], $0xffff  }
.Ltmp4:
0x3b: {  	_ = 	snop;
	(pc) =	sbr.rel .LBB2_4-.Ltmp4, $1  }
0x3c: {  	_ =	sdelay $0x3  }
.LBB2_6:
0x3d: {  	_ =	sfence.sel $0x180000  }
0x3e: {  	s2 =	simm.s32 $0x2;
	[bflag:$0x0] =	sbarrier.arrive $0xFFFF  }
0x3f: {  	s30 =	simm.s32 $0x3;
	[sflag:s2] =	ssyncpa.u1 $0x1  }
0x40: {  	s31 =	simm.s32 $0x1;
	[sflag:s30] =	ssyncpa.u1 $0x1  }
0x41: {  	[sflag:s31] =	ssyncpa.u1 $0x1  }
0x42: {  	p0 =	sne.s32 s1, $0x0;
	_ =	strace $0x90000047  }
0x43: {  	s0 =	sadd.s32 @!p0 $0x100000, s0;
	[bflag:$0x2] =	sbarrier.arrive $0xFFFF  }
0x44: {  	[sflag:s0] =	ssyncadd.tile.s32 @!p0 $0x1;
	_ =	shalt  }
.Lfunc_end2:
_tile_overlayer_lowered:
.L_overlay_start_2:
0x45: {  	(tag) =	ssettag $0x2  }
0x46: {  	s0 =	rddreg [dreg:$0x0];
	s2 =	stileid.u32  }
0x47: {  	s1 =	rddreg [dreg:$0x1];
	p0 =	sne.s32 s2, $0x0  }
0x48: {  	s3 =	rddreg [dreg:$0x2];
	[bflag:$0x3] =	sbarrier.arrive $0xFFFF;
	s2 =	simm.s32 @!p0 $0x1C01  }
0x49: {  	[timem:s3], [sflag:s2] =	dma.local @!p0 [hbm:s0], s1  }
0x4a: {  	s0 =	simm.s32 @!p0 $0x1  }
0x4b: {  	_ =	swait.ge @!p0 [sflag:s0], s1  }
0x4c: {  	s1 =	ssub.s32 @!p0 $0x0, s1;
	[sflag:s0] =	ssyncset.done @!p0 $0x0  }
0x4d: {  	[sflag:s0] =	ssyncadd.s32 @!p0 s1  }
0x4e: {  	[bflag:$0x3] =	sbarrier.arrive $0xFFFF  }
0x4f: {  	_ =	shalt  }

// kernel: scatter_offload_async_start.1
scs
__scs_entry_jumppad:
0x0: {  	(pc) =	sbr.rel $0x88, $3  }
0x1: {  	(tag) =	ssettag $0x0;
	lr =	simm.s32 $0x1  }
0x2: {  	[smem:$0x3F86] =	sst lr;
	_ =	strace $0xD0000000  }
0x3: {  	_ = 	snop  }
0x4: {  	_ = 	snop  }
0x5: {  	_ = 	snop  }
0x6: {  	_ = 	snop  }
0x7: {  	_ = 	snop  }
__scs_overlays_trampoline_lowered:
0x8: {  	[smem:$0x3F95] =	sst s0  }
0x9: {  	[smem:$0x3F96] =	sst s1  }
0xa: {  	[smem:$0x3F97] =	sst s2  }
0xb: {  	[smem:$0x3F98] =	sst s3  }
0xc: {  	[smem:$0x3F99] =	sst s4  }
0xd: {  	[smem:$0x3F9A] =	sst s5  }
0xe: {  	[smem:$0x3F9B] =	sst s6  }
0xf: {  	[smem:$0x3F9C] =	sst s7  }
0x10: {  	[smem:$0x3F9D] =	sst s8  }
0x11: {  	[smem:$0x3F9E] =	sst s9;
	s0 =	simm.s32 @!p0 $0x0  }
0x12: {  	s1 =	sld [smem:$0x3F84];
	s0 =	simm.s32 @p0 $0x1  }
0x13: {  	[smem:$0x3F9F] =	sst s0;
	s0 =	simm.s32 @!p1 $0x0  }
0x14: {  	s2 =	sld [smem:$0x3F83];
	s0 =	simm.s32 @p1 $0x1  }
0x15: {  	[smem:$0x3FA0] =	sst s0;
	s0 =	simm.s32 @!p2 $0x0  }
0x16: {  	s3 =	sld [smem:$0x3FDB];
	s0 =	simm.s32 @p2 $0x1  }
0x17: {  	s4 =	simm.s32 $0x1BF5;
	[smem:$0x3FA2] =	sst s0  }
0x18: {  	s0 =	sld [smem:$0x3F85];
	_ =	swait.ge [sflag:s4], $0x0  }
0x19: {  	s7 =	sld [smem:$0x3F86]  }
0x1a: {  	s8 =	sadd.s32 $0xFFFFE003, lr  }
0x1b: {  	s9 =	sadd.s32 $0xFFFFFEF7, lr;
	s5 =	simm.s32 $0xFFFFFFFF;
	p2 =	slt.u32 s8, $0xFFFFF086  }
0x1c: {  	p1 =	slt.u32 s9, $0xF7A;
	s5 =	simm.s32 @!p2 $0x0  }
0x1d: {  	s5 =	simm.s32 @p1 $0x1;
	p0 =	seq.s32 s7, s2  }
0x1e: {  	s7 =	smul.u32 @!p0 $0xF7A, s2;
	p2 =	seq.s32 @!p0 s5, $0x0  }
0x1f: {  	s9 =	smul.u32 $0xF7A, s1;
	s8 =	simm.s32 @!p0 $0x1BF5;
	p2 =	por !p2, p0  }
0x20: {  	[sflag:s8] =	ssyncset.s32 @!p0 $0xFFFFF086;
	s6 =	sadd.s32 @!p0 s3, s7;
	s7 =	simm.s32 @!p0 $0x108  }
0x21: {  	s3 =	sadd.s32 s3, s9;
	s6 =	sadd.s32 @!p0 $0x88, s6;
	s7 =	simm.s32 @p2 $0x1082  }
0x22: {  	[simem:s7], [sflag:s8] =	dma.local @!p0 [hbm:s6], $0xF7A  }
0x23: {  	s9 =	sor.u32 $0xD0000000, s2;
	s6 =	simm.s32 $0x108;
	_ =	swait.ge @!p0 [sflag:s8], $0x0  }
0x24: {  	s3 =	sadd.s32 $0x88, s3;
	s6 =	simm.s32 @!p1 $0x1082;
	[sflag:s4] =	ssyncset.s32 $0xFFFFF086  }
0x25: {  	[simem:s6], [sflag:s4] =	dma.local [hbm:s3], $0xF7A  }
0x26: {  	[smem:$0x3F86] =	sst s1;
	(tag) =	ssettag s2;
	_ =	strace s9  }
0x27: {  	s1 =	sld [smem:$0x3F96]  }
0x28: {  	s2 =	sld [smem:$0x3F97]  }
0x29: {  	s4 =	sld [smem:$0x3F99]  }
0x2a: {  	p0 =	seq.s32 s5, $0x0;
	s5 =	sld [smem:$0x3F9A]  }
0x2b: {  	s6 =	sld [smem:$0x3F9B]  }
0x2c: {  	s7 =	sld [smem:$0x3F9C]  }
0x2d: {  	s3 =	simm.s32 $0x108;
	s8 =	sld [smem:$0x3F9D]  }
0x2e: {  	s3 =	simm.s32 @!p0 $0x1082;
	s9 =	sld [smem:$0x3F9E]  }
0x2f: {  	lr =	sadd.s32 s0, s3;
	s0 =	sld [smem:$0x3F95]  }
0x30: {  	s3 =	sld [smem:$0x3F98]  }
0x31: {  	[smem:$0x3FA1] =	sst s10  }
0x32: {  	s10 =	sld [smem:$0x3F9F];
	_ =	sdelay $0x3  }
0x33: {  	p0 =	seq.s32 s10, $0x1;
	s10 =	sld [smem:$0x3FA1];
	_ =	sdelay $0x3  }
0x34: {  	[smem:$0x3FA1] =	sst s10  }
0x35: {  	s10 =	sld [smem:$0x3FA0];
	_ =	sdelay $0x3  }
0x36: {  	p1 =	seq.s32 s10, $0x1;
	s10 =	sld [smem:$0x3FA1];
	_ =	sdelay $0x3  }
0x37: {  	[smem:$0x3FA1] =	sst s10  }
0x38: {  	s10 =	sld [smem:$0x3FA2]  }
0x39: {  	_ = 	snop;
	(pc) =	sbr.ind lr, $3  }
0x3a: {  	_ = 	snop  }
0x3b: {  	_ = 	snop  }
0x3c: {  	p2 =	seq.s32 s10, $0x1;
	s10 =	sld [smem:$0x3FA1]  }
0x3d: {  	_ =	shalt  }
0x3e: {  	_ =	shalt  }
0x3f: {  	_ =	shalt  }
0x40: {  	_ =	shalt  }
0x41: {  	_ =	shalt  }
0x42: {  	_ =	shalt  }
0x43: {  	_ =	shalt  }
0x44: {  	_ =	shalt  }
0x45: {  	_ =	shalt  }
0x46: {  	_ =	shalt  }
0x47: {  	_ =	shalt  }
0x48: {  	_ =	shalt  }
0x49: {  	_ =	shalt  }
0x4a: {  	_ =	shalt  }
0x4b: {  	_ =	shalt  }
0x4c: {  	_ =	shalt  }
0x4d: {  	_ =	shalt  }
0x4e: {  	_ =	shalt  }
0x4f: {  	_ =	shalt  }
0x50: {  	_ =	shalt  }
0x51: {  	_ =	shalt  }
0x52: {  	_ =	shalt  }
0x53: {  	_ =	shalt  }
0x54: {  	_ =	shalt  }
0x55: {  	_ =	shalt  }
0x56: {  	_ =	shalt  }
0x57: {  	_ =	shalt  }
0x58: {  	_ =	shalt  }
0x59: {  	_ =	shalt  }
0x5a: {  	_ =	shalt  }
0x5b: {  	_ =	shalt  }
0x5c: {  	_ =	shalt  }
0x5d: {  	_ =	shalt  }
0x5e: {  	_ =	shalt  }
0x5f: {  	_ =	shalt  }
0x60: {  	_ =	shalt  }
0x61: {  	_ =	shalt  }
0x62: {  	_ =	shalt  }
0x63: {  	_ =	shalt  }
0x64: {  	_ =	shalt  }
0x65: {  	_ =	shalt  }
0x66: {  	_ =	shalt  }
0x67: {  	_ =	shalt  }
0x68: {  	_ =	shalt  }
0x69: {  	_ =	shalt  }
0x6a: {  	_ =	shalt  }
0x6b: {  	_ =	shalt  }
0x6c: {  	_ =	shalt  }
0x6d: {  	_ =	shalt  }
0x6e: {  	_ =	shalt  }
0x6f: {  	_ =	shalt  }
0x70: {  	_ =	shalt  }
0x71: {  	_ =	shalt  }
0x72: {  	_ =	shalt  }
0x73: {  	_ =	shalt  }
0x74: {  	_ =	shalt  }
0x75: {  	_ =	shalt  }
0x76: {  	_ =	shalt  }
0x77: {  	_ =	shalt  }
0x78: {  	_ =	shalt  }
0x79: {  	_ =	shalt  }
0x7a: {  	_ =	shalt  }
0x7b: {  	_ =	shalt  }
0x7c: {  	_ =	shalt  }
0x7d: {  	_ =	shalt  }
0x7e: {  	_ =	shalt  }
0x7f: {  	_ =	shalt  }
0x80: {  	_ =	shalt  }
0x81: {  	_ =	shalt  }
0x82: {  	_ =	shalt  }
0x83: {  	_ =	shalt  }
0x84: {  	_ =	shalt  }
0x85: {  	_ =	shalt  }
0x86: {  	_ =	shalt  }
0x87: {  	_ =	shalt  }
.Lfunc_end0:
.L_simem_size_0:
called_computation.1_lowered:
.L_overlay_start_0:
0x88: {  	s2 =	sld [smem:$0x3FD9]  }
0x89: {  	s3 =	sld [smem:$0x3FFE];
	_ =	sdelay $0x1  }
0x8a: {  	s1 =	srdreg.scid  }
0x8b: {  	s0 =	sand.u32 $0x1, s1  }
0x8c: {  	s15 =	sshll.u32 s0, $0xA;
	s2 =	sadd.s32 s3, s2  }
0x8d: {  	s2 =	sadd.s32 s2, s15  }
0x8e: {  	[smem:$0x3FAD] =	sst s2  }
0x8f: {  	_ = 	snop  }
0x90: {  	(tm) =	ssettm $0x1  }
0x91: {  	s16 =	sld [smem:$0x3FFB];
	_ =	sdelay $0x3  }
0x92: {  	_ =	strace s16  }
0x93: {  	s2 =	sld [smem:$0x3FFC];
	_ =	sdelay $0x3  }
0x94: {  	_ =	strace s2  }
0x95: {  	s2 =	sld [smem:$0x3FFD];
	_ =	sdelay $0x3  }
0x96: {  	_ =	strace s2  }
0x97: {  	_ =	strace $0x8FFFFFFF  }
0x98: {  	s17 =	sld [smem:$0x3FDB];
	_ =	sdelay $0x1  }
0x99: {  	s18 =	simm.s32 $_scs_section_size  }
0x9a: {  	s4 =	simm.s32 $_size__tile_overlayer_lowered;
	s5 =	simm.s32 $_tile_overlayer_lowered  }
0x9b: {  	s21 =	simm.s32 $0x1BFF;
	s20 =	sshll.u32 s5, $0x1;
	s2 =	sadd.s32 s18, s17  }
0x9c: {  	s6 =	simm.s32 $0x0;
	s19 =	sshll.u32 s4, $0x1;
	s4 =	sadd.s32 s20, s2  }
0x9d: {  	[timem:s6], [sflag:s21] =	dma.local [hbm:s4], s19  }
0x9e: {  	_ =	swait.ge [sflag:s21], s19  }
0x9f: {  	s3 =	ssub.s32 $0x0, s19;
	[sflag:s21] =	ssyncset.done $0x0  }
0xa0: {  	[sflag:s21] =	ssyncadd.s32 s3;
	_ =	sdelay $0x1  }
0xa1: {  	s22 =	simm.s32 $0x1B8B  }
0xa2: {  	_ =	swait.ge [sflag:s22], $0x1  }
0xa3: {  	[sflag:s22] =	ssyncset.done $0x0  }
0xa4: {  	s23 =	sld [smem:$0x3FFE];
	[sflag:s22] =	ssyncadd.s32 $0xFFFFFFFF  }
0xa5: {  	s25 =	simm.s32 $0x1B8E;
	s24 =	sld [smem:$0x0]  }
0xa6: {  	s26 =	simm.s32 $execute0_lowered;
	[smem:$0x3FD2] =	sst s25  }
0xa7: {  	s5 =	sshll.u32 s26, $0x1;
	_ =	strace $0x80000058;
	[dreg:$0x1] =	wrdreg $0xFFFFFFFF  }
0xa8: {  	s28 =	simm.s32 $_size_execute0_lowered;
	s2 =	sadd.s32 s2, s5;
	[dreg:$0x0] =	wrdreg $0x0  }
0xa9: {  	s5 =	sshll.u32 s28, $0x1;
	[dreg:$0x2] =	wrdreg s2  }
0xaa: {  	[dreg:$0x3] =	wrdreg s5  }
0xab: {  	[dreg:$0x4] =	wrdreg $0xC0  }
0xac: {  	_ =	task [dreg:s6], $0x5FFFF  }
0xad: {  	[dreg:$0x1] =	wrdreg $0xFFFFFFFF  }
0xae: {  	[dreg:$0x0] =	wrdreg $0x60  }
0xaf: {  	[dreg:$0x2] =	wrdreg s23  }
0xb0: {  	[dreg:$0x3] =	wrdreg s1  }
0xb1: {  	[dreg:$0x4] =	wrdreg s24  }
0xb2: {  	[dreg:$0x5] =	wrdreg $0x9  }
0xb3: {  	_ =	task.clear_ibuf [dreg:s6], $0x6FFFF;
	_ =	strace $0x90000058  }
0xb4: {  	s29 =	simm.s32 $0x9;
	_ =	strace $0x8000005A  }
0xb5: {  	_ =	swait.ge [sflag:s29], $0x1  }
0xb6: {  	[sflag:s29] =	ssyncadd.s32 $0xFFFFFFFF  }
0xb7: {  	_ =	strace $0x9000005A  }
0xb8: {  	_ =	sfence  }
0xb9: {  	s30 =	sld [smem:$0x0];
	_ =	sdelay $0x2  }
0xba: {  	s31 =	sshll.u32 s1, $0xD;
	s1 =	sshrl.u32 s1, $0x2  }
0xbb: {  	s3 =	sand.u32 $0x4000, s31;
	s1 =	sadd.s32 s1, s30  }
0xbc: {  	s0 =	sor.u32 s3, s0;
	s1 =	sshll.u32 s1, $0x11  }
0xbd: {  	s0 =	sor.u32 s1, s0  }
0xbe: {  	s0 =	sadd.s32 $0x8F2B, s0  }
0xbf: {  	[sflag:s0] =	ssyncadd.remote.s32 $0x1  }
0xc0: {  	_ =	sfence.sel $0xFFFF  }
0xc1: {  	[dreg:$0x0] =	wrdreg $0xFFFFFFFF;
	(pc) =	sbr.abs _section_cstart, $3  }
0xc2: {  	[dreg:$0x1] =	wrdreg $0xFFFFFFFF  }
0xc3: {  	_ =	task.clear_ibuf [dreg:s6], $0x2FFFF;
	_ =	strace $0x9FFFFFFF  }
0xc4: {  	(tm) =	ssettm $0x7FFFFFFF  }
0xc5: {  	_ =	shalt  }
tec
execute0_lowered:
.L_overlay_start_1:
0x0: {  	(tag) =	ssettag $0x1  }
0x1: {  	s2 =	rddreg [dreg:$0x0]  }
0x2: {  	s4 =	rddreg [dreg:$0x1]  }
0x3: {  	s3 =	rddreg [dreg:$0x2];
	_ =	strace $0x80000059;
	s1 =	simm.s32 $0x1  }
0x4: {  	s9 =	simm.s32 $0x88;
	v0 =	vimm.s32 $0x0;
	[sflag:s1] =	ssyncpa.u1 $0x0  }
0x5: {  	[tilespmem:s9+$0x30] =	vst v0  }
0x6: {  	s1 =	sadd.s32 $0x61000, s2;
	[tilespmem:s9+$0x20] =	vst v0  }
0x7: {  	s5 =	sadd.s32 $0x5C000, s2;
	s6 =	sadd.s32 $0x2D7000, s2;
	s2 =	simm.s32 $0x40;
	[tilespmem:s9+$0x10] =	vst v0  }
.LBB2_1:
0x8: {  	s2 =	sadd.s32 $0x40, s2  }
0x9: {  	[tilespmem:s9+$0x0] =	vst v0;
	s9 =	sadd.s32 $0x40, s9;
	p0 =	slt.u32 s2, $0x5040  }
.Ltmp0:
0xa: {  	(pc) =	sbr.rel @p0 .LBB2_1-.Ltmp0, $4  }
0xb: {  	_ = 	snop  }
0xc: {  	[tilespmem:s9+$0x30] =	vst v0  }
0xd: {  	[tilespmem:s9+$0x20] =	vst v0  }
0xe: {  	[tilespmem:s9+$0x10] =	vst v0  }
0xf: {  	s2 =	srdreg.scid  }
0x10: {  	s7 =	sshll.u32 s2, $0x4  }
0x11: {  	s2 =	stileid.u32;
	s7 =	sand.u32 $0x10, s7  }
0x12: {  	s8 =	sor.u32 s2, s7  }
0x13: {  	s7 =	smul.u32 $0xF, s8  }
0x14: {  	s10 =	smin.u32 s8, $0x14  }
0x15: {  	s7 =	sadd.s32 s10, s7  }
0x16: {  	p0 =	slt.u32 s8, $0x14;
	s8 =	simm.s32 $0x1400;
	s7 =	smul.u32 $0x140, s7  }
0x17: {  	s8 =	simm.s32 @!p0 $0x12C0  }
0x18: {  	s8 =	sadd.s32 s8, s7  }
0x19: {  	s8 =	smin.u32 s8, $0x27100  }
0x1a: {  	s11 =	ssub.s32 s8, s7  }
0x1b: {  	p0 =	sgt.s32 s11, $0x0  }
0x1c: {  	s11 =	simm.s32 @!p0 $0x0  }
0x1d: {  	s31 =	smulhi.u32 $0x66666667, s11;
	_ =	sdelay $0x1  }
0x1e: {  	s12 =	sshrl.u32 s31, $0x7  }
0x1f: {  	[tilespmem:s9+$0x0] =	vst v0;
	s9 =	simm.s32 $0x2;
	s13 =	smul.u32 $0x140, s12  }
.Ltmp1:
0x20: {  	s17 =	simm.s32 $0x0;
	s14 =	simm.s32 $0xA;
	(pc) =	sbr.rel .LBB2_3-.Ltmp1, $4  }
0x21: {  	v0 =	vimm.s32 $0xFFFFFFFF;
	s16 =	simm.s32 $0x0;
	[sflag:s9] =	ssyncpa.u1 $0x0;
	s10 =	simm.s32 $0x9  }
0x22: {  	[tilespmem:$0xA108] =	vst v0;
	[sflag:s10] =	ssyncpa.u1 $0x0;
	p0 =	sne.s32 s11, s13;
	s13 =	simm.s32 $0x1  }
0x23: {  	s15 =	smov.u32 s7;
	s11 =	simm.s32 $0x1;
	s13 =	simm.s32 @!p0 $0x0  }
0x24: {  	v0 =	vlaneseq.u32;
	p0 =	por $0x0, $0x0;
	s12 =	sadd.s32 s13, s12;
	s13 =	sshll.u32 s2, $0x7  }
.LBB2_18:
0x25: {  	s18 =	sshrl.u32 s25, $0x2  }
.LBB2_20:
0x26: {  	_ =	swait.ge [sflag:s14], s18  }
0x27: {  	s0 =	ssub.s32 $0x0, s18;
	v1 =	vmov s20;
	vm0 =	veq.s32 v0, $0x0;
	[sflag:s14] =	ssyncset.done $0x0  }
0x28: {  	vm15 =	veq.s32 v0, $0x2;
	v1 =	vsel vm0, s24, v1;
	[sflag:s14] =	ssyncadd.s32 s0  }
0x29: {  	v1 =	vsel vm15, s17, v1;
	[sflag:s14] =	ssyncpa.u1 $0x1  }
0x2a: {  	[tilespmem:$0xA108] =	vst v1  }
.LBB2_21:
0x2b: {  	s0 =	sadd.s32 $0x140, s15  }
0x2c: {  	s18 =	smov.u32 s7;
	p1 =	slt.s32 s0, s8  }
0x2d: {  	s18 =	smov.u32 @p1 s0;
	p1 =	sne.s32 s16, s12  }
.Ltmp2:
0x2e: {  	_ = 	snop;
	(pc) =	sbr.rel @!p1 .LBB2_22-.Ltmp2, $3  }
0x2f: {  	_ =	sdelay $0x1  }
0x30: {  	s31 =	sadd.s32 $0x1, s16;
	s17 =	smov.u32 s15  }
0x31: {  	p0 =	por !p0, !p0;
	s16 =	smov.u32 s31;
	s15 =	smov.u32 s18  }
.LBB2_3:
0x32: {  	p1 =	sge.u32 s16, s12  }
0x33: {  	p2 =	sgt.s32 @!p1 s15, $0x26FC0  }
0x34: {  	s18 =	smov.u32 s15;
	s19 =	sshra.s32 @!p1 s15, $0x1F;
	p2 =	por !p2, p1  }
0x35: {  	s19 =	sand.u32 @!p1 s19, s15;
	s18 =	simm.s32 @p2 $0x26FC0  }
0x36: {  	s18 =	ssub.s32 @!p1 s18, s19  }
0x37: {  	s19 =	sxor.u32 @!p1 $0xFFFFFFFF, s16;
	s18 =	sadd.s32 @!p1 $0xFFFD9040, s18  }
0x38: {  	s19 =	sand.u32 @!p1 $0x1, s19;
	s20 =	sshll.u32 @!p1 s18, $0x2  }
0x39: {  	p2 =	sgt.s32 @!p1 s18, $0x13F;
	s18 =	ssub.s32 @!p1 $0x500, s20;
	s20 =	smul.u32 @!p1 $0x500, s19  }
0x3a: {  	s21 =	sshrl.u32 @!p1 s15, $0x3;
	s22 =	sand.u32 @!p1 $0x7, s15  }
0x3b: {  	p2 =	por !p2, p1;
	s18 =	sshrl.u32 @!p1 s18, $0x2;
	s20 =	sshrl.u32 @!p1 s20, $0x2  }
0x3c: {  	s21 =	sadd.s32 @!p1 s5, s21;
	s18 =	simm.s32 @!p2 $0x0;
	s20 =	sadd.s32 @!p1 $0xA948, s20  }
0x3d: {  	[tilespmem:s20], [sflag:$0x9] =	stream.linear.gather @!p1 [hbm4b:s21+s22], s18, $0x38;
	[tilespmem:$0x1EBC8] =	vst v63  }
0x3e: {  	s18 =	ssub.s32 @!p1 $0x27100, s15  }
0x3f: {  	p2 =	sgt.s32 @!p1 s18, $0x0  }
0x40: {  	s19 =	smul.u32 @!p1 $0x28000, s19;
	p2 =	por !p2, p1  }
0x41: {  	s18 =	simm.s32 @p2 $0x0  }
0x42: {  	s19 =	sshrl.u32 @!p1 s19, $0x2;
	s20 =	sshll.u32 @!p1 s15, $0x4;
	s18 =	smin.u32 @!p1 s18, $0x140  }
0x43: {  	s19 =	sadd.s32 @!p1 $0xABC8, s19;
	s20 =	sadd.s32 @!p1 s6, s20;
	s18 =	sshll.u32 @!p1 s18, $0x7  }
0x44: {  	[tilespmem:s19], [sflag:$0x9] =	stream.linear.gather @!p1 [hbm:s20], s18, $0x38;
	[tilespmem:$0x1EBC8] =	vst v63  }
0x45: {  	p1 =	seq.s32 s16, $0x0  }
.Ltmp3:
0x46: {  	_ = 	snop;
	(pc) =	sbr.rel @p1 .LBB2_21-.Ltmp3, $1  }
0x47: {  	_ =	sdelay $0x3  }
0x48: {  	p1 =	sgt.s32 s17, $0x26FC0  }
0x49: {  	s18 =	smov.u32 s17;
	s19 =	sshra.s32 s17, $0x1F;
	s20 =	ssub.s32 $0x27100, s17  }
0x4a: {  	s18 =	simm.s32 @!p1 $0x26FC0;
	s19 =	sand.u32 s19, s17;
	p1 =	sgt.s32 s20, $0x0  }
0x4b: {  	s18 =	ssub.s32 s18, s19;
	s20 =	simm.s32 @!p1 $0x0  }
0x4c: {  	s18 =	sadd.s32 $0xFFFD9040, s18;
	s29 =	smin.u32 s20, $0x140  }
0x4d: {  	s21 =	sshll.u32 s18, $0x2;
	s19 =	sshll.u32 s29, $0x7  }
0x4e: {  	p1 =	sgt.s32 s18, $0x13F;
	s30 =	ssub.s32 $0x500, s21;
	_ =	swait.ge [sflag:s10], s19  }
0x4f: {  	s19 =	ssub.s32 $0x0, s19;
	[sflag:s10] =	ssyncset.done $0x0;
	s18 =	sshrl.u32 s30, $0x2  }
0x50: {  	[sflag:s10] =	ssyncadd.s32 s19;
	s18 =	simm.s32 @p1 $0x0  }
0x51: {  	_ =	swait.ge [sflag:s10], s18  }
0x52: {  	s18 =	ssub.s32 $0x0, s18;
	[sflag:s10] =	ssyncset.done $0x0  }
0x53: {  	[sflag:s10] =	ssyncadd.s32 s18  }
0x54: {  	v1 =	vld [tilespmem:$0xA108];
	_ =	sdelay $0x4  }
0x55: {  	(v2sf) =	vpush v1, $0x0  }
0x56: {  	(v2sf) =	vpush v1, $0x1  }
0x57: {  	(v2sf) =	vpush v1, $0x2;
	_ =	sdelay $0x3  }
0x58: {  	s18 =	sadd.s32 $0x140, s17  }
0x59: {  	p1 =	slt.s32 s8, s18  }
0x5a: {  	s18 =	smov.u32 @p1 s8  }
0x5b: {  	s18 =	ssub.s32 s18, s17  }
0x5c: {  	p1 =	slt.s32 s20, s18  }
0x5d: {  	s18 =	smov.u32 @p1 s20  }
0x5e: {  	s21 =	simm.s32 $0x1;
	p1 =	slt.s32 s18, $0x1  }
.Ltmp4:
0x5f: {  	s21 =	simm.s32 @!p0 $0x0;
	(pc) =	sbr.rel @p1 .LBB2_8-.Ltmp4, $4  }
0x60: {  	s31 =	smul.u32 $0x500, s21  }
0x61: {  	s22 =	spop (v2sf)  }
0x62: {  	s17 =	sshrl.u32 s31, $0x2;
	s24 =	spop (v2sf)  }
0x63: {  	s19 =	sadd.s32 $0xA948, s17;
	s17 =	spop (v2sf)  }
0x64: {  	s20 =	smin.u32 s18, $0x10  }
0x65: {  	v1 =	vmov s20  }
0x66: {  	p2 =	sgt.s32 s18, $0x10;
	vm1 =	vgt.u32 v1, v0  }
.Ltmp5:
0x67: {  	_ = 	snop;
	(pc) =	sbr.rel @!p2 .LBB2_7-.Ltmp5, $2  }
0x68: {  	_ =	sdelay $0x2  }
0x69: {  	s23 =	simm.s32 $0x10;
	s25 =	sadd.s32 $0xFFFFFFF0, s18;
	s20 =	smov.u32 s19;
	vm0 =	vmmov vm1  }
.LBB2_6:
0x6a: {  	s26 =	smin.u32 s25, $0x10;
	s23 =	sadd.s32 $0x10, s23;
	v1 =	vld.msk [tilespmem:s20+$0x0 ss:$0x1], vm1  }
0x6b: {  	v2 =	vmov s26;
	p2 =	slt.s32 s23, s18  }
0x6c: {  	vm1 =	vgt.u32 v2, v0  }
.Ltmp6:
0x6d: {  	(pc) =	sbr.rel @p2 .LBB2_6-.Ltmp6, $3  }
0x6e: {  	_ =	sdelay $0x1  }
0x6f: {  	v1 =	vshll.u32 v1, $0x4  }
0x70: {  	s25 =	sadd.s32 $0xFFFFFFF0, s25;
	[tilespmem:s20+$0x0] =	vst.msk vm0, v1;
	s20 =	sadd.s32 $0x10, s20;
	vm0 =	vmmov vm1  }
.LBB2_7:
0x71: {  	_ =	sdelay $0x4  }
0x72: {  	v1 =	vld.msk [tilespmem:s20+$0x0 ss:$0x1], vm1;
	_ =	sdelay $0x4  }
0x73: {  	v1 =	vshll.u32 v1, $0x4  }
0x74: {  	[tilespmem:s20+$0x0] =	vst.msk vm0, v1  }
.LBB2_8:
0x75: {  	s20 =	sand.u32 $0x1, s16  }
0x76: {  	s20 =	smul.u32 $0x140, s20  }
0x77: {  	p2 =	sne.s32 s24, $0xFFFFFFFF  }
0x78: {  	v1 =	vld.msk @!p2 [tilespmem:s20+$0xA948], $0x1;
	_ =	sdelay $0x4  }
0x79: {  	(v2sf) =	vpush @!p2 v1, $0x0;
	_ =	sdelay $0xc  }
.Ltmp7:
0x7a: {  	_ = 	snop;
	(pc) =	sbr.rel @p1 .LBB2_19-.Ltmp7, $4  }
0x7b: {  	_ = 	snop  }
0x7c: {  	s23 =	spop @!p2 (v2sf)  }
0x7d: {  	s17 =	simm.s32 @!p2 $0x0;
	s20 =	smov.u32 s23  }
0x7e: {  	[sflag:s14] =	ssyncpa.u1 $0x0;
	s23 =	smov.u32 @p2 s22;
	s20 =	smov.u32 @p2 s24  }
0x7f: {  	v1 =	vld.msk [tilespmem:s19+$0x0], $0x1;
	_ =	sdelay $0x4  }
0x80: {  	(v2sf) =	vpush v1, $0x0;
	_ =	sdelay $0xe  }
0x81: {  	s26 =	spop (v2sf)  }
0x82: {  	p1 =	seq.s32 s23, s26  }
0x83: {  	p2 =	sgt.s32 @!p1 s23, $0x0  }
0x84: {  	s25 =	smov.u32 s23;
	s24 =	sadd.s32 $0xFFFFFFFF, s18;
	p2 =	por !p2, p1  }
0x85: {  	s21 =	smul.u32 $0x28000, s21;
	s25 =	simm.s32 @p2 $0x0;
	p2 =	sne.s32 s24, $0x0  }
.Ltmp8:
0x86: {  	_ = 	snop;
	(pc) =	sbr.rel @!p2 .LBB2_11-.Ltmp8, $4  }
0x87: {  	s22 =	simm.s32 $0x0;
	s21 =	sshrl.u32 s21, $0x2  }
0x88: {  	s21 =	sadd.s32 $0xABE8, s21;
	s28 =	simm.s32 @!p1 $0x1;
	s25 =	smin.u32 @!p1 s25, $0x270F8  }
0x89: {  	s29 =	simm.s32 @!p1 $0x50C8;
	s28 =	smov.u32 @p1 s22;
	s31 =	sand.u32 @!p1 $0x3FFF8, s25  }
0x8a: {  	s30 =	sand.u32 @!p1 $0x7, s25;
	s25 =	sadd.s32 $0x1, s19;
	s31 =	sadd.s32 @!p1 s1, s31  }
.LBB2_10:
0x8b: {  	s0 =	smov.u32 s28  }
0x8c: {  	[tilespmem:s29], [sflag:$0x2] =	stream.linear.gather @!p1 [hbm4b:s31+s30], $0x40, $0x38;
	[tilespmem:$0x1EBC8] =	vst v63  }
0x8d: {  	s24 =	sadd.s32 $0xFFFFFFFF, s24;
	s30 =	smov.u32 s26;
	v1 =	vld.msk [tilespmem:s25+$0x0], $0x1  }
0x8e: {  	p2 =	sne.s32 s24, $0x0;
	_ =	sdelay $0x3  }
0x8f: {  	(v2sf) =	vpush v1, $0x0;
	_ =	sdelay $0xe  }
0x90: {  	s26 =	spop (v2sf)  }
0x91: {  	p1 =	seq.s32 s30, s26  }
0x92: {  	p3 =	sgt.s32 @!p1 s30, $0x0;
	s29 =	sshll.u32 @!p1 s28, $0x8;
	s28 =	sadd.s32 @!p1 $0x1, s28  }
.Ltmp9:
0x93: {  	p3 =	por !p3, p1;
	s29 =	sshra.s32 @!p1 s29, $0x2;
	(pc) =	sbr.rel @p2 .LBB2_10-.Ltmp9, $4  }
0x94: {  	s28 =	smov.u32 @p1 s0;
	s30 =	simm.s32 @p3 $0x0;
	s29 =	sadd.s32 @!p1 $0x50C8, s29  }
0x95: {  	s0 =	smin.u32 @!p1 s30, $0x270F8  }
0x96: {  	s31 =	sand.u32 @!p1 $0x3FFF8, s0;
	s30 =	sand.u32 @!p1 $0x7, s0  }
0x97: {  	s25 =	sadd.s32 $0x1, s25;
	s31 =	sadd.s32 @!p1 s1, s31  }
.LBB2_11:
0x98: {  	[tilespmem:s29], [sflag:$0x2] =	stream.linear.gather @!p1 [hbm4b:s31+s30], $0x40, $0x38;
	[tilespmem:$0x1EBC8] =	vst v63  }
.Ltmp10:
0x99: {  	s0 =	sshll.u32 s28, $0x6;
	(pc) =	sbr.rel .LBB2_12-.Ltmp10, $4  }
0x9a: {  	s0 =	sand.u32 $0x3FFFFFC0, s0  }
0x9b: {  	_ =	swait.ge [sflag:s9], s0  }
0x9c: {  	s0 =	ssub.s32 $0x0, s0;
	[sflag:s9] =	ssyncset.done $0x0  }
0x9d: {  	s25 =	simm.s32 $0x0;
	[sflag:s9] =	ssyncadd.s32 s0  }
.LBB2_13:
0x9e: {  	v1 =	vld [tilespmem:s21+$0xFFFFFFE0];
	_ =	sdelay $0x3  }
0x9f: {  	s0 =	sshra.s32 s26, $0x2  }
0xa0: {  	[tilespmem:s0+$0x88] =	vst.add.f32.msk $0xffff, v1  }
0xa1: {  	v1 =	vld [tilespmem:s21+$0xFFFFFFF0];
	_ =	sdelay $0x4  }
0xa2: {  	[tilespmem:s0+$0x98] =	vst.add.f32.msk $0xffff, v1  }
0xa3: {  	v1 =	vld [tilespmem:s21+$0x0];
	_ =	sdelay $0x4  }
0xa4: {  	[tilespmem:s0+$0xA8] =	vst.add.f32.msk $0xffff, v1  }
0xa5: {  	v1 =	vld [tilespmem:s21+$0x10];
	_ =	sdelay $0x4  }
0xa6: {  	[tilespmem:s0+$0xB8] =	vst.add.f32.msk $0xffff, v1  }
.LBB2_17:
0xa7: {  	s18 =	sadd.s32 $0xFFFFFFFF, s18  }
0xa8: {  	p1 =	sne.s32 s18, $0x0  }
.Ltmp11:
0xa9: {  	_ = 	snop;
	(pc) =	sbr.rel @!p1 .LBB2_18-.Ltmp11, $2  }
0xaa: {  	_ =	sdelay $0x2  }
0xab: {  	s21 =	sadd.s32 $0x80, s21;
	s19 =	sadd.s32 $0x1, s19;
	s23 =	smov.u32 s24  }
.LBB2_12:
0xac: {  	v1 =	vld.msk [tilespmem:s19+$0x0], $0x1;
	_ =	sdelay $0x4  }
0xad: {  	(v2sf) =	vpush v1, $0x0;
	_ =	sdelay $0xe  }
0xae: {  	s24 =	spop (v2sf)  }
0xaf: {  	p1 =	sne.s32 s23, s24  }
.Ltmp12:
0xb0: {  	_ = 	snop;
	(pc) =	sbr.rel @!p1 .LBB2_13-.Ltmp12, $2  }
0xb1: {  	_ =	sdelay $0x2  }
0xb2: {  	s26 =	sshll.u32 s17, $0x8  }
0xb3: {  	p1 =	seq.s32 s23, s20  }
.Ltmp13:
0xb4: {  	_ = 	snop;
	(pc) =	sbr.rel @!p1 .LBB2_15-.Ltmp13, $1  }
0xb5: {  	_ =	sdelay $0x3  }
0xb6: {  	s0 =	sshra.s32 s26, $0x2  }
.Ltmp14:
0xb7: {  	s0 =	sadd.s32 $0x88, s0;
	(pc) =	sbr.rel .LBB2_16-.Ltmp14, $4  }
0xb8: {  	[spmem:s13] =	stream.linear.scatter [tilespmem:s0], [sflag:$0x1], $0x40, $0x38;
	[tilespmem:$0x1EBC8] =	vst v63  }
0xb9: {  	_ =	swait.ge [sflag:s11], $0x40  }
0xba: {  	[sflag:s11] =	ssyncset.done $0x0  }
0xbb: {  	[sflag:s11] =	ssyncadd.s32 $0xFFFFFFC0  }
.LBB2_15:
0xbc: {  	s0 =	sshll.u32 s22, $0x8  }
0xbd: {  	s0 =	sshra.s32 s0, $0x2  }
0xbe: {  	v1 =	vld [tilespmem:s0+$0x50C8];
	_ =	sdelay $0x3  }
0xbf: {  	s26 =	sshra.s32 s26, $0x2  }
0xc0: {  	[tilespmem:s26+$0x88] =	vst.add.f32.msk $0xffff, v1  }
0xc1: {  	v1 =	vld [tilespmem:s0+$0x50D8];
	_ =	sdelay $0x4  }
0xc2: {  	[tilespmem:s26+$0x98] =	vst.add.f32.msk $0xffff, v1  }
0xc3: {  	v1 =	vld [tilespmem:s0+$0x50E8];
	_ =	sdelay $0x4  }
0xc4: {  	[tilespmem:s26+$0xA8] =	vst.add.f32.msk $0xffff, v1  }
0xc5: {  	v1 =	vld [tilespmem:s0+$0x50F8];
	_ =	sdelay $0x2  }
0xc6: {  	p1 =	sgt.u32 s23, $0x270F8  }
0xc7: {  	s0 =	sand.u32 @!p1 $0x3FFF8, s23  }
0xc8: {  	s28 =	sadd.s32 $0x88, s26;
	s23 =	sand.u32 @!p1 $0x7, s23;
	s0 =	sadd.s32 @!p1 s1, s0;
	[tilespmem:s26+$0xB8] =	vst.add.f32.msk $0xffff, v1  }
0xc9: {  	[hbm4b:s0+s23] =	stream.linear.scatter @!p1 [tilespmem:s28], [sflag:$0xA], $0x40, $0x38;
	[tilespmem:$0x1EBC8] =	vst v63  }
0xca: {  	s23 =	simm.s32 $0x0  }
0xcb: {  	s23 =	simm.s32 @!p1 $0x100  }
0xcc: {  	s25 =	sadd.s32 s23, s25  }
.LBB2_16:
0xcd: {  	s0 =	sadd.s32 $0x1, s17  }
0xce: {  	s17 =	smulhi.u32 $0xCCCCCCCD, s0;
	_ =	sdelay $0x1  }
0xcf: {  	v1 =	vld [tilespmem:s21+$0xFFFFFFE0];
	s17 =	sshrl.u32 s17, $0x8  }
0xd0: {  	s17 =	smul.u32 $0x140, s17;
	_ =	sdelay $0x1  }
0xd1: {  	s17 =	ssub.s32 s0, s17  }
0xd2: {  	s0 =	sshll.u32 s17, $0x6  }
0xd3: {  	[tilespmem:s0+$0x88] =	vst v1  }
0xd4: {  	v1 =	vld [tilespmem:s21+$0xFFFFFFF0];
	_ =	sdelay $0x4  }
0xd5: {  	[tilespmem:s0+$0x98] =	vst v1  }
0xd6: {  	v1 =	vld [tilespmem:s21+$0x0];
	_ =	sdelay $0x4  }
0xd7: {  	[tilespmem:s0+$0xA8] =	vst v1  }
0xd8: {  	v1 =	vld [tilespmem:s21+$0x10]  }
.Ltmp15:
0xd9: {  	_ = 	snop;
	(pc) =	sbr.rel .LBB2_17-.Ltmp15, $2  }
0xda: {  	_ =	sdelay $0x2  }
0xdb: {  	s22 =	sadd.s32 $0x1, s22;
	[tilespmem:s0+$0xB8] =	vst v1  }
.LBB2_19:
.Ltmp16:
0xdc: {  	(pc) =	sbr.rel .LBB2_20-.Ltmp16, $3  }
0xdd: {  	_ =	sdelay $0x1  }
0xde: {  	_ =	swait.ge [sflag:s9], $0x0  }
0xdf: {  	s18 =	simm.s32 $0x0;
	s24 =	smov.u32 s23;
	[sflag:s9] =	ssyncset.done $0x0  }
.LBB2_22:
0xe0: {  	_ =	sfence.sel $0x180000  }
0xe1: {  	s0 =	simm.s32 $0x9;
	[bflag:$0x0] =	sbarrier.arrive $0xFFFF  }
0xe2: {  	s26 =	simm.s32 $0x2;
	[sflag:s0] =	ssyncpa.u1 $0x1  }
0xe3: {  	[sflag:s26] =	ssyncpa.u1 $0x1  }
0xe4: {  	v0 =	vld [tilespmem:$0xA108];
	_ =	sdelay $0x4  }
0xe5: {  	(v2sf) =	vpush v0, $0x0  }
0xe6: {  	(v2sf) =	vpush v0, $0x1;
	_ =	sdelay $0x1  }
0xe7: {  	(v2sf) =	vpush v0, $0x2;
	_ =	sdelay $0xb  }
0xe8: {  	s0 =	spop (v2sf)  }
0xe9: {  	s5 =	spop (v2sf)  }
0xea: {  	s6 =	smov.u32 s0;
	p0 =	sne.s32 s0, s5  }
0xeb: {  	s7 =	spop (v2sf);
	s6 =	simm.s32 @!p0 $0xFFFFFFFF  }
0xec: {  	v2 =	vimm.s32 $0x1;
	v3 =	vlaneseq.u32;
	p0 =	seq.s32 s7, $0xFFFFFFFF;
	v1 =	vmov s6  }
0xed: {  	v0 =	vperm.xlane v0, v2;
	p1 =	sne.s32 @!p0 s0, s5;
	v1 =	vperm.xlane v1, v3  }
0xee: {  	vm0 =	vcmask $0x3F04;
	s9 =	simm.s32 $0xA108;
	s0 =	simm.s32 @!p0 $0x1;
	p1 =	por !p1, p0  }
0xef: {  	s6 =	sshll.u32 s2, $0x1;
	s5 =	sshll.u32 @!p0 s7, $0x8;
	s0 =	simm.s32 @p1 $0x0;
	v0 =	vsel vm0, v1, v0  }
0xf0: {  	s8 =	sor.u32 $0x800, s6;
	s5 =	sshra.s32 @!p0 s5, $0x2;
	s0 =	sor.u32 @!p0 s0, s6;
	[tilespmem:$0xA108] =	vst v0  }
0xf1: {  	[spmem:s8] =	stream.linear.scatter [tilespmem:s9], [sflag:$0x1], $0x2, $0x38;
	[tilespmem:$0x1EBC8] =	vst v63  }
0xf2: {  	s5 =	sadd.s32 @!p0 $0x88, s5;
	s0 =	sshll.u32 @!p0 s0, $0x6  }
0xf3: {  	[spmem:s0] =	stream.linear.scatter @!p0 [tilespmem:s5], [sflag:$0x1], $0x40, $0x38;
	[tilespmem:$0x1EBC8] =	vst v63  }
0xf4: {  	s0 =	simm.s32 @!p0 $0x42  }
0xf5: {  	s28 =	simm.s32 $0x1;
	s0 =	simm.s32 @p0 $0x2  }
0xf6: {  	_ =	swait.ge [sflag:s28], s0  }
0xf7: {  	s0 =	ssub.s32 $0x0, s0;
	[sflag:s28] =	ssyncset.done $0x0  }
0xf8: {  	p0 =	sne.s32 s2, $0x0;
	[sflag:s28] =	ssyncadd.s32 s0  }
.Ltmp17:
0xf9: {  	_ =	sfence.stream.spmem;
	(pc) =	sbr.rel @p0 .LBB2_39-.Ltmp17, $4  }
0xfa: {  	s29 =	simm.s32 $0x3;
	[bflag:$0x0] =	sbarrier.arrive $0xFFFF  }
0xfb: {  	s30 =	simm.s32 $0x4;
	[sflag:s29] =	ssyncpa.u1 $0x1  }
0xfc: {  	s31 =	simm.s32 $0x3C;
	[sflag:s30] =	ssyncpa.u1 $0x1  }
0xfd: {  	s5 =	sand.u32 $0x1, s4;
	[sflag:s31] =	ssyncpa.u1 $0x1  }
0xfe: {  	_ =	sfence.stream.spmem;
	s0 =	simm.s32 $0x5  }
0xff: {  	s6 =	simm.s32 $0x800;
	s7 =	simm.s32 $0xA118;
	[sflag:s0] =	ssyncpa.u1 $0x0  }
0x100: {  	[tilespmem:s7], [sflag:$0x5] =	stream.linear.gather [spmem:s6], $0x20, $0x38;
	[tilespmem:$0x1EBC8] =	vst v63  }
0x101: {  	s26 =	simm.s32 $0x0;
	s28 =	simm.s32 $0xA138  }
0x102: {  	[tilespmem:s28], [sflag:$0x5] =	stream.linear.gather [spmem:s26], $0x800, $0x38;
	[tilespmem:$0x1EBC8] =	vst v63  }
0x103: {  	_ =	swait.ge [sflag:s0], $0x820  }
0x104: {  	[sflag:s0] =	ssyncset.done $0x0  }
0x105: {  	s29 =	simm.s32 $0x0;
	[sflag:s0] =	ssyncadd.s32 $0xFFFFF7E0  }
0x106: {  	v0 =	vld.msk [tilespmem:s29+$0xA118], $0x1;
	_ =	sdelay $0x1  }
0x107: {  	s30 =	simm.s32 $0x1  }
0x108: {  	v1 =	vld.msk [tilespmem:s30+$0xA118], $0x1;
	_ =	sdelay $0x1  }
0x109: {  	(v2sf) =	vpush v0, $0x0;
	_ =	sdelay $0x2  }
0x10a: {  	(v2sf) =	vpush v1, $0x0;
	_ =	sdelay $0x2  }
0x10b: {  	s31 =	simm.s32 $0x2  }
0x10c: {  	v0 =	vld.msk [tilespmem:s31+$0xA118], $0x1;
	_ =	sdelay $0x2  }
0x10d: {  	s8 =	simm.s32 $0xFFFFFFFF;
	s7 =	simm.s32 $0xFFFFFFFF;
	s6 =	simm.s32 $0xC  }
.LBB2_24:
0x10e: {  	s0 =	smov.u32 s8;
	s9 =	smov.u32 s7  }
0x10f: {  	s7 =	sshra.s32 s6, $0x2;
	p1 =	sne.s32 s6, $0x7C;
	s6 =	sadd.s32 $0x4, s6;
	(v2sf) =	vpush v0, $0x0  }
0x110: {  	v0 =	vld.msk [tilespmem:s7+$0xA118], $0x1  }
.Ltmp18:
0x111: {  	(pc) =	sbr.rel @p1 .LBB2_24-.Ltmp18, $4  }
0x112: {  	s8 =	spop (v2sf)  }
0x113: {  	p2 =	sne.s32 s9, $0xFFFFFFFF;
	s7 =	smov.u32 s8  }
0x114: {  	p3 =	seq.s32 s8, $0xFFFFFFFF;
	s7 =	smov.u32 @p2 s9  }
0x115: {  	s8 =	smov.u32 @p3 s0;
	s7 =	smov.u32 @p3 s9  }
0x116: {  	(v2sf) =	vpush v0, $0x0;
	_ =	sdelay $0x8  }
0x117: {  	s0 =	spop (v2sf)  }
0x118: {  	p1 =	sne.s32 s7, $0xFFFFFFFF;
	s6 =	smov.u32 s0  }
0x119: {  	s9 =	simm.s32 $0x6;
	p2 =	seq.s32 s0, $0xFFFFFFFF;
	s6 =	smov.u32 @p1 s7  }
0x11a: {  	[sflag:s9] =	ssyncpa.u1 $0x0;
	s6 =	smov.u32 @p2 s7;
	s10 =	spop (v2sf)  }
0x11b: {  	s0 =	smov.u32 @p2 s8;
	p1 =	sne.s32 s6, $0xFFFFFFFF;
	s11 =	smov.u32 s10  }
.Ltmp19:
0x11c: {  	p2 =	seq.s32 s10, $0xFFFFFFFF;
	s11 =	smov.u32 @p1 s6;
	(pc) =	sbr.rel .LBB2_26-.Ltmp19, $4  }
0x11d: {  	s10 =	smov.u32 @p2 s0;
	s11 =	smov.u32 @p2 s6;
	s7 =	spop (v2sf)  }
0x11e: {  	p1 =	sne.s32 s11, $0xFFFFFFFF;
	s8 =	smov.u32 s7;
	p2 =	seq.s32 s7, $0xFFFFFFFF  }
0x11f: {  	s6 =	simm.s32 $0x0;
	s8 =	smov.u32 @p1 s11;
	s7 =	smov.u32 @p2 s10  }
0x120: {  	s10 =	simm.s32 $0xA0C8;
	s8 =	smov.u32 @p2 s11;
	s11 =	simm.s32 $0x0  }
.LBB2_32:
0x121: {  	p1 =	sgt.u32 s12, $0x270F8  }
0x122: {  	p2 =	seq.s32 @!p1 s12, s8  }
0x123: {  	p1 =	por p1, p2  }
0x124: {  	p2 =	sne.s32 @!p1 s12, s7  }
0x125: {  	p1 =	por p1, !p2  }
0x126: {  	s12 =	sshll.u32 @p1 s11, $0x8  }
0x127: {  	s0 =	sand.u32 @!p1 $0x3FFF8, s12  }
0x128: {  	s12 =	sand.u32 @!p1 $0x7, s12;
	s0 =	sadd.s32 @!p1 s1, s0  }
0x129: {  	[tilespmem:s10], [sflag:$0x6] =	stream.linear.gather @!p1 [hbm4b:s0+s12], $0x40, $0x38;
	[tilespmem:$0x1EBC8] =	vst v63  }
0x12a: {  	_ =	swait.ge @!p1 [sflag:s9], $0x40  }
0x12b: {  	[sflag:s9] =	ssyncset.done @!p1 $0x0  }
0x12c: {  	[sflag:s9] =	ssyncadd.s32 @!p1 $0xFFFFFFC0  }
0x12d: {  	v1 =	vld @!p1 [tilespmem:$0xA0C8];
	_ =	sdelay $0x2  }
0x12e: {  	s12 =	sshll.u32 @!p1 s11, $0x8  }
0x12f: {  	s0 =	sshrl.u32 @!p1 s12, $0x2  }
0x130: {  	[tilespmem:s0+$0xA138] =	vst.add.f32.msk @!p1 $0xffff, v1  }
0x131: {  	v1 =	vld @!p1 [tilespmem:$0xA0D8];
	_ =	sdelay $0x4  }
0x132: {  	[tilespmem:s0+$0xA148] =	vst.add.f32.msk @!p1 $0xffff, v1  }
0x133: {  	v1 =	vld @!p1 [tilespmem:$0xA0E8];
	_ =	sdelay $0x4  }
0x134: {  	[tilespmem:s0+$0xA158] =	vst.add.f32.msk @!p1 $0xffff, v1  }
0x135: {  	v1 =	vld @!p1 [tilespmem:$0xA0F8];
	_ =	sdelay $0x4  }
0x136: {  	[tilespmem:s0+$0xA168] =	vst.add.f32.msk @!p1 $0xffff, v1  }
0x137: {  	s30 =	sshrl.u32 s12, $0x2;
	[tilespmem:s6+$0xA118] =	vst.msk $0x1, v0  }
0x138: {  	v0 =	vld [tilespmem:s30+$0xA138];
	_ =	sdelay $0x2  }
0x139: {  	s31 =	sshll.u32 s6, $0x8  }
0x13a: {  	s12 =	sshra.s32 s31, $0x2  }
0x13b: {  	[tilespmem:s12+$0xA138] =	vst v0  }
0x13c: {  	v0 =	vld [tilespmem:s30+$0xA148];
	_ =	sdelay $0x4  }
0x13d: {  	[tilespmem:s12+$0xA148] =	vst v0  }
0x13e: {  	v0 =	vld [tilespmem:s30+$0xA158];
	_ =	sdelay $0x4  }
0x13f: {  	[tilespmem:s12+$0xA158] =	vst v0  }
0x140: {  	v0 =	vld [tilespmem:s30+$0xA168];
	_ =	sdelay $0x4  }
0x141: {  	s6 =	sadd.s32 $0x1, s6;
	[tilespmem:s12+$0xA168] =	vst v0  }
.LBB2_33:
0x142: {  	s11 =	sadd.s32 $0x1, s11  }
0x143: {  	p1 =	sne.s32 s11, $0x20  }
.Ltmp20:
0x144: {  	_ = 	snop;
	(pc) =	sbr.rel @!p1 .LBB2_34-.Ltmp20, $1  }
0x145: {  	_ =	sdelay $0x3  }
.LBB2_26:
0x146: {  	v0 =	vld.msk [tilespmem:s11+$0xA118], $0x1;
	_ =	sdelay $0x4  }
0x147: {  	(v2sf) =	vpush v0, $0x0;
	_ =	sdelay $0xe  }
0x148: {  	s12 =	spop (v2sf)  }
0x149: {  	p1 =	seq.s32 s12, $0xFFFFFFFF  }
.Ltmp21:
0x14a: {  	_ = 	snop;
	(pc) =	sbr.rel @p1 .LBB2_33-.Ltmp21, $1  }
0x14b: {  	_ =	sdelay $0x3  }
0x14c: {  	p1 =	slt.s32 s6, $0x1  }
.Ltmp22:
0x14d: {  	_ = 	snop;
	(pc) =	sbr.rel @p1 .LBB2_32-.Ltmp22, $1  }
0x14e: {  	_ =	sdelay $0x3  }
0x14f: {  	s13 =	simm.s32 $0xA118;
	p1 =	por $0x0, $0x0  }
0x150: {  	v1 =	vld.msk @!p1 [tilespmem:s13+$0x0], $0x1;
	_ =	sdelay $0x4  }
0x151: {  	(v2sf) =	vpush @!p1 v1, $0x0;
	_ =	sdelay $0xd  }
0x152: {  	p3 =	sne.s32 s6, $0x1  }
.Ltmp23:
0x153: {  	s0 =	spop @!p1 (v2sf);
	(pc) =	sbr.rel @!p3 .LBB2_30-.Ltmp23, $4  }
0x154: {  	p2 =	seq.s32 @!p1 s12, s0  }
0x155: {  	s14 =	simm.s32 $0x0;
	p2 =	por !p2, p1  }
0x156: {  	s0 =	simm.s32 $0xFFFFFFFF;
	s14 =	simm.s32 @p2 $0xFFFFFFFF  }
0x157: {  	s15 =	simm.s32 $0x1;
	s14 =	smov.u32 @p1 s0  }
.LBB2_29:
0x158: {  	s0 =	smov.u32 s14;
	p1 =	sne.s32 s14, $0xFFFFFFFF  }
0x159: {  	s13 =	sadd.s32 $0x1, s13;
	s14 =	smov.u32 s15;
	s15 =	sadd.s32 $0x1, s15  }
0x15a: {  	p2 =	sne.s32 s6, s15;
	v1 =	vld.msk @!p1 [tilespmem:s13+$0x0], $0x1;
	_ =	sdelay $0x4  }
0x15b: {  	(v2sf) =	vpush @!p1 v1, $0x0;
	_ =	sdelay $0xe  }
.Ltmp24:
0x15c: {  	s16 =	spop @!p1 (v2sf);
	(pc) =	sbr.rel @p2 .LBB2_29-.Ltmp24, $4  }
0x15d: {  	p3 =	seq.s32 @!p1 s12, s16  }
0x15e: {  	p3 =	por !p3, p1  }
0x15f: {  	s14 =	simm.s32 @p3 $0xFFFFFFFF  }
0x160: {  	s14 =	smov.u32 @p1 s0  }
.LBB2_30:
0x161: {  	p1 =	seq.s32 s14, $0xFFFFFFFF  }
.Ltmp25:
0x162: {  	_ = 	snop;
	(pc) =	sbr.rel @p1 .LBB2_32-.Ltmp25, $1  }
0x163: {  	_ =	sdelay $0x3  }
0x164: {  	s0 =	sshll.u32 s11, $0x6  }
0x165: {  	s0 =	sand.u32 $0x3FFFFFC0, s0  }
0x166: {  	v0 =	vld [tilespmem:s0+$0xA138];
	_ =	sdelay $0x2  }
0x167: {  	s12 =	sshll.u32 s14, $0x8  }
0x168: {  	s12 =	sshra.s32 s12, $0x2  }
0x169: {  	[tilespmem:s12+$0xA138] =	vst.add.f32.msk $0xffff, v0  }
0x16a: {  	v0 =	vld [tilespmem:s0+$0xA148];
	_ =	sdelay $0x4  }
0x16b: {  	[tilespmem:s12+$0xA148] =	vst.add.f32.msk $0xffff, v0  }
0x16c: {  	v0 =	vld [tilespmem:s0+$0xA158];
	_ =	sdelay $0x4  }
0x16d: {  	[tilespmem:s12+$0xA158] =	vst.add.f32.msk $0xffff, v0  }
0x16e: {  	v0 =	vld [tilespmem:s0+$0xA168]  }
.Ltmp26:
0x16f: {  	_ = 	snop;
	(pc) =	sbr.rel .LBB2_33-.Ltmp26, $2  }
0x170: {  	_ =	sdelay $0x2  }
0x171: {  	[tilespmem:s12+$0xA168] =	vst.add.f32.msk $0xffff, v0  }
.LBB2_34:
0x172: {  	s0 =	simm.s32 $0x6;
	p1 =	seq.s32 s6, $0x0  }
0x173: {  	[sflag:s0] =	ssyncpa.u1 $0x1;
	v0 =	vimm.s32 @p1 $0xFFFFFFFF  }
0x174: {  	s9 =	sadd.s32 $0xFFFFFFFF, s6;
	[tilespmem:$0xA938] =	vst @p1 v0  }
0x175: {  	v0 =	vld.msk @!p1 [tilespmem:s9+$0xA118], $0x1;
	_ =	sdelay $0x1  }
0x176: {  	v1 =	vld.msk @!p1 [tilespmem:$0xA118], $0x1;
	_ =	sdelay $0x2  }
0x177: {  	p2 =	seq.s32 @!p1 s9, $0x0;
	v0 =	vbroadcast @!p1 v0, $0x0  }
0x178: {  	vm0 =	vmmov @!p1 $0x1;
	p2 =	por !p2, p1  }
0x179: {  	v1 =	vnsel @!p1 vm0, $0xFFFFFFFF, v1;
	vm0 =	vcmask @!p1 $0x308;
	v0 =	vpsel !p2, $0xFFFFFFFF, v0  }
0x17a: {  	p2 =	sne.s32 @!p1 s8, s7;
	v0 =	vsel @!p1 vm0, v1, v0  }
0x17b: {  	s0 =	simm.s32 @!p1 $0xA138;
	s7 =	simm.s32 @!p1 $0x0;
	p3 =	por !p2, p1;
	[tilespmem:$0xA938] =	vst @!p1 v0  }
0x17c: {  	[spmem:s7] =	stream.linear.scatter @!p1 [tilespmem:s0], [sflag:$0x1], $0x40, $0x38;
	[tilespmem:$0x1EBC8] =	vst v63  }
0x17d: {  	s0 =	sshll.u32 @!p3 s9, $0x8  }
0x17e: {  	s0 =	sshra.s32 @!p3 s0, $0x2  }
0x17f: {  	s7 =	simm.s32 @!p3 $0x40;
	s0 =	sadd.s32 @!p3 $0xA138, s0  }
0x180: {  	[spmem:s7] =	stream.linear.scatter @!p3 [tilespmem:s0], [sflag:$0x1], $0x40, $0x38;
	[tilespmem:$0x1EBC8] =	vst v63  }
0x181: {  	s0 =	simm.s32 @!p3 $0x1  }
0x182: {  	_ =	swait.ge @!p3 [sflag:s0], $0x80  }
0x183: {  	p1 =	por p2, p1;
	[sflag:s0] =	ssyncset.done @!p3 $0x0  }
0x184: {  	[sflag:s0] =	ssyncadd.s32 @!p3 $0xFFFFFF80;
	s0 =	simm.s32 @!p1 $0x1  }
0x185: {  	_ =	swait.ge @!p1 [sflag:s0], $0x40  }
0x186: {  	s29 =	simm.s32 $0xA938;
	[sflag:s0] =	ssyncset.done @!p1 $0x0  }
0x187: {  	s30 =	simm.s32 $0x800;
	s31 =	simm.s32 $0x1;
	[sflag:s0] =	ssyncadd.s32 @!p1 $0xFFFFFFC0  }
0x188: {  	[spmem:s30] =	stream.linear.scatter [tilespmem:s29], [sflag:$0x1], $0x10, $0x38;
	[tilespmem:$0x1EBC8] =	vst v63  }
0x189: {  	p1 =	seq.s32 s5, $0x0;
	_ =	swait.ge [sflag:s31], $0x10  }
0x18a: {  	s7 =	sshll.u32 @p1 s4, $0xE;
	[sflag:s31] =	ssyncset.done $0x0  }
0x18b: {  	s0 =	sadd.s32 @p1 $0x15C3C, s7;
	s7 =	sshll.u32 @p1 s3, $0x11;
	[sflag:s31] =	ssyncadd.s32 $0xFFFFFFF0  }
0x18c: {  	s0 =	sor.u32 @p1 s7, s0;
	_ =	sfence.stream.spmem  }
0x18d: {  	[sflag:s0] =	ssyncadd.remote.s32 @p1 $0x1;
	s0 =	simm.s32 @p1 $0x4  }
0x18e: {  	s8 =	simm.s32 @!p1 $0x3C;
	s7 =	sand.u32 $0xFFFFFFFE, s4;
	_ =	swait.ge @p1 [sflag:s0], $0x12  }
0x18f: {  	s10 =	simm.s32 @!p1 $0x0;
	s7 =	sadd.s32 @!p1 $0x4, s7;
	[sflag:s0] =	ssyncset.done @p1 $0x0  }
0x190: {  	s11 =	simm.s32 @!p1 $0x80;
	[sflag:s0] =	ssyncadd.s32 @p1 $0xFFFFFFEE;
	s0 =	sshll.u32 @!p1 s7, $0x1A  }
0x191: {  	s7 =	sshll.u32 @!p1 s7, $0xD;
	s0 =	sor.u32 @!p1 s0, s3;
	_ =	swait.eq @!p1 [sflag:s8], $0x1  }
0x192: {  	s7 =	sor.u32 @!p1 $0x1C04, s7;
	s8 =	simm.s32 @!p1 $0x1C03;
	s0 =	sor.u32 @!p1 $0x80004000, s0  }
0x193: {  	[spmem:s11], [sflag:s7] =	dma.general @!p1 [spmem:s10], [sflag:s8], length:$0x10, [dreg:$0x0], stride_count:$0x0, ici_dest:s0, dma_misc:DstOpCode:WRITE  }
0x194: {  	p2 =	slt.s32 s9, $0x2;
	s10 =	simm.s32 @!p1 $0x100;
	s11 =	simm.s32 @!p1 $0x102  }
0x195: {  	[spmem:s11], [sflag:s7] =	dma.general @!p1 [spmem:s10], [sflag:s8], length:$0x2, [dreg:$0x0], stride_count:$0x0, ici_dest:s0, dma_misc:DstOpCode:WRITE  }
.Ltmp27:
0x196: {  	s0 =	simm.s32 @!p1 $0x3;
	(pc) =	sbr.rel @p2 .LBB2_38-.Ltmp27, $4  }
0x197: {  	s4 =	sshll.u32 @!p1 s4, $0xE;
	_ =	swait.ge @!p1 [sflag:s0], $0x12  }
0x198: {  	s4 =	sadd.s32 @!p1 $0x11C3C, s4;
	s3 =	sshll.u32 @!p1 s3, $0x11;
	[sflag:s0] =	ssyncset.done @!p1 $0x0  }
0x199: {  	[sflag:s0] =	ssyncadd.s32 @!p1 $0xFFFFFFEE;
	s0 =	sor.u32 @!p1 s3, s4  }
0x19a: {  	s3 =	simm.s32 $0x0;
	[sflag:s0] =	ssyncadd.remote.s32 @!p1 $0xFFFFFFFF  }
0x19b: {  	s0 =	simm.s32 $0xA119  }
0x19c: {  	v0 =	vld.msk [tilespmem:s0+$0x0], $0x1;
	_ =	sdelay $0x4  }
0x19d: {  	(v2sf) =	vpush v0, $0x0;
	_ =	sdelay $0xc  }
0x19e: {  	s4 =	sadd.s32 $0xFFFFFFFE, s6  }
0x19f: {  	s4 =	sadd.s32 $0xFFFFFFFF, s4  }
0x1a0: {  	p2 =	sne.s32 s4, $0x0;
	s0 =	spop (v2sf)  }
.Ltmp28:
0x1a1: {  	p1 =	sgt.u32 s0, $0x270F8;
	(pc) =	sbr.rel @!p2 .LBB2_37-.Ltmp28, $4  }
0x1a2: {  	s3 =	simm.s32 $0xA178;
	s6 =	sand.u32 @!p1 $0x3FFF8, s0  }
0x1a3: {  	s8 =	simm.s32 $0x0;
	s0 =	sand.u32 @!p1 $0x7, s0;
	s6 =	sadd.s32 @!p1 s1, s6  }
0x1a4: {  	[hbm4b:s6+s0] =	stream.linear.scatter @!p1 [tilespmem:s3], [sflag:$0x5], $0x40, $0x38;
	[tilespmem:$0x1EBC8] =	vst v63  }
0x1a5: {  	s7 =	simm.s32 $0xA11A;
	s8 =	simm.s32 @!p1 $0x100;
	s6 =	simm.s32 $0x0  }
.LBB2_36:
0x1a6: {  	v0 =	vld.msk [tilespmem:s7+$0x0], $0x1;
	s4 =	sadd.s32 $0xFFFFFFFF, s4;
	s6 =	sadd.s32 s6, s8  }
0x1a7: {  	p1 =	sne.s32 s4, $0x0;
	_ =	sdelay $0x3  }
0x1a8: {  	(v2sf) =	vpush v0, $0x0;
	_ =	sdelay $0xe  }
.Ltmp29:
0x1a9: {  	s0 =	spop (v2sf);
	(pc) =	sbr.rel @p1 .LBB2_36-.Ltmp29, $4  }
0x1aa: {  	s8 =	simm.s32 $0x0;
	p2 =	sgt.u32 s0, $0x270F8  }
0x1ab: {  	s3 =	sadd.s32 $0x40, s3;
	s8 =	simm.s32 @!p2 $0x100;
	s9 =	sand.u32 @!p2 $0x3FFF8, s0  }
0x1ac: {  	s7 =	sadd.s32 $0x1, s7;
	s0 =	sand.u32 @!p2 $0x7, s0;
	s9 =	sadd.s32 @!p2 s1, s9  }
0x1ad: {  	[hbm4b:s9+s0] =	stream.linear.scatter @!p2 [tilespmem:s3], [sflag:$0x5], $0x40, $0x38;
	[tilespmem:$0x1EBC8] =	vst v63  }
.LBB2_37:
0x1ae: {  	s0 =	sadd.s32 s6, s8  }
0x1af: {  	s3 =	sshrl.u32 s0, $0x2  }
.LBB2_38:
0x1b0: {  	s0 =	simm.s32 $0x5  }
0x1b1: {  	_ =	swait.ge [sflag:s0], s3  }
0x1b2: {  	s31 =	ssub.s32 $0x0, s3;
	[sflag:s0] =	ssyncset.done $0x0  }
0x1b3: {  	[sflag:s0] =	ssyncadd.s32 s31  }
0x1b4: {  	[sflag:s0] =	ssyncpa.u1 $0x1  }
.LBB2_39:
0x1b5: {  	s0 =	sor.u32 s5, s2  }
0x1b6: {  	p1 =	sne.s32 s0, $0x0  }
.Ltmp30:
0x1b7: {  	_ = 	snop;
	(pc) =	sbr.rel @p1 .LBB2_54-.Ltmp30, $3  }
0x1b8: {  	_ =	sdelay $0x1  }
0x1b9: {  	[bflag:$0x0] =	sbarrier.arrive $0xFFFF  }
0x1ba: {  	_ =	sfence  }
0x1bb: {  	s0 =	simm.s32 $0x7  }
0x1bc: {  	s2 =	simm.s32 $0x800;
	s3 =	simm.s32 $0xA118;
	[sflag:s0] =	ssyncpa.u1 $0x0  }
0x1bd: {  	[tilespmem:s3], [sflag:$0x7] =	stream.linear.gather [spmem:s2], $0x20, $0x38;
	[tilespmem:$0x1EBC8] =	vst v63  }
0x1be: {  	s30 =	simm.s32 $0xA138;
	s2 =	simm.s32 $0x0  }
0x1bf: {  	[tilespmem:s30], [sflag:$0x7] =	stream.linear.gather [spmem:s2], $0x800, $0x38;
	[tilespmem:$0x1EBC8] =	vst v63  }
.Ltmp31:
0x1c0: {  	_ = 	snop;
	(pc) =	sbr.rel .LBB2_41-.Ltmp31, $4  }
0x1c1: {  	_ =	swait.ge [sflag:s0], $0x820  }
0x1c2: {  	[sflag:s0] =	ssyncset.done $0x0  }
0x1c3: {  	s31 =	simm.s32 $0x8;
	[sflag:s0] =	ssyncadd.s32 $0xFFFFF7E0  }
0x1c4: {  	s3 =	simm.s32 $0x0;
	[sflag:s31] =	ssyncpa.u1 $0x0  }
.LBB2_47:
0x1c5: {  	p1 =	slt.u32 s4, $0x270F9  }
0x1c6: {  	s0 =	sand.u32 @p1 $0x3FFF8, s4  }
0x1c7: {  	s4 =	sand.u32 @p1 $0x7, s4;
	s5 =	simm.s32 @p1 $0xA0C8;
	s0 =	sadd.s32 @p1 s1, s0  }
0x1c8: {  	[tilespmem:s5], [sflag:$0x8] =	stream.linear.gather @p1 [hbm4b:s0+s4], $0x40, $0x38;
	[tilespmem:$0x1EBC8] =	vst v63  }
0x1c9: {  	s0 =	simm.s32 @p1 $0x8  }
0x1ca: {  	_ =	swait.ge @p1 [sflag:s0], $0x40  }
0x1cb: {  	[sflag:s0] =	ssyncset.done @p1 $0x0  }
0x1cc: {  	[sflag:s0] =	ssyncadd.s32 @p1 $0xFFFFFFC0  }
0x1cd: {  	v1 =	vld @p1 [tilespmem:$0xA0C8];
	_ =	sdelay $0x2  }
0x1ce: {  	s0 =	sshll.u32 @p1 s3, $0x8  }
0x1cf: {  	s4 =	sshrl.u32 @p1 s0, $0x2  }
0x1d0: {  	[tilespmem:s4+$0xA138] =	vst.add.f32.msk @p1 $0xffff, v1  }
0x1d1: {  	v1 =	vld @p1 [tilespmem:$0xA0D8];
	_ =	sdelay $0x4  }
0x1d2: {  	[tilespmem:s4+$0xA148] =	vst.add.f32.msk @p1 $0xffff, v1  }
0x1d3: {  	v1 =	vld @p1 [tilespmem:$0xA0E8];
	_ =	sdelay $0x4  }
0x1d4: {  	[tilespmem:s4+$0xA158] =	vst.add.f32.msk @p1 $0xffff, v1  }
0x1d5: {  	v1 =	vld @p1 [tilespmem:$0xA0F8];
	_ =	sdelay $0x3  }
0x1d6: {  	s5 =	sshll.u32 @!p1 s3, $0x8  }
0x1d7: {  	s5 =	smov.u32 @p1 s0;
	[tilespmem:s4+$0xA168] =	vst.add.f32.msk @p1 $0xffff, v1  }
0x1d8: {  	s0 =	sshrl.u32 s5, $0x2;
	[tilespmem:s2+$0xA118] =	vst.msk $0x1, v0  }
0x1d9: {  	v0 =	vld [tilespmem:s0+$0xA138];
	_ =	sdelay $0x2  }
0x1da: {  	s31 =	sshll.u32 s2, $0x8  }
0x1db: {  	s4 =	sshra.s32 s31, $0x2  }
0x1dc: {  	[tilespmem:s4+$0xA138] =	vst v0  }
0x1dd: {  	v0 =	vld [tilespmem:s0+$0xA148];
	_ =	sdelay $0x4  }
0x1de: {  	[tilespmem:s4+$0xA148] =	vst v0  }
0x1df: {  	v0 =	vld [tilespmem:s0+$0xA158];
	_ =	sdelay $0x4  }
0x1e0: {  	[tilespmem:s4+$0xA158] =	vst v0  }
0x1e1: {  	v0 =	vld [tilespmem:s0+$0xA168];
	_ =	sdelay $0x4  }
0x1e2: {  	s2 =	sadd.s32 $0x1, s2;
	[tilespmem:s4+$0xA168] =	vst v0  }
.LBB2_48:
0x1e3: {  	s3 =	sadd.s32 $0x1, s3  }
0x1e4: {  	p1 =	sne.s32 s3, $0x20  }
.Ltmp32:
0x1e5: {  	_ = 	snop;
	(pc) =	sbr.rel @!p1 .LBB2_49-.Ltmp32, $1  }
0x1e6: {  	_ =	sdelay $0x3  }
.LBB2_41:
0x1e7: {  	v0 =	vld.msk [tilespmem:s3+$0xA118], $0x1;
	_ =	sdelay $0x4  }
0x1e8: {  	(v2sf) =	vpush v0, $0x0;
	_ =	sdelay $0xe  }
0x1e9: {  	s4 =	spop (v2sf)  }
0x1ea: {  	p1 =	seq.s32 s4, $0xFFFFFFFF  }
.Ltmp33:
0x1eb: {  	_ = 	snop;
	(pc) =	sbr.rel @p1 .LBB2_48-.Ltmp33, $1  }
0x1ec: {  	_ =	sdelay $0x3  }
0x1ed: {  	p1 =	slt.s32 s2, $0x1  }
.Ltmp34:
0x1ee: {  	_ = 	snop;
	(pc) =	sbr.rel @p1 .LBB2_47-.Ltmp34, $1  }
0x1ef: {  	_ =	sdelay $0x3  }
0x1f0: {  	s5 =	simm.s32 $0xA118;
	p1 =	por $0x0, $0x0  }
0x1f1: {  	v1 =	vld.msk @!p1 [tilespmem:s5+$0x0], $0x1;
	_ =	sdelay $0x4  }
0x1f2: {  	(v2sf) =	vpush @!p1 v1, $0x0;
	_ =	sdelay $0xd  }
0x1f3: {  	p3 =	sne.s32 s2, $0x1  }
.Ltmp35:
0x1f4: {  	s0 =	spop @!p1 (v2sf);
	(pc) =	sbr.rel @!p3 .LBB2_45-.Ltmp35, $4  }
0x1f5: {  	p2 =	seq.s32 @!p1 s4, s0  }
0x1f6: {  	s6 =	simm.s32 $0x0;
	p2 =	por !p2, p1  }
0x1f7: {  	s0 =	simm.s32 $0xFFFFFFFF;
	s6 =	simm.s32 @p2 $0xFFFFFFFF  }
0x1f8: {  	s7 =	simm.s32 $0x1;
	s6 =	smov.u32 @p1 s0  }
.LBB2_44:
0x1f9: {  	s0 =	smov.u32 s6;
	p1 =	sne.s32 s6, $0xFFFFFFFF  }
0x1fa: {  	s5 =	sadd.s32 $0x1, s5;
	s6 =	smov.u32 s7;
	s7 =	sadd.s32 $0x1, s7  }
0x1fb: {  	p2 =	sne.s32 s2, s7;
	v1 =	vld.msk @!p1 [tilespmem:s5+$0x0], $0x1;
	_ =	sdelay $0x4  }
0x1fc: {  	(v2sf) =	vpush @!p1 v1, $0x0;
	_ =	sdelay $0xe  }
.Ltmp36:
0x1fd: {  	s8 =	spop @!p1 (v2sf);
	(pc) =	sbr.rel @p2 .LBB2_44-.Ltmp36, $4  }
0x1fe: {  	p3 =	seq.s32 @!p1 s4, s8  }
0x1ff: {  	p3 =	por !p3, p1  }
0x200: {  	s6 =	simm.s32 @p3 $0xFFFFFFFF  }
0x201: {  	s6 =	smov.u32 @p1 s0  }
.LBB2_45:
0x202: {  	p1 =	seq.s32 s6, $0xFFFFFFFF  }
.Ltmp37:
0x203: {  	_ = 	snop;
	(pc) =	sbr.rel @p1 .LBB2_47-.Ltmp37, $1  }
0x204: {  	_ =	sdelay $0x3  }
0x205: {  	s0 =	sshll.u32 s3, $0x6  }
0x206: {  	s0 =	sand.u32 $0x3FFFFFC0, s0  }
0x207: {  	v0 =	vld [tilespmem:s0+$0xA138];
	_ =	sdelay $0x2  }
0x208: {  	s4 =	sshll.u32 s6, $0x8  }
0x209: {  	s4 =	sshra.s32 s4, $0x2  }
0x20a: {  	[tilespmem:s4+$0xA138] =	vst.add.f32.msk $0xffff, v0  }
0x20b: {  	v0 =	vld [tilespmem:s0+$0xA148];
	_ =	sdelay $0x4  }
0x20c: {  	[tilespmem:s4+$0xA148] =	vst.add.f32.msk $0xffff, v0  }
0x20d: {  	v0 =	vld [tilespmem:s0+$0xA158];
	_ =	sdelay $0x4  }
0x20e: {  	[tilespmem:s4+$0xA158] =	vst.add.f32.msk $0xffff, v0  }
0x20f: {  	v0 =	vld [tilespmem:s0+$0xA168]  }
.Ltmp38:
0x210: {  	_ = 	snop;
	(pc) =	sbr.rel .LBB2_48-.Ltmp38, $2  }
0x211: {  	_ =	sdelay $0x2  }
0x212: {  	[tilespmem:s4+$0xA168] =	vst.add.f32.msk $0xffff, v0  }
.LBB2_49:
0x213: {  	p1 =	slt.s32 s2, $0x1  }
.Ltmp39:
0x214: {  	_ = 	snop;
	(pc) =	sbr.rel @p1 .LBB2_53-.Ltmp39, $3  }
0x215: {  	_ =	sdelay $0x1  }
0x216: {  	s0 =	simm.s32 $0x8  }
0x217: {  	s3 =	simm.s32 $0x0;
	[sflag:s0] =	ssyncpa.u1 $0x1  }
0x218: {  	s0 =	simm.s32 $0xA118  }
0x219: {  	v0 =	vld.msk [tilespmem:s0+$0x0], $0x1;
	_ =	sdelay $0x4  }
0x21a: {  	(v2sf) =	vpush v0, $0x0;
	_ =	sdelay $0xd  }
0x21b: {  	s2 =	sadd.s32 $0xFFFFFFFF, s2  }
0x21c: {  	p2 =	sne.s32 s2, $0x0;
	s0 =	spop (v2sf)  }
.Ltmp40:
0x21d: {  	p1 =	sgt.u32 s0, $0x270F8;
	(pc) =	sbr.rel @!p2 .LBB2_52-.Ltmp40, $4  }
0x21e: {  	s4 =	simm.s32 $0xA138;
	s5 =	sand.u32 @!p1 $0x3FFF8, s0  }
0x21f: {  	s6 =	simm.s32 $0x0;
	s0 =	sand.u32 @!p1 $0x7, s0;
	s5 =	sadd.s32 @!p1 s1, s5  }
0x220: {  	[hbm4b:s5+s0] =	stream.linear.scatter @!p1 [tilespmem:s4], [sflag:$0x7], $0x40, $0x38;
	[tilespmem:$0x1EBC8] =	vst v63  }
0x221: {  	s6 =	simm.s32 @!p1 $0x100;
	s5 =	simm.s32 $0xA119  }
.LBB2_51:
0x222: {  	v0 =	vld.msk [tilespmem:s5+$0x0], $0x1;
	s2 =	sadd.s32 $0xFFFFFFFF, s2;
	s3 =	sadd.s32 s3, s6  }
0x223: {  	p1 =	sne.s32 s2, $0x0;
	_ =	sdelay $0x3  }
0x224: {  	(v2sf) =	vpush v0, $0x0;
	_ =	sdelay $0xe  }
.Ltmp41:
0x225: {  	s0 =	spop (v2sf);
	(pc) =	sbr.rel @p1 .LBB2_51-.Ltmp41, $4  }
0x226: {  	s6 =	simm.s32 $0x0;
	p2 =	sgt.u32 s0, $0x270F8  }
0x227: {  	s4 =	sadd.s32 $0x40, s4;
	s6 =	simm.s32 @!p2 $0x100;
	s7 =	sand.u32 @!p2 $0x3FFF8, s0  }
0x228: {  	s5 =	sadd.s32 $0x1, s5;
	s0 =	sand.u32 @!p2 $0x7, s0;
	s7 =	sadd.s32 @!p2 s1, s7  }
0x229: {  	[hbm4b:s7+s0] =	stream.linear.scatter @!p2 [tilespmem:s4], [sflag:$0x7], $0x40, $0x38;
	[tilespmem:$0x1EBC8] =	vst v63  }
.LBB2_52:
0x22a: {  	s0 =	sadd.s32 s3, s6  }
0x22b: {  	s3 =	sshrl.u32 s0, $0x2  }
.LBB2_53:
0x22c: {  	s0 =	simm.s32 $0x7  }
0x22d: {  	_ =	swait.ge [sflag:s0], s3  }
0x22e: {  	s1 =	ssub.s32 $0x0, s3;
	[sflag:s0] =	ssyncset.done $0x0  }
0x22f: {  	[sflag:s0] =	ssyncadd.s32 s1  }
0x230: {  	[sflag:s0] =	ssyncpa.u1 $0x1  }
.LBB2_54:
0x231: {  	_ =	sfence;
	s0 =	simm.s32 $0x1  }
0x232: {  	[sflag:s0] =	ssyncpa.u1 $0x1  }
0x233: {  	_ =	strace $0x90000059  }
0x234: {  	[bflag:$0x2] =	sbarrier.arrive $0xFFFF  }
0x235: {  	s0 =	rddreg [dreg:$0x3]  }
0x236: {  	s0 =	sadd.s32 @!p0 $0x100000, s0  }
0x237: {  	[sflag:s0] =	ssyncadd.tile.s32 @!p0 $0x1;
	_ =	shalt  }
.Lfunc_end2:
_tile_overlayer_lowered:
.L_overlay_start_2:
0x238: {  	(tag) =	ssettag $0x2  }
0x239: {  	s0 =	rddreg [dreg:$0x0];
	s2 =	stileid.u32  }
0x23a: {  	s1 =	rddreg [dreg:$0x1];
	p0 =	sne.s32 s2, $0x0  }
0x23b: {  	s3 =	rddreg [dreg:$0x2];
	[bflag:$0x3] =	sbarrier.arrive $0xFFFF;
	s2 =	simm.s32 @!p0 $0x1C01  }
0x23c: {  	[timem:s3], [sflag:s2] =	dma.local @!p0 [hbm:s0], s1  }
0x23d: {  	s0 =	simm.s32 @!p0 $0x1  }
0x23e: {  	_ =	swait.ge @!p0 [sflag:s0], s1  }
0x23f: {  	s1 =	ssub.s32 @!p0 $0x0, s1;
	[sflag:s0] =	ssyncset.done @!p0 $0x0  }
0x240: {  	[sflag:s0] =	ssyncadd.s32 @!p0 s1  }
0x241: {  	[bflag:$0x3] =	sbarrier.arrive $0xFFFF  }
0x242: {  	_ =	shalt  }

// kernel: scatter_offload_async_start.2
scs
__scs_entry_jumppad:
0x0: {  	(pc) =	sbr.rel $0x88, $3  }
0x1: {  	(tag) =	ssettag $0x0;
	lr =	simm.s32 $0x1  }
0x2: {  	[smem:$0x3F86] =	sst lr;
	_ =	strace $0xD0000000  }
0x3: {  	_ = 	snop  }
0x4: {  	_ = 	snop  }
0x5: {  	_ = 	snop  }
0x6: {  	_ = 	snop  }
0x7: {  	_ = 	snop  }
__scs_overlays_trampoline_lowered:
0x8: {  	[smem:$0x3F95] =	sst s0  }
0x9: {  	[smem:$0x3F96] =	sst s1  }
0xa: {  	[smem:$0x3F97] =	sst s2  }
0xb: {  	[smem:$0x3F98] =	sst s3  }
0xc: {  	[smem:$0x3F99] =	sst s4  }
0xd: {  	[smem:$0x3F9A] =	sst s5  }
0xe: {  	[smem:$0x3F9B] =	sst s6  }
0xf: {  	[smem:$0x3F9C] =	sst s7  }
0x10: {  	[smem:$0x3F9D] =	sst s8  }
0x11: {  	[smem:$0x3F9E] =	sst s9;
	s0 =	simm.s32 @!p0 $0x0  }
0x12: {  	s1 =	sld [smem:$0x3F84];
	s0 =	simm.s32 @p0 $0x1  }
0x13: {  	[smem:$0x3F9F] =	sst s0;
	s0 =	simm.s32 @!p1 $0x0  }
0x14: {  	s2 =	sld [smem:$0x3F83];
	s0 =	simm.s32 @p1 $0x1  }
0x15: {  	[smem:$0x3FA0] =	sst s0;
	s0 =	simm.s32 @!p2 $0x0  }
0x16: {  	s3 =	sld [smem:$0x3FDB];
	s0 =	simm.s32 @p2 $0x1  }
0x17: {  	s4 =	simm.s32 $0x1BF5;
	[smem:$0x3FA2] =	sst s0  }
0x18: {  	s0 =	sld [smem:$0x3F85];
	_ =	swait.ge [sflag:s4], $0x0  }
0x19: {  	s7 =	sld [smem:$0x3F86]  }
0x1a: {  	s8 =	sadd.s32 $0xFFFFE003, lr  }
0x1b: {  	s9 =	sadd.s32 $0xFFFFFEF7, lr;
	s5 =	simm.s32 $0xFFFFFFFF;
	p2 =	slt.u32 s8, $0xFFFFF086  }
0x1c: {  	p1 =	slt.u32 s9, $0xF7A;
	s5 =	simm.s32 @!p2 $0x0  }
0x1d: {  	s5 =	simm.s32 @p1 $0x1;
	p0 =	seq.s32 s7, s2  }
0x1e: {  	s7 =	smul.u32 @!p0 $0xF7A, s2;
	p2 =	seq.s32 @!p0 s5, $0x0  }
0x1f: {  	s9 =	smul.u32 $0xF7A, s1;
	s8 =	simm.s32 @!p0 $0x1BF5;
	p2 =	por !p2, p0  }
0x20: {  	[sflag:s8] =	ssyncset.s32 @!p0 $0xFFFFF086;
	s6 =	sadd.s32 @!p0 s3, s7;
	s7 =	simm.s32 @!p0 $0x108  }
0x21: {  	s3 =	sadd.s32 s3, s9;
	s6 =	sadd.s32 @!p0 $0x88, s6;
	s7 =	simm.s32 @p2 $0x1082  }
0x22: {  	[simem:s7], [sflag:s8] =	dma.local @!p0 [hbm:s6], $0xF7A  }
0x23: {  	s9 =	sor.u32 $0xD0000000, s2;
	s6 =	simm.s32 $0x108;
	_ =	swait.ge @!p0 [sflag:s8], $0x0  }
0x24: {  	s3 =	sadd.s32 $0x88, s3;
	s6 =	simm.s32 @!p1 $0x1082;
	[sflag:s4] =	ssyncset.s32 $0xFFFFF086  }
0x25: {  	[simem:s6], [sflag:s4] =	dma.local [hbm:s3], $0xF7A  }
0x26: {  	[smem:$0x3F86] =	sst s1;
	(tag) =	ssettag s2;
	_ =	strace s9  }
0x27: {  	s1 =	sld [smem:$0x3F96]  }
0x28: {  	s2 =	sld [smem:$0x3F97]  }
0x29: {  	s4 =	sld [smem:$0x3F99]  }
0x2a: {  	p0 =	seq.s32 s5, $0x0;
	s5 =	sld [smem:$0x3F9A]  }
0x2b: {  	s6 =	sld [smem:$0x3F9B]  }
0x2c: {  	s7 =	sld [smem:$0x3F9C]  }
0x2d: {  	s3 =	simm.s32 $0x108;
	s8 =	sld [smem:$0x3F9D]  }
0x2e: {  	s3 =	simm.s32 @!p0 $0x1082;
	s9 =	sld [smem:$0x3F9E]  }
0x2f: {  	lr =	sadd.s32 s0, s3;
	s0 =	sld [smem:$0x3F95]  }
0x30: {  	s3 =	sld [smem:$0x3F98]  }
0x31: {  	[smem:$0x3FA1] =	sst s10  }
0x32: {  	s10 =	sld [smem:$0x3F9F];
	_ =	sdelay $0x3  }
0x33: {  	p0 =	seq.s32 s10, $0x1;
	s10 =	sld [smem:$0x3FA1];
	_ =	sdelay $0x3  }
0x34: {  	[smem:$0x3FA1] =	sst s10  }
0x35: {  	s10 =	sld [smem:$0x3FA0];
	_ =	sdelay $0x3  }
0x36: {  	p1 =	seq.s32 s10, $0x1;
	s10 =	sld [smem:$0x3FA1];
	_ =	sdelay $0x3  }
0x37: {  	[smem:$0x3FA1] =	sst s10  }
0x38: {  	s10 =	sld [smem:$0x3FA2]  }
0x39: {  	_ = 	snop;
	(pc) =	sbr.ind lr, $3  }
0x3a: {  	_ = 	snop  }
0x3b: {  	_ = 	snop  }
0x3c: {  	p2 =	seq.s32 s10, $0x1;
	s10 =	sld [smem:$0x3FA1]  }
0x3d: {  	_ =	shalt  }
0x3e: {  	_ =	shalt  }
0x3f: {  	_ =	shalt  }
0x40: {  	_ =	shalt  }
0x41: {  	_ =	shalt  }
0x42: {  	_ =	shalt  }
0x43: {  	_ =	shalt  }
0x44: {  	_ =	shalt  }
0x45: {  	_ =	shalt  }
0x46: {  	_ =	shalt  }
0x47: {  	_ =	shalt  }
0x48: {  	_ =	shalt  }
0x49: {  	_ =	shalt  }
0x4a: {  	_ =	shalt  }
0x4b: {  	_ =	shalt  }
0x4c: {  	_ =	shalt  }
0x4d: {  	_ =	shalt  }
0x4e: {  	_ =	shalt  }
0x4f: {  	_ =	shalt  }
0x50: {  	_ =	shalt  }
0x51: {  	_ =	shalt  }
0x52: {  	_ =	shalt  }
0x53: {  	_ =	shalt  }
0x54: {  	_ =	shalt  }
0x55: {  	_ =	shalt  }
0x56: {  	_ =	shalt  }
0x57: {  	_ =	shalt  }
0x58: {  	_ =	shalt  }
0x59: {  	_ =	shalt  }
0x5a: {  	_ =	shalt  }
0x5b: {  	_ =	shalt  }
0x5c: {  	_ =	shalt  }
0x5d: {  	_ =	shalt  }
0x5e: {  	_ =	shalt  }
0x5f: {  	_ =	shalt  }
0x60: {  	_ =	shalt  }
0x61: {  	_ =	shalt  }
0x62: {  	_ =	shalt  }
0x63: {  	_ =	shalt  }
0x64: {  	_ =	shalt  }
0x65: {  	_ =	shalt  }
0x66: {  	_ =	shalt  }
0x67: {  	_ =	shalt  }
0x68: {  	_ =	shalt  }
0x69: {  	_ =	shalt  }
0x6a: {  	_ =	shalt  }
0x6b: {  	_ =	shalt  }
0x6c: {  	_ =	shalt  }
0x6d: {  	_ =	shalt  }
0x6e: {  	_ =	shalt  }
0x6f: {  	_ =	shalt  }
0x70: {  	_ =	shalt  }
0x71: {  	_ =	shalt  }
0x72: {  	_ =	shalt  }
0x73: {  	_ =	shalt  }
0x74: {  	_ =	shalt  }
0x75: {  	_ =	shalt  }
0x76: {  	_ =	shalt  }
0x77: {  	_ =	shalt  }
0x78: {  	_ =	shalt  }
0x79: {  	_ =	shalt  }
0x7a: {  	_ =	shalt  }
0x7b: {  	_ =	shalt  }
0x7c: {  	_ =	shalt  }
0x7d: {  	_ =	shalt  }
0x7e: {  	_ =	shalt  }
0x7f: {  	_ =	shalt  }
0x80: {  	_ =	shalt  }
0x81: {  	_ =	shalt  }
0x82: {  	_ =	shalt  }
0x83: {  	_ =	shalt  }
0x84: {  	_ =	shalt  }
0x85: {  	_ =	shalt  }
0x86: {  	_ =	shalt  }
0x87: {  	_ =	shalt  }
.Lfunc_end0:
.L_simem_size_0:
called_computation.2_lowered:
.L_overlay_start_0:
0x88: {  	s2 =	sld [smem:$0x3FD9]  }
0x89: {  	s3 =	sld [smem:$0x3FFE];
	_ =	sdelay $0x1  }
0x8a: {  	s1 =	srdreg.scid  }
0x8b: {  	s0 =	sand.u32 $0x1, s1  }
0x8c: {  	s15 =	sshll.u32 s0, $0xA;
	s2 =	sadd.s32 s3, s2  }
0x8d: {  	s2 =	sadd.s32 s2, s15  }
0x8e: {  	[smem:$0x3FAD] =	sst s2  }
0x8f: {  	_ = 	snop  }
0x90: {  	(tm) =	ssettm $0x1  }
0x91: {  	s16 =	sld [smem:$0x3FFB];
	_ =	sdelay $0x3  }
0x92: {  	_ =	strace s16  }
0x93: {  	s2 =	sld [smem:$0x3FFC];
	_ =	sdelay $0x3  }
0x94: {  	_ =	strace s2  }
0x95: {  	s2 =	sld [smem:$0x3FFD];
	_ =	sdelay $0x3  }
0x96: {  	_ =	strace s2  }
0x97: {  	_ =	strace $0x8FFFFFFF  }
0x98: {  	s17 =	sld [smem:$0x3FDB];
	_ =	sdelay $0x1  }
0x99: {  	s18 =	simm.s32 $_scs_section_size  }
0x9a: {  	s4 =	simm.s32 $_size__tile_overlayer_lowered;
	s5 =	simm.s32 $_tile_overlayer_lowered  }
0x9b: {  	s21 =	simm.s32 $0x1BFF;
	s20 =	sshll.u32 s5, $0x1;
	s2 =	sadd.s32 s18, s17  }
0x9c: {  	s6 =	simm.s32 $0x0;
	s19 =	sshll.u32 s4, $0x1;
	s4 =	sadd.s32 s20, s2  }
0x9d: {  	[timem:s6], [sflag:s21] =	dma.local [hbm:s4], s19  }
0x9e: {  	_ =	swait.ge [sflag:s21], s19  }
0x9f: {  	s3 =	ssub.s32 $0x0, s19;
	[sflag:s21] =	ssyncset.done $0x0  }
0xa0: {  	[sflag:s21] =	ssyncadd.s32 s3;
	_ =	sdelay $0x1  }
0xa1: {  	s22 =	simm.s32 $0x1B8B  }
0xa2: {  	_ =	swait.ge [sflag:s22], $0x1  }
0xa3: {  	[sflag:s22] =	ssyncset.done $0x0  }
0xa4: {  	s23 =	sld [smem:$0x3FFE];
	[sflag:s22] =	ssyncadd.s32 $0xFFFFFFFF  }
0xa5: {  	s25 =	simm.s32 $0x1B8E;
	s24 =	sld [smem:$0x0]  }
0xa6: {  	s26 =	simm.s32 $execute0_lowered;
	[smem:$0x3FD2] =	sst s25  }
0xa7: {  	s5 =	sshll.u32 s26, $0x1;
	_ =	strace $0x80000061;
	[dreg:$0x1] =	wrdreg $0xFFFFFFFF  }
0xa8: {  	s28 =	simm.s32 $_size_execute0_lowered;
	s2 =	sadd.s32 s2, s5;
	[dreg:$0x0] =	wrdreg $0x0  }
0xa9: {  	s5 =	sshll.u32 s28, $0x1;
	[dreg:$0x2] =	wrdreg s2  }
0xaa: {  	[dreg:$0x3] =	wrdreg s5  }
0xab: {  	[dreg:$0x4] =	wrdreg $0xC0  }
0xac: {  	_ =	task [dreg:s6], $0x5FFFF  }
0xad: {  	[dreg:$0x1] =	wrdreg $0xFFFFFFFF  }
0xae: {  	[dreg:$0x0] =	wrdreg $0x60  }
0xaf: {  	[dreg:$0x2] =	wrdreg s23  }
0xb0: {  	[dreg:$0x3] =	wrdreg s1  }
0xb1: {  	[dreg:$0x4] =	wrdreg s24  }
0xb2: {  	[dreg:$0x5] =	wrdreg $0x9  }
0xb3: {  	_ =	task.clear_ibuf [dreg:s6], $0x6FFFF;
	_ =	strace $0x90000061  }
0xb4: {  	s29 =	simm.s32 $0x9;
	_ =	strace $0x80000063  }
0xb5: {  	_ =	swait.ge [sflag:s29], $0x1  }
0xb6: {  	[sflag:s29] =	ssyncadd.s32 $0xFFFFFFFF  }
0xb7: {  	_ =	strace $0x90000063  }
0xb8: {  	_ =	sfence  }
0xb9: {  	s30 =	sld [smem:$0x0];
	_ =	sdelay $0x2  }
0xba: {  	s31 =	sshll.u32 s1, $0xD;
	s1 =	sshrl.u32 s1, $0x2  }
0xbb: {  	s3 =	sand.u32 $0x4000, s31;
	s1 =	sadd.s32 s1, s30  }
0xbc: {  	s0 =	sor.u32 s3, s0;
	s1 =	sshll.u32 s1, $0x11  }
0xbd: {  	s0 =	sor.u32 s1, s0  }
0xbe: {  	s0 =	sadd.s32 $0x8F2B, s0  }
0xbf: {  	[sflag:s0] =	ssyncadd.remote.s32 $0x1  }
0xc0: {  	_ =	sfence.sel $0xFFFF  }
0xc1: {  	[dreg:$0x0] =	wrdreg $0xFFFFFFFF;
	(pc) =	sbr.abs _section_cstart, $3  }
0xc2: {  	[dreg:$0x1] =	wrdreg $0xFFFFFFFF  }
0xc3: {  	_ =	task.clear_ibuf [dreg:s6], $0x2FFFF;
	_ =	strace $0x9FFFFFFF  }
0xc4: {  	(tm) =	ssettm $0x7FFFFFFF  }
0xc5: {  	_ =	shalt  }
tec
execute0_lowered:
.L_overlay_start_1:
0x0: {  	(tag) =	ssettag $0x1  }
0x1: {  	s6 =	rddreg [dreg:$0x0];
	_ =	strace $0x80000062;
	s5 =	simm.s32 $0x1  }
0x2: {  	v0 =	vimm.s32 $0x0;
	[sflag:s5] =	ssyncpa.u1 $0x0  }
0x3: {  	[tilespmem:$0x28] =	vst v0  }
0x4: {  	[tilespmem:$0x38] =	vst v0  }
0x5: {  	[tilespmem:$0x48] =	vst v0  }
0x6: {  	[tilespmem:$0x58] =	vst v0  }
0x7: {  	[tilespmem:$0x68] =	vst v0  }
0x8: {  	[tilespmem:$0x78] =	vst v0  }
0x9: {  	[tilespmem:$0x88] =	vst v0  }
0xa: {  	[tilespmem:$0x98] =	vst v0  }
0xb: {  	[tilespmem:$0xA8] =	vst v0  }
0xc: {  	[tilespmem:$0xB8] =	vst v0  }
0xd: {  	[tilespmem:$0xC8] =	vst v0  }
0xe: {  	[tilespmem:$0xD8] =	vst v0  }
0xf: {  	[tilespmem:$0xE8] =	vst v0  }
0x10: {  	[tilespmem:$0xF8] =	vst v0  }
0x11: {  	[tilespmem:$0x108] =	vst v0  }
0x12: {  	[tilespmem:$0x118] =	vst v0  }
0x13: {  	[tilespmem:$0x128] =	vst v0  }
0x14: {  	[tilespmem:$0x138] =	vst v0  }
0x15: {  	[tilespmem:$0x148] =	vst v0  }
0x16: {  	[tilespmem:$0x158] =	vst v0  }
0x17: {  	[tilespmem:$0x168] =	vst v0  }
0x18: {  	[tilespmem:$0x178] =	vst v0  }
0x19: {  	[tilespmem:$0x188] =	vst v0  }
0x1a: {  	[tilespmem:$0x198] =	vst v0  }
0x1b: {  	[tilespmem:$0x1A8] =	vst v0  }
0x1c: {  	[tilespmem:$0x1B8] =	vst v0  }
0x1d: {  	[tilespmem:$0x1C8] =	vst v0  }
0x1e: {  	[tilespmem:$0x1D8] =	vst v0  }
0x1f: {  	[tilespmem:$0x1E8] =	vst v0  }
0x20: {  	[tilespmem:$0x1F8] =	vst v0  }
0x21: {  	[tilespmem:$0x208] =	vst v0  }
0x22: {  	[tilespmem:$0x218] =	vst v0  }
0x23: {  	[tilespmem:$0x228] =	vst v0  }
0x24: {  	[tilespmem:$0x238] =	vst v0  }
0x25: {  	[tilespmem:$0x248] =	vst v0  }
0x26: {  	[tilespmem:$0x258] =	vst v0  }
0x27: {  	[tilespmem:$0x268] =	vst v0  }
0x28: {  	[tilespmem:$0x278] =	vst v0  }
0x29: {  	[tilespmem:$0x288] =	vst v0  }
0x2a: {  	[tilespmem:$0x298] =	vst v0  }
0x2b: {  	[tilespmem:$0x2A8] =	vst v0  }
0x2c: {  	[tilespmem:$0x2B8] =	vst v0  }
0x2d: {  	[tilespmem:$0x2C8] =	vst v0  }
0x2e: {  	[tilespmem:$0x2D8] =	vst v0  }
0x2f: {  	[tilespmem:$0x2E8] =	vst v0  }
0x30: {  	[tilespmem:$0x2F8] =	vst v0  }
0x31: {  	[tilespmem:$0x308] =	vst v0  }
0x32: {  	[tilespmem:$0x318] =	vst v0  }
0x33: {  	[tilespmem:$0x328] =	vst v0  }
0x34: {  	[tilespmem:$0x338] =	vst v0  }
0x35: {  	[tilespmem:$0x348] =	vst v0  }
0x36: {  	[tilespmem:$0x358] =	vst v0  }
0x37: {  	[tilespmem:$0x368] =	vst v0  }
0x38: {  	[tilespmem:$0x378] =	vst v0  }
0x39: {  	[tilespmem:$0x388] =	vst v0  }
0x3a: {  	[tilespmem:$0x398] =	vst v0  }
0x3b: {  	[tilespmem:$0x3A8] =	vst v0  }
0x3c: {  	[tilespmem:$0x3B8] =	vst v0  }
0x3d: {  	[tilespmem:$0x3C8] =	vst v0  }
0x3e: {  	[tilespmem:$0x3D8] =	vst v0  }
0x3f: {  	[tilespmem:$0x3E8] =	vst v0  }
0x40: {  	[tilespmem:$0x3F8] =	vst v0  }
0x41: {  	[tilespmem:$0x408] =	vst v0  }
0x42: {  	[tilespmem:$0x418] =	vst v0  }
0x43: {  	[tilespmem:$0x428] =	vst v0  }
0x44: {  	[tilespmem:$0x438] =	vst v0  }
0x45: {  	[tilespmem:$0x448] =	vst v0  }
0x46: {  	[tilespmem:$0x458] =	vst v0  }
0x47: {  	[tilespmem:$0x468] =	vst v0  }
0x48: {  	[tilespmem:$0x478] =	vst v0  }
0x49: {  	[tilespmem:$0x488] =	vst v0  }
0x4a: {  	[tilespmem:$0x498] =	vst v0  }
0x4b: {  	[tilespmem:$0x4A8] =	vst v0  }
0x4c: {  	[tilespmem:$0x4B8] =	vst v0  }
0x4d: {  	[tilespmem:$0x4C8] =	vst v0  }
0x4e: {  	[tilespmem:$0x4D8] =	vst v0  }
0x4f: {  	[tilespmem:$0x4E8] =	vst v0  }
0x50: {  	[tilespmem:$0x4F8] =	vst v0  }
0x51: {  	[tilespmem:$0x508] =	vst v0  }
0x52: {  	[tilespmem:$0x518] =	vst v0  }
0x53: {  	[tilespmem:$0x528] =	vst v0  }
0x54: {  	[tilespmem:$0x538] =	vst v0  }
0x55: {  	[tilespmem:$0x548] =	vst v0  }
0x56: {  	[tilespmem:$0x558] =	vst v0  }
0x57: {  	[tilespmem:$0x568] =	vst v0  }
0x58: {  	[tilespmem:$0x578] =	vst v0  }
0x59: {  	[tilespmem:$0x588] =	vst v0  }
0x5a: {  	[tilespmem:$0x598] =	vst v0  }
0x5b: {  	[tilespmem:$0x5A8] =	vst v0  }
0x5c: {  	[tilespmem:$0x5B8] =	vst v0  }
0x5d: {  	[tilespmem:$0x5C8] =	vst v0  }
0x5e: {  	[tilespmem:$0x5D8] =	vst v0  }
0x5f: {  	[tilespmem:$0x5E8] =	vst v0  }
0x60: {  	[tilespmem:$0x5F8] =	vst v0  }
0x61: {  	[tilespmem:$0x608] =	vst v0  }
0x62: {  	[tilespmem:$0x618] =	vst v0  }
0x63: {  	[tilespmem:$0x628] =	vst v0  }
0x64: {  	[tilespmem:$0x638] =	vst v0  }
0x65: {  	[tilespmem:$0x648] =	vst v0  }
0x66: {  	[tilespmem:$0x658] =	vst v0  }
0x67: {  	[tilespmem:$0x668] =	vst v0  }
0x68: {  	[tilespmem:$0x678] =	vst v0  }
0x69: {  	[tilespmem:$0x688] =	vst v0  }
0x6a: {  	[tilespmem:$0x698] =	vst v0  }
0x6b: {  	[tilespmem:$0x6A8] =	vst v0  }
0x6c: {  	[tilespmem:$0x6B8] =	vst v0  }
0x6d: {  	[tilespmem:$0x6C8] =	vst v0  }
0x6e: {  	[tilespmem:$0x6D8] =	vst v0  }
0x6f: {  	[tilespmem:$0x6E8] =	vst v0  }
0x70: {  	[tilespmem:$0x6F8] =	vst v0  }
0x71: {  	[tilespmem:$0x708] =	vst v0  }
0x72: {  	[tilespmem:$0x718] =	vst v0  }
0x73: {  	[tilespmem:$0x728] =	vst v0  }
0x74: {  	[tilespmem:$0x738] =	vst v0  }
0x75: {  	[tilespmem:$0x748] =	vst v0  }
0x76: {  	[tilespmem:$0x758] =	vst v0  }
0x77: {  	[tilespmem:$0x768] =	vst v0  }
0x78: {  	[tilespmem:$0x778] =	vst v0  }
0x79: {  	[tilespmem:$0x788] =	vst v0  }
0x7a: {  	[tilespmem:$0x798] =	vst v0  }
0x7b: {  	[tilespmem:$0x7A8] =	vst v0  }
0x7c: {  	[tilespmem:$0x7B8] =	vst v0  }
0x7d: {  	[tilespmem:$0x7C8] =	vst v0  }
0x7e: {  	[tilespmem:$0x7D8] =	vst v0  }
0x7f: {  	[tilespmem:$0x7E8] =	vst v0  }
0x80: {  	[tilespmem:$0x7F8] =	vst v0  }
0x81: {  	[tilespmem:$0x808] =	vst v0  }
0x82: {  	[tilespmem:$0x818] =	vst v0  }
0x83: {  	[tilespmem:$0x828] =	vst v0  }
0x84: {  	[tilespmem:$0x838] =	vst v0  }
0x85: {  	[tilespmem:$0x848] =	vst v0  }
0x86: {  	[tilespmem:$0x858] =	vst v0  }
0x87: {  	[tilespmem:$0x868] =	vst v0  }
0x88: {  	[tilespmem:$0x878] =	vst v0  }
0x89: {  	[tilespmem:$0x888] =	vst v0  }
0x8a: {  	[tilespmem:$0x898] =	vst v0  }
0x8b: {  	[tilespmem:$0x8A8] =	vst v0  }
0x8c: {  	[tilespmem:$0x8B8] =	vst v0  }
0x8d: {  	[tilespmem:$0x8C8] =	vst v0  }
0x8e: {  	[tilespmem:$0x8D8] =	vst v0  }
0x8f: {  	[tilespmem:$0x8E8] =	vst v0  }
0x90: {  	[tilespmem:$0x8F8] =	vst v0  }
0x91: {  	[tilespmem:$0x908] =	vst v0  }
0x92: {  	[tilespmem:$0x918] =	vst v0  }
0x93: {  	[tilespmem:$0x928] =	vst v0  }
0x94: {  	[tilespmem:$0x938] =	vst v0  }
0x95: {  	[tilespmem:$0x948] =	vst v0  }
0x96: {  	[tilespmem:$0x958] =	vst v0  }
0x97: {  	[tilespmem:$0x968] =	vst v0  }
0x98: {  	[tilespmem:$0x978] =	vst v0  }
0x99: {  	[tilespmem:$0x988] =	vst v0  }
0x9a: {  	[tilespmem:$0x998] =	vst v0  }
0x9b: {  	[tilespmem:$0x9A8] =	vst v0  }
0x9c: {  	[tilespmem:$0x9B8] =	vst v0  }
0x9d: {  	[tilespmem:$0x9C8] =	vst v0  }
0x9e: {  	[tilespmem:$0x9D8] =	vst v0  }
0x9f: {  	[tilespmem:$0x9E8] =	vst v0  }
0xa0: {  	[tilespmem:$0x9F8] =	vst v0  }
0xa1: {  	[tilespmem:$0xA08] =	vst v0  }
0xa2: {  	[tilespmem:$0xA18] =	vst v0  }
0xa3: {  	[tilespmem:$0xA28] =	vst v0  }
0xa4: {  	[tilespmem:$0xA38] =	vst v0  }
0xa5: {  	[tilespmem:$0xA48] =	vst v0  }
0xa6: {  	[tilespmem:$0xA58] =	vst v0  }
0xa7: {  	[tilespmem:$0xA68] =	vst v0  }
0xa8: {  	[tilespmem:$0xA78] =	vst v0  }
0xa9: {  	[tilespmem:$0xA88] =	vst v0  }
0xaa: {  	[tilespmem:$0xA98] =	vst v0  }
0xab: {  	[tilespmem:$0xAA8] =	vst v0  }
0xac: {  	[tilespmem:$0xAB8] =	vst v0  }
0xad: {  	[tilespmem:$0xAC8] =	vst v0  }
0xae: {  	[tilespmem:$0xAD8] =	vst v0  }
0xaf: {  	[tilespmem:$0xAE8] =	vst v0  }
0xb0: {  	[tilespmem:$0xAF8] =	vst v0  }
0xb1: {  	[tilespmem:$0xB08] =	vst v0  }
0xb2: {  	[tilespmem:$0xB18] =	vst v0  }
0xb3: {  	[tilespmem:$0xB28] =	vst v0  }
0xb4: {  	[tilespmem:$0xB38] =	vst v0  }
0xb5: {  	[tilespmem:$0xB48] =	vst v0  }
0xb6: {  	[tilespmem:$0xB58] =	vst v0  }
0xb7: {  	[tilespmem:$0xB68] =	vst v0  }
0xb8: {  	[tilespmem:$0xB78] =	vst v0  }
0xb9: {  	[tilespmem:$0xB88] =	vst v0  }
0xba: {  	[tilespmem:$0xB98] =	vst v0  }
0xbb: {  	[tilespmem:$0xBA8] =	vst v0  }
0xbc: {  	[tilespmem:$0xBB8] =	vst v0  }
0xbd: {  	[tilespmem:$0xBC8] =	vst v0  }
0xbe: {  	[tilespmem:$0xBD8] =	vst v0  }
0xbf: {  	[tilespmem:$0xBE8] =	vst v0  }
0xc0: {  	[tilespmem:$0xBF8] =	vst v0  }
0xc1: {  	[tilespmem:$0xC08] =	vst v0  }
0xc2: {  	[tilespmem:$0xC18] =	vst v0  }
0xc3: {  	[tilespmem:$0xC28] =	vst v0  }
0xc4: {  	[tilespmem:$0xC38] =	vst v0  }
0xc5: {  	[tilespmem:$0xC48] =	vst v0  }
0xc6: {  	[tilespmem:$0xC58] =	vst v0  }
0xc7: {  	[tilespmem:$0xC68] =	vst v0  }
0xc8: {  	[tilespmem:$0xC78] =	vst v0  }
0xc9: {  	[tilespmem:$0xC88] =	vst v0  }
0xca: {  	[tilespmem:$0xC98] =	vst v0  }
0xcb: {  	[tilespmem:$0xCA8] =	vst v0  }
0xcc: {  	[tilespmem:$0xCB8] =	vst v0  }
0xcd: {  	[tilespmem:$0xCC8] =	vst v0  }
0xce: {  	[tilespmem:$0xCD8] =	vst v0  }
0xcf: {  	[tilespmem:$0xCE8] =	vst v0  }
0xd0: {  	[tilespmem:$0xCF8] =	vst v0  }
0xd1: {  	[tilespmem:$0xD08] =	vst v0  }
0xd2: {  	[tilespmem:$0xD18] =	vst v0  }
0xd3: {  	[tilespmem:$0xD28] =	vst v0  }
0xd4: {  	[tilespmem:$0xD38] =	vst v0  }
0xd5: {  	[tilespmem:$0xD48] =	vst v0  }
0xd6: {  	[tilespmem:$0xD58] =	vst v0  }
0xd7: {  	[tilespmem:$0xD68] =	vst v0  }
0xd8: {  	[tilespmem:$0xD78] =	vst v0  }
0xd9: {  	[tilespmem:$0xD88] =	vst v0  }
0xda: {  	[tilespmem:$0xD98] =	vst v0  }
0xdb: {  	[tilespmem:$0xDA8] =	vst v0  }
0xdc: {  	[tilespmem:$0xDB8] =	vst v0  }
0xdd: {  	[tilespmem:$0xDC8] =	vst v0  }
0xde: {  	[tilespmem:$0xDD8] =	vst v0  }
0xdf: {  	[tilespmem:$0xDE8] =	vst v0  }
0xe0: {  	[tilespmem:$0xDF8] =	vst v0  }
0xe1: {  	[tilespmem:$0xE08] =	vst v0  }
0xe2: {  	[tilespmem:$0xE18] =	vst v0  }
0xe3: {  	[tilespmem:$0xE28] =	vst v0  }
0xe4: {  	[tilespmem:$0xE38] =	vst v0  }
0xe5: {  	[tilespmem:$0xE48] =	vst v0  }
0xe6: {  	[tilespmem:$0xE58] =	vst v0  }
0xe7: {  	[tilespmem:$0xE68] =	vst v0  }
0xe8: {  	[tilespmem:$0xE78] =	vst v0  }
0xe9: {  	[tilespmem:$0xE88] =	vst v0  }
0xea: {  	[tilespmem:$0xE98] =	vst v0  }
0xeb: {  	[tilespmem:$0xEA8] =	vst v0  }
0xec: {  	[tilespmem:$0xEB8] =	vst v0  }
0xed: {  	[tilespmem:$0xEC8] =	vst v0  }
0xee: {  	[tilespmem:$0xED8] =	vst v0  }
0xef: {  	[tilespmem:$0xEE8] =	vst v0  }
0xf0: {  	[tilespmem:$0xEF8] =	vst v0  }
0xf1: {  	[tilespmem:$0xF08] =	vst v0  }
0xf2: {  	[tilespmem:$0xF18] =	vst v0  }
0xf3: {  	[tilespmem:$0xF28] =	vst v0  }
0xf4: {  	[tilespmem:$0xF38] =	vst v0  }
0xf5: {  	[tilespmem:$0xF48] =	vst v0  }
0xf6: {  	[tilespmem:$0xF58] =	vst v0  }
0xf7: {  	[tilespmem:$0xF68] =	vst v0  }
0xf8: {  	[tilespmem:$0xF78] =	vst v0  }
0xf9: {  	[tilespmem:$0xF88] =	vst v0  }
0xfa: {  	[tilespmem:$0xF98] =	vst v0  }
0xfb: {  	[tilespmem:$0xFA8] =	vst v0  }
0xfc: {  	[tilespmem:$0xFB8] =	vst v0  }
0xfd: {  	[tilespmem:$0xFC8] =	vst v0  }
0xfe: {  	[tilespmem:$0xFD8] =	vst v0  }
0xff: {  	[tilespmem:$0xFE8] =	vst v0  }
0x100: {  	[tilespmem:$0xFF8] =	vst v0  }
0x101: {  	[tilespmem:$0x1008] =	vst v0  }
0x102: {  	[tilespmem:$0x10E8] =	vst v0  }
0x103: {  	[tilespmem:$0x1C28] =	vst v0  }
0x104: {  	[tilespmem:$0x1C18] =	vst v0  }
0x105: {  	[tilespmem:$0x1C08] =	vst v0  }
0x106: {  	[tilespmem:$0x1BF8] =	vst v0  }
0x107: {  	[tilespmem:$0x1BE8] =	vst v0  }
0x108: {  	[tilespmem:$0x1BD8] =	vst v0  }
0x109: {  	[tilespmem:$0x1BC8] =	vst v0  }
0x10a: {  	[tilespmem:$0x1BB8] =	vst v0  }
0x10b: {  	[tilespmem:$0x1BA8] =	vst v0  }
0x10c: {  	[tilespmem:$0x1B98] =	vst v0  }
0x10d: {  	[tilespmem:$0x1B88] =	vst v0  }
0x10e: {  	[tilespmem:$0x1B78] =	vst v0  }
0x10f: {  	[tilespmem:$0x1B68] =	vst v0  }
0x110: {  	[tilespmem:$0x1B58] =	vst v0  }
0x111: {  	[tilespmem:$0x1B48] =	vst v0  }
0x112: {  	[tilespmem:$0x1B38] =	vst v0  }
0x113: {  	[tilespmem:$0x1B28] =	vst v0  }
0x114: {  	[tilespmem:$0x1B18] =	vst v0  }
0x115: {  	[tilespmem:$0x1B08] =	vst v0  }
0x116: {  	[tilespmem:$0x1AF8] =	vst v0  }
0x117: {  	[tilespmem:$0x1AE8] =	vst v0  }
0x118: {  	[tilespmem:$0x1AD8] =	vst v0  }
0x119: {  	[tilespmem:$0x1AC8] =	vst v0  }
0x11a: {  	[tilespmem:$0x1AB8] =	vst v0  }
0x11b: {  	[tilespmem:$0x1AA8] =	vst v0  }
0x11c: {  	[tilespmem:$0x1A98] =	vst v0  }
0x11d: {  	[tilespmem:$0x1A88] =	vst v0  }
0x11e: {  	[tilespmem:$0x1A78] =	vst v0  }
0x11f: {  	[tilespmem:$0x1A68] =	vst v0  }
0x120: {  	[tilespmem:$0x1A58] =	vst v0  }
0x121: {  	[tilespmem:$0x1A48] =	vst v0  }
0x122: {  	[tilespmem:$0x1A38] =	vst v0  }
0x123: {  	[tilespmem:$0x1A28] =	vst v0  }
0x124: {  	[tilespmem:$0x1A18] =	vst v0  }
0x125: {  	[tilespmem:$0x1A08] =	vst v0  }
0x126: {  	[tilespmem:$0x19F8] =	vst v0  }
0x127: {  	[tilespmem:$0x19E8] =	vst v0  }
0x128: {  	[tilespmem:$0x19D8] =	vst v0  }
0x129: {  	[tilespmem:$0x19C8] =	vst v0  }
0x12a: {  	[tilespmem:$0x19B8] =	vst v0  }
0x12b: {  	[tilespmem:$0x19A8] =	vst v0  }
0x12c: {  	[tilespmem:$0x1998] =	vst v0  }
0x12d: {  	[tilespmem:$0x1988] =	vst v0  }
0x12e: {  	[tilespmem:$0x1978] =	vst v0  }
0x12f: {  	[tilespmem:$0x1968] =	vst v0  }
0x130: {  	[tilespmem:$0x1958] =	vst v0  }
0x131: {  	[tilespmem:$0x1948] =	vst v0  }
0x132: {  	[tilespmem:$0x1938] =	vst v0  }
0x133: {  	[tilespmem:$0x1928] =	vst v0  }
0x134: {  	[tilespmem:$0x1918] =	vst v0  }
0x135: {  	[tilespmem:$0x1908] =	vst v0  }
0x136: {  	[tilespmem:$0x18F8] =	vst v0  }
0x137: {  	[tilespmem:$0x18E8] =	vst v0  }
0x138: {  	[tilespmem:$0x18D8] =	vst v0  }
0x139: {  	[tilespmem:$0x18C8] =	vst v0  }
0x13a: {  	[tilespmem:$0x18B8] =	vst v0  }
0x13b: {  	[tilespmem:$0x18A8] =	vst v0  }
0x13c: {  	[tilespmem:$0x1898] =	vst v0  }
0x13d: {  	[tilespmem:$0x1888] =	vst v0  }
0x13e: {  	[tilespmem:$0x1878] =	vst v0  }
0x13f: {  	[tilespmem:$0x1868] =	vst v0  }
0x140: {  	[tilespmem:$0x1858] =	vst v0  }
0x141: {  	[tilespmem:$0x1848] =	vst v0  }
0x142: {  	[tilespmem:$0x1838] =	vst v0  }
0x143: {  	[tilespmem:$0x1828] =	vst v0  }
0x144: {  	[tilespmem:$0x1818] =	vst v0  }
0x145: {  	[tilespmem:$0x1808] =	vst v0  }
0x146: {  	[tilespmem:$0x17F8] =	vst v0  }
0x147: {  	[tilespmem:$0x17E8] =	vst v0  }
0x148: {  	[tilespmem:$0x17D8] =	vst v0  }
0x149: {  	[tilespmem:$0x17C8] =	vst v0  }
0x14a: {  	[tilespmem:$0x17B8] =	vst v0  }
0x14b: {  	[tilespmem:$0x17A8] =	vst v0  }
0x14c: {  	[tilespmem:$0x1798] =	vst v0  }
0x14d: {  	[tilespmem:$0x1788] =	vst v0  }
0x14e: {  	[tilespmem:$0x1778] =	vst v0  }
0x14f: {  	[tilespmem:$0x1768] =	vst v0  }
0x150: {  	[tilespmem:$0x1758] =	vst v0  }
0x151: {  	[tilespmem:$0x1748] =	vst v0  }
0x152: {  	[tilespmem:$0x1738] =	vst v0  }
0x153: {  	[tilespmem:$0x1728] =	vst v0  }
0x154: {  	[tilespmem:$0x1718] =	vst v0  }
0x155: {  	[tilespmem:$0x1708] =	vst v0  }
0x156: {  	[tilespmem:$0x16F8] =	vst v0  }
0x157: {  	[tilespmem:$0x16E8] =	vst v0  }
0x158: {  	[tilespmem:$0x16D8] =	vst v0  }
0x159: {  	[tilespmem:$0x16C8] =	vst v0  }
0x15a: {  	[tilespmem:$0x16B8] =	vst v0  }
0x15b: {  	[tilespmem:$0x16A8] =	vst v0  }
0x15c: {  	[tilespmem:$0x1698] =	vst v0  }
0x15d: {  	[tilespmem:$0x1688] =	vst v0  }
0x15e: {  	[tilespmem:$0x1678] =	vst v0  }
0x15f: {  	[tilespmem:$0x1668] =	vst v0  }
0x160: {  	[tilespmem:$0x1658] =	vst v0  }
0x161: {  	[tilespmem:$0x1648] =	vst v0  }
0x162: {  	[tilespmem:$0x1638] =	vst v0  }
0x163: {  	[tilespmem:$0x1628] =	vst v0  }
0x164: {  	[tilespmem:$0x1618] =	vst v0  }
0x165: {  	[tilespmem:$0x1608] =	vst v0  }
0x166: {  	[tilespmem:$0x15F8] =	vst v0  }
0x167: {  	[tilespmem:$0x15E8] =	vst v0  }
0x168: {  	[tilespmem:$0x15D8] =	vst v0  }
0x169: {  	[tilespmem:$0x15C8] =	vst v0  }
0x16a: {  	[tilespmem:$0x15B8] =	vst v0  }
0x16b: {  	[tilespmem:$0x15A8] =	vst v0  }
0x16c: {  	[tilespmem:$0x1598] =	vst v0  }
0x16d: {  	[tilespmem:$0x1588] =	vst v0  }
0x16e: {  	[tilespmem:$0x1578] =	vst v0  }
0x16f: {  	[tilespmem:$0x1568] =	vst v0  }
0x170: {  	[tilespmem:$0x1558] =	vst v0  }
0x171: {  	[tilespmem:$0x1548] =	vst v0  }
0x172: {  	[tilespmem:$0x1538] =	vst v0  }
0x173: {  	[tilespmem:$0x1528] =	vst v0  }
0x174: {  	[tilespmem:$0x1518] =	vst v0  }
0x175: {  	[tilespmem:$0x1508] =	vst v0  }
0x176: {  	[tilespmem:$0x14F8] =	vst v0  }
0x177: {  	[tilespmem:$0x14E8] =	vst v0  }
0x178: {  	[tilespmem:$0x14D8] =	vst v0  }
0x179: {  	[tilespmem:$0x14C8] =	vst v0  }
0x17a: {  	[tilespmem:$0x14B8] =	vst v0  }
0x17b: {  	[tilespmem:$0x14A8] =	vst v0  }
0x17c: {  	[tilespmem:$0x1498] =	vst v0  }
0x17d: {  	[tilespmem:$0x1488] =	vst v0  }
0x17e: {  	[tilespmem:$0x1478] =	vst v0  }
0x17f: {  	[tilespmem:$0x1468] =	vst v0  }
0x180: {  	[tilespmem:$0x1458] =	vst v0  }
0x181: {  	[tilespmem:$0x1448] =	vst v0  }
0x182: {  	[tilespmem:$0x1438] =	vst v0  }
0x183: {  	[tilespmem:$0x1428] =	vst v0  }
0x184: {  	[tilespmem:$0x1418] =	vst v0  }
0x185: {  	[tilespmem:$0x1408] =	vst v0  }
0x186: {  	[tilespmem:$0x13F8] =	vst v0  }
0x187: {  	[tilespmem:$0x13E8] =	vst v0  }
0x188: {  	[tilespmem:$0x13D8] =	vst v0  }
0x189: {  	[tilespmem:$0x13C8] =	vst v0  }
0x18a: {  	[tilespmem:$0x13B8] =	vst v0  }
0x18b: {  	[tilespmem:$0x13A8] =	vst v0  }
0x18c: {  	[tilespmem:$0x1398] =	vst v0  }
0x18d: {  	[tilespmem:$0x1388] =	vst v0  }
0x18e: {  	[tilespmem:$0x1378] =	vst v0  }
0x18f: {  	[tilespmem:$0x1368] =	vst v0  }
0x190: {  	[tilespmem:$0x1358] =	vst v0  }
0x191: {  	[tilespmem:$0x1348] =	vst v0  }
0x192: {  	[tilespmem:$0x1338] =	vst v0  }
0x193: {  	[tilespmem:$0x1328] =	vst v0  }
0x194: {  	[tilespmem:$0x1318] =	vst v0  }
0x195: {  	[tilespmem:$0x1308] =	vst v0  }
0x196: {  	[tilespmem:$0x12F8] =	vst v0  }
0x197: {  	[tilespmem:$0x12E8] =	vst v0  }
0x198: {  	[tilespmem:$0x12D8] =	vst v0  }
0x199: {  	[tilespmem:$0x12C8] =	vst v0  }
0x19a: {  	[tilespmem:$0x12B8] =	vst v0  }
0x19b: {  	[tilespmem:$0x12A8] =	vst v0  }
0x19c: {  	[tilespmem:$0x1298] =	vst v0  }
0x19d: {  	[tilespmem:$0x1288] =	vst v0  }
0x19e: {  	[tilespmem:$0x1278] =	vst v0  }
0x19f: {  	[tilespmem:$0x1268] =	vst v0  }
0x1a0: {  	[tilespmem:$0x1258] =	vst v0  }
0x1a1: {  	[tilespmem:$0x1248] =	vst v0  }
0x1a2: {  	[tilespmem:$0x1238] =	vst v0  }
0x1a3: {  	[tilespmem:$0x1228] =	vst v0  }
0x1a4: {  	[tilespmem:$0x1218] =	vst v0  }
0x1a5: {  	[tilespmem:$0x1208] =	vst v0  }
0x1a6: {  	[tilespmem:$0x11F8] =	vst v0  }
0x1a7: {  	[tilespmem:$0x11E8] =	vst v0  }
0x1a8: {  	[tilespmem:$0x11D8] =	vst v0  }
0x1a9: {  	[tilespmem:$0x11C8] =	vst v0  }
0x1aa: {  	[tilespmem:$0x11B8] =	vst v0  }
0x1ab: {  	[tilespmem:$0x11A8] =	vst v0  }
0x1ac: {  	[tilespmem:$0x1198] =	vst v0  }
0x1ad: {  	[tilespmem:$0x1188] =	vst v0  }
0x1ae: {  	[tilespmem:$0x1178] =	vst v0  }
0x1af: {  	[tilespmem:$0x1168] =	vst v0  }
0x1b0: {  	[tilespmem:$0x1158] =	vst v0  }
0x1b1: {  	s3 =	srdreg.scid;
	[tilespmem:$0x1148] =	vst v0  }
0x1b2: {  	s3 =	sshll.u32 s3, $0x4;
	[tilespmem:$0x1138] =	vst v0  }
0x1b3: {  	s4 =	stileid.u32;
	s3 =	sand.u32 $0x10, s3;
	[tilespmem:$0x1128] =	vst v0  }
0x1b4: {  	[tilespmem:$0x1118] =	vst v0;
	s3 =	sor.u32 s4, s3  }
0x1b5: {  	[tilespmem:$0x1108] =	vst v0;
	s7 =	smul.u32 $0xB, s3  }
0x1b6: {  	s8 =	smin.u32 s3, $0x6;
	[tilespmem:$0x10F8] =	vst v0  }
0x1b7: {  	[tilespmem:$0x10C8] =	vst v0;
	s7 =	sadd.s32 s8, s7  }
0x1b8: {  	[tilespmem:$0x10D8] =	vst v0;
	p0 =	slt.u32 s3, $0x6;
	s8 =	simm.s32 $0x1500;
	s7 =	smul.u32 $0x1C0, s7  }
0x1b9: {  	s8 =	simm.s32 @!p0 $0x1340;
	[tilespmem:$0x10B8] =	vst v0  }
0x1ba: {  	[tilespmem:$0x1048] =	vst v0;
	s29 =	sadd.s32 s8, s7  }
0x1bb: {  	[tilespmem:$0x10A8] =	vst v0;
	s8 =	smin.u32 s29, $0x27280  }
0x1bc: {  	[tilespmem:$0x1098] =	vst v0;
	s12 =	ssub.s32 s8, s7  }
0x1bd: {  	[tilespmem:$0x1088] =	vst v0;
	p0 =	sgt.s32 s12, $0x0  }
0x1be: {  	[tilespmem:$0x1078] =	vst v0;
	s12 =	simm.s32 @!p0 $0x0  }
0x1bf: {  	[tilespmem:$0x1068] =	vst v0;
	s30 =	smulhi.u32 $0x92492493, s12  }
0x1c0: {  	[tilespmem:$0x1058] =	vst v0  }
0x1c1: {  	s9 =	simm.s32 $0x2;
	[tilespmem:$0x1028] =	vst v0;
	s13 =	sshrl.u32 s30, $0x8  }
0x1c2: {  	s11 =	simm.s32 $0x9;
	s15 =	simm.s32 $0x0;
	[tilespmem:$0x1038] =	vst v0;
	s14 =	smul.u32 $0x1C0, s13  }
.Ltmp0:
0x1c3: {  	s31 =	sshll.u32 s4, $0x5;
	[tilespmem:$0x1018] =	vst v0;
	[sflag:s9] =	ssyncpa.u1 $0x0;
	v0 =	vimm.s32 $0xFFFFFFFF;
	(pc) =	sbr.rel .LBB2_1-.Ltmp0, $4  }
0x1c4: {  	s10 =	sadd.s32 $0x5C000, s6;
	[dreg:$0x4] =	wrdreg s31;
	[tilespmem:$0x3848] =	vst v0;
	[sflag:s11] =	ssyncpa.u1 $0x0  }
0x1c5: {  	s3 =	sadd.s32 $0x22A00, s6;
	s6 =	sadd.s32 $0x61000, s6;
	p0 =	sne.s32 s12, s14  }
0x1c6: {  	s12 =	simm.s32 $0xA;
	s14 =	simm.s32 $0x0;
	s5 =	simm.s32 @!p0 $0x0  }
0x1c7: {  	v0 =	vlaneseq.u32;
	p0 =	por $0x0, $0x0;
	s5 =	sadd.s32 s5, s13;
	s13 =	smov.u32 s7  }
.LBB2_12:
0x1c8: {  	_ =	swait.ge [sflag:s9], $0x0  }
0x1c9: {  	s16 =	simm.s32 $0x0;
	[sflag:s9] =	ssyncset.done $0x0  }
.LBB2_13:
0x1ca: {  	_ =	swait.ge [sflag:s12], s16  }
0x1cb: {  	s0 =	ssub.s32 $0x0, s16;
	v1 =	vmov s17;
	vm0 =	veq.s32 v0, $0x0;
	[sflag:s12] =	ssyncset.done $0x0  }
0x1cc: {  	vm15 =	veq.s32 v0, $0x2;
	v1 =	vsel vm0, s22, v1;
	[sflag:s12] =	ssyncadd.s32 s0  }
0x1cd: {  	v1 =	vsel vm15, s15, v1;
	[sflag:s12] =	ssyncpa.u1 $0x1  }
0x1ce: {  	[tilespmem:$0x3848] =	vst v1  }
.LBB2_14:
0x1cf: {  	s0 =	sadd.s32 $0x1C0, s13  }
0x1d0: {  	s1 =	smov.u32 s7;
	p1 =	slt.s32 s0, s8  }
0x1d1: {  	s1 =	smov.u32 @p1 s0;
	p1 =	sne.s32 s14, s5  }
.Ltmp1:
0x1d2: {  	_ = 	snop;
	(pc) =	sbr.rel @!p1 .LBB2_15-.Ltmp1, $3  }
0x1d3: {  	_ =	sdelay $0x1  }
0x1d4: {  	s31 =	sadd.s32 $0x1, s14;
	s15 =	smov.u32 s13  }
0x1d5: {  	p0 =	por !p0, !p0;
	s14 =	smov.u32 s31;
	s13 =	smov.u32 s1  }
.LBB2_1:
0x1d6: {  	p1 =	sge.u32 s14, s5  }
0x1d7: {  	p2 =	sgt.s32 @!p1 s13, $0x270C0  }
0x1d8: {  	s16 =	smov.u32 s13;
	s17 =	sshra.s32 @!p1 s13, $0x1F;
	p2 =	por !p2, p1  }
0x1d9: {  	s17 =	sand.u32 @!p1 s17, s13;
	s16 =	simm.s32 @p2 $0x270C0  }
0x1da: {  	s16 =	ssub.s32 @!p1 s16, s17  }
0x1db: {  	s17 =	sxor.u32 @!p1 $0xFFFFFFFF, s14;
	s16 =	sadd.s32 @!p1 $0xFFFD8F40, s16  }
0x1dc: {  	s17 =	sand.u32 @!p1 $0x1, s17;
	s18 =	sshll.u32 @!p1 s16, $0x2  }
0x1dd: {  	p2 =	sgt.s32 @!p1 s16, $0x1BF;
	s16 =	ssub.s32 @!p1 $0x700, s18;
	s18 =	smul.u32 @!p1 $0x700, s17  }
0x1de: {  	s19 =	sshrl.u32 @!p1 s13, $0x3;
	s20 =	sand.u32 @!p1 $0x7, s13  }
0x1df: {  	p2 =	por !p2, p1;
	s16 =	sshrl.u32 @!p1 s16, $0x2;
	s18 =	sshrl.u32 @!p1 s18, $0x2  }
0x1e0: {  	s19 =	sadd.s32 @!p1 s10, s19;
	s16 =	simm.s32 @!p2 $0x0;
	s18 =	sadd.s32 @!p1 $0x3A88, s18  }
0x1e1: {  	[tilespmem:s18], [sflag:$0x9] =	stream.linear.gather @!p1 [hbm4b:s19+s20], s16, $0x38;
	[tilespmem:$0x1FE08] =	vst v63  }
0x1e2: {  	s16 =	ssub.s32 @!p1 $0x27100, s13  }
0x1e3: {  	p2 =	sgt.s32 @!p1 s16, $0x0  }
0x1e4: {  	s17 =	smul.u32 @!p1 $0x38000, s17;
	p2 =	por !p2, p1  }
0x1e5: {  	s16 =	simm.s32 @p2 $0x0  }
0x1e6: {  	s17 =	sshrl.u32 @!p1 s17, $0x2;
	s18 =	sshll.u32 @!p1 s13, $0x4;
	s16 =	smin.u32 @!p1 s16, $0x1C0  }
0x1e7: {  	s17 =	sadd.s32 @!p1 $0x3E08, s17;
	s18 =	sadd.s32 @!p1 s6, s18;
	s16 =	sshll.u32 @!p1 s16, $0x7  }
0x1e8: {  	[tilespmem:s17], [sflag:$0x9] =	stream.linear.gather @!p1 [hbm:s18], s16, $0x38;
	[tilespmem:$0x1FE08] =	vst v63  }
0x1e9: {  	p1 =	seq.s32 s14, $0x0  }
.Ltmp2:
0x1ea: {  	_ = 	snop;
	(pc) =	sbr.rel @p1 .LBB2_14-.Ltmp2, $1  }
0x1eb: {  	_ =	sdelay $0x3  }
0x1ec: {  	p1 =	sgt.s32 s15, $0x270C0  }
0x1ed: {  	s16 =	smov.u32 s15;
	s17 =	sshra.s32 s15, $0x1F;
	s21 =	ssub.s32 $0x27100, s15  }
0x1ee: {  	s16 =	simm.s32 @!p1 $0x270C0;
	s17 =	sand.u32 s17, s15;
	p1 =	sgt.s32 s21, $0x0  }
0x1ef: {  	s16 =	ssub.s32 s16, s17;
	s21 =	simm.s32 @!p1 $0x0  }
0x1f0: {  	s16 =	sadd.s32 $0xFFFD8F40, s16;
	s29 =	smin.u32 s21, $0x1C0  }
0x1f1: {  	s18 =	sshll.u32 s16, $0x2;
	s17 =	sshll.u32 s29, $0x7  }
0x1f2: {  	p1 =	sgt.s32 s16, $0x1BF;
	s30 =	ssub.s32 $0x700, s18;
	_ =	swait.ge [sflag:s11], s17  }
0x1f3: {  	s17 =	ssub.s32 $0x0, s17;
	[sflag:s11] =	ssyncset.done $0x0;
	s16 =	sshrl.u32 s30, $0x2  }
0x1f4: {  	[sflag:s11] =	ssyncadd.s32 s17;
	s16 =	simm.s32 @p1 $0x0  }
0x1f5: {  	_ =	swait.ge [sflag:s11], s16  }
0x1f6: {  	s16 =	ssub.s32 $0x0, s16;
	[sflag:s11] =	ssyncset.done $0x0  }
0x1f7: {  	[sflag:s11] =	ssyncadd.s32 s16  }
0x1f8: {  	v1 =	vld [tilespmem:$0x3848];
	_ =	sdelay $0x4  }
0x1f9: {  	(v2sf) =	vpush v1, $0x0  }
0x1fa: {  	(v2sf) =	vpush v1, $0x1  }
0x1fb: {  	(v2sf) =	vpush v1, $0x2;
	_ =	sdelay $0x3  }
0x1fc: {  	s16 =	sadd.s32 $0x1C0, s15  }
0x1fd: {  	p1 =	slt.s32 s8, s16  }
0x1fe: {  	s16 =	smov.u32 @p1 s8  }
0x1ff: {  	s20 =	ssub.s32 s16, s15  }
0x200: {  	p1 =	slt.s32 s21, s20  }
0x201: {  	s20 =	smov.u32 @p1 s21  }
0x202: {  	s18 =	simm.s32 $0x1;
	p1 =	slt.s32 s20, $0x1  }
.Ltmp3:
0x203: {  	s18 =	simm.s32 @!p0 $0x0;
	(pc) =	sbr.rel @p1 .LBB2_6-.Ltmp3, $4  }
0x204: {  	s31 =	smul.u32 $0x700, s18  }
0x205: {  	s19 =	spop (v2sf)  }
0x206: {  	s15 =	sshrl.u32 s31, $0x2;
	s21 =	spop (v2sf)  }
0x207: {  	s16 =	sadd.s32 $0x3A88, s15;
	s15 =	spop (v2sf)  }
0x208: {  	s17 =	smin.u32 s20, $0x10  }
0x209: {  	v1 =	vmov s17  }
0x20a: {  	p2 =	sgt.s32 s20, $0x10;
	vm1 =	vgt.u32 v1, v0  }
.Ltmp4:
0x20b: {  	_ = 	snop;
	(pc) =	sbr.rel @!p2 .LBB2_5-.Ltmp4, $2  }
0x20c: {  	_ =	sdelay $0x2  }
0x20d: {  	s22 =	simm.s32 $0x10;
	s23 =	sadd.s32 $0xFFFFFFF0, s20;
	s17 =	smov.u32 s16;
	vm0 =	vmmov vm1  }
.LBB2_4:
0x20e: {  	s24 =	smin.u32 s23, $0x10;
	s22 =	sadd.s32 $0x10, s22;
	v1 =	vld.msk [tilespmem:s17+$0x0 ss:$0x1], vm1  }
0x20f: {  	v2 =	vmov s24;
	p2 =	slt.s32 s22, s20  }
0x210: {  	vm1 =	vgt.u32 v2, v0  }
.Ltmp5:
0x211: {  	(pc) =	sbr.rel @p2 .LBB2_4-.Ltmp5, $3  }
0x212: {  	_ =	sdelay $0x1  }
0x213: {  	v1 =	vshll.u32 v1, $0x4  }
0x214: {  	s23 =	sadd.s32 $0xFFFFFFF0, s23;
	[tilespmem:s17+$0x0] =	vst.msk vm0, v1;
	s17 =	sadd.s32 $0x10, s17;
	vm0 =	vmmov vm1  }
.LBB2_5:
0x215: {  	_ =	sdelay $0x4  }
0x216: {  	v1 =	vld.msk [tilespmem:s17+$0x0 ss:$0x1], vm1;
	_ =	sdelay $0x4  }
0x217: {  	v1 =	vshll.u32 v1, $0x4  }
0x218: {  	[tilespmem:s17+$0x0] =	vst.msk vm0, v1  }
.LBB2_6:
0x219: {  	s17 =	sand.u32 $0x1, s14  }
0x21a: {  	s17 =	smul.u32 $0x1C0, s17  }
0x21b: {  	p2 =	sne.s32 s21, $0xFFFFFFFF  }
0x21c: {  	v1 =	vld.msk @!p2 [tilespmem:s17+$0x3A88], $0x1;
	_ =	sdelay $0x4  }
0x21d: {  	(v2sf) =	vpush @!p2 v1, $0x0;
	_ =	sdelay $0xc  }
.Ltmp6:
0x21e: {  	_ = 	snop;
	(pc) =	sbr.rel @p1 .LBB2_12-.Ltmp6, $4  }
0x21f: {  	_ = 	snop  }
0x220: {  	s22 =	spop @!p2 (v2sf)  }
0x221: {  	s15 =	simm.s32 @!p2 $0x0;
	s17 =	smov.u32 s22  }
0x222: {  	[sflag:s12] =	ssyncpa.u1 $0x0;
	s22 =	smov.u32 @p2 s19;
	s17 =	smov.u32 @p2 s21  }
0x223: {  	v1 =	vld.msk [tilespmem:s16+$0x0], $0x1;
	_ =	sdelay $0x4  }
0x224: {  	(v2sf) =	vpush v1, $0x0;
	_ =	sdelay $0xe  }
0x225: {  	s24 =	spop (v2sf)  }
0x226: {  	p1 =	seq.s32 s22, s24  }
0x227: {  	p2 =	sgt.s32 @!p1 s22, $0x0  }
0x228: {  	s23 =	smov.u32 s22;
	s21 =	sadd.s32 $0xFFFFFFFF, s20;
	p2 =	por !p2, p1  }
0x229: {  	s18 =	smul.u32 $0x38000, s18;
	s23 =	simm.s32 @p2 $0x0;
	p2 =	sne.s32 s21, $0x0  }
.Ltmp7:
0x22a: {  	_ = 	snop;
	(pc) =	sbr.rel @!p2 .LBB2_9-.Ltmp7, $4  }
0x22b: {  	s19 =	simm.s32 $0x0;
	s18 =	sshrl.u32 s18, $0x2  }
0x22c: {  	s18 =	sadd.s32 $0x3E08, s18;
	s25 =	simm.s32 @!p1 $0x1;
	s23 =	smin.u32 @!p1 s23, $0x270FF  }
0x22d: {  	s26 =	simm.s32 @!p1 $0x1C38;
	s25 =	smov.u32 @p1 s19;
	s29 =	sand.u32 @!p1 $0x3FFF8, s23  }
0x22e: {  	s28 =	sand.u32 @!p1 $0x7, s23;
	s23 =	sadd.s32 $0x1, s16;
	s29 =	sadd.s32 @!p1 s3, s29  }
.LBB2_8:
0x22f: {  	s30 =	smov.u32 s25  }
0x230: {  	[tilespmem:s26], [sflag:$0x2] =	stream.linear.gather @!p1 [hbm4b:s29+s28], $0x4, $0x38;
	[tilespmem:$0x1FE08] =	vst v63  }
0x231: {  	s21 =	sadd.s32 $0xFFFFFFFF, s21;
	s28 =	smov.u32 s24;
	v1 =	vld.msk [tilespmem:s23+$0x0], $0x1  }
0x232: {  	p2 =	sne.s32 s21, $0x0;
	_ =	sdelay $0x3  }
0x233: {  	(v2sf) =	vpush v1, $0x0;
	_ =	sdelay $0xe  }
0x234: {  	s24 =	spop (v2sf)  }
0x235: {  	p1 =	seq.s32 s28, s24  }
0x236: {  	p3 =	sgt.s32 @!p1 s28, $0x0;
	s26 =	sshll.u32 @!p1 s25, $0x6;
	s25 =	sadd.s32 @!p1 $0x1, s25  }
.Ltmp8:
0x237: {  	p3 =	por !p3, p1;
	s26 =	sshra.s32 @!p1 s26, $0x2;
	(pc) =	sbr.rel @p2 .LBB2_8-.Ltmp8, $4  }
0x238: {  	s25 =	smov.u32 @p1 s30;
	s28 =	simm.s32 @p3 $0x0;
	s26 =	sadd.s32 @!p1 $0x1C38, s26  }
0x239: {  	s28 =	smin.u32 @!p1 s28, $0x270FF  }
0x23a: {  	s29 =	sand.u32 @!p1 $0x3FFF8, s28;
	s28 =	sand.u32 @!p1 $0x7, s28  }
0x23b: {  	s23 =	sadd.s32 $0x1, s23;
	s29 =	sadd.s32 @!p1 s3, s29  }
.LBB2_9:
0x23c: {  	[tilespmem:s26], [sflag:$0x2] =	stream.linear.gather @!p1 [hbm4b:s29+s28], $0x4, $0x38;
	[tilespmem:$0x1FE08] =	vst v63  }
0x23d: {  	s21 =	sshll.u32 s25, $0x2  }
0x23e: {  	s21 =	sand.u32 $0x3FFFFFFC, s21  }
0x23f: {  	_ =	swait.ge [sflag:s9], s21  }
0x240: {  	s21 =	ssub.s32 $0x0, s21;
	[sflag:s9] =	ssyncset.done $0x0  }
0x241: {  	[sflag:s9] =	ssyncadd.s32 s21  }
0x242: {  	v1 =	vld.msk [tilespmem:s16+$0x0], $0x1;
	_ =	sdelay $0x4  }
0x243: {  	(v2sf) =	vpush v1, $0x0;
	_ =	sdelay $0xe  }
0x244: {  	s21 =	spop (v2sf)  }
0x245: {  	p1 =	sne.s32 s22, s21  }
0x246: {  	p3 =	sne.s32 @p1 s22, s17  }
0x247: {  	p2 =	por !p3, !p1  }
0x248: {  	s23 =	simm.s32 @!p2 $0x0  }
0x249: {  	v1 =	vld.msk @!p2 [tilespmem:s23+$0x1C38], $0xf  }
0x24a: {  	p4 =	sgt.u32 @!p2 s22, $0x270FF  }
0x24b: {  	s24 =	sshll.u32 @!p2 s15, $0x6;
	p5 =	por @p1 p4, !p3  }
0x24c: {  	s24 =	sshra.s32 @!p2 s24, $0x2;
	p6 =	por p5, !p1;
	p5 =	por p3, !p1  }
0x24d: {  	s25 =	sadd.s32 @!p2 $0x28, s24;
	s26 =	sand.u32 @!p6 $0x3FFF8, s22;
	s28 =	sshll.u32 @!p5 s15, $0x6  }
0x24e: {  	s22 =	sand.u32 @!p6 $0x7, s22;
	[tilespmem:s24+$0x28] =	vst.add.f32.msk @!p2 $0xf, v1;
	s24 =	sadd.s32 @!p6 s3, s26;
	s26 =	sshra.s32 @!p5 s28, $0x2  }
0x24f: {  	[hbm4b:s24+s22] =	stream.linear.scatter @!p6 [tilespmem:s25], [sflag:$0xA], $0x4, $0x38;
	[tilespmem:$0x1FE08] =	vst v63  }
0x250: {  	s23 =	rddreg [dreg:$0x4];
	s22 =	sadd.s32 @!p5 $0x28, s26;
	s24 =	simm.s32 @!p5 $0x1  }
0x251: {  	[spmem:s23] =	stream.linear.scatter @!p5 [tilespmem:s22], [sflag:$0x1], $0x4, $0x38;
	[tilespmem:$0x1FE08] =	vst v63  }
0x252: {  	s22 =	sadd.s32 @p1 $0x1, s15;
	_ =	swait.ge @!p5 [sflag:s24], $0x4  }
0x253: {  	s23 =	sshrl.u32 @p1 s22, $0x6;
	[sflag:s24] =	ssyncset.done @!p5 $0x0  }
0x254: {  	s23 =	smulhi.u32 @p1 $0x24924925, s23;
	[sflag:s24] =	ssyncadd.s32 @!p5 $0xFFFFFFFC  }
0x255: {  	s20 =	sadd.s32 $0xFFFFFFFF, s20;
	v1 =	vld.msk @p1 [tilespmem:s18+$0x0], $0xf  }
0x256: {  	p4 =	por @p1 !p4, !p3;
	p3 =	sne.s32 s20, $0x0;
	s23 =	smul.u32 @p1 $0x1C0, s23  }
.Ltmp9:
0x257: {  	p4 =	por !p4, !p1;
	s24 =	simm.s32 @!p2 $0x0;
	(pc) =	sbr.rel @!p3 .LBB2_11-.Ltmp9, $4  }
0x258: {  	s25 =	sshll.u32 @!p1 s15, $0x6;
	s24 =	simm.s32 @!p4 $0x10;
	s22 =	ssub.s32 @p1 s22, s23  }
0x259: {  	s26 =	simm.s32 @p1 $0x1;
	s24 =	sadd.s32 @!p2 $0x0, s24;
	s23 =	sshll.u32 @p1 s22, $0x4  }
0x25a: {  	s24 =	smov.u32 @p2 s19;
	s15 =	smov.u32 @p1 s22;
	s22 =	simm.s32 $0x0;
	[tilespmem:s23+$0x28] =	vst.msk @p1 $0xf, v1  }
0x25b: {  	s19 =	smov.u32 @p1 s26;
	s22 =	smov.u32 @p1 s24;
	s23 =	sshra.s32 @!p1 s25, $0x2;
	v1 =	vld.msk @!p1 [tilespmem:s18+$0x0], $0xf  }
.LBB2_10:
0x25c: {  	_ =	sdelay $0x3  }
0x25d: {  	s16 =	sadd.s32 $0x1, s16;
	[tilespmem:s23+$0x28] =	vst.add.f32.msk @!p1 $0xf, v1  }
0x25e: {  	v1 =	vld.msk [tilespmem:s16+$0x0], $0x1;
	_ =	sdelay $0x4  }
0x25f: {  	(v2sf) =	vpush v1, $0x0;
	_ =	sdelay $0xe  }
0x260: {  	s24 =	smov.u32 s21;
	s21 =	spop (v2sf)  }
0x261: {  	p1 =	sne.s32 s24, s21  }
0x262: {  	p4 =	sne.s32 @p1 s24, s17  }
0x263: {  	p3 =	por !p4, !p1  }
0x264: {  	s29 =	sshll.u32 @!p3 s19, $0x6  }
0x265: {  	s29 =	sshra.s32 @!p3 s29, $0x2  }
0x266: {  	p5 =	sgt.u32 @!p3 s24, $0x270FF;
	v1 =	vld.msk @!p3 [tilespmem:s29+$0x1C38], $0xf  }
0x267: {  	s30 =	sshll.u32 @!p3 s15, $0x6;
	p6 =	por @p1 p5, !p4;
	p5 =	por @p1 !p5, !p4  }
0x268: {  	s31 =	simm.s32 @!p3 $0x0;
	s30 =	sshra.s32 @!p3 s30, $0x2;
	p5 =	por !p5, !p1  }
0x269: {  	p4 =	por p4, !p1;
	s31 =	simm.s32 @!p5 $0x10;
	p5 =	por p6, !p1  }
0x26a: {  	s29 =	sadd.s32 @!p3 $0x28, s30;
	s2 =	sshll.u32 @!p4 s15, $0x6;
	s1 =	sand.u32 @!p5 $0x3FFF8, s24  }
0x26b: {  	s2 =	sshra.s32 @!p4 s2, $0x2;
	s24 =	sand.u32 @!p5 $0x7, s24;
	s1 =	sadd.s32 @!p5 s3, s1;
	[tilespmem:s30+$0x28] =	vst.add.f32.msk @!p3 $0xf, v1  }
0x26c: {  	[hbm4b:s1+s24] =	stream.linear.scatter @!p5 [tilespmem:s29], [sflag:$0xA], $0x4, $0x38;
	[tilespmem:$0x1FE08] =	vst v63  }
0x26d: {  	s25 =	rddreg [dreg:$0x4];
	s1 =	sadd.s32 @!p4 $0x28, s2;
	s2 =	simm.s32 @!p4 $0x1  }
0x26e: {  	[spmem:s25] =	stream.linear.scatter @!p4 [tilespmem:s1], [sflag:$0x1], $0x4, $0x38;
	[tilespmem:$0x1FE08] =	vst v63  }
0x26f: {  	s26 =	sadd.s32 @p1 $0x1, s15;
	_ =	swait.ge @!p4 [sflag:s2], $0x4  }
0x270: {  	s28 =	sshrl.u32 @p1 s26, $0x6;
	[sflag:s2] =	ssyncset.done @!p4 $0x0  }
0x271: {  	s18 =	sadd.s32 $0x80, s18;
	s28 =	smulhi.u32 @p1 $0x24924925, s28;
	[sflag:s2] =	ssyncadd.s32 @!p4 $0xFFFFFFFC  }
0x272: {  	s20 =	sadd.s32 $0xFFFFFFFF, s20;
	v1 =	vld.msk @p1 [tilespmem:s18+$0x0], $0xf  }
0x273: {  	p2 =	sne.s32 s20, $0x0;
	s28 =	smul.u32 @p1 $0x1C0, s28  }
.Ltmp10:
0x274: {  	_ = 	snop;
	(pc) =	sbr.rel @p2 .LBB2_10-.Ltmp10, $4  }
0x275: {  	s26 =	ssub.s32 @p1 s26, s28  }
0x276: {  	s23 =	sshll.u32 @!p1 s15, $0x6;
	s31 =	sadd.s32 @!p3 s31, s22;
	s24 =	sshll.u32 @p1 s26, $0x4  }
0x277: {  	s0 =	sadd.s32 @p1 $0x1, s19;
	s23 =	sshra.s32 @!p1 s23, $0x2;
	s31 =	smov.u32 @p3 s22;
	[tilespmem:s24+$0x28] =	vst.msk @p1 $0xf, v1  }
0x278: {  	s19 =	smov.u32 @p1 s0;
	s15 =	smov.u32 @p1 s26;
	s22 =	smov.u32 @p1 s31;
	v1 =	vld.msk @!p1 [tilespmem:s18+$0x0], $0xf  }
.LBB2_11:
.Ltmp11:
0x279: {  	_ = 	snop;
	(pc) =	sbr.rel .LBB2_13-.Ltmp11, $2  }
0x27a: {  	_ =	sdelay $0x2  }
0x27b: {  	s16 =	sshrl.u32 s22, $0x2;
	s22 =	smov.u32 s21;
	[tilespmem:s23+$0x28] =	vst.add.f32.msk @!p1 $0xf, v1  }
.LBB2_15:
0x27c: {  	_ =	sfence.sel $0x180000  }
0x27d: {  	s0 =	simm.s32 $0x9;
	[bflag:$0x0] =	sbarrier.arrive $0xFFFF  }
0x27e: {  	s26 =	simm.s32 $0x2;
	[sflag:s0] =	ssyncpa.u1 $0x1  }
0x27f: {  	[sflag:s26] =	ssyncpa.u1 $0x1  }
0x280: {  	v0 =	vld [tilespmem:$0x3848];
	_ =	sdelay $0x4  }
0x281: {  	(v2sf) =	vpush v0, $0x0  }
0x282: {  	(v2sf) =	vpush v0, $0x1;
	_ =	sdelay $0x1  }
0x283: {  	(v2sf) =	vpush v0, $0x2;
	_ =	sdelay $0xb  }
0x284: {  	s0 =	spop (v2sf)  }
0x285: {  	s1 =	spop (v2sf)  }
0x286: {  	s2 =	smov.u32 s0;
	p0 =	sne.s32 s0, s1  }
0x287: {  	s5 =	spop (v2sf);
	s2 =	simm.s32 @!p0 $0xFFFFFFFF  }
0x288: {  	v2 =	vimm.s32 $0x1;
	v3 =	vlaneseq.u32;
	p0 =	seq.s32 s5, $0xFFFFFFFF;
	v1 =	vmov s2  }
0x289: {  	v0 =	vperm.xlane v0, v2;
	p1 =	sne.s32 @!p0 s0, s1;
	v1 =	vperm.xlane v1, v3  }
0x28a: {  	vm0 =	vcmask $0x3F04;
	s7 =	simm.s32 $0x3848;
	s0 =	simm.s32 @!p0 $0x1;
	p1 =	por !p1, p0  }
0x28b: {  	s2 =	sshll.u32 s4, $0x1;
	s1 =	sshll.u32 @!p0 s5, $0x6;
	s0 =	simm.s32 @p1 $0x0;
	v0 =	vsel vm0, v1, v0  }
0x28c: {  	s6 =	sor.u32 $0x200, s2;
	s1 =	sshra.s32 @!p0 s1, $0x2;
	s0 =	sor.u32 @!p0 s0, s2;
	[tilespmem:$0x3848] =	vst v0  }
0x28d: {  	[spmem:s6] =	stream.linear.scatter [tilespmem:s7], [sflag:$0x1], $0x2, $0x38;
	[tilespmem:$0x1FE08] =	vst v63  }
0x28e: {  	s1 =	sadd.s32 @!p0 $0x28, s1;
	s0 =	sshll.u32 @!p0 s0, $0x4  }
0x28f: {  	[spmem:s0] =	stream.linear.scatter @!p0 [tilespmem:s1], [sflag:$0x1], $0x10, $0x38;
	[tilespmem:$0x1FE08] =	vst v63  }
0x290: {  	s0 =	simm.s32 @!p0 $0x12  }
0x291: {  	s28 =	simm.s32 $0x1;
	s0 =	simm.s32 @p0 $0x2  }
0x292: {  	_ =	swait.ge [sflag:s28], s0  }
0x293: {  	s0 =	ssub.s32 $0x0, s0;
	[sflag:s28] =	ssyncset.done $0x0  }
0x294: {  	[sflag:s28] =	ssyncadd.s32 s0  }
0x295: {  	p0 =	sne.s32 s4, $0x0;
	_ =	sfence.stream.spmem  }
.Ltmp12:
0x296: {  	s29 =	simm.s32 $0x3;
	[bflag:$0x0] =	sbarrier.arrive $0xFFFF;
	(pc) =	sbr.rel @p0 .LBB2_32-.Ltmp12, $4  }
0x297: {  	s30 =	simm.s32 $0x4;
	[sflag:s29] =	ssyncpa.u1 $0x1  }
0x298: {  	[sflag:s30] =	ssyncpa.u1 $0x1  }
0x299: {  	s31 =	simm.s32 $0x3C;
	s16 =	rddreg [dreg:$0x1]  }
0x29a: {  	[sflag:s31] =	ssyncpa.u1 $0x1;
	s5 =	sand.u32 $0x1, s16  }
0x29b: {  	_ =	sfence.stream.spmem;
	s0 =	simm.s32 $0x5  }
0x29c: {  	s1 =	simm.s32 $0x200;
	s2 =	simm.s32 $0x3858;
	[sflag:s0] =	ssyncpa.u1 $0x0  }
0x29d: {  	[tilespmem:s2], [sflag:$0x5] =	stream.linear.gather [spmem:s1], $0x20, $0x38;
	[tilespmem:$0x1FE08] =	vst v63  }
0x29e: {  	s26 =	simm.s32 $0x0;
	s28 =	simm.s32 $0x3878  }
0x29f: {  	[tilespmem:s28], [sflag:$0x5] =	stream.linear.gather [spmem:s26], $0x200, $0x38;
	[tilespmem:$0x1FE08] =	vst v63  }
0x2a0: {  	_ =	swait.ge [sflag:s0], $0x220  }
0x2a1: {  	[sflag:s0] =	ssyncset.done $0x0  }
0x2a2: {  	s29 =	simm.s32 $0x0;
	[sflag:s0] =	ssyncadd.s32 $0xFFFFFDE0  }
0x2a3: {  	v0 =	vld.msk [tilespmem:s29+$0x3858], $0x1;
	_ =	sdelay $0x1  }
0x2a4: {  	s30 =	simm.s32 $0x1  }
0x2a5: {  	v1 =	vld.msk [tilespmem:s30+$0x3858], $0x1;
	_ =	sdelay $0x1  }
0x2a6: {  	(v2sf) =	vpush v0, $0x0;
	_ =	sdelay $0x2  }
0x2a7: {  	(v2sf) =	vpush v1, $0x0;
	_ =	sdelay $0x2  }
0x2a8: {  	s31 =	simm.s32 $0x2  }
0x2a9: {  	v0 =	vld.msk [tilespmem:s31+$0x3858], $0x1;
	_ =	sdelay $0x2  }
0x2aa: {  	s7 =	simm.s32 $0xFFFFFFFF;
	s6 =	simm.s32 $0xC;
	s8 =	simm.s32 $0xFFFFFFFF  }
.LBB2_17:
0x2ab: {  	s0 =	smov.u32 s8;
	s1 =	smov.u32 s7  }
0x2ac: {  	s2 =	sshra.s32 s6, $0x2;
	p1 =	sne.s32 s6, $0x7C;
	s6 =	sadd.s32 $0x4, s6;
	(v2sf) =	vpush v0, $0x0  }
0x2ad: {  	v0 =	vld.msk [tilespmem:s2+$0x3858], $0x1  }
.Ltmp13:
0x2ae: {  	(pc) =	sbr.rel @p1 .LBB2_17-.Ltmp13, $4  }
0x2af: {  	s8 =	spop (v2sf)  }
0x2b0: {  	p2 =	sne.s32 s7, $0xFFFFFFFF;
	s7 =	smov.u32 s8  }
0x2b1: {  	p3 =	seq.s32 s8, $0xFFFFFFFF;
	s7 =	smov.u32 @p2 s1  }
0x2b2: {  	s8 =	smov.u32 @p3 s0;
	s7 =	smov.u32 @p3 s1  }
0x2b3: {  	(v2sf) =	vpush v0, $0x0;
	_ =	sdelay $0x8  }
0x2b4: {  	s0 =	spop (v2sf)  }
0x2b5: {  	p1 =	sne.s32 s7, $0xFFFFFFFF;
	s1 =	smov.u32 s0  }
0x2b6: {  	s9 =	simm.s32 $0x6;
	p2 =	seq.s32 s0, $0xFFFFFFFF;
	s1 =	smov.u32 @p1 s7  }
0x2b7: {  	s10 =	simm.s32 $0x3838;
	s1 =	smov.u32 @p2 s7;
	s2 =	spop (v2sf)  }
0x2b8: {  	s0 =	smov.u32 @p2 s8;
	p1 =	sne.s32 s1, $0xFFFFFFFF;
	s6 =	smov.u32 s2  }
.Ltmp14:
0x2b9: {  	p2 =	seq.s32 s2, $0xFFFFFFFF;
	s6 =	smov.u32 @p1 s1;
	(pc) =	sbr.rel .LBB2_19-.Ltmp14, $4  }
0x2ba: {  	s11 =	simm.s32 $0x0;
	s6 =	smov.u32 @p2 s1;
	s7 =	spop (v2sf)  }
0x2bb: {  	[sflag:s9] =	ssyncpa.u1 $0x0;
	p1 =	sne.s32 s6, $0xFFFFFFFF;
	s8 =	smov.u32 s7  }
0x2bc: {  	s2 =	smov.u32 @p2 s0;
	p2 =	seq.s32 s7, $0xFFFFFFFF;
	s8 =	smov.u32 @p1 s6  }
0x2bd: {  	s7 =	smov.u32 @p2 s2;
	s8 =	smov.u32 @p2 s6;
	s6 =	simm.s32 $0x0  }
.LBB2_24:
0x2be: {  	p1 =	sgt.u32 s12, $0x270FF  }
0x2bf: {  	p2 =	seq.s32 @!p1 s12, s8  }
0x2c0: {  	p1 =	por p1, p2  }
0x2c1: {  	p2 =	sne.s32 @!p1 s12, s7  }
0x2c2: {  	p1 =	por p1, !p2  }
0x2c3: {  	s12 =	sshll.u32 @p1 s11, $0x6  }
0x2c4: {  	s0 =	sand.u32 @!p1 $0x3FFF8, s12  }
0x2c5: {  	s1 =	sand.u32 @!p1 $0x7, s12;
	s0 =	sadd.s32 @!p1 s3, s0  }
0x2c6: {  	[tilespmem:s10], [sflag:$0x6] =	stream.linear.gather @!p1 [hbm4b:s0+s1], $0x4, $0x38;
	[tilespmem:$0x1FE08] =	vst v63  }
0x2c7: {  	_ =	swait.ge @!p1 [sflag:s9], $0x4  }
0x2c8: {  	[sflag:s9] =	ssyncset.done @!p1 $0x0  }
0x2c9: {  	[sflag:s9] =	ssyncadd.s32 @!p1 $0xFFFFFFFC  }
0x2ca: {  	v1 =	vld @!p1 [tilespmem:$0x3838];
	_ =	sdelay $0x2  }
0x2cb: {  	s12 =	sshll.u32 @!p1 s11, $0x6  }
0x2cc: {  	s0 =	sshrl.u32 @!p1 s12, $0x2  }
0x2cd: {  	[tilespmem:s0+$0x3878] =	vst.add.f32.msk @!p1 $0xffff, v1  }
0x2ce: {  	s30 =	sshrl.u32 s12, $0x2;
	[tilespmem:s6+$0x3858] =	vst.msk $0x1, v0  }
0x2cf: {  	v0 =	vld [tilespmem:s30+$0x3878];
	_ =	sdelay $0x2  }
0x2d0: {  	s31 =	sshll.u32 s6, $0x6  }
0x2d1: {  	s0 =	sshra.s32 s31, $0x2  }
0x2d2: {  	s6 =	sadd.s32 $0x1, s6;
	[tilespmem:s0+$0x3878] =	vst v0  }
.LBB2_26:
0x2d3: {  	s11 =	sadd.s32 $0x1, s11  }
0x2d4: {  	p1 =	sne.s32 s11, $0x20  }
.Ltmp15:
0x2d5: {  	_ = 	snop;
	(pc) =	sbr.rel @!p1 .LBB2_27-.Ltmp15, $1  }
0x2d6: {  	_ =	sdelay $0x3  }
.LBB2_19:
0x2d7: {  	v0 =	vld.msk [tilespmem:s11+$0x3858], $0x1;
	_ =	sdelay $0x4  }
0x2d8: {  	(v2sf) =	vpush v0, $0x0;
	_ =	sdelay $0xe  }
0x2d9: {  	s12 =	spop (v2sf)  }
0x2da: {  	p1 =	seq.s32 s12, $0xFFFFFFFF  }
.Ltmp16:
0x2db: {  	_ = 	snop;
	(pc) =	sbr.rel @p1 .LBB2_26-.Ltmp16, $1  }
0x2dc: {  	_ =	sdelay $0x3  }
0x2dd: {  	p1 =	slt.s32 s6, $0x1  }
.Ltmp17:
0x2de: {  	_ = 	snop;
	(pc) =	sbr.rel @p1 .LBB2_24-.Ltmp17, $1  }
0x2df: {  	_ =	sdelay $0x3  }
0x2e0: {  	s13 =	simm.s32 $0x3858;
	p1 =	por $0x0, $0x0  }
0x2e1: {  	v1 =	vld.msk @!p1 [tilespmem:s13+$0x0], $0x1;
	_ =	sdelay $0x4  }
0x2e2: {  	(v2sf) =	vpush @!p1 v1, $0x0;
	_ =	sdelay $0xd  }
0x2e3: {  	p3 =	sne.s32 s6, $0x1  }
.Ltmp18:
0x2e4: {  	s0 =	spop @!p1 (v2sf);
	(pc) =	sbr.rel @!p3 .LBB2_23-.Ltmp18, $4  }
0x2e5: {  	p2 =	seq.s32 @!p1 s12, s0  }
0x2e6: {  	s14 =	simm.s32 $0x0;
	p2 =	por !p2, p1  }
0x2e7: {  	s0 =	simm.s32 $0xFFFFFFFF;
	s14 =	simm.s32 @p2 $0xFFFFFFFF  }
0x2e8: {  	s15 =	simm.s32 $0x1;
	s14 =	smov.u32 @p1 s0  }
.LBB2_22:
0x2e9: {  	s0 =	smov.u32 s14;
	p1 =	sne.s32 s14, $0xFFFFFFFF  }
0x2ea: {  	s13 =	sadd.s32 $0x1, s13;
	s14 =	smov.u32 s15;
	s15 =	sadd.s32 $0x1, s15  }
0x2eb: {  	p2 =	sne.s32 s6, s15;
	v1 =	vld.msk @!p1 [tilespmem:s13+$0x0], $0x1;
	_ =	sdelay $0x4  }
0x2ec: {  	(v2sf) =	vpush @!p1 v1, $0x0;
	_ =	sdelay $0xe  }
.Ltmp19:
0x2ed: {  	s1 =	spop @!p1 (v2sf);
	(pc) =	sbr.rel @p2 .LBB2_22-.Ltmp19, $4  }
0x2ee: {  	p3 =	seq.s32 @!p1 s12, s1  }
0x2ef: {  	p3 =	por !p3, p1  }
0x2f0: {  	s14 =	simm.s32 @p3 $0xFFFFFFFF  }
0x2f1: {  	s14 =	smov.u32 @p1 s0  }
.LBB2_23:
0x2f2: {  	p1 =	sne.s32 s14, $0xFFFFFFFF  }
.Ltmp20:
0x2f3: {  	_ = 	snop;
	(pc) =	sbr.rel @!p1 .LBB2_24-.Ltmp20, $1  }
0x2f4: {  	_ =	sdelay $0x3  }
0x2f5: {  	s0 =	sshll.u32 s11, $0x4  }
0x2f6: {  	s0 =	sand.u32 $0x3FFFFFF0, s0  }
0x2f7: {  	v0 =	vld [tilespmem:s0+$0x3878]  }
.Ltmp21:
0x2f8: {  	_ = 	snop;
	(pc) =	sbr.rel .LBB2_26-.Ltmp21, $4  }
0x2f9: {  	_ = 	snop  }
0x2fa: {  	s31 =	sshll.u32 s14, $0x6  }
0x2fb: {  	s0 =	sshra.s32 s31, $0x2  }
0x2fc: {  	[tilespmem:s0+$0x3878] =	vst.add.f32.msk $0xffff, v0  }
.LBB2_27:
0x2fd: {  	s0 =	simm.s32 $0x6;
	p1 =	seq.s32 s6, $0x0  }
0x2fe: {  	[sflag:s0] =	ssyncpa.u1 $0x1;
	v0 =	vimm.s32 @p1 $0xFFFFFFFF  }
0x2ff: {  	s9 =	sadd.s32 $0xFFFFFFFF, s6;
	[tilespmem:$0x3A78] =	vst @p1 v0  }
0x300: {  	v0 =	vld.msk @!p1 [tilespmem:s9+$0x3858], $0x1;
	_ =	sdelay $0x1  }
0x301: {  	v1 =	vld.msk @!p1 [tilespmem:$0x3858], $0x1;
	_ =	sdelay $0x2  }
0x302: {  	p2 =	seq.s32 @!p1 s9, $0x0;
	v0 =	vbroadcast @!p1 v0, $0x0  }
0x303: {  	vm0 =	vmmov @!p1 $0x1;
	p2 =	por !p2, p1  }
0x304: {  	v1 =	vnsel @!p1 vm0, $0xFFFFFFFF, v1;
	vm0 =	vcmask @!p1 $0x308;
	v0 =	vpsel !p2, $0xFFFFFFFF, v0  }
0x305: {  	p2 =	sne.s32 @!p1 s8, s7;
	v0 =	vsel @!p1 vm0, v1, v0  }
0x306: {  	s0 =	simm.s32 @!p1 $0x3878;
	s1 =	simm.s32 @!p1 $0x0;
	p3 =	por !p2, p1;
	[tilespmem:$0x3A78] =	vst @!p1 v0  }
0x307: {  	[spmem:s1] =	stream.linear.scatter @!p1 [tilespmem:s0], [sflag:$0x1], $0x10, $0x38;
	[tilespmem:$0x1FE08] =	vst v63  }
0x308: {  	s0 =	sshll.u32 @!p3 s9, $0x6  }
0x309: {  	s0 =	sshra.s32 @!p3 s0, $0x2  }
0x30a: {  	s1 =	simm.s32 @!p3 $0x10;
	s0 =	sadd.s32 @!p3 $0x3878, s0  }
0x30b: {  	[spmem:s1] =	stream.linear.scatter @!p3 [tilespmem:s0], [sflag:$0x1], $0x10, $0x38;
	[tilespmem:$0x1FE08] =	vst v63  }
0x30c: {  	s0 =	simm.s32 @!p3 $0x1  }
0x30d: {  	_ =	swait.ge @!p3 [sflag:s0], $0x20  }
0x30e: {  	p1 =	por p2, p1;
	[sflag:s0] =	ssyncset.done @!p3 $0x0  }
0x30f: {  	[sflag:s0] =	ssyncadd.s32 @!p3 $0xFFFFFFE0;
	s0 =	simm.s32 @!p1 $0x1  }
0x310: {  	_ =	swait.ge @!p1 [sflag:s0], $0x10  }
0x311: {  	s29 =	simm.s32 $0x3A78;
	[sflag:s0] =	ssyncset.done @!p1 $0x0  }
0x312: {  	s30 =	simm.s32 $0x200;
	s31 =	simm.s32 $0x1;
	[sflag:s0] =	ssyncadd.s32 @!p1 $0xFFFFFFF0  }
0x313: {  	[spmem:s30] =	stream.linear.scatter [tilespmem:s29], [sflag:$0x1], $0x10, $0x38;
	[tilespmem:$0x1FE08] =	vst v63  }
0x314: {  	_ =	swait.ge [sflag:s31], $0x10  }
0x315: {  	[sflag:s31] =	ssyncset.done $0x0  }
0x316: {  	p1 =	seq.s32 s5, $0x0;
	[sflag:s31] =	ssyncadd.s32 $0xFFFFFFF0  }
0x317: {  	s1 =	sshll.u32 @p1 s16, $0xE;
	s10 =	rddreg [dreg:$0x2]  }
0x318: {  	s0 =	sadd.s32 @p1 $0x15C3C, s1;
	s1 =	sshll.u32 @p1 s10, $0x11  }
0x319: {  	_ =	sfence.stream.spmem;
	s0 =	sor.u32 @p1 s1, s0  }
0x31a: {  	[sflag:s0] =	ssyncadd.remote.s32 @p1 $0x1;
	s0 =	simm.s32 @p1 $0x4  }
0x31b: {  	s2 =	simm.s32 @!p1 $0x3C;
	s1 =	sand.u32 $0xFFFFFFFE, s16;
	_ =	swait.ge @p1 [sflag:s0], $0x6  }
0x31c: {  	s7 =	simm.s32 @!p1 $0x0;
	s1 =	sadd.s32 @!p1 $0x4, s1;
	[sflag:s0] =	ssyncset.done @p1 $0x0  }
0x31d: {  	s8 =	simm.s32 @!p1 $0x20;
	[sflag:s0] =	ssyncadd.s32 @p1 $0xFFFFFFFA;
	s0 =	sshll.u32 @!p1 s1, $0x1A  }
0x31e: {  	s1 =	sshll.u32 @!p1 s1, $0xD;
	s0 =	sor.u32 @!p1 s0, s10;
	_ =	swait.eq @!p1 [sflag:s2], $0x1  }
0x31f: {  	s1 =	sor.u32 @!p1 $0x1C04, s1;
	s2 =	simm.s32 @!p1 $0x1C03;
	s0 =	sor.u32 @!p1 $0x80004000, s0  }
0x320: {  	[spmem:s8], [sflag:s1] =	dma.general @!p1 [spmem:s7], [sflag:s2], length:$0x4, [dreg:$0x0], stride_count:$0x0, ici_dest:s0, dma_misc:DstOpCode:WRITE  }
0x321: {  	p2 =	slt.s32 s9, $0x2;
	s7 =	simm.s32 @!p1 $0x40;
	s8 =	simm.s32 @!p1 $0x42  }
0x322: {  	[spmem:s8], [sflag:s1] =	dma.general @!p1 [spmem:s7], [sflag:s2], length:$0x2, [dreg:$0x0], stride_count:$0x0, ici_dest:s0, dma_misc:DstOpCode:WRITE  }
.Ltmp22:
0x323: {  	s0 =	simm.s32 @!p1 $0x3;
	(pc) =	sbr.rel @p2 .LBB2_31-.Ltmp22, $4  }
0x324: {  	s1 =	sshll.u32 @!p1 s16, $0xE;
	_ =	swait.ge @!p1 [sflag:s0], $0x6  }
0x325: {  	s2 =	sshll.u32 @!p1 s10, $0x11;
	s1 =	sadd.s32 @!p1 $0x11C3C, s1;
	[sflag:s0] =	ssyncset.done @!p1 $0x0  }
0x326: {  	[sflag:s0] =	ssyncadd.s32 @!p1 $0xFFFFFFFA;
	s0 =	sor.u32 @!p1 s2, s1  }
0x327: {  	s1 =	simm.s32 $0x0;
	[sflag:s0] =	ssyncadd.remote.s32 @!p1 $0xFFFFFFFF  }
0x328: {  	s0 =	simm.s32 $0x3859  }
0x329: {  	v0 =	vld.msk [tilespmem:s0+$0x0], $0x1;
	_ =	sdelay $0x4  }
0x32a: {  	(v2sf) =	vpush v0, $0x0;
	_ =	sdelay $0xc  }
0x32b: {  	s2 =	sadd.s32 $0xFFFFFFFE, s6  }
0x32c: {  	s2 =	sadd.s32 $0xFFFFFFFF, s2  }
0x32d: {  	p2 =	sne.s32 s2, $0x0;
	s0 =	spop (v2sf)  }
.Ltmp23:
0x32e: {  	p1 =	sgt.u32 s0, $0x270FF;
	(pc) =	sbr.rel @!p2 .LBB2_30-.Ltmp23, $4  }
0x32f: {  	s1 =	simm.s32 $0x3888;
	s6 =	sand.u32 @!p1 $0x3FFF8, s0  }
0x330: {  	s8 =	simm.s32 $0x0;
	s0 =	sand.u32 @!p1 $0x7, s0;
	s6 =	sadd.s32 @!p1 s3, s6  }
0x331: {  	[hbm4b:s6+s0] =	stream.linear.scatter @!p1 [tilespmem:s1], [sflag:$0x5], $0x4, $0x38;
	[tilespmem:$0x1FE08] =	vst v63  }
0x332: {  	s7 =	simm.s32 $0x385A;
	s8 =	simm.s32 @!p1 $0x10;
	s6 =	simm.s32 $0x0  }
.LBB2_29:
0x333: {  	v0 =	vld.msk [tilespmem:s7+$0x0], $0x1;
	s2 =	sadd.s32 $0xFFFFFFFF, s2;
	s6 =	sadd.s32 s6, s8  }
0x334: {  	p1 =	sne.s32 s2, $0x0;
	_ =	sdelay $0x3  }
0x335: {  	(v2sf) =	vpush v0, $0x0;
	_ =	sdelay $0xe  }
.Ltmp24:
0x336: {  	s0 =	spop (v2sf);
	(pc) =	sbr.rel @p1 .LBB2_29-.Ltmp24, $4  }
0x337: {  	s8 =	simm.s32 $0x0;
	p2 =	sgt.u32 s0, $0x270FF  }
0x338: {  	s1 =	sadd.s32 $0x10, s1;
	s8 =	simm.s32 @!p2 $0x10;
	s9 =	sand.u32 @!p2 $0x3FFF8, s0  }
0x339: {  	s7 =	sadd.s32 $0x1, s7;
	s0 =	sand.u32 @!p2 $0x7, s0;
	s9 =	sadd.s32 @!p2 s3, s9  }
0x33a: {  	[hbm4b:s9+s0] =	stream.linear.scatter @!p2 [tilespmem:s1], [sflag:$0x5], $0x4, $0x38;
	[tilespmem:$0x1FE08] =	vst v63  }
.LBB2_30:
0x33b: {  	s0 =	sadd.s32 s6, s8  }
0x33c: {  	s1 =	sshrl.u32 s0, $0x2  }
.LBB2_31:
0x33d: {  	s0 =	simm.s32 $0x5  }
0x33e: {  	_ =	swait.ge [sflag:s0], s1  }
0x33f: {  	s31 =	ssub.s32 $0x0, s1;
	[sflag:s0] =	ssyncset.done $0x0  }
0x340: {  	[sflag:s0] =	ssyncadd.s32 s31  }
0x341: {  	[sflag:s0] =	ssyncpa.u1 $0x1  }
.LBB2_32:
0x342: {  	s0 =	sor.u32 s5, s4  }
0x343: {  	p1 =	sne.s32 s0, $0x0  }
.Ltmp25:
0x344: {  	_ = 	snop;
	(pc) =	sbr.rel @p1 .LBB2_47-.Ltmp25, $3  }
0x345: {  	_ =	sdelay $0x1  }
0x346: {  	[bflag:$0x0] =	sbarrier.arrive $0xFFFF  }
0x347: {  	_ =	sfence  }
0x348: {  	s0 =	simm.s32 $0x7  }
0x349: {  	s1 =	simm.s32 $0x200;
	s2 =	simm.s32 $0x3858;
	[sflag:s0] =	ssyncpa.u1 $0x0  }
0x34a: {  	[tilespmem:s2], [sflag:$0x7] =	stream.linear.gather [spmem:s1], $0x20, $0x38;
	[tilespmem:$0x1FE08] =	vst v63  }
0x34b: {  	s30 =	simm.s32 $0x3878;
	s1 =	simm.s32 $0x0  }
0x34c: {  	[tilespmem:s30], [sflag:$0x7] =	stream.linear.gather [spmem:s1], $0x200, $0x38;
	[tilespmem:$0x1FE08] =	vst v63  }
.Ltmp26:
0x34d: {  	_ = 	snop;
	(pc) =	sbr.rel .LBB2_34-.Ltmp26, $4  }
0x34e: {  	_ =	swait.ge [sflag:s0], $0x220  }
0x34f: {  	[sflag:s0] =	ssyncset.done $0x0  }
0x350: {  	s31 =	simm.s32 $0x8;
	[sflag:s0] =	ssyncadd.s32 $0xFFFFFDE0  }
0x351: {  	s2 =	simm.s32 $0x0;
	[sflag:s31] =	ssyncpa.u1 $0x0  }
.LBB2_39:
0x352: {  	p1 =	slt.u32 s4, $0x27100  }
0x353: {  	s0 =	sand.u32 @p1 $0x3FFF8, s4  }
0x354: {  	s4 =	sand.u32 @p1 $0x7, s4;
	s5 =	simm.s32 @p1 $0x3838;
	s0 =	sadd.s32 @p1 s3, s0  }
0x355: {  	[tilespmem:s5], [sflag:$0x8] =	stream.linear.gather @p1 [hbm4b:s0+s4], $0x4, $0x38;
	[tilespmem:$0x1FE08] =	vst v63  }
0x356: {  	s0 =	simm.s32 @p1 $0x8  }
0x357: {  	_ =	swait.ge @p1 [sflag:s0], $0x4  }
0x358: {  	[sflag:s0] =	ssyncset.done @p1 $0x0  }
0x359: {  	[sflag:s0] =	ssyncadd.s32 @p1 $0xFFFFFFFC  }
0x35a: {  	v1 =	vld @p1 [tilespmem:$0x3838];
	_ =	sdelay $0x2  }
0x35b: {  	s0 =	sshll.u32 @p1 s2, $0x6  }
0x35c: {  	s5 =	sshll.u32 @!p1 s2, $0x6;
	s4 =	sshrl.u32 @p1 s0, $0x2  }
0x35d: {  	s5 =	smov.u32 @p1 s0;
	[tilespmem:s4+$0x3878] =	vst.add.f32.msk @p1 $0xffff, v1  }
0x35e: {  	s0 =	sshrl.u32 s5, $0x2;
	[tilespmem:s1+$0x3858] =	vst.msk $0x1, v0  }
0x35f: {  	v0 =	vld [tilespmem:s0+$0x3878];
	_ =	sdelay $0x2  }
0x360: {  	s31 =	sshll.u32 s1, $0x6  }
0x361: {  	s0 =	sshra.s32 s31, $0x2  }
0x362: {  	s1 =	sadd.s32 $0x1, s1;
	[tilespmem:s0+$0x3878] =	vst v0  }
.LBB2_41:
0x363: {  	s2 =	sadd.s32 $0x1, s2  }
0x364: {  	p1 =	sne.s32 s2, $0x20  }
.Ltmp27:
0x365: {  	_ = 	snop;
	(pc) =	sbr.rel @!p1 .LBB2_42-.Ltmp27, $1  }
0x366: {  	_ =	sdelay $0x3  }
.LBB2_34:
0x367: {  	v0 =	vld.msk [tilespmem:s2+$0x3858], $0x1;
	_ =	sdelay $0x4  }
0x368: {  	(v2sf) =	vpush v0, $0x0;
	_ =	sdelay $0xe  }
0x369: {  	s4 =	spop (v2sf)  }
0x36a: {  	p1 =	seq.s32 s4, $0xFFFFFFFF  }
.Ltmp28:
0x36b: {  	_ = 	snop;
	(pc) =	sbr.rel @p1 .LBB2_41-.Ltmp28, $1  }
0x36c: {  	_ =	sdelay $0x3  }
0x36d: {  	p1 =	slt.s32 s1, $0x1  }
.Ltmp29:
0x36e: {  	_ = 	snop;
	(pc) =	sbr.rel @p1 .LBB2_39-.Ltmp29, $1  }
0x36f: {  	_ =	sdelay $0x3  }
0x370: {  	s5 =	simm.s32 $0x3858;
	p1 =	por $0x0, $0x0  }
0x371: {  	v1 =	vld.msk @!p1 [tilespmem:s5+$0x0], $0x1;
	_ =	sdelay $0x4  }
0x372: {  	(v2sf) =	vpush @!p1 v1, $0x0;
	_ =	sdelay $0xd  }
0x373: {  	p3 =	sne.s32 s1, $0x1  }
.Ltmp30:
0x374: {  	s0 =	spop @!p1 (v2sf);
	(pc) =	sbr.rel @!p3 .LBB2_38-.Ltmp30, $4  }
0x375: {  	p2 =	seq.s32 @!p1 s4, s0  }
0x376: {  	s6 =	simm.s32 $0x0;
	p2 =	por !p2, p1  }
0x377: {  	s0 =	simm.s32 $0xFFFFFFFF;
	s6 =	simm.s32 @p2 $0xFFFFFFFF  }
0x378: {  	s7 =	simm.s32 $0x1;
	s6 =	smov.u32 @p1 s0  }
.LBB2_37:
0x379: {  	s0 =	smov.u32 s6;
	p1 =	sne.s32 s6, $0xFFFFFFFF  }
0x37a: {  	s5 =	sadd.s32 $0x1, s5;
	s6 =	smov.u32 s7;
	s7 =	sadd.s32 $0x1, s7  }
0x37b: {  	p2 =	sne.s32 s1, s7;
	v1 =	vld.msk @!p1 [tilespmem:s5+$0x0], $0x1;
	_ =	sdelay $0x4  }
0x37c: {  	(v2sf) =	vpush @!p1 v1, $0x0;
	_ =	sdelay $0xe  }
.Ltmp31:
0x37d: {  	s8 =	spop @!p1 (v2sf);
	(pc) =	sbr.rel @p2 .LBB2_37-.Ltmp31, $4  }
0x37e: {  	p3 =	seq.s32 @!p1 s4, s8  }
0x37f: {  	p3 =	por !p3, p1  }
0x380: {  	s6 =	simm.s32 @p3 $0xFFFFFFFF  }
0x381: {  	s6 =	smov.u32 @p1 s0  }
.LBB2_38:
0x382: {  	p1 =	sne.s32 s6, $0xFFFFFFFF  }
.Ltmp32:
0x383: {  	_ = 	snop;
	(pc) =	sbr.rel @!p1 .LBB2_39-.Ltmp32, $1  }
0x384: {  	_ =	sdelay $0x3  }
0x385: {  	s0 =	sshll.u32 s2, $0x4  }
0x386: {  	s0 =	sand.u32 $0x3FFFFFF0, s0  }
0x387: {  	v0 =	vld [tilespmem:s0+$0x3878]  }
.Ltmp33:
0x388: {  	_ = 	snop;
	(pc) =	sbr.rel .LBB2_41-.Ltmp33, $4  }
0x389: {  	_ = 	snop  }
0x38a: {  	s31 =	sshll.u32 s6, $0x6  }
0x38b: {  	s0 =	sshra.s32 s31, $0x2  }
0x38c: {  	[tilespmem:s0+$0x3878] =	vst.add.f32.msk $0xffff, v0  }
.LBB2_42:
0x38d: {  	p1 =	slt.s32 s1, $0x1  }
.Ltmp34:
0x38e: {  	_ = 	snop;
	(pc) =	sbr.rel @p1 .LBB2_46-.Ltmp34, $3  }
0x38f: {  	_ =	sdelay $0x1  }
0x390: {  	s0 =	simm.s32 $0x8  }
0x391: {  	s2 =	simm.s32 $0x0;
	[sflag:s0] =	ssyncpa.u1 $0x1  }
0x392: {  	s0 =	simm.s32 $0x3858  }
0x393: {  	v0 =	vld.msk [tilespmem:s0+$0x0], $0x1;
	_ =	sdelay $0x4  }
0x394: {  	(v2sf) =	vpush v0, $0x0;
	_ =	sdelay $0xd  }
0x395: {  	s1 =	sadd.s32 $0xFFFFFFFF, s1  }
0x396: {  	p2 =	sne.s32 s1, $0x0;
	s0 =	spop (v2sf)  }
.Ltmp35:
0x397: {  	p1 =	sgt.u32 s0, $0x270FF;
	(pc) =	sbr.rel @!p2 .LBB2_45-.Ltmp35, $4  }
0x398: {  	s4 =	simm.s32 $0x3878;
	s5 =	sand.u32 @!p1 $0x3FFF8, s0  }
0x399: {  	s6 =	simm.s32 $0x0;
	s0 =	sand.u32 @!p1 $0x7, s0;
	s5 =	sadd.s32 @!p1 s3, s5  }
0x39a: {  	[hbm4b:s5+s0] =	stream.linear.scatter @!p1 [tilespmem:s4], [sflag:$0x7], $0x4, $0x38;
	[tilespmem:$0x1FE08] =	vst v63  }
0x39b: {  	s6 =	simm.s32 @!p1 $0x10;
	s5 =	simm.s32 $0x3859  }
.LBB2_44:
0x39c: {  	v0 =	vld.msk [tilespmem:s5+$0x0], $0x1;
	s1 =	sadd.s32 $0xFFFFFFFF, s1;
	s2 =	sadd.s32 s2, s6  }
0x39d: {  	p1 =	sne.s32 s1, $0x0;
	_ =	sdelay $0x3  }
0x39e: {  	(v2sf) =	vpush v0, $0x0;
	_ =	sdelay $0xe  }
.Ltmp36:
0x39f: {  	s0 =	spop (v2sf);
	(pc) =	sbr.rel @p1 .LBB2_44-.Ltmp36, $4  }
0x3a0: {  	s6 =	simm.s32 $0x0;
	p2 =	sgt.u32 s0, $0x270FF  }
0x3a1: {  	s4 =	sadd.s32 $0x10, s4;
	s6 =	simm.s32 @!p2 $0x10;
	s7 =	sand.u32 @!p2 $0x3FFF8, s0  }
0x3a2: {  	s5 =	sadd.s32 $0x1, s5;
	s0 =	sand.u32 @!p2 $0x7, s0;
	s7 =	sadd.s32 @!p2 s3, s7  }
0x3a3: {  	[hbm4b:s7+s0] =	stream.linear.scatter @!p2 [tilespmem:s4], [sflag:$0x7], $0x4, $0x38;
	[tilespmem:$0x1FE08] =	vst v63  }
.LBB2_45:
0x3a4: {  	s0 =	sadd.s32 s2, s6  }
0x3a5: {  	s2 =	sshrl.u32 s0, $0x2  }
.LBB2_46:
0x3a6: {  	s0 =	simm.s32 $0x7  }
0x3a7: {  	_ =	swait.ge [sflag:s0], s2  }
0x3a8: {  	s1 =	ssub.s32 $0x0, s2;
	[sflag:s0] =	ssyncset.done $0x0  }
0x3a9: {  	[sflag:s0] =	ssyncadd.s32 s1  }
0x3aa: {  	[sflag:s0] =	ssyncpa.u1 $0x1  }
.LBB2_47:
0x3ab: {  	_ =	sfence;
	s0 =	simm.s32 $0x1  }
0x3ac: {  	[sflag:s0] =	ssyncpa.u1 $0x1  }
0x3ad: {  	_ =	strace $0x90000062  }
0x3ae: {  	[bflag:$0x2] =	sbarrier.arrive $0xFFFF  }
0x3af: {  	s0 =	rddreg [dreg:$0x3]  }
0x3b0: {  	s0 =	sadd.s32 @!p0 $0x100000, s0  }
0x3b1: {  	[sflag:s0] =	ssyncadd.tile.s32 @!p0 $0x1;
	_ =	shalt  }
.Lfunc_end2:
_tile_overlayer_lowered:
.L_overlay_start_2:
0x3b2: {  	(tag) =	ssettag $0x2  }
0x3b3: {  	s0 =	rddreg [dreg:$0x0];
	s2 =	stileid.u32  }
0x3b4: {  	s1 =	rddreg [dreg:$0x1];
	p0 =	sne.s32 s2, $0x0  }
0x3b5: {  	s3 =	rddreg [dreg:$0x2];
	[bflag:$0x3] =	sbarrier.arrive $0xFFFF;
	s2 =	simm.s32 @!p0 $0x1C01  }
0x3b6: {  	[timem:s3], [sflag:s2] =	dma.local @!p0 [hbm:s0], s1  }
0x3b7: {  	s0 =	simm.s32 @!p0 $0x1  }
0x3b8: {  	_ =	swait.ge @!p0 [sflag:s0], s1  }
0x3b9: {  	s1 =	ssub.s32 @!p0 $0x0, s1;
	[sflag:s0] =	ssyncset.done @!p0 $0x0  }
0x3ba: {  	[sflag:s0] =	ssyncadd.s32 @!p0 s1  }
0x3bb: {  	[bflag:$0x3] =	sbarrier.arrive $0xFFFF  }
0x3bc: {  	_ =	shalt  }

// kernel: scatter_offload_async_start
scs
__scs_entry_jumppad:
0x0: {  	(pc) =	sbr.rel $0x88, $3  }
0x1: {  	(tag) =	ssettag $0x0;
	lr =	simm.s32 $0x1  }
0x2: {  	[smem:$0x3F86] =	sst lr;
	_ =	strace $0xD0000000  }
0x3: {  	_ = 	snop  }
0x4: {  	_ = 	snop  }
0x5: {  	_ = 	snop  }
0x6: {  	_ = 	snop  }
0x7: {  	_ = 	snop  }
__scs_overlays_trampoline_lowered:
0x8: {  	[smem:$0x3F95] =	sst s0  }
0x9: {  	[smem:$0x3F96] =	sst s1  }
0xa: {  	[smem:$0x3F97] =	sst s2  }
0xb: {  	[smem:$0x3F98] =	sst s3  }
0xc: {  	[smem:$0x3F99] =	sst s4  }
0xd: {  	[smem:$0x3F9A] =	sst s5  }
0xe: {  	[smem:$0x3F9B] =	sst s6  }
0xf: {  	[smem:$0x3F9C] =	sst s7  }
0x10: {  	[smem:$0x3F9D] =	sst s8  }
0x11: {  	[smem:$0x3F9E] =	sst s9;
	s0 =	simm.s32 @!p0 $0x0  }
0x12: {  	s1 =	sld [smem:$0x3F84];
	s0 =	simm.s32 @p0 $0x1  }
0x13: {  	[smem:$0x3F9F] =	sst s0;
	s0 =	simm.s32 @!p1 $0x0  }
0x14: {  	s2 =	sld [smem:$0x3F83];
	s0 =	simm.s32 @p1 $0x1  }
0x15: {  	[smem:$0x3FA0] =	sst s0;
	s0 =	simm.s32 @!p2 $0x0  }
0x16: {  	s3 =	sld [smem:$0x3FDB];
	s0 =	simm.s32 @p2 $0x1  }
0x17: {  	s4 =	simm.s32 $0x1BF5;
	[smem:$0x3FA2] =	sst s0  }
0x18: {  	s0 =	sld [smem:$0x3F85];
	_ =	swait.ge [sflag:s4], $0x0  }
0x19: {  	s7 =	sld [smem:$0x3F86]  }
0x1a: {  	s8 =	sadd.s32 $0xFFFFE003, lr  }
0x1b: {  	s9 =	sadd.s32 $0xFFFFFEF7, lr;
	s5 =	simm.s32 $0xFFFFFFFF;
	p2 =	slt.u32 s8, $0xFFFFF086  }
0x1c: {  	p1 =	slt.u32 s9, $0xF7A;
	s5 =	simm.s32 @!p2 $0x0  }
0x1d: {  	s5 =	simm.s32 @p1 $0x1;
	p0 =	seq.s32 s7, s2  }
0x1e: {  	s7 =	smul.u32 @!p0 $0xF7A, s2;
	p2 =	seq.s32 @!p0 s5, $0x0  }
0x1f: {  	s9 =	smul.u32 $0xF7A, s1;
	s8 =	simm.s32 @!p0 $0x1BF5;
	p2 =	por !p2, p0  }
0x20: {  	[sflag:s8] =	ssyncset.s32 @!p0 $0xFFFFF086;
	s6 =	sadd.s32 @!p0 s3, s7;
	s7 =	simm.s32 @!p0 $0x108  }
0x21: {  	s3 =	sadd.s32 s3, s9;
	s6 =	sadd.s32 @!p0 $0x88, s6;
	s7 =	simm.s32 @p2 $0x1082  }
0x22: {  	[simem:s7], [sflag:s8] =	dma.local @!p0 [hbm:s6], $0xF7A  }
0x23: {  	s9 =	sor.u32 $0xD0000000, s2;
	s6 =	simm.s32 $0x108;
	_ =	swait.ge @!p0 [sflag:s8], $0x0  }
0x24: {  	s3 =	sadd.s32 $0x88, s3;
	s6 =	simm.s32 @!p1 $0x1082;
	[sflag:s4] =	ssyncset.s32 $0xFFFFF086  }
0x25: {  	[simem:s6], [sflag:s4] =	dma.local [hbm:s3], $0xF7A  }
0x26: {  	[smem:$0x3F86] =	sst s1;
	(tag) =	ssettag s2;
	_ =	strace s9  }
0x27: {  	s1 =	sld [smem:$0x3F96]  }
0x28: {  	s2 =	sld [smem:$0x3F97]  }
0x29: {  	s4 =	sld [smem:$0x3F99]  }
0x2a: {  	p0 =	seq.s32 s5, $0x0;
	s5 =	sld [smem:$0x3F9A]  }
0x2b: {  	s6 =	sld [smem:$0x3F9B]  }
0x2c: {  	s7 =	sld [smem:$0x3F9C]  }
0x2d: {  	s3 =	simm.s32 $0x108;
	s8 =	sld [smem:$0x3F9D]  }
0x2e: {  	s3 =	simm.s32 @!p0 $0x1082;
	s9 =	sld [smem:$0x3F9E]  }
0x2f: {  	lr =	sadd.s32 s0, s3;
	s0 =	sld [smem:$0x3F95]  }
0x30: {  	s3 =	sld [smem:$0x3F98]  }
0x31: {  	[smem:$0x3FA1] =	sst s10  }
0x32: {  	s10 =	sld [smem:$0x3F9F];
	_ =	sdelay $0x3  }
0x33: {  	p0 =	seq.s32 s10, $0x1;
	s10 =	sld [smem:$0x3FA1];
	_ =	sdelay $0x3  }
0x34: {  	[smem:$0x3FA1] =	sst s10  }
0x35: {  	s10 =	sld [smem:$0x3FA0];
	_ =	sdelay $0x3  }
0x36: {  	p1 =	seq.s32 s10, $0x1;
	s10 =	sld [smem:$0x3FA1];
	_ =	sdelay $0x3  }
0x37: {  	[smem:$0x3FA1] =	sst s10  }
0x38: {  	s10 =	sld [smem:$0x3FA2]  }
0x39: {  	_ = 	snop;
	(pc) =	sbr.ind lr, $3  }
0x3a: {  	_ = 	snop  }
0x3b: {  	_ = 	snop  }
0x3c: {  	p2 =	seq.s32 s10, $0x1;
	s10 =	sld [smem:$0x3FA1]  }
0x3d: {  	_ =	shalt  }
0x3e: {  	_ =	shalt  }
0x3f: {  	_ =	shalt  }
0x40: {  	_ =	shalt  }
0x41: {  	_ =	shalt  }
0x42: {  	_ =	shalt  }
0x43: {  	_ =	shalt  }
0x44: {  	_ =	shalt  }
0x45: {  	_ =	shalt  }
0x46: {  	_ =	shalt  }
0x47: {  	_ =	shalt  }
0x48: {  	_ =	shalt  }
0x49: {  	_ =	shalt  }
0x4a: {  	_ =	shalt  }
0x4b: {  	_ =	shalt  }
0x4c: {  	_ =	shalt  }
0x4d: {  	_ =	shalt  }
0x4e: {  	_ =	shalt  }
0x4f: {  	_ =	shalt  }
0x50: {  	_ =	shalt  }
0x51: {  	_ =	shalt  }
0x52: {  	_ =	shalt  }
0x53: {  	_ =	shalt  }
0x54: {  	_ =	shalt  }
0x55: {  	_ =	shalt  }
0x56: {  	_ =	shalt  }
0x57: {  	_ =	shalt  }
0x58: {  	_ =	shalt  }
0x59: {  	_ =	shalt  }
0x5a: {  	_ =	shalt  }
0x5b: {  	_ =	shalt  }
0x5c: {  	_ =	shalt  }
0x5d: {  	_ =	shalt  }
0x5e: {  	_ =	shalt  }
0x5f: {  	_ =	shalt  }
0x60: {  	_ =	shalt  }
0x61: {  	_ =	shalt  }
0x62: {  	_ =	shalt  }
0x63: {  	_ =	shalt  }
0x64: {  	_ =	shalt  }
0x65: {  	_ =	shalt  }
0x66: {  	_ =	shalt  }
0x67: {  	_ =	shalt  }
0x68: {  	_ =	shalt  }
0x69: {  	_ =	shalt  }
0x6a: {  	_ =	shalt  }
0x6b: {  	_ =	shalt  }
0x6c: {  	_ =	shalt  }
0x6d: {  	_ =	shalt  }
0x6e: {  	_ =	shalt  }
0x6f: {  	_ =	shalt  }
0x70: {  	_ =	shalt  }
0x71: {  	_ =	shalt  }
0x72: {  	_ =	shalt  }
0x73: {  	_ =	shalt  }
0x74: {  	_ =	shalt  }
0x75: {  	_ =	shalt  }
0x76: {  	_ =	shalt  }
0x77: {  	_ =	shalt  }
0x78: {  	_ =	shalt  }
0x79: {  	_ =	shalt  }
0x7a: {  	_ =	shalt  }
0x7b: {  	_ =	shalt  }
0x7c: {  	_ =	shalt  }
0x7d: {  	_ =	shalt  }
0x7e: {  	_ =	shalt  }
0x7f: {  	_ =	shalt  }
0x80: {  	_ =	shalt  }
0x81: {  	_ =	shalt  }
0x82: {  	_ =	shalt  }
0x83: {  	_ =	shalt  }
0x84: {  	_ =	shalt  }
0x85: {  	_ =	shalt  }
0x86: {  	_ =	shalt  }
0x87: {  	_ =	shalt  }
.Lfunc_end0:
.L_simem_size_0:
called_computation_lowered:
.L_overlay_start_0:
0x88: {  	s2 =	sld [smem:$0x3FD9]  }
0x89: {  	s3 =	sld [smem:$0x3FFE];
	_ =	sdelay $0x1  }
0x8a: {  	s1 =	srdreg.scid  }
0x8b: {  	s0 =	sand.u32 $0x1, s1  }
0x8c: {  	s15 =	sshll.u32 s0, $0xA;
	s2 =	sadd.s32 s3, s2  }
0x8d: {  	s2 =	sadd.s32 s2, s15  }
0x8e: {  	[smem:$0x3FAD] =	sst s2  }
0x8f: {  	_ = 	snop  }
0x90: {  	(tm) =	ssettm $0x1  }
0x91: {  	s16 =	sld [smem:$0x3FFB];
	_ =	sdelay $0x3  }
0x92: {  	_ =	strace s16  }
0x93: {  	s2 =	sld [smem:$0x3FFC];
	_ =	sdelay $0x3  }
0x94: {  	_ =	strace s2  }
0x95: {  	s2 =	sld [smem:$0x3FFD];
	_ =	sdelay $0x3  }
0x96: {  	_ =	strace s2  }
0x97: {  	_ =	strace $0x8FFFFFFF  }
0x98: {  	s17 =	sld [smem:$0x3FDB];
	_ =	sdelay $0x1  }
0x99: {  	s18 =	simm.s32 $_scs_section_size  }
0x9a: {  	s4 =	simm.s32 $_size__tile_overlayer_lowered;
	s5 =	simm.s32 $_tile_overlayer_lowered  }
0x9b: {  	s6 =	simm.s32 $0x1BFF;
	s19 =	sshll.u32 s5, $0x1;
	s3 =	sadd.s32 s18, s17  }
0x9c: {  	s20 =	simm.s32 $0x0;
	s4 =	sshll.u32 s4, $0x1;
	s5 =	sadd.s32 s19, s3  }
0x9d: {  	[timem:s20], [sflag:s6] =	dma.local [hbm:s5], s4  }
0x9e: {  	_ =	swait.ge [sflag:s6], s4  }
0x9f: {  	s4 =	ssub.s32 $0x0, s4;
	[sflag:s6] =	ssyncset.done $0x0  }
0xa0: {  	[sflag:s6] =	ssyncadd.s32 s4;
	_ =	sdelay $0x1  }
0xa1: {  	s21 =	simm.s32 $0x1B8B  }
0xa2: {  	_ =	swait.ge [sflag:s21], $0x1  }
0xa3: {  	[sflag:s21] =	ssyncset.done $0x0  }
0xa4: {  	s22 =	sld [smem:$0x3FFE];
	[sflag:s21] =	ssyncadd.s32 $0xFFFFFFFF  }
0xa5: {  	s24 =	simm.s32 $0x1B8E;
	s23 =	sld [smem:$0x0]  }
0xa6: {  	s25 =	simm.s32 $execute0_lowered;
	[smem:$0x3FD2] =	sst s24  }
0xa7: {  	s6 =	sshll.u32 s25, $0x1;
	_ =	strace $0x8000004F;
	[dreg:$0x1] =	wrdreg $0xFFFFFFFF  }
0xa8: {  	s7 =	simm.s32 $_size_execute0_lowered;
	s6 =	sadd.s32 s3, s6;
	[dreg:$0x0] =	wrdreg $0x0  }
0xa9: {  	s7 =	sshll.u32 s7, $0x1;
	[dreg:$0x2] =	wrdreg s6  }
0xaa: {  	[dreg:$0x3] =	wrdreg s7  }
0xab: {  	[dreg:$0x4] =	wrdreg $0xC0  }
0xac: {  	s26 =	simm.s32 $execute1_lowered;
	_ =	task [dreg:s20], $0x5FFFF  }
0xad: {  	s6 =	sshll.u32 s26, $0x1;
	[dreg:$0x1] =	wrdreg $0xFFFFFFFF  }
0xae: {  	s3 =	sadd.s32 s3, s6;
	[dreg:$0x0] =	wrdreg $0x60  }
0xaf: {  	[dreg:$0x2] =	wrdreg s3  }
0xb0: {  	[dreg:$0x3] =	wrdreg s22  }
0xb1: {  	[dreg:$0x4] =	wrdreg $0x9  }
0xb2: {  	_ =	task.clear_ibuf [dreg:s20], $0x5FFFF;
	_ =	strace $0x9000004F  }
0xb3: {  	s28 =	simm.s32 $0x9;
	_ =	strace $0x80000051  }
0xb4: {  	_ =	swait.ge [sflag:s28], $0x1  }
0xb5: {  	[sflag:s28] =	ssyncadd.s32 $0xFFFFFFFF  }
0xb6: {  	_ =	strace $0x90000051  }
0xb7: {  	s3 =	sld [smem:$0x0]  }
0xb8: {  	s6 =	sand.u32 $0xFFFFFFFE, s1  }
0xb9: {  	p0 =	sne.s32 s1, s6  }
0xba: {  	s6 =	sshll.u32 @p0 s6, $0xE  }
0xbb: {  	s6 =	sadd.s32 @p0 $0x11BF3, s6;
	s7 =	sshll.u32 @p0 s3, $0x11  }
0xbc: {  	s6 =	sor.u32 @p0 s7, s6  }
0xbd: {  	[sflag:s6] =	ssyncadd.remote.s32 @p0 $0x1;
	_ =	sdelay $0x1  }
0xbe: {  	s6 =	simm.s32 @p0 $0x1BF3  }
0xbf: {  	_ =	swait.eq @p0 [sflag:s6], $0x1  }
0xc0: {  	[sflag:s6] =	ssyncadd.s32 @p0 $0xFFFFFFFF  }
0xc1: {  	s7 =	sshll.u32 @!p0 s1, $0xE  }
0xc2: {  	s7 =	sor.u32 @!p0 $0x4000, s7;
	s6 =	simm.s32 @!p0 $0x1BF3  }
0xc3: {  	s3 =	sshll.u32 @!p0 s3, $0x11;
	s7 =	sadd.s32 @!p0 $0x11BF3, s7;
	_ =	swait.eq @!p0 [sflag:s6], $0x1  }
0xc4: {  	s3 =	sor.u32 @!p0 s3, s7;
	[sflag:s6] =	ssyncadd.s32 @!p0 $0xFFFFFFFF  }
0xc5: {  	[sflag:s3] =	ssyncadd.remote.s32 @!p0 $0x1  }
0xc6: {  	_ =	strace $0x80000052;
	[dreg:$0x1] =	wrdreg $0xFFFFFFFF  }
0xc7: {  	[dreg:$0x0] =	wrdreg $0x2030  }
0xc8: {  	[dreg:$0x2] =	wrdreg s22  }
0xc9: {  	[dreg:$0x3] =	wrdreg s1  }
0xca: {  	[dreg:$0x4] =	wrdreg s23  }
0xcb: {  	[dreg:$0x5] =	wrdreg $0xA  }
0xcc: {  	_ =	task.clear_ibuf [dreg:s20], $0x6FFFF;
	_ =	strace $0x90000052  }
0xcd: {  	s29 =	simm.s32 $0xA;
	_ =	strace $0x80000054  }
0xce: {  	_ =	swait.ge [sflag:s29], $0x1  }
0xcf: {  	[sflag:s29] =	ssyncadd.s32 $0xFFFFFFFF  }
0xd0: {  	_ =	strace $0x90000054  }
0xd1: {  	_ =	sfence  }
0xd2: {  	s30 =	sld [smem:$0x0];
	_ =	sdelay $0x2  }
0xd3: {  	s31 =	sshll.u32 s1, $0xD;
	s1 =	sshrl.u32 s1, $0x2  }
0xd4: {  	s4 =	sand.u32 $0x4000, s31;
	s1 =	sadd.s32 s1, s30  }
0xd5: {  	s0 =	sor.u32 s4, s0;
	s1 =	sshll.u32 s1, $0x11  }
0xd6: {  	s0 =	sor.u32 s1, s0  }
0xd7: {  	s0 =	sadd.s32 $0x8F2B, s0  }
0xd8: {  	[sflag:s0] =	ssyncadd.remote.s32 $0x1  }
0xd9: {  	_ =	sfence.sel $0xFFFF  }
0xda: {  	[dreg:$0x0] =	wrdreg $0xFFFFFFFF;
	(pc) =	sbr.abs _section_cstart, $3  }
0xdb: {  	[dreg:$0x1] =	wrdreg $0xFFFFFFFF  }
0xdc: {  	_ =	task.clear_ibuf [dreg:s20], $0x2FFFF;
	_ =	strace $0x9FFFFFFF  }
0xdd: {  	(tm) =	ssettm $0x7FFFFFFF  }
tec
execute0_lowered:
.L_overlay_start_1:
0x0: {  	(tag) =	ssettag $0x1  }
0x1: {  	s2 =	rddreg [dreg:$0x0]  }
0x2: {  	s7 =	rddreg [dreg:$0x1]  }
0x3: {  	s0 =	rddreg [dreg:$0x2]  }
0x4: {  	s3 =	stileid.u32;
	[bflag:$0x3] =	sbarrier.arrive $0xFFFF;
	s1 =	simm.s32 $_size_execute1_lowered  }
0x5: {  	s29 =	srdreg.scid;
	s9 =	simm.s32 $0x2;
	p0 =	sne.s32 s3, $0x0  }
0x6: {  	s1 =	sshll.u32 s1, $0x1;
	s4 =	simm.s32 @!p0 $0x1C3F;
	s5 =	simm.s32 @!p0 $0x4060  }
0x7: {  	[timem:s5], [sflag:s4] =	dma.local @!p0 [hbm:s2], s1  }
0x8: {  	s13 =	simm.s32 $0x0;
	s10 =	simm.s32 $0x80;
	s2 =	sshll.u32 s29, $0x9  }
0x9: {  	s12 =	simm.s32 $0x0;
	s3 =	sshll.u32 s3, $0xA;
	s2 =	sand.u32 $0x200, s2  }
0xa: {  	s11 =	simm.s32 $0x0;
	_ =	strace $0x80000050;
	s2 =	sor.u32 s3, s2  }
0xb: {  	s3 =	sshll.u32 s2, $0x4;
	p1 =	slt.u32 s2, $0x2710;
	s31 =	smax.u32 s2, $0x2510  }
0xc: {  	s5 =	ssub.s32 $0x2710, s2;
	s4 =	sadd.s32 $0xFFFD8F00, s3;
	s6 =	sshll.u32 s31, $0x7  }
0xd: {  	s4 =	smov.u32 @p1 s3;
	s3 =	simm.s32 $0x1;
	p1 =	sgt.s32 s5, $0x0  }
0xe: {  	s6 =	ssub.s32 $0x138800, s6;
	s8 =	sadd.s32 s4, s7;
	[sflag:s3] =	ssyncpa.u1 $0x0  }
.Ltmp0:
0xf: {  	s5 =	simm.s32 @!p1 $0x0;
	s4 =	simm.s32 $0x1;
	(pc) =	sbr.rel .LBB2_1-.Ltmp0, $4  }
0x10: {  	s6 =	sshrl.u32 s6, $0x2;
	s7 =	sadd.s32 $0x548000, s7;
	s30 =	sand.u32 $0x3F10, s5  }
0x11: {  	s5 =	simm.s32 $0x3;
	[sflag:s9] =	ssyncpa.u1 $0x0;
	p1 =	sne.s32 s30, $0x0  }
0x12: {  	s4 =	simm.s32 @!p1 $0x0;
	s5 =	simm.s32 @!p1 $0x2;
	p1 =	sgt.u32 s2, $0x270F  }
0x13: {  	s8 =	sadd.s32 $0x22A00, s8;
	s9 =	simm.s32 $0x20;
	s6 =	simm.s32 @p1 $0x0  }
.LBB2_5:
0x14: {  	_ =	sdelay $0x3  }
0x15: {  	[tilespmem:v1+s16+$0x0 ss:$0x1] =	vst.idx.msk $0xffff, v2  }
.LBB2_6:
0x16: {  	s16 =	smulhi.u32 $0xD1B71759, s12;
	_ =	sdelay $0x1  }
0x17: {  	s16 =	sshrl.u32 s16, $0xD  }
0x18: {  	s16 =	smul.u32 $0x2710, s16;
	_ =	sdelay $0x1  }
0x19: {  	s16 =	ssub.s32 s12, s16  }
0x1a: {  	s16 =	sshll.u32 s16, $0x4  }
0x1b: {  	s16 =	sadd.s32 s7, s16  }
0x1c: {  	[hbm4b:s16+s9] =	stream.strided.scatter [tilespmem:s15], [sflag:$0x2], s14, s10, s9, $0x38;
	[tilespmem:$0x10000] =	vst v63  }
.LBB2_7:
0x1d: {  	p1 =	slt.u32 s11, $0x2  }
0x1e: {  	p2 =	sgt.s32 @!p1 s13, $0x2510  }
0x1f: {  	p2 =	por !p2, p1  }
0x20: {  	p3 =	sgt.s32 @!p1 s13, $0x270F;
	s13 =	simm.s32 @p2 $0x2510  }
0x21: {  	s13 =	sshll.u32 @!p1 s13, $0x7  }
0x22: {  	s13 =	ssub.s32 @!p1 $0x138800, s13  }
0x23: {  	s11 =	sadd.s32 $0x1, s11;
	p2 =	por !p3, p1;
	s13 =	sshrl.u32 @!p1 s13, $0x2  }
0x24: {  	s13 =	simm.s32 @!p2 $0x0;
	p2 =	sne.s32 s11, s5  }
.Ltmp1:
0x25: {  	_ = 	snop;
	(pc) =	sbr.rel @!p2 .LBB2_8-.Ltmp1, $4  }
0x26: {  	s14 =	simm.s32 @!p1 $0x2  }
0x27: {  	_ =	swait.ge @!p1 [sflag:s14], s13  }
0x28: {  	s15 =	ssub.s32 @!p1 $0x0, s13;
	[sflag:s14] =	ssyncset.done @!p1 $0x0  }
0x29: {  	s13 =	smov.u32 s12;
	s12 =	smov.u32 s2;
	[sflag:s14] =	ssyncadd.s32 @!p1 s15  }
.LBB2_1:
0x2a: {  	p1 =	sge.u32 s11, s4;
	s31 =	sadd.s32 $0xFFFFFFFF, s11  }
0x2b: {  	s14 =	simm.s32 @!p1 $0x20;
	s15 =	simm.s32 @!p1 $0x80;
	s16 =	simm.s32 @!p1 $0x4000  }
0x2c: {  	[tilespmem:s16], [sflag:$0x1] =	stream.strided.gather @!p1 [hbm4b:s8+s14], s6, s15, s14, $0x38;
	[tilespmem:$0x10000] =	vst v63  }
0x2d: {  	p1 =	sge.u32 s31, s4  }
.Ltmp2:
0x2e: {  	_ = 	snop;
	(pc) =	sbr.rel @p1 .LBB2_7-.Ltmp2, $1  }
0x2f: {  	_ =	sdelay $0x3  }
0x30: {  	p1 =	sgt.s32 s12, $0x2510;
	s14 =	smov.u32 s12  }
0x31: {  	s14 =	simm.s32 @!p1 $0x2510  }
0x32: {  	s14 =	sshll.u32 s14, $0x7  }
0x33: {  	s14 =	ssub.s32 $0x138800, s14  }
0x34: {  	p1 =	sgt.u32 s12, $0x270F;
	s14 =	sshrl.u32 s14, $0x2  }
0x35: {  	s15 =	smov.u32 s12;
	s14 =	simm.s32 @p1 $0x0;
	p1 =	slt.s32 s12, $0x2510  }
0x36: {  	s15 =	simm.s32 @!p1 $0x2510  }
0x37: {  	s16 =	ssub.s32 s15, s12  }
0x38: {  	p1 =	slt.s32 s16, $0xFFFFFE01  }
.Ltmp3:
0x39: {  	_ = 	snop;
	(pc) =	sbr.rel @p1 .LBB2_6-.Ltmp3, $4  }
0x3a: {  	_ = 	snop  }
0x3b: {  	s17 =	sshll.u32 s11, $0xE;
	_ =	swait.ge [sflag:s3], s14  }
0x3c: {  	s17 =	sand.u32 $0x4000, s17;
	s18 =	ssub.s32 $0x0, s14;
	[sflag:s3] =	ssyncset.done $0x0  }
0x3d: {  	s15 =	sor.u32 $0x8000, s17;
	[sflag:s3] =	ssyncadd.s32 s18  }
0x3e: {  	v0 =	vmov s17;
	_ =	sdelay $0x1  }
0x3f: {  	s30 =	sadd.s32 $0x200, s16  }
0x40: {  	s31 =	simm.s32 $0x0;
	p1 =	sne.s32 s30, $0x1  }
.Ltmp4:
0x41: {  	s16 =	sand.u32 $0x3FE0, s31;
	(pc) =	sbr.rel @!p1 .LBB2_5-.Ltmp4, $2  }
0x42: {  	v1 =	vmov s15;
	v2 =	vld.idx.msk [tilespmem:v0+s16+$0x0 ss:$0x1], $0xffff;
	_ =	sdelay $0x2  }
0x43: {  	s18 =	simm.s32 $0x20;
	s17 =	sadd.s32 $0xFFFFFFFF, s30  }
.LBB2_4:
0x44: {  	s19 =	sand.u32 $0x3FE0, s18;
	p1 =	sne.s32 s17, $0x1;
	s17 =	sadd.s32 $0xFFFFFFFF, s17  }
.Ltmp5:
0x45: {  	[tilespmem:v1+s16+$0x0 ss:$0x1] =	vst.idx.msk $0xffff, v2;
	v2 =	vld.idx.msk [tilespmem:v0+s19+$0x0 ss:$0x1], $0xffff;
	s16 =	smov.u32 s19;
	(pc) =	sbr.rel @p1 .LBB2_4-.Ltmp5, $2  }
0x46: {  	_ =	sdelay $0x2  }
0x47: {  	s18 =	sadd.s32 $0x20, s18  }
.Ltmp6:
0x48: {  	_ = 	snop;
	(pc) =	sbr.rel .LBB2_5-.Ltmp6, $1  }
0x49: {  	_ =	sdelay $0x3  }
.LBB2_8:
0x4a: {  	_ =	sfence.sel $0x180000  }
0x4b: {  	s2 =	simm.s32 $0x1;
	[bflag:$0x0] =	sbarrier.arrive $0xFFFF  }
0x4c: {  	s31 =	simm.s32 $0x2;
	[sflag:s2] =	ssyncpa.u1 $0x1  }
0x4d: {  	[sflag:s31] =	ssyncpa.u1 $0x1  }
0x4e: {  	_ =	strace $0x90000050  }
0x4f: {  	s0 =	sadd.s32 @!p0 $0x100000, s0;
	[bflag:$0x2] =	sbarrier.arrive $0xFFFF  }
0x50: {  	[sflag:s0] =	ssyncadd.tile.s32 @!p0 $0x1;
	s0 =	simm.s32 @!p0 $0x3F  }
0x51: {  	_ =	swait.ge @!p0 [sflag:s0], s1  }
0x52: {  	s1 =	ssub.s32 @!p0 $0x0, s1;
	[sflag:s0] =	ssyncset.done @!p0 $0x0  }
0x53: {  	[sflag:s0] =	ssyncadd.s32 @!p0 s1  }
0x54: {  	[bflag:$0x3] =	sbarrier.arrive $0xFFFF  }
0x55: {  	_ =	shalt  }
.Lfunc_end2:
execute1_lowered:
.L_overlay_start_2:
0x56: {  	(tag) =	ssettag $0x2  }
0x57: {  	s6 =	rddreg [dreg:$0x0];
	_ =	strace $0x80000053;
	s5 =	simm.s32 $0x1  }
0x58: {  	v0 =	vimm.s32 $0x0;
	[sflag:s5] =	ssyncpa.u1 $0x0  }
0x59: {  	[tilespmem:$0x28] =	vst v0  }
0x5a: {  	[tilespmem:$0x38] =	vst v0  }
0x5b: {  	[tilespmem:$0x48] =	vst v0  }
0x5c: {  	[tilespmem:$0x58] =	vst v0  }
0x5d: {  	[tilespmem:$0x68] =	vst v0  }
0x5e: {  	[tilespmem:$0x78] =	vst v0  }
0x5f: {  	[tilespmem:$0x88] =	vst v0  }
0x60: {  	[tilespmem:$0x98] =	vst v0  }
0x61: {  	[tilespmem:$0xA8] =	vst v0  }
0x62: {  	[tilespmem:$0xB8] =	vst v0  }
0x63: {  	[tilespmem:$0xC8] =	vst v0  }
0x64: {  	[tilespmem:$0xD8] =	vst v0  }
0x65: {  	[tilespmem:$0xE8] =	vst v0  }
0x66: {  	[tilespmem:$0xF8] =	vst v0  }
0x67: {  	[tilespmem:$0x108] =	vst v0  }
0x68: {  	[tilespmem:$0x118] =	vst v0  }
0x69: {  	[tilespmem:$0x128] =	vst v0  }
0x6a: {  	[tilespmem:$0x138] =	vst v0  }
0x6b: {  	[tilespmem:$0x148] =	vst v0  }
0x6c: {  	[tilespmem:$0x158] =	vst v0  }
0x6d: {  	[tilespmem:$0x168] =	vst v0  }
0x6e: {  	[tilespmem:$0x178] =	vst v0  }
0x6f: {  	[tilespmem:$0x188] =	vst v0  }
0x70: {  	[tilespmem:$0x198] =	vst v0  }
0x71: {  	[tilespmem:$0x1A8] =	vst v0  }
0x72: {  	[tilespmem:$0x1B8] =	vst v0  }
0x73: {  	[tilespmem:$0x1C8] =	vst v0  }
0x74: {  	[tilespmem:$0x1D8] =	vst v0  }
0x75: {  	[tilespmem:$0x1E8] =	vst v0  }
0x76: {  	[tilespmem:$0x1F8] =	vst v0  }
0x77: {  	[tilespmem:$0x208] =	vst v0  }
0x78: {  	[tilespmem:$0x218] =	vst v0  }
0x79: {  	[tilespmem:$0x228] =	vst v0  }
0x7a: {  	[tilespmem:$0x238] =	vst v0  }
0x7b: {  	[tilespmem:$0x248] =	vst v0  }
0x7c: {  	[tilespmem:$0x258] =	vst v0  }
0x7d: {  	[tilespmem:$0x268] =	vst v0  }
0x7e: {  	[tilespmem:$0x278] =	vst v0  }
0x7f: {  	[tilespmem:$0x288] =	vst v0  }
0x80: {  	[tilespmem:$0x298] =	vst v0  }
0x81: {  	[tilespmem:$0x2A8] =	vst v0  }
0x82: {  	[tilespmem:$0x2B8] =	vst v0  }
0x83: {  	[tilespmem:$0x2C8] =	vst v0  }
0x84: {  	[tilespmem:$0x2D8] =	vst v0  }
0x85: {  	[tilespmem:$0x2E8] =	vst v0  }
0x86: {  	[tilespmem:$0x2F8] =	vst v0  }
0x87: {  	[tilespmem:$0x308] =	vst v0  }
0x88: {  	[tilespmem:$0x318] =	vst v0  }
0x89: {  	[tilespmem:$0x328] =	vst v0  }
0x8a: {  	[tilespmem:$0x338] =	vst v0  }
0x8b: {  	[tilespmem:$0x348] =	vst v0  }
0x8c: {  	[tilespmem:$0x358] =	vst v0  }
0x8d: {  	[tilespmem:$0x368] =	vst v0  }
0x8e: {  	[tilespmem:$0x378] =	vst v0  }
0x8f: {  	[tilespmem:$0x388] =	vst v0  }
0x90: {  	[tilespmem:$0x398] =	vst v0  }
0x91: {  	[tilespmem:$0x3A8] =	vst v0  }
0x92: {  	[tilespmem:$0x3B8] =	vst v0  }
0x93: {  	[tilespmem:$0x3C8] =	vst v0  }
0x94: {  	[tilespmem:$0x3D8] =	vst v0  }
0x95: {  	[tilespmem:$0x3E8] =	vst v0  }
0x96: {  	[tilespmem:$0x3F8] =	vst v0  }
0x97: {  	[tilespmem:$0x408] =	vst v0  }
0x98: {  	[tilespmem:$0x418] =	vst v0  }
0x99: {  	[tilespmem:$0x428] =	vst v0  }
0x9a: {  	[tilespmem:$0x438] =	vst v0  }
0x9b: {  	[tilespmem:$0x448] =	vst v0  }
0x9c: {  	[tilespmem:$0x458] =	vst v0  }
0x9d: {  	[tilespmem:$0x468] =	vst v0  }
0x9e: {  	[tilespmem:$0x478] =	vst v0  }
0x9f: {  	[tilespmem:$0x488] =	vst v0  }
0xa0: {  	[tilespmem:$0x498] =	vst v0  }
0xa1: {  	[tilespmem:$0x4A8] =	vst v0  }
0xa2: {  	[tilespmem:$0x4B8] =	vst v0  }
0xa3: {  	[tilespmem:$0x4C8] =	vst v0  }
0xa4: {  	[tilespmem:$0x4D8] =	vst v0  }
0xa5: {  	[tilespmem:$0x4E8] =	vst v0  }
0xa6: {  	[tilespmem:$0x4F8] =	vst v0  }
0xa7: {  	[tilespmem:$0x508] =	vst v0  }
0xa8: {  	[tilespmem:$0x518] =	vst v0  }
0xa9: {  	[tilespmem:$0x528] =	vst v0  }
0xaa: {  	[tilespmem:$0x538] =	vst v0  }
0xab: {  	[tilespmem:$0x548] =	vst v0  }
0xac: {  	[tilespmem:$0x558] =	vst v0  }
0xad: {  	[tilespmem:$0x568] =	vst v0  }
0xae: {  	[tilespmem:$0x578] =	vst v0  }
0xaf: {  	[tilespmem:$0x588] =	vst v0  }
0xb0: {  	[tilespmem:$0x598] =	vst v0  }
0xb1: {  	[tilespmem:$0x5A8] =	vst v0  }
0xb2: {  	[tilespmem:$0x5B8] =	vst v0  }
0xb3: {  	[tilespmem:$0x5C8] =	vst v0  }
0xb4: {  	[tilespmem:$0x5D8] =	vst v0  }
0xb5: {  	[tilespmem:$0x5E8] =	vst v0  }
0xb6: {  	[tilespmem:$0x5F8] =	vst v0  }
0xb7: {  	[tilespmem:$0x608] =	vst v0  }
0xb8: {  	[tilespmem:$0x618] =	vst v0  }
0xb9: {  	[tilespmem:$0x628] =	vst v0  }
0xba: {  	[tilespmem:$0x638] =	vst v0  }
0xbb: {  	[tilespmem:$0x648] =	vst v0  }
0xbc: {  	[tilespmem:$0x658] =	vst v0  }
0xbd: {  	[tilespmem:$0x668] =	vst v0  }
0xbe: {  	[tilespmem:$0x678] =	vst v0  }
0xbf: {  	[tilespmem:$0x688] =	vst v0  }
0xc0: {  	[tilespmem:$0x698] =	vst v0  }
0xc1: {  	[tilespmem:$0x6A8] =	vst v0  }
0xc2: {  	[tilespmem:$0x6B8] =	vst v0  }
0xc3: {  	[tilespmem:$0x6C8] =	vst v0  }
0xc4: {  	[tilespmem:$0x6D8] =	vst v0  }
0xc5: {  	[tilespmem:$0x6E8] =	vst v0  }
0xc6: {  	[tilespmem:$0x6F8] =	vst v0  }
0xc7: {  	[tilespmem:$0x708] =	vst v0  }
0xc8: {  	[tilespmem:$0x718] =	vst v0  }
0xc9: {  	[tilespmem:$0x728] =	vst v0  }
0xca: {  	[tilespmem:$0x738] =	vst v0  }
0xcb: {  	[tilespmem:$0x748] =	vst v0  }
0xcc: {  	[tilespmem:$0x758] =	vst v0  }
0xcd: {  	[tilespmem:$0x768] =	vst v0  }
0xce: {  	[tilespmem:$0x778] =	vst v0  }
0xcf: {  	[tilespmem:$0x788] =	vst v0  }
0xd0: {  	[tilespmem:$0x798] =	vst v0  }
0xd1: {  	[tilespmem:$0x7A8] =	vst v0  }
0xd2: {  	[tilespmem:$0x7B8] =	vst v0  }
0xd3: {  	[tilespmem:$0x7C8] =	vst v0  }
0xd4: {  	[tilespmem:$0x7D8] =	vst v0  }
0xd5: {  	[tilespmem:$0x7E8] =	vst v0  }
0xd6: {  	[tilespmem:$0x7F8] =	vst v0  }
0xd7: {  	[tilespmem:$0x808] =	vst v0  }
0xd8: {  	[tilespmem:$0x818] =	vst v0  }
0xd9: {  	[tilespmem:$0x828] =	vst v0  }
0xda: {  	[tilespmem:$0x838] =	vst v0  }
0xdb: {  	[tilespmem:$0x848] =	vst v0  }
0xdc: {  	[tilespmem:$0x858] =	vst v0  }
0xdd: {  	[tilespmem:$0x868] =	vst v0  }
0xde: {  	[tilespmem:$0x878] =	vst v0  }
0xdf: {  	[tilespmem:$0x888] =	vst v0  }
0xe0: {  	[tilespmem:$0x898] =	vst v0  }
0xe1: {  	[tilespmem:$0x8A8] =	vst v0  }
0xe2: {  	[tilespmem:$0x8B8] =	vst v0  }
0xe3: {  	[tilespmem:$0x8C8] =	vst v0  }
0xe4: {  	[tilespmem:$0x8D8] =	vst v0  }
0xe5: {  	[tilespmem:$0x8E8] =	vst v0  }
0xe6: {  	[tilespmem:$0x8F8] =	vst v0  }
0xe7: {  	[tilespmem:$0x908] =	vst v0  }
0xe8: {  	[tilespmem:$0x918] =	vst v0  }
0xe9: {  	[tilespmem:$0x928] =	vst v0  }
0xea: {  	[tilespmem:$0x938] =	vst v0  }
0xeb: {  	[tilespmem:$0x948] =	vst v0  }
0xec: {  	[tilespmem:$0x958] =	vst v0  }
0xed: {  	[tilespmem:$0x968] =	vst v0  }
0xee: {  	[tilespmem:$0x978] =	vst v0  }
0xef: {  	[tilespmem:$0x988] =	vst v0  }
0xf0: {  	[tilespmem:$0x998] =	vst v0  }
0xf1: {  	[tilespmem:$0x9A8] =	vst v0  }
0xf2: {  	[tilespmem:$0x9B8] =	vst v0  }
0xf3: {  	[tilespmem:$0x9C8] =	vst v0  }
0xf4: {  	[tilespmem:$0x9D8] =	vst v0  }
0xf5: {  	[tilespmem:$0x9E8] =	vst v0  }
0xf6: {  	[tilespmem:$0x9F8] =	vst v0  }
0xf7: {  	[tilespmem:$0xA08] =	vst v0  }
0xf8: {  	[tilespmem:$0xA18] =	vst v0  }
0xf9: {  	[tilespmem:$0xA28] =	vst v0  }
0xfa: {  	[tilespmem:$0xA38] =	vst v0  }
0xfb: {  	[tilespmem:$0xA48] =	vst v0  }
0xfc: {  	[tilespmem:$0xA58] =	vst v0  }
0xfd: {  	[tilespmem:$0xA68] =	vst v0  }
0xfe: {  	[tilespmem:$0xA78] =	vst v0  }
0xff: {  	[tilespmem:$0xA88] =	vst v0  }
0x100: {  	[tilespmem:$0xA98] =	vst v0  }
0x101: {  	[tilespmem:$0xAA8] =	vst v0  }
0x102: {  	[tilespmem:$0xAB8] =	vst v0  }
0x103: {  	[tilespmem:$0xAC8] =	vst v0  }
0x104: {  	[tilespmem:$0xAD8] =	vst v0  }
0x105: {  	[tilespmem:$0xAE8] =	vst v0  }
0x106: {  	[tilespmem:$0xAF8] =	vst v0  }
0x107: {  	[tilespmem:$0xB08] =	vst v0  }
0x108: {  	[tilespmem:$0xB18] =	vst v0  }
0x109: {  	[tilespmem:$0xB28] =	vst v0  }
0x10a: {  	[tilespmem:$0xB38] =	vst v0  }
0x10b: {  	[tilespmem:$0xB48] =	vst v0  }
0x10c: {  	[tilespmem:$0xB58] =	vst v0  }
0x10d: {  	[tilespmem:$0xB68] =	vst v0  }
0x10e: {  	[tilespmem:$0xB78] =	vst v0  }
0x10f: {  	[tilespmem:$0xB88] =	vst v0  }
0x110: {  	[tilespmem:$0xB98] =	vst v0  }
0x111: {  	[tilespmem:$0xBA8] =	vst v0  }
0x112: {  	[tilespmem:$0xBB8] =	vst v0  }
0x113: {  	[tilespmem:$0xBC8] =	vst v0  }
0x114: {  	[tilespmem:$0xBD8] =	vst v0  }
0x115: {  	[tilespmem:$0xBE8] =	vst v0  }
0x116: {  	[tilespmem:$0xBF8] =	vst v0  }
0x117: {  	[tilespmem:$0xC08] =	vst v0  }
0x118: {  	[tilespmem:$0xC18] =	vst v0  }
0x119: {  	[tilespmem:$0xC28] =	vst v0  }
0x11a: {  	[tilespmem:$0xC38] =	vst v0  }
0x11b: {  	[tilespmem:$0xC48] =	vst v0  }
0x11c: {  	[tilespmem:$0xC58] =	vst v0  }
0x11d: {  	[tilespmem:$0xC68] =	vst v0  }
0x11e: {  	[tilespmem:$0xC78] =	vst v0  }
0x11f: {  	[tilespmem:$0xC88] =	vst v0  }
0x120: {  	[tilespmem:$0xC98] =	vst v0  }
0x121: {  	[tilespmem:$0xCA8] =	vst v0  }
0x122: {  	[tilespmem:$0xCB8] =	vst v0  }
0x123: {  	[tilespmem:$0xCC8] =	vst v0  }
0x124: {  	[tilespmem:$0xCD8] =	vst v0  }
0x125: {  	[tilespmem:$0xCE8] =	vst v0  }
0x126: {  	[tilespmem:$0xCF8] =	vst v0  }
0x127: {  	[tilespmem:$0xD08] =	vst v0  }
0x128: {  	[tilespmem:$0xD18] =	vst v0  }
0x129: {  	[tilespmem:$0xD28] =	vst v0  }
0x12a: {  	[tilespmem:$0xD38] =	vst v0  }
0x12b: {  	[tilespmem:$0xD48] =	vst v0  }
0x12c: {  	[tilespmem:$0xD58] =	vst v0  }
0x12d: {  	[tilespmem:$0xD68] =	vst v0  }
0x12e: {  	[tilespmem:$0xD78] =	vst v0  }
0x12f: {  	[tilespmem:$0xD88] =	vst v0  }
0x130: {  	[tilespmem:$0xD98] =	vst v0  }
0x131: {  	[tilespmem:$0xDA8] =	vst v0  }
0x132: {  	[tilespmem:$0xDB8] =	vst v0  }
0x133: {  	[tilespmem:$0xDC8] =	vst v0  }
0x134: {  	[tilespmem:$0xDD8] =	vst v0  }
0x135: {  	[tilespmem:$0xDE8] =	vst v0  }
0x136: {  	[tilespmem:$0xDF8] =	vst v0  }
0x137: {  	[tilespmem:$0xE08] =	vst v0  }
0x138: {  	[tilespmem:$0xE18] =	vst v0  }
0x139: {  	[tilespmem:$0xE28] =	vst v0  }
0x13a: {  	[tilespmem:$0xE38] =	vst v0  }
0x13b: {  	[tilespmem:$0xE48] =	vst v0  }
0x13c: {  	[tilespmem:$0xE58] =	vst v0  }
0x13d: {  	[tilespmem:$0xE68] =	vst v0  }
0x13e: {  	[tilespmem:$0xE78] =	vst v0  }
0x13f: {  	[tilespmem:$0xE88] =	vst v0  }
0x140: {  	[tilespmem:$0xE98] =	vst v0  }
0x141: {  	[tilespmem:$0xEA8] =	vst v0  }
0x142: {  	[tilespmem:$0xEB8] =	vst v0  }
0x143: {  	[tilespmem:$0xEC8] =	vst v0  }
0x144: {  	[tilespmem:$0xED8] =	vst v0  }
0x145: {  	[tilespmem:$0xEE8] =	vst v0  }
0x146: {  	[tilespmem:$0xEF8] =	vst v0  }
0x147: {  	[tilespmem:$0xF08] =	vst v0  }
0x148: {  	[tilespmem:$0xF18] =	vst v0  }
0x149: {  	[tilespmem:$0xF28] =	vst v0  }
0x14a: {  	[tilespmem:$0xF38] =	vst v0  }
0x14b: {  	[tilespmem:$0xF48] =	vst v0  }
0x14c: {  	[tilespmem:$0xF58] =	vst v0  }
0x14d: {  	[tilespmem:$0xF68] =	vst v0  }
0x14e: {  	[tilespmem:$0xF78] =	vst v0  }
0x14f: {  	[tilespmem:$0xF88] =	vst v0  }
0x150: {  	[tilespmem:$0xF98] =	vst v0  }
0x151: {  	[tilespmem:$0xFA8] =	vst v0  }
0x152: {  	[tilespmem:$0xFB8] =	vst v0  }
0x153: {  	[tilespmem:$0xFC8] =	vst v0  }
0x154: {  	[tilespmem:$0xFD8] =	vst v0  }
0x155: {  	[tilespmem:$0xFE8] =	vst v0  }
0x156: {  	[tilespmem:$0xFF8] =	vst v0  }
0x157: {  	[tilespmem:$0x1008] =	vst v0  }
0x158: {  	[tilespmem:$0x10E8] =	vst v0  }
0x159: {  	[tilespmem:$0x1C28] =	vst v0  }
0x15a: {  	[tilespmem:$0x1C18] =	vst v0  }
0x15b: {  	[tilespmem:$0x1C08] =	vst v0  }
0x15c: {  	[tilespmem:$0x1BF8] =	vst v0  }
0x15d: {  	[tilespmem:$0x1BE8] =	vst v0  }
0x15e: {  	[tilespmem:$0x1BD8] =	vst v0  }
0x15f: {  	[tilespmem:$0x1BC8] =	vst v0  }
0x160: {  	[tilespmem:$0x1BB8] =	vst v0  }
0x161: {  	[tilespmem:$0x1BA8] =	vst v0  }
0x162: {  	[tilespmem:$0x1B98] =	vst v0  }
0x163: {  	[tilespmem:$0x1B88] =	vst v0  }
0x164: {  	[tilespmem:$0x1B78] =	vst v0  }
0x165: {  	[tilespmem:$0x1B68] =	vst v0  }
0x166: {  	[tilespmem:$0x1B58] =	vst v0  }
0x167: {  	[tilespmem:$0x1B48] =	vst v0  }
0x168: {  	[tilespmem:$0x1B38] =	vst v0  }
0x169: {  	[tilespmem:$0x1B28] =	vst v0  }
0x16a: {  	[tilespmem:$0x1B18] =	vst v0  }
0x16b: {  	[tilespmem:$0x1B08] =	vst v0  }
0x16c: {  	[tilespmem:$0x1AF8] =	vst v0  }
0x16d: {  	[tilespmem:$0x1AE8] =	vst v0  }
0x16e: {  	[tilespmem:$0x1AD8] =	vst v0  }
0x16f: {  	[tilespmem:$0x1AC8] =	vst v0  }
0x170: {  	[tilespmem:$0x1AB8] =	vst v0  }
0x171: {  	[tilespmem:$0x1AA8] =	vst v0  }
0x172: {  	[tilespmem:$0x1A98] =	vst v0  }
0x173: {  	[tilespmem:$0x1A88] =	vst v0  }
0x174: {  	[tilespmem:$0x1A78] =	vst v0  }
0x175: {  	[tilespmem:$0x1A68] =	vst v0  }
0x176: {  	[tilespmem:$0x1A58] =	vst v0  }
0x177: {  	[tilespmem:$0x1A48] =	vst v0  }
0x178: {  	[tilespmem:$0x1A38] =	vst v0  }
0x179: {  	[tilespmem:$0x1A28] =	vst v0  }
0x17a: {  	[tilespmem:$0x1A18] =	vst v0  }
0x17b: {  	[tilespmem:$0x1A08] =	vst v0  }
0x17c: {  	[tilespmem:$0x19F8] =	vst v0  }
0x17d: {  	[tilespmem:$0x19E8] =	vst v0  }
0x17e: {  	[tilespmem:$0x19D8] =	vst v0  }
0x17f: {  	[tilespmem:$0x19C8] =	vst v0  }
0x180: {  	[tilespmem:$0x19B8] =	vst v0  }
0x181: {  	[tilespmem:$0x19A8] =	vst v0  }
0x182: {  	[tilespmem:$0x1998] =	vst v0  }
0x183: {  	[tilespmem:$0x1988] =	vst v0  }
0x184: {  	[tilespmem:$0x1978] =	vst v0  }
0x185: {  	[tilespmem:$0x1968] =	vst v0  }
0x186: {  	[tilespmem:$0x1958] =	vst v0  }
0x187: {  	[tilespmem:$0x1948] =	vst v0  }
0x188: {  	[tilespmem:$0x1938] =	vst v0  }
0x189: {  	[tilespmem:$0x1928] =	vst v0  }
0x18a: {  	[tilespmem:$0x1918] =	vst v0  }
0x18b: {  	[tilespmem:$0x1908] =	vst v0  }
0x18c: {  	[tilespmem:$0x18F8] =	vst v0  }
0x18d: {  	[tilespmem:$0x18E8] =	vst v0  }
0x18e: {  	[tilespmem:$0x18D8] =	vst v0  }
0x18f: {  	[tilespmem:$0x18C8] =	vst v0  }
0x190: {  	[tilespmem:$0x18B8] =	vst v0  }
0x191: {  	[tilespmem:$0x18A8] =	vst v0  }
0x192: {  	[tilespmem:$0x1898] =	vst v0  }
0x193: {  	[tilespmem:$0x1888] =	vst v0  }
0x194: {  	[tilespmem:$0x1878] =	vst v0  }
0x195: {  	[tilespmem:$0x1868] =	vst v0  }
0x196: {  	[tilespmem:$0x1858] =	vst v0  }
0x197: {  	[tilespmem:$0x1848] =	vst v0  }
0x198: {  	[tilespmem:$0x1838] =	vst v0  }
0x199: {  	[tilespmem:$0x1828] =	vst v0  }
0x19a: {  	[tilespmem:$0x1818] =	vst v0  }
0x19b: {  	[tilespmem:$0x1808] =	vst v0  }
0x19c: {  	[tilespmem:$0x17F8] =	vst v0  }
0x19d: {  	[tilespmem:$0x17E8] =	vst v0  }
0x19e: {  	[tilespmem:$0x17D8] =	vst v0  }
0x19f: {  	[tilespmem:$0x17C8] =	vst v0  }
0x1a0: {  	[tilespmem:$0x17B8] =	vst v0  }
0x1a1: {  	[tilespmem:$0x17A8] =	vst v0  }
0x1a2: {  	[tilespmem:$0x1798] =	vst v0  }
0x1a3: {  	[tilespmem:$0x1788] =	vst v0  }
0x1a4: {  	[tilespmem:$0x1778] =	vst v0  }
0x1a5: {  	[tilespmem:$0x1768] =	vst v0  }
0x1a6: {  	[tilespmem:$0x1758] =	vst v0  }
0x1a7: {  	[tilespmem:$0x1748] =	vst v0  }
0x1a8: {  	[tilespmem:$0x1738] =	vst v0  }
0x1a9: {  	[tilespmem:$0x1728] =	vst v0  }
0x1aa: {  	[tilespmem:$0x1718] =	vst v0  }
0x1ab: {  	[tilespmem:$0x1708] =	vst v0  }
0x1ac: {  	[tilespmem:$0x16F8] =	vst v0  }
0x1ad: {  	[tilespmem:$0x16E8] =	vst v0  }
0x1ae: {  	[tilespmem:$0x16D8] =	vst v0  }
0x1af: {  	[tilespmem:$0x16C8] =	vst v0  }
0x1b0: {  	[tilespmem:$0x16B8] =	vst v0  }
0x1b1: {  	[tilespmem:$0x16A8] =	vst v0  }
0x1b2: {  	[tilespmem:$0x1698] =	vst v0  }
0x1b3: {  	[tilespmem:$0x1688] =	vst v0  }
0x1b4: {  	[tilespmem:$0x1678] =	vst v0  }
0x1b5: {  	[tilespmem:$0x1668] =	vst v0  }
0x1b6: {  	[tilespmem:$0x1658] =	vst v0  }
0x1b7: {  	[tilespmem:$0x1648] =	vst v0  }
0x1b8: {  	[tilespmem:$0x1638] =	vst v0  }
0x1b9: {  	[tilespmem:$0x1628] =	vst v0  }
0x1ba: {  	[tilespmem:$0x1618] =	vst v0  }
0x1bb: {  	[tilespmem:$0x1608] =	vst v0  }
0x1bc: {  	[tilespmem:$0x15F8] =	vst v0  }
0x1bd: {  	[tilespmem:$0x15E8] =	vst v0  }
0x1be: {  	[tilespmem:$0x15D8] =	vst v0  }
0x1bf: {  	[tilespmem:$0x15C8] =	vst v0  }
0x1c0: {  	[tilespmem:$0x15B8] =	vst v0  }
0x1c1: {  	[tilespmem:$0x15A8] =	vst v0  }
0x1c2: {  	[tilespmem:$0x1598] =	vst v0  }
0x1c3: {  	[tilespmem:$0x1588] =	vst v0  }
0x1c4: {  	[tilespmem:$0x1578] =	vst v0  }
0x1c5: {  	[tilespmem:$0x1568] =	vst v0  }
0x1c6: {  	[tilespmem:$0x1558] =	vst v0  }
0x1c7: {  	[tilespmem:$0x1548] =	vst v0  }
0x1c8: {  	[tilespmem:$0x1538] =	vst v0  }
0x1c9: {  	[tilespmem:$0x1528] =	vst v0  }
0x1ca: {  	[tilespmem:$0x1518] =	vst v0  }
0x1cb: {  	[tilespmem:$0x1508] =	vst v0  }
0x1cc: {  	[tilespmem:$0x14F8] =	vst v0  }
0x1cd: {  	[tilespmem:$0x14E8] =	vst v0  }
0x1ce: {  	[tilespmem:$0x14D8] =	vst v0  }
0x1cf: {  	[tilespmem:$0x14C8] =	vst v0  }
0x1d0: {  	[tilespmem:$0x14B8] =	vst v0  }
0x1d1: {  	[tilespmem:$0x14A8] =	vst v0  }
0x1d2: {  	[tilespmem:$0x1498] =	vst v0  }
0x1d3: {  	[tilespmem:$0x1488] =	vst v0  }
0x1d4: {  	[tilespmem:$0x1478] =	vst v0  }
0x1d5: {  	[tilespmem:$0x1468] =	vst v0  }
0x1d6: {  	[tilespmem:$0x1458] =	vst v0  }
0x1d7: {  	[tilespmem:$0x1448] =	vst v0  }
0x1d8: {  	[tilespmem:$0x1438] =	vst v0  }
0x1d9: {  	[tilespmem:$0x1428] =	vst v0  }
0x1da: {  	[tilespmem:$0x1418] =	vst v0  }
0x1db: {  	[tilespmem:$0x1408] =	vst v0  }
0x1dc: {  	[tilespmem:$0x13F8] =	vst v0  }
0x1dd: {  	[tilespmem:$0x13E8] =	vst v0  }
0x1de: {  	[tilespmem:$0x13D8] =	vst v0  }
0x1df: {  	[tilespmem:$0x13C8] =	vst v0  }
0x1e0: {  	[tilespmem:$0x13B8] =	vst v0  }
0x1e1: {  	[tilespmem:$0x13A8] =	vst v0  }
0x1e2: {  	[tilespmem:$0x1398] =	vst v0  }
0x1e3: {  	[tilespmem:$0x1388] =	vst v0  }
0x1e4: {  	[tilespmem:$0x1378] =	vst v0  }
0x1e5: {  	[tilespmem:$0x1368] =	vst v0  }
0x1e6: {  	[tilespmem:$0x1358] =	vst v0  }
0x1e7: {  	[tilespmem:$0x1348] =	vst v0  }
0x1e8: {  	[tilespmem:$0x1338] =	vst v0  }
0x1e9: {  	[tilespmem:$0x1328] =	vst v0  }
0x1ea: {  	[tilespmem:$0x1318] =	vst v0  }
0x1eb: {  	[tilespmem:$0x1308] =	vst v0  }
0x1ec: {  	[tilespmem:$0x12F8] =	vst v0  }
0x1ed: {  	[tilespmem:$0x12E8] =	vst v0  }
0x1ee: {  	[tilespmem:$0x12D8] =	vst v0  }
0x1ef: {  	[tilespmem:$0x12C8] =	vst v0  }
0x1f0: {  	[tilespmem:$0x12B8] =	vst v0  }
0x1f1: {  	[tilespmem:$0x12A8] =	vst v0  }
0x1f2: {  	[tilespmem:$0x1298] =	vst v0  }
0x1f3: {  	[tilespmem:$0x1288] =	vst v0  }
0x1f4: {  	[tilespmem:$0x1278] =	vst v0  }
0x1f5: {  	[tilespmem:$0x1268] =	vst v0  }
0x1f6: {  	[tilespmem:$0x1258] =	vst v0  }
0x1f7: {  	[tilespmem:$0x1248] =	vst v0  }
0x1f8: {  	[tilespmem:$0x1238] =	vst v0  }
0x1f9: {  	[tilespmem:$0x1228] =	vst v0  }
0x1fa: {  	[tilespmem:$0x1218] =	vst v0  }
0x1fb: {  	[tilespmem:$0x1208] =	vst v0  }
0x1fc: {  	[tilespmem:$0x11F8] =	vst v0  }
0x1fd: {  	[tilespmem:$0x11E8] =	vst v0  }
0x1fe: {  	[tilespmem:$0x11D8] =	vst v0  }
0x1ff: {  	[tilespmem:$0x11C8] =	vst v0  }
0x200: {  	[tilespmem:$0x11B8] =	vst v0  }
0x201: {  	[tilespmem:$0x11A8] =	vst v0  }
0x202: {  	[tilespmem:$0x1198] =	vst v0  }
0x203: {  	[tilespmem:$0x1188] =	vst v0  }
0x204: {  	[tilespmem:$0x1178] =	vst v0  }
0x205: {  	[tilespmem:$0x1168] =	vst v0  }
0x206: {  	[tilespmem:$0x1158] =	vst v0  }
0x207: {  	s3 =	srdreg.scid;
	[tilespmem:$0x1148] =	vst v0  }
0x208: {  	s3 =	sshll.u32 s3, $0x4;
	[tilespmem:$0x1138] =	vst v0  }
0x209: {  	s4 =	stileid.u32;
	s3 =	sand.u32 $0x10, s3;
	[tilespmem:$0x1128] =	vst v0  }
0x20a: {  	[tilespmem:$0x1118] =	vst v0;
	s3 =	sor.u32 s4, s3  }
0x20b: {  	[tilespmem:$0x1108] =	vst v0;
	s7 =	smul.u32 $0xB, s3  }
0x20c: {  	s8 =	smin.u32 s3, $0x6;
	[tilespmem:$0x10F8] =	vst v0  }
0x20d: {  	[tilespmem:$0x10C8] =	vst v0;
	s7 =	sadd.s32 s8, s7  }
0x20e: {  	[tilespmem:$0x10D8] =	vst v0;
	p0 =	slt.u32 s3, $0x6;
	s8 =	simm.s32 $0x1500;
	s7 =	smul.u32 $0x1C0, s7  }
0x20f: {  	s8 =	simm.s32 @!p0 $0x1340;
	[tilespmem:$0x10B8] =	vst v0  }
0x210: {  	[tilespmem:$0x1048] =	vst v0;
	s29 =	sadd.s32 s8, s7  }
0x211: {  	[tilespmem:$0x10A8] =	vst v0;
	s8 =	smin.u32 s29, $0x27280  }
0x212: {  	[tilespmem:$0x1098] =	vst v0;
	s12 =	ssub.s32 s8, s7  }
0x213: {  	[tilespmem:$0x1088] =	vst v0;
	p0 =	sgt.s32 s12, $0x0  }
0x214: {  	[tilespmem:$0x1078] =	vst v0;
	s12 =	simm.s32 @!p0 $0x0  }
0x215: {  	[tilespmem:$0x1068] =	vst v0;
	s30 =	smulhi.u32 $0x92492493, s12  }
0x216: {  	[tilespmem:$0x1058] =	vst v0  }
0x217: {  	s9 =	simm.s32 $0x2;
	[tilespmem:$0x1028] =	vst v0;
	s13 =	sshrl.u32 s30, $0x8  }
0x218: {  	s11 =	simm.s32 $0x9;
	s15 =	simm.s32 $0x0;
	[tilespmem:$0x1038] =	vst v0;
	s14 =	smul.u32 $0x1C0, s13  }
.Ltmp7:
0x219: {  	s31 =	sshll.u32 s4, $0x5;
	[tilespmem:$0x1018] =	vst v0;
	[sflag:s9] =	ssyncpa.u1 $0x0;
	v0 =	vimm.s32 $0xFFFFFFFF;
	(pc) =	sbr.rel .LBB3_1-.Ltmp7, $4  }
0x21a: {  	s10 =	sadd.s32 $0x5C000, s6;
	[dreg:$0x4] =	wrdreg s31;
	[tilespmem:$0x3848] =	vst v0;
	[sflag:s11] =	ssyncpa.u1 $0x0  }
0x21b: {  	s3 =	sadd.s32 $0x548000, s6;
	s6 =	sadd.s32 $0x61000, s6;
	p0 =	sne.s32 s12, s14  }
0x21c: {  	s12 =	simm.s32 $0xA;
	s14 =	simm.s32 $0x0;
	s5 =	simm.s32 @!p0 $0x0  }
0x21d: {  	v0 =	vlaneseq.u32;
	p0 =	por $0x0, $0x0;
	s5 =	sadd.s32 s5, s13;
	s13 =	smov.u32 s7  }
.LBB3_12:
0x21e: {  	_ =	swait.ge [sflag:s9], $0x0  }
0x21f: {  	s16 =	simm.s32 $0x0;
	[sflag:s9] =	ssyncset.done $0x0  }
.LBB3_13:
0x220: {  	_ =	swait.ge [sflag:s12], s16  }
0x221: {  	s0 =	ssub.s32 $0x0, s16;
	v1 =	vmov s17;
	vm0 =	veq.s32 v0, $0x0;
	[sflag:s12] =	ssyncset.done $0x0  }
0x222: {  	vm15 =	veq.s32 v0, $0x2;
	v1 =	vsel vm0, s22, v1;
	[sflag:s12] =	ssyncadd.s32 s0  }
0x223: {  	v1 =	vsel vm15, s15, v1;
	[sflag:s12] =	ssyncpa.u1 $0x1  }
0x224: {  	[tilespmem:$0x3848] =	vst v1  }
.LBB3_14:
0x225: {  	s0 =	sadd.s32 $0x1C0, s13  }
0x226: {  	s1 =	smov.u32 s7;
	p1 =	slt.s32 s0, s8  }
0x227: {  	s1 =	smov.u32 @p1 s0;
	p1 =	sne.s32 s14, s5  }
.Ltmp8:
0x228: {  	_ = 	snop;
	(pc) =	sbr.rel @!p1 .LBB3_15-.Ltmp8, $3  }
0x229: {  	_ =	sdelay $0x1  }
0x22a: {  	s31 =	sadd.s32 $0x1, s14;
	s15 =	smov.u32 s13  }
0x22b: {  	p0 =	por !p0, !p0;
	s14 =	smov.u32 s31;
	s13 =	smov.u32 s1  }
.LBB3_1:
0x22c: {  	p1 =	sge.u32 s14, s5  }
0x22d: {  	p2 =	sgt.s32 @!p1 s13, $0x270C0  }
0x22e: {  	s16 =	smov.u32 s13;
	s17 =	sshra.s32 @!p1 s13, $0x1F;
	p2 =	por !p2, p1  }
0x22f: {  	s17 =	sand.u32 @!p1 s17, s13;
	s16 =	simm.s32 @p2 $0x270C0  }
0x230: {  	s16 =	ssub.s32 @!p1 s16, s17  }
0x231: {  	s17 =	sxor.u32 @!p1 $0xFFFFFFFF, s14;
	s16 =	sadd.s32 @!p1 $0xFFFD8F40, s16  }
0x232: {  	s17 =	sand.u32 @!p1 $0x1, s17;
	s18 =	sshll.u32 @!p1 s16, $0x2  }
0x233: {  	p2 =	sgt.s32 @!p1 s16, $0x1BF;
	s16 =	ssub.s32 @!p1 $0x700, s18;
	s18 =	smul.u32 @!p1 $0x700, s17  }
0x234: {  	s19 =	sshrl.u32 @!p1 s13, $0x3;
	s20 =	sand.u32 @!p1 $0x7, s13  }
0x235: {  	p2 =	por !p2, p1;
	s16 =	sshrl.u32 @!p1 s16, $0x2;
	s18 =	sshrl.u32 @!p1 s18, $0x2  }
0x236: {  	s19 =	sadd.s32 @!p1 s10, s19;
	s16 =	simm.s32 @!p2 $0x0;
	s18 =	sadd.s32 @!p1 $0x3A88, s18  }
0x237: {  	[tilespmem:s18], [sflag:$0x9] =	stream.linear.gather @!p1 [hbm4b:s19+s20], s16, $0x38;
	[tilespmem:$0x1FE08] =	vst v63  }
0x238: {  	s16 =	ssub.s32 @!p1 $0x27100, s13  }
0x239: {  	p2 =	sgt.s32 @!p1 s16, $0x0  }
0x23a: {  	s17 =	smul.u32 @!p1 $0x38000, s17;
	p2 =	por !p2, p1  }
0x23b: {  	s16 =	simm.s32 @p2 $0x0  }
0x23c: {  	s17 =	sshrl.u32 @!p1 s17, $0x2;
	s18 =	sshll.u32 @!p1 s13, $0x4;
	s16 =	smin.u32 @!p1 s16, $0x1C0  }
0x23d: {  	s17 =	sadd.s32 @!p1 $0x3E08, s17;
	s18 =	sadd.s32 @!p1 s6, s18;
	s16 =	sshll.u32 @!p1 s16, $0x7  }
0x23e: {  	[tilespmem:s17], [sflag:$0x9] =	stream.linear.gather @!p1 [hbm:s18], s16, $0x38;
	[tilespmem:$0x1FE08] =	vst v63  }
0x23f: {  	p1 =	seq.s32 s14, $0x0  }
.Ltmp9:
0x240: {  	_ = 	snop;
	(pc) =	sbr.rel @p1 .LBB3_14-.Ltmp9, $1  }
0x241: {  	_ =	sdelay $0x3  }
0x242: {  	p1 =	sgt.s32 s15, $0x270C0  }
0x243: {  	s16 =	smov.u32 s15;
	s17 =	sshra.s32 s15, $0x1F;
	s21 =	ssub.s32 $0x27100, s15  }
0x244: {  	s16 =	simm.s32 @!p1 $0x270C0;
	s17 =	sand.u32 s17, s15;
	p1 =	sgt.s32 s21, $0x0  }
0x245: {  	s16 =	ssub.s32 s16, s17;
	s21 =	simm.s32 @!p1 $0x0  }
0x246: {  	s16 =	sadd.s32 $0xFFFD8F40, s16;
	s29 =	smin.u32 s21, $0x1C0  }
0x247: {  	s18 =	sshll.u32 s16, $0x2;
	s17 =	sshll.u32 s29, $0x7  }
0x248: {  	p1 =	sgt.s32 s16, $0x1BF;
	s30 =	ssub.s32 $0x700, s18;
	_ =	swait.ge [sflag:s11], s17  }
0x249: {  	s17 =	ssub.s32 $0x0, s17;
	[sflag:s11] =	ssyncset.done $0x0;
	s16 =	sshrl.u32 s30, $0x2  }
0x24a: {  	[sflag:s11] =	ssyncadd.s32 s17;
	s16 =	simm.s32 @p1 $0x0  }
0x24b: {  	_ =	swait.ge [sflag:s11], s16  }
0x24c: {  	s16 =	ssub.s32 $0x0, s16;
	[sflag:s11] =	ssyncset.done $0x0  }
0x24d: {  	[sflag:s11] =	ssyncadd.s32 s16  }
0x24e: {  	v1 =	vld [tilespmem:$0x3848];
	_ =	sdelay $0x4  }
0x24f: {  	(v2sf) =	vpush v1, $0x0  }
0x250: {  	(v2sf) =	vpush v1, $0x1  }
0x251: {  	(v2sf) =	vpush v1, $0x2;
	_ =	sdelay $0x3  }
0x252: {  	s16 =	sadd.s32 $0x1C0, s15  }
0x253: {  	p1 =	slt.s32 s8, s16  }
0x254: {  	s16 =	smov.u32 @p1 s8  }
0x255: {  	s20 =	ssub.s32 s16, s15  }
0x256: {  	p1 =	slt.s32 s21, s20  }
0x257: {  	s20 =	smov.u32 @p1 s21  }
0x258: {  	s18 =	simm.s32 $0x1;
	p1 =	slt.s32 s20, $0x1  }
.Ltmp10:
0x259: {  	s18 =	simm.s32 @!p0 $0x0;
	(pc) =	sbr.rel @p1 .LBB3_6-.Ltmp10, $4  }
0x25a: {  	s31 =	smul.u32 $0x700, s18  }
0x25b: {  	s19 =	spop (v2sf)  }
0x25c: {  	s15 =	sshrl.u32 s31, $0x2;
	s21 =	spop (v2sf)  }
0x25d: {  	s16 =	sadd.s32 $0x3A88, s15;
	s15 =	spop (v2sf)  }
0x25e: {  	s17 =	smin.u32 s20, $0x10  }
0x25f: {  	v1 =	vmov s17  }
0x260: {  	p2 =	sgt.s32 s20, $0x10;
	vm1 =	vgt.u32 v1, v0  }
.Ltmp11:
0x261: {  	_ = 	snop;
	(pc) =	sbr.rel @!p2 .LBB3_5-.Ltmp11, $2  }
0x262: {  	_ =	sdelay $0x2  }
0x263: {  	s22 =	simm.s32 $0x10;
	s23 =	sadd.s32 $0xFFFFFFF0, s20;
	s17 =	smov.u32 s16;
	vm0 =	vmmov vm1  }
.LBB3_4:
0x264: {  	s24 =	smin.u32 s23, $0x10;
	s22 =	sadd.s32 $0x10, s22;
	v1 =	vld.msk [tilespmem:s17+$0x0 ss:$0x1], vm1  }
0x265: {  	v2 =	vmov s24;
	p2 =	slt.s32 s22, s20  }
0x266: {  	vm1 =	vgt.u32 v2, v0  }
.Ltmp12:
0x267: {  	(pc) =	sbr.rel @p2 .LBB3_4-.Ltmp12, $3  }
0x268: {  	_ =	sdelay $0x1  }
0x269: {  	v1 =	vshll.u32 v1, $0x4  }
0x26a: {  	s23 =	sadd.s32 $0xFFFFFFF0, s23;
	[tilespmem:s17+$0x0] =	vst.msk vm0, v1;
	s17 =	sadd.s32 $0x10, s17;
	vm0 =	vmmov vm1  }
.LBB3_5:
0x26b: {  	_ =	sdelay $0x4  }
0x26c: {  	v1 =	vld.msk [tilespmem:s17+$0x0 ss:$0x1], vm1;
	_ =	sdelay $0x4  }
0x26d: {  	v1 =	vshll.u32 v1, $0x4  }
0x26e: {  	[tilespmem:s17+$0x0] =	vst.msk vm0, v1  }
.LBB3_6:
0x26f: {  	s17 =	sand.u32 $0x1, s14  }
0x270: {  	s17 =	smul.u32 $0x1C0, s17  }
0x271: {  	p2 =	sne.s32 s21, $0xFFFFFFFF  }
0x272: {  	v1 =	vld.msk @!p2 [tilespmem:s17+$0x3A88], $0x1;
	_ =	sdelay $0x4  }
0x273: {  	(v2sf) =	vpush @!p2 v1, $0x0;
	_ =	sdelay $0xc  }
.Ltmp13:
0x274: {  	_ = 	snop;
	(pc) =	sbr.rel @p1 .LBB3_12-.Ltmp13, $4  }
0x275: {  	_ = 	snop  }
0x276: {  	s22 =	spop @!p2 (v2sf)  }
0x277: {  	s15 =	simm.s32 @!p2 $0x0;
	s17 =	smov.u32 s22  }
0x278: {  	[sflag:s12] =	ssyncpa.u1 $0x0;
	s22 =	smov.u32 @p2 s19;
	s17 =	smov.u32 @p2 s21  }
0x279: {  	v1 =	vld.msk [tilespmem:s16+$0x0], $0x1;
	_ =	sdelay $0x4  }
0x27a: {  	(v2sf) =	vpush v1, $0x0;
	_ =	sdelay $0xe  }
0x27b: {  	s24 =	spop (v2sf)  }
0x27c: {  	p1 =	seq.s32 s22, s24  }
0x27d: {  	p2 =	sgt.s32 @!p1 s22, $0x0  }
0x27e: {  	s23 =	smov.u32 s22;
	s21 =	sadd.s32 $0xFFFFFFFF, s20;
	p2 =	por !p2, p1  }
0x27f: {  	s18 =	smul.u32 $0x38000, s18;
	s23 =	simm.s32 @p2 $0x0;
	p2 =	sne.s32 s21, $0x0  }
.Ltmp14:
0x280: {  	_ = 	snop;
	(pc) =	sbr.rel @!p2 .LBB3_9-.Ltmp14, $4  }
0x281: {  	s19 =	simm.s32 $0x0;
	s18 =	sshrl.u32 s18, $0x2  }
0x282: {  	s18 =	sadd.s32 $0x3E08, s18;
	s25 =	simm.s32 @!p1 $0x1;
	s23 =	smin.u32 @!p1 s23, $0x270FF  }
0x283: {  	s26 =	simm.s32 @!p1 $0x1C38;
	s25 =	smov.u32 @p1 s19;
	s29 =	sand.u32 @!p1 $0x3FFF8, s23  }
0x284: {  	s28 =	sand.u32 @!p1 $0x7, s23;
	s23 =	sadd.s32 $0x1, s16;
	s29 =	sadd.s32 @!p1 s3, s29  }
.LBB3_8:
0x285: {  	s30 =	smov.u32 s25  }
0x286: {  	[tilespmem:s26], [sflag:$0x2] =	stream.linear.gather @!p1 [hbm4b:s29+s28], $0x4, $0x38;
	[tilespmem:$0x1FE08] =	vst v63  }
0x287: {  	s21 =	sadd.s32 $0xFFFFFFFF, s21;
	s28 =	smov.u32 s24;
	v1 =	vld.msk [tilespmem:s23+$0x0], $0x1  }
0x288: {  	p2 =	sne.s32 s21, $0x0;
	_ =	sdelay $0x3  }
0x289: {  	(v2sf) =	vpush v1, $0x0;
	_ =	sdelay $0xe  }
0x28a: {  	s24 =	spop (v2sf)  }
0x28b: {  	p1 =	seq.s32 s28, s24  }
0x28c: {  	p3 =	sgt.s32 @!p1 s28, $0x0;
	s26 =	sshll.u32 @!p1 s25, $0x6;
	s25 =	sadd.s32 @!p1 $0x1, s25  }
.Ltmp15:
0x28d: {  	p3 =	por !p3, p1;
	s26 =	sshra.s32 @!p1 s26, $0x2;
	(pc) =	sbr.rel @p2 .LBB3_8-.Ltmp15, $4  }
0x28e: {  	s25 =	smov.u32 @p1 s30;
	s28 =	simm.s32 @p3 $0x0;
	s26 =	sadd.s32 @!p1 $0x1C38, s26  }
0x28f: {  	s28 =	smin.u32 @!p1 s28, $0x270FF  }
0x290: {  	s29 =	sand.u32 @!p1 $0x3FFF8, s28;
	s28 =	sand.u32 @!p1 $0x7, s28  }
0x291: {  	s23 =	sadd.s32 $0x1, s23;
	s29 =	sadd.s32 @!p1 s3, s29  }
.LBB3_9:
0x292: {  	[tilespmem:s26], [sflag:$0x2] =	stream.linear.gather @!p1 [hbm4b:s29+s28], $0x4, $0x38;
	[tilespmem:$0x1FE08] =	vst v63  }
0x293: {  	s21 =	sshll.u32 s25, $0x2  }
0x294: {  	s21 =	sand.u32 $0x3FFFFFFC, s21  }
0x295: {  	_ =	swait.ge [sflag:s9], s21  }
0x296: {  	s21 =	ssub.s32 $0x0, s21;
	[sflag:s9] =	ssyncset.done $0x0  }
0x297: {  	[sflag:s9] =	ssyncadd.s32 s21  }
0x298: {  	v1 =	vld.msk [tilespmem:s16+$0x0], $0x1;
	_ =	sdelay $0x4  }
0x299: {  	(v2sf) =	vpush v1, $0x0;
	_ =	sdelay $0xe  }
0x29a: {  	s21 =	spop (v2sf)  }
0x29b: {  	p1 =	sne.s32 s22, s21  }
0x29c: {  	p3 =	sne.s32 @p1 s22, s17  }
0x29d: {  	p2 =	por !p3, !p1  }
0x29e: {  	s23 =	simm.s32 @!p2 $0x0  }
0x29f: {  	v1 =	vld.msk @!p2 [tilespmem:s23+$0x1C38], $0xf  }
0x2a0: {  	p4 =	sgt.u32 @!p2 s22, $0x270FF  }
0x2a1: {  	s24 =	sshll.u32 @!p2 s15, $0x6;
	p5 =	por @p1 p4, !p3  }
0x2a2: {  	s24 =	sshra.s32 @!p2 s24, $0x2;
	p6 =	por p5, !p1;
	p5 =	por p3, !p1  }
0x2a3: {  	s25 =	sadd.s32 @!p2 $0x28, s24;
	s26 =	sand.u32 @!p6 $0x3FFF8, s22;
	s28 =	sshll.u32 @!p5 s15, $0x6  }
0x2a4: {  	s22 =	sand.u32 @!p6 $0x7, s22;
	[tilespmem:s24+$0x28] =	vst.add.f32.msk @!p2 $0xf, v1;
	s24 =	sadd.s32 @!p6 s3, s26;
	s26 =	sshra.s32 @!p5 s28, $0x2  }
0x2a5: {  	[hbm4b:s24+s22] =	stream.linear.scatter @!p6 [tilespmem:s25], [sflag:$0xA], $0x4, $0x38;
	[tilespmem:$0x1FE08] =	vst v63  }
0x2a6: {  	s23 =	rddreg [dreg:$0x4];
	s22 =	sadd.s32 @!p5 $0x28, s26;
	s24 =	simm.s32 @!p5 $0x1  }
0x2a7: {  	[spmem:s23] =	stream.linear.scatter @!p5 [tilespmem:s22], [sflag:$0x1], $0x4, $0x38;
	[tilespmem:$0x1FE08] =	vst v63  }
0x2a8: {  	s22 =	sadd.s32 @p1 $0x1, s15;
	_ =	swait.ge @!p5 [sflag:s24], $0x4  }
0x2a9: {  	s23 =	sshrl.u32 @p1 s22, $0x6;
	[sflag:s24] =	ssyncset.done @!p5 $0x0  }
0x2aa: {  	s23 =	smulhi.u32 @p1 $0x24924925, s23;
	[sflag:s24] =	ssyncadd.s32 @!p5 $0xFFFFFFFC  }
0x2ab: {  	s20 =	sadd.s32 $0xFFFFFFFF, s20;
	v1 =	vld.msk @p1 [tilespmem:s18+$0x0], $0xf  }
0x2ac: {  	p4 =	por @p1 !p4, !p3;
	p3 =	sne.s32 s20, $0x0;
	s23 =	smul.u32 @p1 $0x1C0, s23  }
.Ltmp16:
0x2ad: {  	p4 =	por !p4, !p1;
	s24 =	simm.s32 @!p2 $0x0;
	(pc) =	sbr.rel @!p3 .LBB3_11-.Ltmp16, $4  }
0x2ae: {  	s25 =	sshll.u32 @!p1 s15, $0x6;
	s24 =	simm.s32 @!p4 $0x10;
	s22 =	ssub.s32 @p1 s22, s23  }
0x2af: {  	s26 =	simm.s32 @p1 $0x1;
	s24 =	sadd.s32 @!p2 $0x0, s24;
	s23 =	sshll.u32 @p1 s22, $0x4  }
0x2b0: {  	s24 =	smov.u32 @p2 s19;
	s15 =	smov.u32 @p1 s22;
	s22 =	simm.s32 $0x0;
	[tilespmem:s23+$0x28] =	vst.msk @p1 $0xf, v1  }
0x2b1: {  	s19 =	smov.u32 @p1 s26;
	s22 =	smov.u32 @p1 s24;
	s23 =	sshra.s32 @!p1 s25, $0x2;
	v1 =	vld.msk @!p1 [tilespmem:s18+$0x0], $0xf  }
.LBB3_10:
0x2b2: {  	_ =	sdelay $0x3  }
0x2b3: {  	s16 =	sadd.s32 $0x1, s16;
	[tilespmem:s23+$0x28] =	vst.add.f32.msk @!p1 $0xf, v1  }
0x2b4: {  	v1 =	vld.msk [tilespmem:s16+$0x0], $0x1;
	_ =	sdelay $0x4  }
0x2b5: {  	(v2sf) =	vpush v1, $0x0;
	_ =	sdelay $0xe  }
0x2b6: {  	s24 =	smov.u32 s21;
	s21 =	spop (v2sf)  }
0x2b7: {  	p1 =	sne.s32 s24, s21  }
0x2b8: {  	p4 =	sne.s32 @p1 s24, s17  }
0x2b9: {  	p3 =	por !p4, !p1  }
0x2ba: {  	s29 =	sshll.u32 @!p3 s19, $0x6  }
0x2bb: {  	s29 =	sshra.s32 @!p3 s29, $0x2  }
0x2bc: {  	p5 =	sgt.u32 @!p3 s24, $0x270FF;
	v1 =	vld.msk @!p3 [tilespmem:s29+$0x1C38], $0xf  }
0x2bd: {  	s30 =	sshll.u32 @!p3 s15, $0x6;
	p6 =	por @p1 p5, !p4;
	p5 =	por @p1 !p5, !p4  }
0x2be: {  	s31 =	simm.s32 @!p3 $0x0;
	s30 =	sshra.s32 @!p3 s30, $0x2;
	p5 =	por !p5, !p1  }
0x2bf: {  	p4 =	por p4, !p1;
	s31 =	simm.s32 @!p5 $0x10;
	p5 =	por p6, !p1  }
0x2c0: {  	s29 =	sadd.s32 @!p3 $0x28, s30;
	s2 =	sshll.u32 @!p4 s15, $0x6;
	s1 =	sand.u32 @!p5 $0x3FFF8, s24  }
0x2c1: {  	s2 =	sshra.s32 @!p4 s2, $0x2;
	s24 =	sand.u32 @!p5 $0x7, s24;
	s1 =	sadd.s32 @!p5 s3, s1;
	[tilespmem:s30+$0x28] =	vst.add.f32.msk @!p3 $0xf, v1  }
0x2c2: {  	[hbm4b:s1+s24] =	stream.linear.scatter @!p5 [tilespmem:s29], [sflag:$0xA], $0x4, $0x38;
	[tilespmem:$0x1FE08] =	vst v63  }
0x2c3: {  	s25 =	rddreg [dreg:$0x4];
	s1 =	sadd.s32 @!p4 $0x28, s2;
	s2 =	simm.s32 @!p4 $0x1  }
0x2c4: {  	[spmem:s25] =	stream.linear.scatter @!p4 [tilespmem:s1], [sflag:$0x1], $0x4, $0x38;
	[tilespmem:$0x1FE08] =	vst v63  }
0x2c5: {  	s26 =	sadd.s32 @p1 $0x1, s15;
	_ =	swait.ge @!p4 [sflag:s2], $0x4  }
0x2c6: {  	s28 =	sshrl.u32 @p1 s26, $0x6;
	[sflag:s2] =	ssyncset.done @!p4 $0x0  }
0x2c7: {  	s18 =	sadd.s32 $0x80, s18;
	s28 =	smulhi.u32 @p1 $0x24924925, s28;
	[sflag:s2] =	ssyncadd.s32 @!p4 $0xFFFFFFFC  }
0x2c8: {  	s20 =	sadd.s32 $0xFFFFFFFF, s20;
	v1 =	vld.msk @p1 [tilespmem:s18+$0x0], $0xf  }
0x2c9: {  	p2 =	sne.s32 s20, $0x0;
	s28 =	smul.u32 @p1 $0x1C0, s28  }
.Ltmp17:
0x2ca: {  	_ = 	snop;
	(pc) =	sbr.rel @p2 .LBB3_10-.Ltmp17, $4  }
0x2cb: {  	s26 =	ssub.s32 @p1 s26, s28  }
0x2cc: {  	s23 =	sshll.u32 @!p1 s15, $0x6;
	s31 =	sadd.s32 @!p3 s31, s22;
	s24 =	sshll.u32 @p1 s26, $0x4  }
0x2cd: {  	s0 =	sadd.s32 @p1 $0x1, s19;
	s23 =	sshra.s32 @!p1 s23, $0x2;
	s31 =	smov.u32 @p3 s22;
	[tilespmem:s24+$0x28] =	vst.msk @p1 $0xf, v1  }
0x2ce: {  	s19 =	smov.u32 @p1 s0;
	s15 =	smov.u32 @p1 s26;
	s22 =	smov.u32 @p1 s31;
	v1 =	vld.msk @!p1 [tilespmem:s18+$0x0], $0xf  }
.LBB3_11:
.Ltmp18:
0x2cf: {  	_ = 	snop;
	(pc) =	sbr.rel .LBB3_13-.Ltmp18, $2  }
0x2d0: {  	_ =	sdelay $0x2  }
0x2d1: {  	s16 =	sshrl.u32 s22, $0x2;
	s22 =	smov.u32 s21;
	[tilespmem:s23+$0x28] =	vst.add.f32.msk @!p1 $0xf, v1  }
.LBB3_15:
0x2d2: {  	_ =	sfence.sel $0x180000  }
0x2d3: {  	s0 =	simm.s32 $0x9;
	[bflag:$0x0] =	sbarrier.arrive $0xFFFF  }
0x2d4: {  	s26 =	simm.s32 $0x2;
	[sflag:s0] =	ssyncpa.u1 $0x1  }
0x2d5: {  	[sflag:s26] =	ssyncpa.u1 $0x1  }
0x2d6: {  	v0 =	vld [tilespmem:$0x3848];
	_ =	sdelay $0x4  }
0x2d7: {  	(v2sf) =	vpush v0, $0x0  }
0x2d8: {  	(v2sf) =	vpush v0, $0x1;
	_ =	sdelay $0x1  }
0x2d9: {  	(v2sf) =	vpush v0, $0x2;
	_ =	sdelay $0xb  }
0x2da: {  	s0 =	spop (v2sf)  }
0x2db: {  	s1 =	spop (v2sf)  }
0x2dc: {  	s2 =	smov.u32 s0;
	p0 =	sne.s32 s0, s1  }
0x2dd: {  	s5 =	spop (v2sf);
	s2 =	simm.s32 @!p0 $0xFFFFFFFF  }
0x2de: {  	v2 =	vimm.s32 $0x1;
	v3 =	vlaneseq.u32;
	p0 =	seq.s32 s5, $0xFFFFFFFF;
	v1 =	vmov s2  }
0x2df: {  	v0 =	vperm.xlane v0, v2;
	p1 =	sne.s32 @!p0 s0, s1;
	v1 =	vperm.xlane v1, v3  }
0x2e0: {  	vm0 =	vcmask $0x3F04;
	s7 =	simm.s32 $0x3848;
	s0 =	simm.s32 @!p0 $0x1;
	p1 =	por !p1, p0  }
0x2e1: {  	s2 =	sshll.u32 s4, $0x1;
	s1 =	sshll.u32 @!p0 s5, $0x6;
	s0 =	simm.s32 @p1 $0x0;
	v0 =	vsel vm0, v1, v0  }
0x2e2: {  	s6 =	sor.u32 $0x200, s2;
	s1 =	sshra.s32 @!p0 s1, $0x2;
	s0 =	sor.u32 @!p0 s0, s2;
	[tilespmem:$0x3848] =	vst v0  }
0x2e3: {  	[spmem:s6] =	stream.linear.scatter [tilespmem:s7], [sflag:$0x1], $0x2, $0x38;
	[tilespmem:$0x1FE08] =	vst v63  }
0x2e4: {  	s1 =	sadd.s32 @!p0 $0x28, s1;
	s0 =	sshll.u32 @!p0 s0, $0x4  }
0x2e5: {  	[spmem:s0] =	stream.linear.scatter @!p0 [tilespmem:s1], [sflag:$0x1], $0x10, $0x38;
	[tilespmem:$0x1FE08] =	vst v63  }
0x2e6: {  	s0 =	simm.s32 @!p0 $0x12  }
0x2e7: {  	s28 =	simm.s32 $0x1;
	s0 =	simm.s32 @p0 $0x2  }
0x2e8: {  	_ =	swait.ge [sflag:s28], s0  }
0x2e9: {  	s0 =	ssub.s32 $0x0, s0;
	[sflag:s28] =	ssyncset.done $0x0  }
0x2ea: {  	[sflag:s28] =	ssyncadd.s32 s0  }
0x2eb: {  	p0 =	sne.s32 s4, $0x0;
	_ =	sfence.stream.spmem  }
.Ltmp19:
0x2ec: {  	s29 =	simm.s32 $0x3;
	[bflag:$0x0] =	sbarrier.arrive $0xFFFF;
	(pc) =	sbr.rel @p0 .LBB3_32-.Ltmp19, $4  }
0x2ed: {  	s30 =	simm.s32 $0x4;
	[sflag:s29] =	ssyncpa.u1 $0x1  }
0x2ee: {  	[sflag:s30] =	ssyncpa.u1 $0x1  }
0x2ef: {  	s31 =	simm.s32 $0x3C;
	s16 =	rddreg [dreg:$0x1]  }
0x2f0: {  	[sflag:s31] =	ssyncpa.u1 $0x1;
	s5 =	sand.u32 $0x1, s16  }
0x2f1: {  	_ =	sfence.stream.spmem;
	s0 =	simm.s32 $0x5  }
0x2f2: {  	s1 =	simm.s32 $0x200;
	s2 =	simm.s32 $0x3858;
	[sflag:s0] =	ssyncpa.u1 $0x0  }
0x2f3: {  	[tilespmem:s2], [sflag:$0x5] =	stream.linear.gather [spmem:s1], $0x20, $0x38;
	[tilespmem:$0x1FE08] =	vst v63  }
0x2f4: {  	s26 =	simm.s32 $0x0;
	s28 =	simm.s32 $0x3878  }
0x2f5: {  	[tilespmem:s28], [sflag:$0x5] =	stream.linear.gather [spmem:s26], $0x200, $0x38;
	[tilespmem:$0x1FE08] =	vst v63  }
0x2f6: {  	_ =	swait.ge [sflag:s0], $0x220  }
0x2f7: {  	[sflag:s0] =	ssyncset.done $0x0  }
0x2f8: {  	s29 =	simm.s32 $0x0;
	[sflag:s0] =	ssyncadd.s32 $0xFFFFFDE0  }
0x2f9: {  	v0 =	vld.msk [tilespmem:s29+$0x3858], $0x1;
	_ =	sdelay $0x1  }
0x2fa: {  	s30 =	simm.s32 $0x1  }
0x2fb: {  	v1 =	vld.msk [tilespmem:s30+$0x3858], $0x1;
	_ =	sdelay $0x1  }
0x2fc: {  	(v2sf) =	vpush v0, $0x0;
	_ =	sdelay $0x2  }
0x2fd: {  	(v2sf) =	vpush v1, $0x0;
	_ =	sdelay $0x2  }
0x2fe: {  	s31 =	simm.s32 $0x2  }
0x2ff: {  	v0 =	vld.msk [tilespmem:s31+$0x3858], $0x1;
	_ =	sdelay $0x2  }
0x300: {  	s7 =	simm.s32 $0xFFFFFFFF;
	s6 =	simm.s32 $0xC;
	s8 =	simm.s32 $0xFFFFFFFF  }
.LBB3_17:
0x301: {  	s0 =	smov.u32 s8;
	s1 =	smov.u32 s7  }
0x302: {  	s2 =	sshra.s32 s6, $0x2;
	p1 =	sne.s32 s6, $0x7C;
	s6 =	sadd.s32 $0x4, s6;
	(v2sf) =	vpush v0, $0x0  }
0x303: {  	v0 =	vld.msk [tilespmem:s2+$0x3858], $0x1  }
.Ltmp20:
0x304: {  	(pc) =	sbr.rel @p1 .LBB3_17-.Ltmp20, $4  }
0x305: {  	s8 =	spop (v2sf)  }
0x306: {  	p2 =	sne.s32 s7, $0xFFFFFFFF;
	s7 =	smov.u32 s8  }
0x307: {  	p3 =	seq.s32 s8, $0xFFFFFFFF;
	s7 =	smov.u32 @p2 s1  }
0x308: {  	s8 =	smov.u32 @p3 s0;
	s7 =	smov.u32 @p3 s1  }
0x309: {  	(v2sf) =	vpush v0, $0x0;
	_ =	sdelay $0x8  }
0x30a: {  	s0 =	spop (v2sf)  }
0x30b: {  	p1 =	sne.s32 s7, $0xFFFFFFFF;
	s1 =	smov.u32 s0  }
0x30c: {  	s9 =	simm.s32 $0x6;
	p2 =	seq.s32 s0, $0xFFFFFFFF;
	s1 =	smov.u32 @p1 s7  }
0x30d: {  	s10 =	simm.s32 $0x3838;
	s1 =	smov.u32 @p2 s7;
	s2 =	spop (v2sf)  }
0x30e: {  	s0 =	smov.u32 @p2 s8;
	p1 =	sne.s32 s1, $0xFFFFFFFF;
	s6 =	smov.u32 s2  }
.Ltmp21:
0x30f: {  	p2 =	seq.s32 s2, $0xFFFFFFFF;
	s6 =	smov.u32 @p1 s1;
	(pc) =	sbr.rel .LBB3_19-.Ltmp21, $4  }
0x310: {  	s11 =	simm.s32 $0x0;
	s6 =	smov.u32 @p2 s1;
	s7 =	spop (v2sf)  }
0x311: {  	[sflag:s9] =	ssyncpa.u1 $0x0;
	p1 =	sne.s32 s6, $0xFFFFFFFF;
	s8 =	smov.u32 s7  }
0x312: {  	s2 =	smov.u32 @p2 s0;
	p2 =	seq.s32 s7, $0xFFFFFFFF;
	s8 =	smov.u32 @p1 s6  }
0x313: {  	s7 =	smov.u32 @p2 s2;
	s8 =	smov.u32 @p2 s6;
	s6 =	simm.s32 $0x0  }
.LBB3_24:
0x314: {  	p1 =	sgt.u32 s12, $0x270FF  }
0x315: {  	p2 =	seq.s32 @!p1 s12, s8  }
0x316: {  	p1 =	por p1, p2  }
0x317: {  	p2 =	sne.s32 @!p1 s12, s7  }
0x318: {  	p1 =	por p1, !p2  }
0x319: {  	s12 =	sshll.u32 @p1 s11, $0x6  }
0x31a: {  	s0 =	sand.u32 @!p1 $0x3FFF8, s12  }
0x31b: {  	s1 =	sand.u32 @!p1 $0x7, s12;
	s0 =	sadd.s32 @!p1 s3, s0  }
0x31c: {  	[tilespmem:s10], [sflag:$0x6] =	stream.linear.gather @!p1 [hbm4b:s0+s1], $0x4, $0x38;
	[tilespmem:$0x1FE08] =	vst v63  }
0x31d: {  	_ =	swait.ge @!p1 [sflag:s9], $0x4  }
0x31e: {  	[sflag:s9] =	ssyncset.done @!p1 $0x0  }
0x31f: {  	[sflag:s9] =	ssyncadd.s32 @!p1 $0xFFFFFFFC  }
0x320: {  	v1 =	vld @!p1 [tilespmem:$0x3838];
	_ =	sdelay $0x2  }
0x321: {  	s12 =	sshll.u32 @!p1 s11, $0x6  }
0x322: {  	s0 =	sshrl.u32 @!p1 s12, $0x2  }
0x323: {  	[tilespmem:s0+$0x3878] =	vst.add.f32.msk @!p1 $0xffff, v1  }
0x324: {  	s30 =	sshrl.u32 s12, $0x2;
	[tilespmem:s6+$0x3858] =	vst.msk $0x1, v0  }
0x325: {  	v0 =	vld [tilespmem:s30+$0x3878];
	_ =	sdelay $0x2  }
0x326: {  	s31 =	sshll.u32 s6, $0x6  }
0x327: {  	s0 =	sshra.s32 s31, $0x2  }
0x328: {  	s6 =	sadd.s32 $0x1, s6;
	[tilespmem:s0+$0x3878] =	vst v0  }
.LBB3_26:
0x329: {  	s11 =	sadd.s32 $0x1, s11  }
0x32a: {  	p1 =	sne.s32 s11, $0x20  }
.Ltmp22:
0x32b: {  	_ = 	snop;
	(pc) =	sbr.rel @!p1 .LBB3_27-.Ltmp22, $1  }
0x32c: {  	_ =	sdelay $0x3  }
.LBB3_19:
0x32d: {  	v0 =	vld.msk [tilespmem:s11+$0x3858], $0x1;
	_ =	sdelay $0x4  }
0x32e: {  	(v2sf) =	vpush v0, $0x0;
	_ =	sdelay $0xe  }
0x32f: {  	s12 =	spop (v2sf)  }
0x330: {  	p1 =	seq.s32 s12, $0xFFFFFFFF  }
.Ltmp23:
0x331: {  	_ = 	snop;
	(pc) =	sbr.rel @p1 .LBB3_26-.Ltmp23, $1  }
0x332: {  	_ =	sdelay $0x3  }
0x333: {  	p1 =	slt.s32 s6, $0x1  }
.Ltmp24:
0x334: {  	_ = 	snop;
	(pc) =	sbr.rel @p1 .LBB3_24-.Ltmp24, $1  }
0x335: {  	_ =	sdelay $0x3  }
0x336: {  	s13 =	simm.s32 $0x3858;
	p1 =	por $0x0, $0x0  }
0x337: {  	v1 =	vld.msk @!p1 [tilespmem:s13+$0x0], $0x1;
	_ =	sdelay $0x4  }
0x338: {  	(v2sf) =	vpush @!p1 v1, $0x0;
	_ =	sdelay $0xd  }
0x339: {  	p3 =	sne.s32 s6, $0x1  }
.Ltmp25:
0x33a: {  	s0 =	spop @!p1 (v2sf);
	(pc) =	sbr.rel @!p3 .LBB3_23-.Ltmp25, $4  }
0x33b: {  	p2 =	seq.s32 @!p1 s12, s0  }
0x33c: {  	s14 =	simm.s32 $0x0;
	p2 =	por !p2, p1  }
0x33d: {  	s0 =	simm.s32 $0xFFFFFFFF;
	s14 =	simm.s32 @p2 $0xFFFFFFFF  }
0x33e: {  	s15 =	simm.s32 $0x1;
	s14 =	smov.u32 @p1 s0  }
.LBB3_22:
0x33f: {  	s0 =	smov.u32 s14;
	p1 =	sne.s32 s14, $0xFFFFFFFF  }
0x340: {  	s13 =	sadd.s32 $0x1, s13;
	s14 =	smov.u32 s15;
	s15 =	sadd.s32 $0x1, s15  }
0x341: {  	p2 =	sne.s32 s6, s15;
	v1 =	vld.msk @!p1 [tilespmem:s13+$0x0], $0x1;
	_ =	sdelay $0x4  }
0x342: {  	(v2sf) =	vpush @!p1 v1, $0x0;
	_ =	sdelay $0xe  }
.Ltmp26:
0x343: {  	s1 =	spop @!p1 (v2sf);
	(pc) =	sbr.rel @p2 .LBB3_22-.Ltmp26, $4  }
0x344: {  	p3 =	seq.s32 @!p1 s12, s1  }
0x345: {  	p3 =	por !p3, p1  }
0x346: {  	s14 =	simm.s32 @p3 $0xFFFFFFFF  }
0x347: {  	s14 =	smov.u32 @p1 s0  }
.LBB3_23:
0x348: {  	p1 =	sne.s32 s14, $0xFFFFFFFF  }
.Ltmp27:
0x349: {  	_ = 	snop;
	(pc) =	sbr.rel @!p1 .LBB3_24-.Ltmp27, $1  }
0x34a: {  	_ =	sdelay $0x3  }
0x34b: {  	s0 =	sshll.u32 s11, $0x4  }
0x34c: {  	s0 =	sand.u32 $0x3FFFFFF0, s0  }
0x34d: {  	v0 =	vld [tilespmem:s0+$0x3878]  }
.Ltmp28:
0x34e: {  	_ = 	snop;
	(pc) =	sbr.rel .LBB3_26-.Ltmp28, $4  }
0x34f: {  	_ = 	snop  }
0x350: {  	s31 =	sshll.u32 s14, $0x6  }
0x351: {  	s0 =	sshra.s32 s31, $0x2  }
0x352: {  	[tilespmem:s0+$0x3878] =	vst.add.f32.msk $0xffff, v0  }
.LBB3_27:
0x353: {  	s0 =	simm.s32 $0x6;
	p1 =	seq.s32 s6, $0x0  }
0x354: {  	[sflag:s0] =	ssyncpa.u1 $0x1;
	v0 =	vimm.s32 @p1 $0xFFFFFFFF  }
0x355: {  	s9 =	sadd.s32 $0xFFFFFFFF, s6;
	[tilespmem:$0x3A78] =	vst @p1 v0  }
0x356: {  	v0 =	vld.msk @!p1 [tilespmem:s9+$0x3858], $0x1;
	_ =	sdelay $0x1  }
0x357: {  	v1 =	vld.msk @!p1 [tilespmem:$0x3858], $0x1;
	_ =	sdelay $0x2  }
0x358: {  	p2 =	seq.s32 @!p1 s9, $0x0;
	v0 =	vbroadcast @!p1 v0, $0x0  }
0x359: {  	vm0 =	vmmov @!p1 $0x1;
	p2 =	por !p2, p1  }
0x35a: {  	v1 =	vnsel @!p1 vm0, $0xFFFFFFFF, v1;
	vm0 =	vcmask @!p1 $0x308;
	v0 =	vpsel !p2, $0xFFFFFFFF, v0  }
0x35b: {  	p2 =	sne.s32 @!p1 s8, s7;
	v0 =	vsel @!p1 vm0, v1, v0  }
0x35c: {  	s0 =	simm.s32 @!p1 $0x3878;
	s1 =	simm.s32 @!p1 $0x0;
	p3 =	por !p2, p1;
	[tilespmem:$0x3A78] =	vst @!p1 v0  }
0x35d: {  	[spmem:s1] =	stream.linear.scatter @!p1 [tilespmem:s0], [sflag:$0x1], $0x10, $0x38;
	[tilespmem:$0x1FE08] =	vst v63  }
0x35e: {  	s0 =	sshll.u32 @!p3 s9, $0x6  }
0x35f: {  	s0 =	sshra.s32 @!p3 s0, $0x2  }
0x360: {  	s1 =	simm.s32 @!p3 $0x10;
	s0 =	sadd.s32 @!p3 $0x3878, s0  }
0x361: {  	[spmem:s1] =	stream.linear.scatter @!p3 [tilespmem:s0], [sflag:$0x1], $0x10, $0x38;
	[tilespmem:$0x1FE08] =	vst v63  }
0x362: {  	s0 =	simm.s32 @!p3 $0x1  }
0x363: {  	_ =	swait.ge @!p3 [sflag:s0], $0x20  }
0x364: {  	p1 =	por p2, p1;
	[sflag:s0] =	ssyncset.done @!p3 $0x0  }
0x365: {  	[sflag:s0] =	ssyncadd.s32 @!p3 $0xFFFFFFE0;
	s0 =	simm.s32 @!p1 $0x1  }
0x366: {  	_ =	swait.ge @!p1 [sflag:s0], $0x10  }
0x367: {  	s29 =	simm.s32 $0x3A78;
	[sflag:s0] =	ssyncset.done @!p1 $0x0  }
0x368: {  	s30 =	simm.s32 $0x200;
	s31 =	simm.s32 $0x1;
	[sflag:s0] =	ssyncadd.s32 @!p1 $0xFFFFFFF0  }
0x369: {  	[spmem:s30] =	stream.linear.scatter [tilespmem:s29], [sflag:$0x1], $0x10, $0x38;
	[tilespmem:$0x1FE08] =	vst v63  }
0x36a: {  	_ =	swait.ge [sflag:s31], $0x10  }
0x36b: {  	[sflag:s31] =	ssyncset.done $0x0  }
0x36c: {  	p1 =	seq.s32 s5, $0x0;
	[sflag:s31] =	ssyncadd.s32 $0xFFFFFFF0  }
0x36d: {  	s1 =	sshll.u32 @p1 s16, $0xE;
	s10 =	rddreg [dreg:$0x2]  }
0x36e: {  	s0 =	sadd.s32 @p1 $0x15C3C, s1;
	s1 =	sshll.u32 @p1 s10, $0x11  }
0x36f: {  	_ =	sfence.stream.spmem;
	s0 =	sor.u32 @p1 s1, s0  }
0x370: {  	[sflag:s0] =	ssyncadd.remote.s32 @p1 $0x1;
	s0 =	simm.s32 @p1 $0x4  }
0x371: {  	s2 =	simm.s32 @!p1 $0x3C;
	s1 =	sand.u32 $0xFFFFFFFE, s16;
	_ =	swait.ge @p1 [sflag:s0], $0x6  }
0x372: {  	s7 =	simm.s32 @!p1 $0x0;
	s1 =	sadd.s32 @!p1 $0x4, s1;
	[sflag:s0] =	ssyncset.done @p1 $0x0  }
0x373: {  	s8 =	simm.s32 @!p1 $0x20;
	[sflag:s0] =	ssyncadd.s32 @p1 $0xFFFFFFFA;
	s0 =	sshll.u32 @!p1 s1, $0x1A  }
0x374: {  	s1 =	sshll.u32 @!p1 s1, $0xD;
	s0 =	sor.u32 @!p1 s0, s10;
	_ =	swait.eq @!p1 [sflag:s2], $0x1  }
0x375: {  	s1 =	sor.u32 @!p1 $0x1C04, s1;
	s2 =	simm.s32 @!p1 $0x1C03;
	s0 =	sor.u32 @!p1 $0x80004000, s0  }
0x376: {  	[spmem:s8], [sflag:s1] =	dma.general @!p1 [spmem:s7], [sflag:s2], length:$0x4, [dreg:$0x0], stride_count:$0x0, ici_dest:s0, dma_misc:DstOpCode:WRITE  }
0x377: {  	p2 =	slt.s32 s9, $0x2;
	s7 =	simm.s32 @!p1 $0x40;
	s8 =	simm.s32 @!p1 $0x42  }
0x378: {  	[spmem:s8], [sflag:s1] =	dma.general @!p1 [spmem:s7], [sflag:s2], length:$0x2, [dreg:$0x0], stride_count:$0x0, ici_dest:s0, dma_misc:DstOpCode:WRITE  }
.Ltmp29:
0x379: {  	s0 =	simm.s32 @!p1 $0x3;
	(pc) =	sbr.rel @p2 .LBB3_31-.Ltmp29, $4  }
0x37a: {  	s1 =	sshll.u32 @!p1 s16, $0xE;
	_ =	swait.ge @!p1 [sflag:s0], $0x6  }
0x37b: {  	s2 =	sshll.u32 @!p1 s10, $0x11;
	s1 =	sadd.s32 @!p1 $0x11C3C, s1;
	[sflag:s0] =	ssyncset.done @!p1 $0x0  }
0x37c: {  	[sflag:s0] =	ssyncadd.s32 @!p1 $0xFFFFFFFA;
	s0 =	sor.u32 @!p1 s2, s1  }
0x37d: {  	s1 =	simm.s32 $0x0;
	[sflag:s0] =	ssyncadd.remote.s32 @!p1 $0xFFFFFFFF  }
0x37e: {  	s0 =	simm.s32 $0x3859  }
0x37f: {  	v0 =	vld.msk [tilespmem:s0+$0x0], $0x1;
	_ =	sdelay $0x4  }
0x380: {  	(v2sf) =	vpush v0, $0x0;
	_ =	sdelay $0xc  }
0x381: {  	s2 =	sadd.s32 $0xFFFFFFFE, s6  }
0x382: {  	s2 =	sadd.s32 $0xFFFFFFFF, s2  }
0x383: {  	p2 =	sne.s32 s2, $0x0;
	s0 =	spop (v2sf)  }
.Ltmp30:
0x384: {  	p1 =	sgt.u32 s0, $0x270FF;
	(pc) =	sbr.rel @!p2 .LBB3_30-.Ltmp30, $4  }
0x385: {  	s1 =	simm.s32 $0x3888;
	s6 =	sand.u32 @!p1 $0x3FFF8, s0  }
0x386: {  	s8 =	simm.s32 $0x0;
	s0 =	sand.u32 @!p1 $0x7, s0;
	s6 =	sadd.s32 @!p1 s3, s6  }
0x387: {  	[hbm4b:s6+s0] =	stream.linear.scatter @!p1 [tilespmem:s1], [sflag:$0x5], $0x4, $0x38;
	[tilespmem:$0x1FE08] =	vst v63  }
0x388: {  	s7 =	simm.s32 $0x385A;
	s8 =	simm.s32 @!p1 $0x10;
	s6 =	simm.s32 $0x0  }
.LBB3_29:
0x389: {  	v0 =	vld.msk [tilespmem:s7+$0x0], $0x1;
	s2 =	sadd.s32 $0xFFFFFFFF, s2;
	s6 =	sadd.s32 s6, s8  }
0x38a: {  	p1 =	sne.s32 s2, $0x0;
	_ =	sdelay $0x3  }
0x38b: {  	(v2sf) =	vpush v0, $0x0;
	_ =	sdelay $0xe  }
.Ltmp31:
0x38c: {  	s0 =	spop (v2sf);
	(pc) =	sbr.rel @p1 .LBB3_29-.Ltmp31, $4  }
0x38d: {  	s8 =	simm.s32 $0x0;
	p2 =	sgt.u32 s0, $0x270FF  }
0x38e: {  	s1 =	sadd.s32 $0x10, s1;
	s8 =	simm.s32 @!p2 $0x10;
	s9 =	sand.u32 @!p2 $0x3FFF8, s0  }
0x38f: {  	s7 =	sadd.s32 $0x1, s7;
	s0 =	sand.u32 @!p2 $0x7, s0;
	s9 =	sadd.s32 @!p2 s3, s9  }
0x390: {  	[hbm4b:s9+s0] =	stream.linear.scatter @!p2 [tilespmem:s1], [sflag:$0x5], $0x4, $0x38;
	[tilespmem:$0x1FE08] =	vst v63  }
.LBB3_30:
0x391: {  	s0 =	sadd.s32 s6, s8  }
0x392: {  	s1 =	sshrl.u32 s0, $0x2  }
.LBB3_31:
0x393: {  	s0 =	simm.s32 $0x5  }
0x394: {  	_ =	swait.ge [sflag:s0], s1  }
0x395: {  	s31 =	ssub.s32 $0x0, s1;
	[sflag:s0] =	ssyncset.done $0x0  }
0x396: {  	[sflag:s0] =	ssyncadd.s32 s31  }
0x397: {  	[sflag:s0] =	ssyncpa.u1 $0x1  }
.LBB3_32:
0x398: {  	s0 =	sor.u32 s5, s4  }
0x399: {  	p1 =	sne.s32 s0, $0x0  }
.Ltmp32:
0x39a: {  	_ = 	snop;
	(pc) =	sbr.rel @p1 .LBB3_47-.Ltmp32, $3  }
0x39b: {  	_ =	sdelay $0x1  }
0x39c: {  	[bflag:$0x0] =	sbarrier.arrive $0xFFFF  }
0x39d: {  	_ =	sfence  }
0x39e: {  	s0 =	simm.s32 $0x7  }
0x39f: {  	s1 =	simm.s32 $0x200;
	s2 =	simm.s32 $0x3858;
	[sflag:s0] =	ssyncpa.u1 $0x0  }
0x3a0: {  	[tilespmem:s2], [sflag:$0x7] =	stream.linear.gather [spmem:s1], $0x20, $0x38;
	[tilespmem:$0x1FE08] =	vst v63  }
0x3a1: {  	s30 =	simm.s32 $0x3878;
	s1 =	simm.s32 $0x0  }
0x3a2: {  	[tilespmem:s30], [sflag:$0x7] =	stream.linear.gather [spmem:s1], $0x200, $0x38;
	[tilespmem:$0x1FE08] =	vst v63  }
.Ltmp33:
0x3a3: {  	_ = 	snop;
	(pc) =	sbr.rel .LBB3_34-.Ltmp33, $4  }
0x3a4: {  	_ =	swait.ge [sflag:s0], $0x220  }
0x3a5: {  	[sflag:s0] =	ssyncset.done $0x0  }
0x3a6: {  	s31 =	simm.s32 $0x8;
	[sflag:s0] =	ssyncadd.s32 $0xFFFFFDE0  }
0x3a7: {  	s2 =	simm.s32 $0x0;
	[sflag:s31] =	ssyncpa.u1 $0x0  }
.LBB3_39:
0x3a8: {  	p1 =	slt.u32 s4, $0x27100  }
0x3a9: {  	s0 =	sand.u32 @p1 $0x3FFF8, s4  }
0x3aa: {  	s4 =	sand.u32 @p1 $0x7, s4;
	s5 =	simm.s32 @p1 $0x3838;
	s0 =	sadd.s32 @p1 s3, s0  }
0x3ab: {  	[tilespmem:s5], [sflag:$0x8] =	stream.linear.gather @p1 [hbm4b:s0+s4], $0x4, $0x38;
	[tilespmem:$0x1FE08] =	vst v63  }
0x3ac: {  	s0 =	simm.s32 @p1 $0x8  }
0x3ad: {  	_ =	swait.ge @p1 [sflag:s0], $0x4  }
0x3ae: {  	[sflag:s0] =	ssyncset.done @p1 $0x0  }
0x3af: {  	[sflag:s0] =	ssyncadd.s32 @p1 $0xFFFFFFFC  }
0x3b0: {  	v1 =	vld @p1 [tilespmem:$0x3838];
	_ =	sdelay $0x2  }
0x3b1: {  	s0 =	sshll.u32 @p1 s2, $0x6  }
0x3b2: {  	s5 =	sshll.u32 @!p1 s2, $0x6;
	s4 =	sshrl.u32 @p1 s0, $0x2  }
0x3b3: {  	s5 =	smov.u32 @p1 s0;
	[tilespmem:s4+$0x3878] =	vst.add.f32.msk @p1 $0xffff, v1  }
0x3b4: {  	s0 =	sshrl.u32 s5, $0x2;
	[tilespmem:s1+$0x3858] =	vst.msk $0x1, v0  }
0x3b5: {  	v0 =	vld [tilespmem:s0+$0x3878];
	_ =	sdelay $0x2  }
0x3b6: {  	s31 =	sshll.u32 s1, $0x6  }
0x3b7: {  	s0 =	sshra.s32 s31, $0x2  }
0x3b8: {  	s1 =	sadd.s32 $0x1, s1;
	[tilespmem:s0+$0x3878] =	vst v0  }
.LBB3_41:
0x3b9: {  	s2 =	sadd.s32 $0x1, s2  }
0x3ba: {  	p1 =	sne.s32 s2, $0x20  }
.Ltmp34:
0x3bb: {  	_ = 	snop;
	(pc) =	sbr.rel @!p1 .LBB3_42-.Ltmp34, $1  }
0x3bc: {  	_ =	sdelay $0x3  }
.LBB3_34:
0x3bd: {  	v0 =	vld.msk [tilespmem:s2+$0x3858], $0x1;
	_ =	sdelay $0x4  }
0x3be: {  	(v2sf) =	vpush v0, $0x0;
	_ =	sdelay $0xe  }
0x3bf: {  	s4 =	spop (v2sf)  }
0x3c0: {  	p1 =	seq.s32 s4, $0xFFFFFFFF  }
.Ltmp35:
0x3c1: {  	_ = 	snop;
	(pc) =	sbr.rel @p1 .LBB3_41-.Ltmp35, $1  }
0x3c2: {  	_ =	sdelay $0x3  }
0x3c3: {  	p1 =	slt.s32 s1, $0x1  }
.Ltmp36:
0x3c4: {  	_ = 	snop;
	(pc) =	sbr.rel @p1 .LBB3_39-.Ltmp36, $1  }
0x3c5: {  	_ =	sdelay $0x3  }
0x3c6: {  	s5 =	simm.s32 $0x3858;
	p1 =	por $0x0, $0x0  }
0x3c7: {  	v1 =	vld.msk @!p1 [tilespmem:s5+$0x0], $0x1;
	_ =	sdelay $0x4  }
0x3c8: {  	(v2sf) =	vpush @!p1 v1, $0x0;
	_ =	sdelay $0xd  }
0x3c9: {  	p3 =	sne.s32 s1, $0x1  }
.Ltmp37:
0x3ca: {  	s0 =	spop @!p1 (v2sf);
	(pc) =	sbr.rel @!p3 .LBB3_38-.Ltmp37, $4  }
0x3cb: {  	p2 =	seq.s32 @!p1 s4, s0  }
0x3cc: {  	s6 =	simm.s32 $0x0;
	p2 =	por !p2, p1  }
0x3cd: {  	s0 =	simm.s32 $0xFFFFFFFF;
	s6 =	simm.s32 @p2 $0xFFFFFFFF  }
0x3ce: {  	s7 =	simm.s32 $0x1;
	s6 =	smov.u32 @p1 s0  }
.LBB3_37:
0x3cf: {  	s0 =	smov.u32 s6;
	p1 =	sne.s32 s6, $0xFFFFFFFF  }
0x3d0: {  	s5 =	sadd.s32 $0x1, s5;
	s6 =	smov.u32 s7;
	s7 =	sadd.s32 $0x1, s7  }
0x3d1: {  	p2 =	sne.s32 s1, s7;
	v1 =	vld.msk @!p1 [tilespmem:s5+$0x0], $0x1;
	_ =	sdelay $0x4  }
0x3d2: {  	(v2sf) =	vpush @!p1 v1, $0x0;
	_ =	sdelay $0xe  }
.Ltmp38:
0x3d3: {  	s8 =	spop @!p1 (v2sf);
	(pc) =	sbr.rel @p2 .LBB3_37-.Ltmp38, $4  }
0x3d4: {  	p3 =	seq.s32 @!p1 s4, s8  }
0x3d5: {  	p3 =	por !p3, p1  }
0x3d6: {  	s6 =	simm.s32 @p3 $0xFFFFFFFF  }
0x3d7: {  	s6 =	smov.u32 @p1 s0  }
.LBB3_38:
0x3d8: {  	p1 =	sne.s32 s6, $0xFFFFFFFF  }
.Ltmp39:
0x3d9: {  	_ = 	snop;
	(pc) =	sbr.rel @!p1 .LBB3_39-.Ltmp39, $1  }
0x3da: {  	_ =	sdelay $0x3  }
0x3db: {  	s0 =	sshll.u32 s2, $0x4  }
0x3dc: {  	s0 =	sand.u32 $0x3FFFFFF0, s0  }
0x3dd: {  	v0 =	vld [tilespmem:s0+$0x3878]  }
.Ltmp40:
0x3de: {  	_ = 	snop;
	(pc) =	sbr.rel .LBB3_41-.Ltmp40, $4  }
0x3df: {  	_ = 	snop  }
0x3e0: {  	s31 =	sshll.u32 s6, $0x6  }
0x3e1: {  	s0 =	sshra.s32 s31, $0x2  }
0x3e2: {  	[tilespmem:s0+$0x3878] =	vst.add.f32.msk $0xffff, v0  }
.LBB3_42:
0x3e3: {  	p1 =	slt.s32 s1, $0x1  }
.Ltmp41:
0x3e4: {  	_ = 	snop;
	(pc) =	sbr.rel @p1 .LBB3_46-.Ltmp41, $3  }
0x3e5: {  	_ =	sdelay $0x1  }
0x3e6: {  	s0 =	simm.s32 $0x8  }
0x3e7: {  	s2 =	simm.s32 $0x0;
	[sflag:s0] =	ssyncpa.u1 $0x1  }
0x3e8: {  	s0 =	simm.s32 $0x3858  }
0x3e9: {  	v0 =	vld.msk [tilespmem:s0+$0x0], $0x1;
	_ =	sdelay $0x4  }
0x3ea: {  	(v2sf) =	vpush v0, $0x0;
	_ =	sdelay $0xd  }
0x3eb: {  	s1 =	sadd.s32 $0xFFFFFFFF, s1  }
0x3ec: {  	p2 =	sne.s32 s1, $0x0;
	s0 =	spop (v2sf)  }
.Ltmp42:
0x3ed: {  	p1 =	sgt.u32 s0, $0x270FF;
	(pc) =	sbr.rel @!p2 .LBB3_45-.Ltmp42, $4  }
0x3ee: {  	s4 =	simm.s32 $0x3878;
	s5 =	sand.u32 @!p1 $0x3FFF8, s0  }
0x3ef: {  	s6 =	simm.s32 $0x0;
	s0 =	sand.u32 @!p1 $0x7, s0;
	s5 =	sadd.s32 @!p1 s3, s5  }
0x3f0: {  	[hbm4b:s5+s0] =	stream.linear.scatter @!p1 [tilespmem:s4], [sflag:$0x7], $0x4, $0x38;
	[tilespmem:$0x1FE08] =	vst v63  }
0x3f1: {  	s6 =	simm.s32 @!p1 $0x10;
	s5 =	simm.s32 $0x3859  }
.LBB3_44:
0x3f2: {  	v0 =	vld.msk [tilespmem:s5+$0x0], $0x1;
	s1 =	sadd.s32 $0xFFFFFFFF, s1;
	s2 =	sadd.s32 s2, s6  }
0x3f3: {  	p1 =	sne.s32 s1, $0x0;
	_ =	sdelay $0x3  }
0x3f4: {  	(v2sf) =	vpush v0, $0x0;
	_ =	sdelay $0xe  }
.Ltmp43:
0x3f5: {  	s0 =	spop (v2sf);
	(pc) =	sbr.rel @p1 .LBB3_44-.Ltmp43, $4  }
0x3f6: {  	s6 =	simm.s32 $0x0;
	p2 =	sgt.u32 s0, $0x270FF  }
0x3f7: {  	s4 =	sadd.s32 $0x10, s4;
	s6 =	simm.s32 @!p2 $0x10;
	s7 =	sand.u32 @!p2 $0x3FFF8, s0  }
0x3f8: {  	s5 =	sadd.s32 $0x1, s5;
	s0 =	sand.u32 @!p2 $0x7, s0;
	s7 =	sadd.s32 @!p2 s3, s7  }
0x3f9: {  	[hbm4b:s7+s0] =	stream.linear.scatter @!p2 [tilespmem:s4], [sflag:$0x7], $0x4, $0x38;
	[tilespmem:$0x1FE08] =	vst v63  }
.LBB3_45:
0x3fa: {  	s0 =	sadd.s32 s2, s6  }
0x3fb: {  	s2 =	sshrl.u32 s0, $0x2  }
.LBB3_46:
0x3fc: {  	s0 =	simm.s32 $0x7  }
0x3fd: {  	_ =	swait.ge [sflag:s0], s2  }
0x3fe: {  	s1 =	ssub.s32 $0x0, s2;
	[sflag:s0] =	ssyncset.done $0x0  }
0x3ff: {  	[sflag:s0] =	ssyncadd.s32 s1  }
0x400: {  	[sflag:s0] =	ssyncpa.u1 $0x1  }
.LBB3_47:
0x401: {  	_ =	sfence;
	s0 =	simm.s32 $0x1  }
0x402: {  	[sflag:s0] =	ssyncpa.u1 $0x1  }
0x403: {  	_ =	strace $0x90000053  }
0x404: {  	[bflag:$0x2] =	sbarrier.arrive $0xFFFF  }
0x405: {  	s0 =	rddreg [dreg:$0x3]  }
0x406: {  	s0 =	sadd.s32 @!p0 $0x100000, s0  }
0x407: {  	[sflag:s0] =	ssyncadd.tile.s32 @!p0 $0x1;
	_ =	shalt  }
.Lfunc_end3:
_tile_overlayer_lowered:
.L_overlay_start_3:
0x408: {  	(tag) =	ssettag $0x3  }
0x409: {  	s0 =	rddreg [dreg:$0x0];
	s2 =	stileid.u32  }
0x40a: {  	s1 =	rddreg [dreg:$0x1];
	p0 =	sne.s32 s2, $0x0  }
0x40b: {  	s3 =	rddreg [dreg:$0x2];
	[bflag:$0x3] =	sbarrier.arrive $0xFFFF;
	s2 =	simm.s32 @!p0 $0x1C01  }
0x40c: {  	[timem:s3], [sflag:s2] =	dma.local @!p0 [hbm:s0], s1  }
0x40d: {  	s0 =	simm.s32 @!p0 $0x1  }
0x40e: {  	_ =	swait.ge @!p0 [sflag:s0], s1  }
0x40f: {  	s1 =	ssub.s32 @!p0 $0x0, s1;
	[sflag:s0] =	ssyncset.done @!p0 $0x0  }
0x410: {  	[sflag:s0] =	ssyncadd.s32 @!p0 s1  }
0x411: {  	[bflag:$0x3] =	sbarrier.arrive $0xFFFF  }
0x412: {  	_ =	shalt  }

// kernel: sparse-core-data-format-call.1.cloned.1.call-start
scs
called_computation.4_lowered:
.L_overlay_start_0:
0x0: {  	s1 =	sld [smem:$0x3FD9]  }
0x1: {  	s2 =	sld [smem:$0x3FFE];
	_ =	sdelay $0x1  }
0x2: {  	s3 =	srdreg.scid  }
0x3: {  	s0 =	sand.u32 $0x1, s3  }
0x4: {  	s17 =	sshll.u32 s0, $0xA;
	s1 =	sadd.s32 s2, s1  }
0x5: {  	s1 =	sadd.s32 s1, s17  }
0x6: {  	[smem:$0x3FAD] =	sst s1  }
0x7: {  	_ = 	snop  }
0x8: {  	(tm) =	ssettm $0x1  }
0x9: {  	s18 =	sld [smem:$0x3FFB];
	_ =	sdelay $0x3  }
0xa: {  	_ =	strace s18  }
0xb: {  	s1 =	sld [smem:$0x3FFC];
	_ =	sdelay $0x3  }
0xc: {  	_ =	strace s1  }
0xd: {  	s1 =	sld [smem:$0x3FFD];
	_ =	sdelay $0x3  }
0xe: {  	_ =	strace s1  }
0xf: {  	_ =	strace $0x8FFFFFFF  }
0x10: {  	s19 =	sld [smem:$0x3FDB];
	_ =	sdelay $0x1  }
0x11: {  	s20 =	simm.s32 $_scs_section_size  }
0x12: {  	s4 =	simm.s32 $_size__tile_overlayer_lowered;
	s5 =	simm.s32 $_tile_overlayer_lowered  }
0x13: {  	s23 =	simm.s32 $0x1BFF;
	s22 =	sshll.u32 s5, $0x1;
	s1 =	sadd.s32 s20, s19  }
0x14: {  	s6 =	simm.s32 $0x0;
	s21 =	sshll.u32 s4, $0x1;
	s4 =	sadd.s32 s22, s1  }
0x15: {  	[timem:s6], [sflag:s23] =	dma.local [hbm:s4], s21  }
0x16: {  	_ =	swait.ge [sflag:s23], s21  }
0x17: {  	s2 =	ssub.s32 $0x0, s21;
	[sflag:s23] =	ssyncset.done $0x0  }
0x18: {  	[sflag:s23] =	ssyncadd.s32 s2;
	_ =	sdelay $0x1  }
0x19: {  	s24 =	simm.s32 $0x1B8B  }
0x1a: {  	_ =	swait.ge [sflag:s24], $0x1  }
0x1b: {  	[sflag:s24] =	ssyncset.done $0x0  }
0x1c: {  	s26 =	simm.s32 $0x1B8E;
	s25 =	sld [smem:$0x3FFE];
	[sflag:s24] =	ssyncadd.s32 $0xFFFFFFFF  }
0x1d: {  	s27 =	simm.s32 $execute0_lowered;
	[smem:$0x3FD2] =	sst s26  }
0x1e: {  	s4 =	sshll.u32 s27, $0x1;
	_ =	strace $0x8000006A;
	[dreg:$0x1] =	wrdreg $0xFFFFFFFF  }
0x1f: {  	s28 =	simm.s32 $_size_execute0_lowered;
	s1 =	sadd.s32 s1, s4;
	[dreg:$0x0] =	wrdreg $0x0  }
0x20: {  	s4 =	sshll.u32 s28, $0x1;
	[dreg:$0x2] =	wrdreg s1  }
0x21: {  	[dreg:$0x3] =	wrdreg s4  }
0x22: {  	[dreg:$0x4] =	wrdreg $0xC0  }
0x23: {  	_ =	task [dreg:s6], $0x5FFFF  }
0x24: {  	[dreg:$0x1] =	wrdreg $0xFFFFFFFF  }
0x25: {  	[dreg:$0x0] =	wrdreg $0x60  }
0x26: {  	[dreg:$0x2] =	wrdreg s25  }
0x27: {  	[dreg:$0x3] =	wrdreg $0x9  }
0x28: {  	_ =	task.clear_ibuf [dreg:s6], $0x4FFFF;
	_ =	strace $0x9000006A  }
0x29: {  	s29 =	simm.s32 $0x9;
	_ =	strace $0x8000006C  }
0x2a: {  	_ =	swait.ge [sflag:s29], $0x1  }
0x2b: {  	[sflag:s29] =	ssyncadd.s32 $0xFFFFFFFF  }
0x2c: {  	_ =	strace $0x9000006C  }
0x2d: {  	_ =	sfence  }
0x2e: {  	s30 =	sld [smem:$0x0];
	_ =	sdelay $0x2  }
0x2f: {  	s31 =	sshll.u32 s3, $0xD;
	s3 =	sshrl.u32 s3, $0x2  }
0x30: {  	s2 =	sand.u32 $0x4000, s31;
	s1 =	sadd.s32 s3, s30  }
0x31: {  	s0 =	sor.u32 s2, s0;
	s1 =	sshll.u32 s1, $0x11  }
0x32: {  	s0 =	sor.u32 s1, s0  }
0x33: {  	s0 =	sadd.s32 $0x8F2B, s0  }
0x34: {  	[sflag:s0] =	ssyncadd.remote.s32 $0x1  }
0x35: {  	_ =	sfence.sel $0xFFFF  }
0x36: {  	[dreg:$0x0] =	wrdreg $0xFFFFFFFF;
	(pc) =	sbr.abs _section_cstart, $3  }
0x37: {  	[dreg:$0x1] =	wrdreg $0xFFFFFFFF  }
0x38: {  	_ =	task.clear_ibuf [dreg:s6], $0x2FFFF;
	_ =	strace $0x9FFFFFFF  }
0x39: {  	(tm) =	ssettm $0x7FFFFFFF  }
tec
execute0_lowered:
.L_overlay_start_1:
0x0: {  	(tag) =	ssettag $0x1  }
0x1: {  	s0 =	stileid.u32;
	s1 =	srdreg.scid  }
0x2: {  	s7 =	rddreg [dreg:$0x0];
	s9 =	simm.s32 $0x2;
	s18 =	simm.s32 $0x0  }
0x3: {  	p0 =	por $0x0, $0x0;
	s10 =	simm.s32 $0x800;
	s19 =	simm.s32 $0x0  }
0x4: {  	s20 =	simm.s32 $0x0;
	s11 =	simm.s32 $0x0;
	s12 =	simm.s32 $0x0  }
0x5: {  	s2 =	sshll.u32 s0, $0x5;
	s3 =	sshll.u32 s0, $0x4;
	s1 =	sshll.u32 s1, $0x8  }
0x6: {  	s13 =	simm.s32 $0x0;
	s2 =	sand.u32 $0x80, s2;
	s1 =	sor.u32 s3, s1  }
0x7: {  	s17 =	simm.s32 $0x0;
	s3 =	sand.u32 $0x180, s1;
	s4 =	ssub.s32 $0x100, s2  }
0x8: {  	s1 =	rddreg [dreg:$0x1];
	_ =	strace $0x8000006B;
	s15 =	smov.u32 s2  }
0x9: {  	s5 =	sshrl.u32 s4, $0x7;
	s6 =	ssub.s32 $0x2700, s3;
	s4 =	sshrl.u32 s4, $0x8  }
.Ltmp0:
0xa: {  	s5 =	sand.u32 $0x1, s5;
	s6 =	sshrl.u32 s6, $0x9;
	(pc) =	sbr.rel .LBB1_1-.Ltmp0, $4  }
0xb: {  	s14 =	smov.u32 s3;
	s8 =	sadd.s32 s4, s5;
	s6 =	sadd.s32 $0x1, s6  }
0xc: {  	s4 =	sadd.s32 $0x13C400, s7;
	s5 =	simm.s32 $0x1;
	s6 =	smul.u32 s8, s6  }
0xd: {  	s7 =	sadd.s32 $0x3C00, s7;
	[sflag:s5] =	ssyncpa.u1 $0x0;
	s8 =	sand.u32 $0x3, s0  }
0xe: {  	[sflag:s9] =	ssyncpa.u1 $0x0;
	s16 =	smov.u32 s8;
	s9 =	sadd.s32 $0x1, s6  }
.LBB1_4:
0xf: {  	s26 =	sshll.u32 s11, $0x8;
	s27 =	sshll.u32 s12, $0x3;
	s28 =	sshll.u32 s11, $0x7  }
0x10: {  	p1 =	sgt.s32 s13, $0x3;
	s29 =	smov.u32 s13;
	s25 =	sshra.s32 s25, $0x2  }
0x11: {  	p2 =	sgt.s32 s12, $0x80;
	s26 =	sand.u32 $0xFFFFF800, s26;
	s27 =	sand.u32 $0xFFFFFC00, s27  }
0x12: {  	s30 =	sand.u32 $0x300, s28;
	s29 =	simm.s32 @!p1 $0x3;
	s26 =	sadd.s32 s27, s26  }
0x13: {  	s24 =	sadd.s32 s25, s24;
	s26 =	sor.u32 s30, s26;
	s30 =	sshra.s32 s13, $0x1F  }
0x14: {  	s28 =	sand.u32 $0x80, s28;
	s26 =	sshrl.u32 s26, $0x8;
	s30 =	sand.u32 s30, s13  }
0x15: {  	s31 =	smulhi.u32 $0x1A36E3, s26;
	s27 =	ssub.s32 s29, s30;
	s30 =	smov.u32 s12  }
0x16: {  	s29 =	sadd.s32 $0xFFFFFFFD, s27;
	s30 =	simm.s32 @!p2 $0x80;
	p2 =	sgt.s32 s11, $0x2690  }
0x17: {  	v5 =	vld [tilespmem:s22+$0xFFFFFFD0];
	[tilespmem:s23+$0x2040 ss:$0x81] =	vst.msk $0xffff, v4;
	s27 =	ssub.s32 $0x4, s27;
	s25 =	sshrl.u32 s31, $0x2;
	s31 =	sshra.s32 s12, $0x1F  }
0x18: {  	v58 =	vld [tilespmem:s22+$0xFFFFFFE0];
	[tilespmem:s23+$0x2850 ss:$0x81] =	vst.msk $0xffff, v3;
	p1 =	sgt.s32 s29, $0x0;
	s29 =	sand.u32 s31, s12;
	s31 =	smov.u32 s11  }
0x19: {  	v59 =	vld [tilespmem:s22+$0xFFFFFFF0];
	[tilespmem:s23+$0x3060 ss:$0x81] =	vst.msk $0xffff, v2;
	s27 =	simm.s32 @p1 $0x0;
	s29 =	ssub.s32 s30, s29;
	s30 =	sshra.s32 s11, $0x1F  }
0x1a: {  	[tilespmem:s23+$0x0 ss:$0x81] =	vst.msk $0xffff, v1;
	v60 =	vld [tilespmem:s22+$0x0];
	s25 =	smul.u32 $0x2710, s25;
	s31 =	simm.s32 @!p2 $0x2690;
	s30 =	sand.u32 s30, s11  }
0x1b: {  	v61 =	vld [tilespmem:s22+$0x10];
	[tilespmem:s24+$0x3870 ss:$0x81] =	vst.msk $0xffff, v0;
	s23 =	ssub.s32 s31, s30;
	s31 =	sadd.s32 $0xFFFFFF80, s29;
	s29 =	ssub.s32 $0x100, s29  }
0x1c: {  	v62 =	vld [tilespmem:s22+$0x20];
	[tilespmem:s24+$0x810 ss:$0x81] =	vst.msk $0xffff, v5;
	s30 =	sand.u32 $0x78, s12;
	p1 =	sgt.s32 s31, $0x7F;
	s31 =	sadd.s32 $0xFFFFD970, s23  }
0x1d: {  	v63 =	vld [tilespmem:s22+$0xFFFFFFC0];
	[tilespmem:s24+$0x1020 ss:$0x81] =	vst.msk $0xffff, v58;
	p2 =	sgt.s32 s31, $0x7F;
	s29 =	simm.s32 @p1 $0x0;
	s31 =	smul.u32 $0x4E200, s13  }
0x1e: {  	[tilespmem:s24+$0x1830 ss:$0x81] =	vst.msk $0xffff, v59;
	s23 =	ssub.s32 $0x2710, s23;
	s22 =	sor.u32 s30, s28;
	s27 =	smul.u32 s27, s29  }
0x1f: {  	[tilespmem:s24+$0x2040 ss:$0x81] =	vst.msk $0xffff, v60;
	s25 =	ssub.s32 s26, s25;
	s22 =	sshrl.u32 s22, $0x3;
	s23 =	simm.s32 @p2 $0x0  }
0x20: {  	[tilespmem:s24+$0x2850 ss:$0x81] =	vst.msk $0xffff, v61;
	s29 =	sand.u32 $0x7, s12;
	s28 =	sadd.s32 s7, s31;
	s23 =	smul.u32 s23, s27  }
0x21: {  	[tilespmem:s24+$0x3060 ss:$0x81] =	vst.msk $0xffff, v62;
	s25 =	sshll.u32 s25, $0x5;
	s30 =	sshll.u32 s29, $0x12;
	s22 =	sadd.s32 s22, s28  }
0x22: {  	[tilespmem:s24+$0x0 ss:$0x81] =	vst.msk $0xffff, v63;
	s31 =	sor.u32 $0x400, s30;
	s22 =	sadd.s32 s25, s22;
	s23 =	sand.u32 $0x3FFFFFFF, s23  }
0x23: {  	[hbm4b:s22+s31] =	stream.strided.scatter [tilespmem:s21], [sflag:$0x2], s23, s10, s31, $0x20;
	[tilespmem:$0x10100] =	vst v63  }
.LBB1_5:
0x24: {  	p1 =	slt.u32 s17, $0x2  }
0x25: {  	p2 =	sgt.s32 @!p1 s20, $0x3  }
0x26: {  	s21 =	smov.u32 s20;
	s22 =	sshra.s32 @!p1 s20, $0x1F;
	p2 =	por !p2, p1  }
0x27: {  	s20 =	sand.u32 @!p1 s22, s20;
	s21 =	simm.s32 @p2 $0x3  }
0x28: {  	p3 =	sgt.s32 @!p1 s19, $0x80;
	s20 =	ssub.s32 @!p1 s21, s20  }
0x29: {  	p3 =	por !p3, p1;
	s22 =	sshra.s32 @!p1 s19, $0x1F;
	s21 =	sadd.s32 @!p1 $0xFFFFFFFD, s20  }
0x2a: {  	s20 =	ssub.s32 @!p1 $0x4, s20;
	p2 =	sgt.s32 @!p1 s21, $0x0;
	s21 =	smov.u32 s19  }
0x2b: {  	s19 =	sand.u32 @!p1 s22, s19;
	s21 =	simm.s32 @p3 $0x80;
	p3 =	sgt.s32 @!p1 s18, $0x2690  }
0x2c: {  	s22 =	smov.u32 s18;
	p2 =	por !p2, p1;
	p3 =	por !p3, p1  }
0x2d: {  	s19 =	ssub.s32 @!p1 s21, s19;
	s21 =	sshra.s32 @!p1 s18, $0x1F;
	s20 =	simm.s32 @!p2 $0x0  }
0x2e: {  	s22 =	simm.s32 @p3 $0x2690;
	s18 =	sand.u32 @!p1 s21, s18;
	s21 =	sadd.s32 @!p1 $0xFFFFFF80, s19  }
0x2f: {  	s19 =	ssub.s32 @!p1 $0x100, s19;
	s18 =	ssub.s32 @!p1 s22, s18;
	p2 =	sgt.s32 @!p1 s21, $0x7F  }
0x30: {  	s22 =	smov.u32 s15;
	s21 =	sadd.s32 @!p1 $0xFFFFD970, s18;
	p2 =	por !p2, p1  }
0x31: {  	s18 =	ssub.s32 @!p1 $0x2710, s18;
	p3 =	sgt.s32 @!p1 s21, $0x7F;
	s19 =	simm.s32 @!p2 $0x0  }
0x32: {  	s21 =	sadd.s32 $0x200, s14;
	p2 =	por !p3, p1;
	s19 =	smul.u32 @!p1 s20, s19  }
0x33: {  	s20 =	sadd.s32 $0x100, s15;
	s18 =	simm.s32 @!p2 $0x0;
	p2 =	sgt.s32 s21, $0x270F  }
0x34: {  	s23 =	smov.u32 s16;
	s22 =	smov.u32 @p2 s20  }
0x35: {  	s18 =	smul.u32 @!p1 s18, s19;
	s19 =	sadd.s32 $0x4, s16;
	p3 =	sgt.s32 s22, $0xFF  }
0x36: {  	p0 =	por !p0, !p0;
	s24 =	simm.s32 @!p1 $0x2;
	s23 =	smov.u32 @p3 s19  }
0x37: {  	s21 =	smov.u32 @p2 s3;
	s20 =	smov.u32 s13;
	p2 =	sgt.s32 s23, $0x3  }
0x38: {  	s13 =	smov.u32 s16;
	s23 =	smov.u32 @p2 s8;
	p2 =	sne.s32 s17, s9  }
.Ltmp1:
0x39: {  	s18 =	sand.u32 @!p1 $0x3FFFFFFF, s18;
	s22 =	smov.u32 @p3 s2;
	(pc) =	sbr.rel @!p2 .LBB1_6-.Ltmp1, $4  }
0x3a: {  	s19 =	smov.u32 s12;
	s12 =	smov.u32 s15;
	_ =	swait.ge @!p1 [sflag:s24], s18  }
0x3b: {  	s25 =	ssub.s32 @!p1 $0x0, s18;
	s18 =	smov.u32 s11;
	s11 =	smov.u32 s14  }
0x3c: {  	s14 =	smov.u32 s21;
	s15 =	smov.u32 s22;
	[sflag:s24] =	ssyncset.done @!p1 $0x0  }
0x3d: {  	s17 =	sadd.s32 $0x1, s17;
	[sflag:s24] =	ssyncadd.s32 @!p1 s25;
	s16 =	smov.u32 s23  }
.LBB1_1:
0x3e: {  	p1 =	sge.u32 s17, s6  }
0x3f: {  	s21 =	sshrl.u32 @!p1 s15, $0x3  }
0x40: {  	s22 =	sshll.u32 @!p1 s14, $0x3;
	s21 =	smul.u32 @!p1 $0x13C00, s21  }
0x41: {  	s23 =	sshll.u32 @!p1 s15, $0x7;
	s22 =	sand.u32 @!p1 $0xFFFFFC00, s22  }
0x42: {  	s21 =	sadd.s32 @!p1 s21, s22;
	s22 =	sand.u32 @!p1 $0x380, s23  }
0x43: {  	s23 =	sand.u32 @!p1 $0x7F, s14;
	s21 =	sor.u32 @!p1 s22, s21  }
0x44: {  	s22 =	sor.u32 @!p1 s23, s21  }
0x45: {  	s23 =	smulhi.u32 @!p1 $0xCF6474A9, s22  }
0x46: {  	s21 =	smulhi.u32 @!p1 $0xCF6474A9, s21  }
0x47: {  	s23 =	sshrl.u32 @!p1 s23, $0xD  }
0x48: {  	s31 =	sadd.s32 $0xFFFFFFFF, s17;
	s21 =	sshrl.u32 @!p1 s21, $0xD;
	s23 =	smul.u32 @!p1 $0x2780, s23  }
0x49: {  	s24 =	sxor.u32 @!p1 $0xFFFFFFFF, s17;
	s25 =	smul.u32 @!p1 $0x4F000, s16;
	s21 =	sand.u32 @!p1 $0xFF, s21  }
0x4a: {  	s24 =	sshll.u32 @!p1 s24, $0xE;
	s21 =	smul.u32 @!p1 $0x4F0, s21;
	s22 =	ssub.s32 @!p1 s22, s23  }
0x4b: {  	s23 =	sand.u32 @!p1 $0x4000, s24;
	s24 =	sadd.s32 @!p1 s4, s25;
	s25 =	sand.u32 @!p1 $0x7, s22  }
0x4c: {  	s22 =	sshrl.u32 @!p1 s22, $0x3;
	s21 =	sadd.s32 @!p1 s21, s24;
	s24 =	sshll.u32 @!p1 s25, $0x12  }
0x4d: {  	s21 =	sadd.s32 @!p1 s22, s21;
	s22 =	sor.u32 @!p1 $0x400, s24;
	s24 =	simm.s32 @!p1 $0x13C00  }
0x4e: {  	[tilespmem:s23], [sflag:$0x1] =	stream.strided.gather @!p1 [hbm4b:s21+s22], $0x4000, s24, s22, $0x38;
	[tilespmem:$0x10100] =	vst v63  }
0x4f: {  	p1 =	sge.u32 s31, s6  }
.Ltmp2:
0x50: {  	_ = 	snop;
	(pc) =	sbr.rel @p1 .LBB1_5-.Ltmp2, $1  }
0x51: {  	_ =	sdelay $0x3  }
0x52: {  	s21 =	simm.s32 $0x1  }
0x53: {  	_ =	swait.ge [sflag:s5], $0x4000;
	s21 =	simm.s32 @!p0 $0x0  }
0x54: {  	[sflag:s5] =	ssyncset.done $0x0;
	s22 =	sshll.u32 s21, $0xE  }
0x55: {  	[sflag:s5] =	ssyncadd.s32 $0xFFFFC000;
	s22 =	sor.u32 $0x40, s22  }
0x56: {  	s21 =	smul.u32 $0x10200, s21;
	v0 =	vld [tilespmem:s22+$0x30]  }
0x57: {  	v1 =	vld [tilespmem:s22+$0xFFFFFFD0]  }
0x58: {  	s21 =	sshrl.u32 s21, $0x2;
	v5 =	vld [tilespmem:s22+$0xFFFFFFE0]  }
0x59: {  	v6 =	vld [tilespmem:s22+$0xFFFFFFF0];
	s24 =	sor.u32 $0x8000, s21  }
0x5a: {  	s31 =	sand.u32 $0x1, s17;
	v4 =	vld [tilespmem:s22+$0x0];
	s23 =	sadd.s32 $0x0, s24  }
0x5b: {  	v3 =	vld [tilespmem:s22+$0x10];
	s21 =	smul.u32 $0x10200, s31;
	[tilespmem:s23+$0x3870 ss:$0x81] =	vst.msk $0xffff, v0  }
0x5c: {  	v2 =	vld [tilespmem:s22+$0x20];
	[tilespmem:s23+$0x810 ss:$0x81] =	vst.msk $0xffff, v1  }
0x5d: {  	s21 =	sshrl.u32 s21, $0x2;
	v1 =	vld [tilespmem:s22+$0xFFFFFFC0];
	[tilespmem:s23+$0x1020 ss:$0x81] =	vst.msk $0xffff, v5;
	s22 =	sadd.s32 $0x80, s22  }
0x5e: {  	s25 =	simm.s32 $0x4;
	s26 =	simm.s32 $0x8;
	s21 =	sor.u32 $0x8000, s21;
	[tilespmem:s23+$0x1830 ss:$0x81] =	vst.msk $0xffff, v6;
	v0 =	vld [tilespmem:s22+$0x30]  }
.LBB1_3:
0x5f: {  	p1 =	sne.s32 s26, $0x1FC;
	v5 =	vld [tilespmem:s22+$0xFFFFFFD0];
	[tilespmem:s23+$0x2040 ss:$0x81] =	vst.msk $0xffff, v4  }
0x60: {  	v6 =	vld [tilespmem:s22+$0xFFFFFFE0];
	[tilespmem:s23+$0x2850 ss:$0x81] =	vst.msk $0xffff, v3  }
0x61: {  	s27 =	sshra.s32 s25, $0x2;
	s25 =	smov.u32 s26;
	v7 =	vld [tilespmem:s22+$0xFFFFFFF0];
	[tilespmem:s23+$0x3060 ss:$0x81] =	vst.msk $0xffff, v2  }
.Ltmp3:
0x62: {  	v4 =	vld [tilespmem:s22+$0x0];
	[tilespmem:s23+$0x0 ss:$0x81] =	vst.msk $0xffff, v1;
	s23 =	sadd.s32 s27, s24;
	(pc) =	sbr.rel @p1 .LBB1_3-.Ltmp3, $4  }
0x63: {  	v3 =	vld [tilespmem:s22+$0x10];
	[tilespmem:s23+$0x3870 ss:$0x81] =	vst.msk $0xffff, v0  }
0x64: {  	[tilespmem:s23+$0x810 ss:$0x81] =	vst.msk $0xffff, v5;
	v2 =	vld [tilespmem:s22+$0x20]  }
0x65: {  	v1 =	vld [tilespmem:s22+$0xFFFFFFC0];
	[tilespmem:s23+$0x1020 ss:$0x81] =	vst.msk $0xffff, v6;
	s22 =	sadd.s32 $0x80, s22  }
0x66: {  	s26 =	sadd.s32 $0x4, s26;
	v0 =	vld [tilespmem:s22+$0x30];
	[tilespmem:s23+$0x1830 ss:$0x81] =	vst.msk $0xffff, v7  }
.Ltmp4:
0x67: {  	_ = 	snop;
	(pc) =	sbr.rel .LBB1_4-.Ltmp4, $1  }
0x68: {  	_ =	sdelay $0x3  }
.LBB1_6:
0x69: {  	_ =	sfence.sel $0x180000  }
0x6a: {  	s2 =	simm.s32 $0x1;
	[bflag:$0x0] =	sbarrier.arrive $0xFFFF  }
0x6b: {  	s31 =	simm.s32 $0x2;
	[sflag:s2] =	ssyncpa.u1 $0x1  }
0x6c: {  	[sflag:s31] =	ssyncpa.u1 $0x1  }
0x6d: {  	p0 =	sne.s32 s0, $0x0;
	_ =	strace $0x9000006B  }
0x6e: {  	s0 =	sadd.s32 @!p0 $0x100000, s1;
	[bflag:$0x2] =	sbarrier.arrive $0xFFFF  }
0x6f: {  	[sflag:s0] =	ssyncadd.tile.s32 @!p0 $0x1;
	_ =	shalt  }
.Lfunc_end1:
_tile_overlayer_lowered:
.L_overlay_start_2:
0x70: {  	(tag) =	ssettag $0x2  }
0x71: {  	s0 =	rddreg [dreg:$0x0];
	s2 =	stileid.u32  }
0x72: {  	s1 =	rddreg [dreg:$0x1];
	p0 =	sne.s32 s2, $0x0  }
0x73: {  	s3 =	rddreg [dreg:$0x2];
	[bflag:$0x3] =	sbarrier.arrive $0xFFFF;
	s2 =	simm.s32 @!p0 $0x1C01  }
0x74: {  	[timem:s3], [sflag:s2] =	dma.local @!p0 [hbm:s0], s1  }
0x75: {  	s0 =	simm.s32 @!p0 $0x1  }
0x76: {  	_ =	swait.ge @!p0 [sflag:s0], s1  }
0x77: {  	s1 =	ssub.s32 @!p0 $0x0, s1;
	[sflag:s0] =	ssyncset.done @!p0 $0x0  }
0x78: {  	[sflag:s0] =	ssyncadd.s32 @!p0 s1  }
0x79: {  	[bflag:$0x3] =	sbarrier.arrive $0xFFFF  }
0x7a: {  	_ =	shalt  }

// kernel: sparse-core-data-format-call.2.cloned.1.call-start
scs
called_computation.5_lowered:
.L_overlay_start_0:
0x0: {  	s1 =	sld [smem:$0x3FD9]  }
0x1: {  	s2 =	sld [smem:$0x3FFE];
	_ =	sdelay $0x1  }
0x2: {  	s3 =	srdreg.scid  }
0x3: {  	s0 =	sand.u32 $0x1, s3  }
0x4: {  	s17 =	sshll.u32 s0, $0xA;
	s1 =	sadd.s32 s2, s1  }
0x5: {  	s1 =	sadd.s32 s1, s17  }
0x6: {  	[smem:$0x3FAD] =	sst s1  }
0x7: {  	_ = 	snop  }
0x8: {  	(tm) =	ssettm $0x1  }
0x9: {  	s18 =	sld [smem:$0x3FFB];
	_ =	sdelay $0x3  }
0xa: {  	_ =	strace s18  }
0xb: {  	s1 =	sld [smem:$0x3FFC];
	_ =	sdelay $0x3  }
0xc: {  	_ =	strace s1  }
0xd: {  	s1 =	sld [smem:$0x3FFD];
	_ =	sdelay $0x3  }
0xe: {  	_ =	strace s1  }
0xf: {  	_ =	strace $0x8FFFFFFF  }
0x10: {  	s19 =	sld [smem:$0x3FDB];
	_ =	sdelay $0x1  }
0x11: {  	s20 =	simm.s32 $_scs_section_size  }
0x12: {  	s4 =	simm.s32 $_size__tile_overlayer_lowered;
	s5 =	simm.s32 $_tile_overlayer_lowered  }
0x13: {  	s23 =	simm.s32 $0x1BFF;
	s22 =	sshll.u32 s5, $0x1;
	s1 =	sadd.s32 s20, s19  }
0x14: {  	s6 =	simm.s32 $0x0;
	s21 =	sshll.u32 s4, $0x1;
	s4 =	sadd.s32 s22, s1  }
0x15: {  	[timem:s6], [sflag:s23] =	dma.local [hbm:s4], s21  }
0x16: {  	_ =	swait.ge [sflag:s23], s21  }
0x17: {  	s2 =	ssub.s32 $0x0, s21;
	[sflag:s23] =	ssyncset.done $0x0  }
0x18: {  	[sflag:s23] =	ssyncadd.s32 s2;
	_ =	sdelay $0x1  }
0x19: {  	s24 =	simm.s32 $0x1B8B  }
0x1a: {  	_ =	swait.ge [sflag:s24], $0x1  }
0x1b: {  	[sflag:s24] =	ssyncset.done $0x0  }
0x1c: {  	s26 =	simm.s32 $0x1B8E;
	s25 =	sld [smem:$0x3FFE];
	[sflag:s24] =	ssyncadd.s32 $0xFFFFFFFF  }
0x1d: {  	s27 =	simm.s32 $execute0_lowered;
	[smem:$0x3FD2] =	sst s26  }
0x1e: {  	s4 =	sshll.u32 s27, $0x1;
	_ =	strace $0x80000067;
	[dreg:$0x1] =	wrdreg $0xFFFFFFFF  }
0x1f: {  	s28 =	simm.s32 $_size_execute0_lowered;
	s1 =	sadd.s32 s1, s4;
	[dreg:$0x0] =	wrdreg $0x0  }
0x20: {  	s4 =	sshll.u32 s28, $0x1;
	[dreg:$0x2] =	wrdreg s1  }
0x21: {  	[dreg:$0x3] =	wrdreg s4  }
0x22: {  	[dreg:$0x4] =	wrdreg $0xC0  }
0x23: {  	_ =	task [dreg:s6], $0x5FFFF  }
0x24: {  	[dreg:$0x1] =	wrdreg $0xFFFFFFFF  }
0x25: {  	[dreg:$0x0] =	wrdreg $0x60  }
0x26: {  	[dreg:$0x2] =	wrdreg s25  }
0x27: {  	[dreg:$0x3] =	wrdreg $0x9  }
0x28: {  	_ =	task.clear_ibuf [dreg:s6], $0x4FFFF;
	_ =	strace $0x90000067  }
0x29: {  	s29 =	simm.s32 $0x9;
	_ =	strace $0x80000069  }
0x2a: {  	_ =	swait.ge [sflag:s29], $0x1  }
0x2b: {  	[sflag:s29] =	ssyncadd.s32 $0xFFFFFFFF  }
0x2c: {  	_ =	strace $0x90000069  }
0x2d: {  	_ =	sfence  }
0x2e: {  	s30 =	sld [smem:$0x0];
	_ =	sdelay $0x2  }
0x2f: {  	s31 =	sshll.u32 s3, $0xD;
	s3 =	sshrl.u32 s3, $0x2  }
0x30: {  	s2 =	sand.u32 $0x4000, s31;
	s1 =	sadd.s32 s3, s30  }
0x31: {  	s0 =	sor.u32 s2, s0;
	s1 =	sshll.u32 s1, $0x11  }
0x32: {  	s0 =	sor.u32 s1, s0  }
0x33: {  	s0 =	sadd.s32 $0x8F2B, s0  }
0x34: {  	[sflag:s0] =	ssyncadd.remote.s32 $0x1  }
0x35: {  	_ =	sfence.sel $0xFFFF  }
0x36: {  	[dreg:$0x0] =	wrdreg $0xFFFFFFFF;
	(pc) =	sbr.abs _section_cstart, $3  }
0x37: {  	[dreg:$0x1] =	wrdreg $0xFFFFFFFF  }
0x38: {  	_ =	task.clear_ibuf [dreg:s6], $0x2FFFF;
	_ =	strace $0x9FFFFFFF  }
0x39: {  	(tm) =	ssettm $0x7FFFFFFF  }
tec
execute0_lowered:
.L_overlay_start_1:
0x0: {  	(tag) =	ssettag $0x1  }
0x1: {  	s0 =	srdreg.scid  }
0x2: {  	s1 =	sshll.u32 s0, $0x4  }
0x3: {  	s7 =	rddreg [dreg:$0x0];
	s0 =	stileid.u32;
	s1 =	sand.u32 $0x10, s1  }
0x4: {  	s31 =	simm.s32 $0x2;
	s14 =	simm.s32 $0x0;
	s8 =	sor.u32 s0, s1  }
0x5: {  	s13 =	simm.s32 $0x0;
	s12 =	simm.s32 $0x0;
	s2 =	sshll.u32 s8, $0x5  }
0x6: {  	s3 =	sadd.s32 $0x3C00, s7;
	s4 =	sshll.u32 s0, $0x7;
	s2 =	sand.u32 $0x380, s2  }
0x7: {  	s1 =	rddreg [dreg:$0x1];
	s4 =	sand.u32 $0x180, s4;
	s5 =	ssub.s32 $0x400, s2  }
0x8: {  	_ =	strace $0x80000068;
	s9 =	ssub.s32 $0x2700, s4;
	s6 =	sand.u32 $0x380, s5  }
0x9: {  	s9 =	sshrl.u32 s9, $0x9;
	p0 =	sne.s32 s6, $0x0;
	s6 =	simm.s32 $0x1  }
.Ltmp0:
0xa: {  	s10 =	sshrl.u32 s5, $0xA;
	s6 =	simm.s32 @!p0 $0x0;
	(pc) =	sbr.rel .LBB1_1-.Ltmp0, $4  }
0xb: {  	s9 =	sadd.s32 $0x1, s9;
	s5 =	simm.s32 $0x1;
	s6 =	sadd.s32 s6, s10  }
0xc: {  	s7 =	sadd.s32 $0x13C400, s7;
	[sflag:s5] =	ssyncpa.u1 $0x0;
	s6 =	smul.u32 s9, s6  }
0xd: {  	s8 =	sshll.u32 s8, $0x8;
	s11 =	smov.u32 s4;
	[sflag:s31] =	ssyncpa.u1 $0x0  }
0xe: {  	p0 =	por $0x0, $0x0;
	s10 =	simm.s32 $0x13C00;
	s9 =	sadd.s32 $0x1, s6  }
.LBB1_4:
0xf: {  	s14 =	sshrl.u32 s14, $0x3  }
0x10: {  	s20 =	sshll.u32 s13, $0x3;
	s14 =	smul.u32 $0x13C00, s14  }
0x11: {  	v5 =	vld [tilespmem:s18+$0xFFFFFFD0];
	[tilespmem:s17+$0x2040 ss:$0x81] =	vst.msk $0xffff, v4;
	s20 =	sand.u32 $0xFFFFFC00, s20  }
0x12: {  	v58 =	vld [tilespmem:s18+$0xFFFFFFE0];
	[tilespmem:s17+$0x2850 ss:$0x81] =	vst.msk $0xffff, v3;
	s30 =	sand.u32 $0x7F, s13;
	s14 =	sadd.s32 s20, s14  }
0x13: {  	s19 =	sshra.s32 s19, $0x2;
	v59 =	vld [tilespmem:s18+$0xFFFFFFF0];
	[tilespmem:s17+$0x3060 ss:$0x81] =	vst.msk $0xffff, v2;
	s13 =	sor.u32 s30, s14  }
0x14: {  	v60 =	vld [tilespmem:s18+$0x0];
	[tilespmem:s17+$0x0 ss:$0x81] =	vst.msk $0xffff, v0;
	s16 =	sadd.s32 s19, s16;
	s31 =	smulhi.u32 $0xCF6474A9, s13  }
0x15: {  	v61 =	vld [tilespmem:s18+$0x10];
	[tilespmem:s16+$0x3870 ss:$0x81] =	vst.msk $0xffff, v1  }
0x16: {  	v62 =	vld [tilespmem:s18+$0x20];
	s14 =	smulhi.u32 $0xCF6474A9, s14;
	[tilespmem:s16+$0x810 ss:$0x81] =	vst.msk $0xffff, v5;
	s17 =	sshrl.u32 s31, $0xD  }
0x17: {  	v63 =	vld [tilespmem:s18+$0xFFFFFFC0];
	[tilespmem:s16+$0x1020 ss:$0x81] =	vst.msk $0xffff, v58;
	s17 =	smul.u32 $0x2780, s17  }
0x18: {  	[tilespmem:s16+$0x1830 ss:$0x81] =	vst.msk $0xffff, v59;
	s14 =	sshrl.u32 s14, $0xD  }
0x19: {  	[tilespmem:s16+$0x2040 ss:$0x81] =	vst.msk $0xffff, v60;
	s14 =	sand.u32 $0x3FF, s14;
	s13 =	ssub.s32 s13, s17  }
0x1a: {  	[tilespmem:s16+$0x2850 ss:$0x81] =	vst.msk $0xffff, v61;
	s14 =	smul.u32 $0x4F0, s14;
	s17 =	sshrl.u32 s13, $0x3;
	s13 =	sand.u32 $0x7, s13  }
0x1b: {  	[tilespmem:s16+$0x3060 ss:$0x81] =	vst.msk $0xffff, v62;
	s17 =	sadd.s32 s7, s17;
	s13 =	sshll.u32 s13, $0x12  }
0x1c: {  	[tilespmem:s16+$0x0 ss:$0x81] =	vst.msk $0xffff, v63;
	s14 =	sadd.s32 s14, s17;
	s13 =	sor.u32 $0x400, s13  }
0x1d: {  	[hbm4b:s14+s13] =	stream.strided.scatter [tilespmem:s15], [sflag:$0x2], $0x4000, s10, s13, $0x20;
	[tilespmem:$0x10100] =	vst v63  }
.LBB1_5:
0x1e: {  	s15 =	sadd.s32 $0x200, s11  }
0x1f: {  	p2 =	sgt.s32 s15, $0x270F  }
0x20: {  	s15 =	smov.u32 @p2 s4;
	p2 =	sne.s32 s12, s9  }
.Ltmp1:
0x21: {  	p1 =	slt.u32 s12, $0x2;
	(pc) =	sbr.rel @!p2 .LBB1_6-.Ltmp1, $4  }
0x22: {  	s14 =	simm.s32 @!p1 $0x2  }
0x23: {  	s16 =	sadd.s32 $0x1, s12;
	s13 =	smov.u32 s11;
	_ =	swait.ge @!p1 [sflag:s14], $0x4000  }
0x24: {  	p0 =	por !p0, !p0;
	s12 =	smov.u32 s16;
	[sflag:s14] =	ssyncset.done @!p1 $0x0  }
0x25: {  	s11 =	smov.u32 s15;
	[sflag:s14] =	ssyncadd.s32 @!p1 $0xFFFFC000;
	s14 =	smov.u32 s2  }
.LBB1_1:
0x26: {  	p1 =	sge.u32 s12, s6  }
0x27: {  	s15 =	sshll.u32 @!p1 s11, $0xA  }
0x28: {  	s15 =	sand.u32 @!p1 $0xFFFFE000, s15  }
0x29: {  	s15 =	sor.u32 @!p1 s8, s15  }
0x2a: {  	s17 =	smov.u32 s11;
	p2 =	sgt.s32 @!p1 s11, $0x2690;
	s15 =	sshrl.u32 @!p1 s15, $0xA  }
0x2b: {  	s18 =	sshra.s32 @!p1 s11, $0x1F;
	p2 =	por !p2, p1;
	s16 =	smulhi.u32 @!p1 $0x1A36E3, s15  }
0x2c: {  	s31 =	sadd.s32 $0xFFFFFFFF, s12;
	s18 =	sand.u32 @!p1 s18, s11;
	s17 =	simm.s32 @p2 $0x2690  }
0x2d: {  	s19 =	sxor.u32 @!p1 $0xFFFFFFFF, s12;
	s17 =	ssub.s32 @!p1 s17, s18;
	s16 =	sshrl.u32 @!p1 s16, $0x2  }
0x2e: {  	s18 =	sshll.u32 @!p1 s19, $0xE;
	s17 =	sadd.s32 @!p1 $0xFFFFD970, s17;
	s16 =	smul.u32 @!p1 $0x2710, s16  }
0x2f: {  	s19 =	simm.s32 @!p1 $0x2000;
	s18 =	sand.u32 @!p1 $0x4000, s18;
	p2 =	sgt.s32 @!p1 s17, $0x7F  }
0x30: {  	s15 =	ssub.s32 @!p1 s15, s16;
	s16 =	sshll.u32 @!p1 s17, $0x7;
	s17 =	sshll.u32 @!p1 s11, $0x4  }
0x31: {  	p2 =	por !p2, p1;
	s16 =	ssub.s32 @!p1 $0x4000, s16;
	s17 =	sand.u32 @!p1 $0x70, s17  }
0x32: {  	s15 =	sshll.u32 @!p1 s15, $0x7;
	s16 =	sand.u32 @!p1 $0x3FFFFF80, s16;
	s17 =	sadd.s32 @!p1 s3, s17  }
0x33: {  	s16 =	simm.s32 @!p2 $0x0;
	s15 =	sadd.s32 @!p1 s15, s17;
	s17 =	simm.s32 @!p1 $0x400  }
0x34: {  	[tilespmem:s18], [sflag:$0x1] =	stream.strided.gather @!p1 [hbm4b:s15+s17], s16, s19, s17, $0x38;
	[tilespmem:$0x10100] =	vst v63  }
0x35: {  	p1 =	sge.u32 s31, s6  }
.Ltmp2:
0x36: {  	_ = 	snop;
	(pc) =	sbr.rel @p1 .LBB1_5-.Ltmp2, $1  }
0x37: {  	_ =	sdelay $0x3  }
0x38: {  	p1 =	sgt.s32 s13, $0x2690;
	s15 =	smov.u32 s13;
	s16 =	sshra.s32 s13, $0x1F  }
0x39: {  	s15 =	simm.s32 @!p1 $0x2690;
	s16 =	sand.u32 s16, s13  }
0x3a: {  	s15 =	ssub.s32 s15, s16  }
0x3b: {  	s15 =	sadd.s32 $0xFFFFD970, s15  }
0x3c: {  	s29 =	sshll.u32 s15, $0x7  }
0x3d: {  	s16 =	ssub.s32 $0x4000, s29  }
0x3e: {  	p1 =	sgt.s32 s15, $0x7F;
	s15 =	sand.u32 $0x3FFFFF80, s16  }
0x3f: {  	s16 =	simm.s32 $0x1;
	s15 =	simm.s32 @p1 $0x0  }
0x40: {  	s16 =	simm.s32 @!p0 $0x0;
	_ =	swait.ge [sflag:s5], s15  }
0x41: {  	s17 =	sshll.u32 s16, $0xE;
	s15 =	ssub.s32 $0x0, s15;
	[sflag:s5] =	ssyncset.done $0x0  }
0x42: {  	s18 =	sor.u32 $0x40, s17;
	[sflag:s5] =	ssyncadd.s32 s15  }
0x43: {  	s30 =	smul.u32 $0x10200, s16;
	v0 =	vld [tilespmem:s18+$0x30]  }
0x44: {  	v1 =	vld [tilespmem:s18+$0xFFFFFFD0]  }
0x45: {  	s15 =	sshrl.u32 s30, $0x2;
	v5 =	vld [tilespmem:s18+$0xFFFFFFE0]  }
0x46: {  	s16 =	sor.u32 $0x8000, s15;
	v6 =	vld [tilespmem:s18+$0xFFFFFFF0]  }
0x47: {  	s31 =	sand.u32 $0x1, s12;
	v4 =	vld [tilespmem:s18+$0x0];
	s17 =	sadd.s32 $0x0, s16  }
0x48: {  	s15 =	smul.u32 $0x10200, s31;
	v3 =	vld [tilespmem:s18+$0x10];
	[tilespmem:s17+$0x3870 ss:$0x81] =	vst.msk $0xffff, v0  }
0x49: {  	v2 =	vld [tilespmem:s18+$0x20];
	[tilespmem:s17+$0x810 ss:$0x81] =	vst.msk $0xffff, v1  }
0x4a: {  	s15 =	sshrl.u32 s15, $0x2;
	v0 =	vld [tilespmem:s18+$0xFFFFFFC0];
	[tilespmem:s17+$0x1020 ss:$0x81] =	vst.msk $0xffff, v5;
	s18 =	sadd.s32 $0x80, s18  }
0x4b: {  	s19 =	simm.s32 $0x4;
	s20 =	simm.s32 $0x8;
	s15 =	sor.u32 $0x8000, s15;
	[tilespmem:s17+$0x1830 ss:$0x81] =	vst.msk $0xffff, v6;
	v1 =	vld [tilespmem:s18+$0x30]  }
.LBB1_3:
0x4c: {  	p1 =	sne.s32 s20, $0x1FC;
	v5 =	vld [tilespmem:s18+$0xFFFFFFD0];
	[tilespmem:s17+$0x2040 ss:$0x81] =	vst.msk $0xffff, v4  }
0x4d: {  	v6 =	vld [tilespmem:s18+$0xFFFFFFE0];
	[tilespmem:s17+$0x2850 ss:$0x81] =	vst.msk $0xffff, v3  }
0x4e: {  	s21 =	sshra.s32 s19, $0x2;
	s19 =	smov.u32 s20;
	v7 =	vld [tilespmem:s18+$0xFFFFFFF0];
	[tilespmem:s17+$0x3060 ss:$0x81] =	vst.msk $0xffff, v2  }
.Ltmp3:
0x4f: {  	v4 =	vld [tilespmem:s18+$0x0];
	[tilespmem:s17+$0x0 ss:$0x81] =	vst.msk $0xffff, v0;
	s17 =	sadd.s32 s21, s16;
	(pc) =	sbr.rel @p1 .LBB1_3-.Ltmp3, $4  }
0x50: {  	v3 =	vld [tilespmem:s18+$0x10];
	[tilespmem:s17+$0x3870 ss:$0x81] =	vst.msk $0xffff, v1  }
0x51: {  	[tilespmem:s17+$0x810 ss:$0x81] =	vst.msk $0xffff, v5;
	v2 =	vld [tilespmem:s18+$0x20]  }
0x52: {  	v0 =	vld [tilespmem:s18+$0xFFFFFFC0];
	[tilespmem:s17+$0x1020 ss:$0x81] =	vst.msk $0xffff, v6;
	s18 =	sadd.s32 $0x80, s18  }
0x53: {  	s20 =	sadd.s32 $0x4, s20;
	v1 =	vld [tilespmem:s18+$0x30];
	[tilespmem:s17+$0x1830 ss:$0x81] =	vst.msk $0xffff, v7  }
.Ltmp4:
0x54: {  	_ = 	snop;
	(pc) =	sbr.rel .LBB1_4-.Ltmp4, $1  }
0x55: {  	_ =	sdelay $0x3  }
.LBB1_6:
0x56: {  	_ =	sfence.sel $0x180000  }
0x57: {  	s2 =	simm.s32 $0x1;
	[bflag:$0x0] =	sbarrier.arrive $0xFFFF  }
0x58: {  	s31 =	simm.s32 $0x2;
	[sflag:s2] =	ssyncpa.u1 $0x1  }
0x59: {  	[sflag:s31] =	ssyncpa.u1 $0x1  }
0x5a: {  	p0 =	sne.s32 s0, $0x0;
	_ =	strace $0x90000068  }
0x5b: {  	s0 =	sadd.s32 @!p0 $0x100000, s1;
	[bflag:$0x2] =	sbarrier.arrive $0xFFFF  }
0x5c: {  	[sflag:s0] =	ssyncadd.tile.s32 @!p0 $0x1;
	_ =	shalt  }
.Lfunc_end1:
_tile_overlayer_lowered:
.L_overlay_start_2:
0x5d: {  	(tag) =	ssettag $0x2  }
0x5e: {  	s0 =	rddreg [dreg:$0x0];
	s2 =	stileid.u32  }
0x5f: {  	s1 =	rddreg [dreg:$0x1];
	p0 =	sne.s32 s2, $0x0  }
0x60: {  	s3 =	rddreg [dreg:$0x2];
	[bflag:$0x3] =	sbarrier.arrive $0xFFFF;
	s2 =	simm.s32 @!p0 $0x1C01  }
0x61: {  	[timem:s3], [sflag:s2] =	dma.local @!p0 [hbm:s0], s1  }
0x62: {  	s0 =	simm.s32 @!p0 $0x1  }
0x63: {  	_ =	swait.ge @!p0 [sflag:s0], s1  }
0x64: {  	s1 =	ssub.s32 @!p0 $0x0, s1;
	[sflag:s0] =	ssyncset.done @!p0 $0x0  }
0x65: {  	[sflag:s0] =	ssyncadd.s32 @!p0 s1  }
0x66: {  	[bflag:$0x3] =	sbarrier.arrive $0xFFFF  }
0x67: {  	_ =	shalt  }

// kernel: sparse-core-data-format-call.3.cloned.1.call-start
scs
called_computation.6_lowered:
.L_overlay_start_0:
0x0: {  	s1 =	sld [smem:$0x3FD9]  }
0x1: {  	s2 =	sld [smem:$0x3FFE];
	_ =	sdelay $0x1  }
0x2: {  	s3 =	srdreg.scid  }
0x3: {  	s0 =	sand.u32 $0x1, s3  }
0x4: {  	s17 =	sshll.u32 s0, $0xA;
	s1 =	sadd.s32 s2, s1  }
0x5: {  	s1 =	sadd.s32 s1, s17  }
0x6: {  	[smem:$0x3FAD] =	sst s1  }
0x7: {  	_ = 	snop  }
0x8: {  	(tm) =	ssettm $0x1  }
0x9: {  	s18 =	sld [smem:$0x3FFB];
	_ =	sdelay $0x3  }
0xa: {  	_ =	strace s18  }
0xb: {  	s1 =	sld [smem:$0x3FFC];
	_ =	sdelay $0x3  }
0xc: {  	_ =	strace s1  }
0xd: {  	s1 =	sld [smem:$0x3FFD];
	_ =	sdelay $0x3  }
0xe: {  	_ =	strace s1  }
0xf: {  	_ =	strace $0x8FFFFFFF  }
0x10: {  	s19 =	sld [smem:$0x3FDB];
	_ =	sdelay $0x1  }
0x11: {  	s20 =	simm.s32 $_scs_section_size  }
0x12: {  	s4 =	simm.s32 $_size__tile_overlayer_lowered;
	s5 =	simm.s32 $_tile_overlayer_lowered  }
0x13: {  	s23 =	simm.s32 $0x1BFF;
	s22 =	sshll.u32 s5, $0x1;
	s1 =	sadd.s32 s20, s19  }
0x14: {  	s6 =	simm.s32 $0x0;
	s21 =	sshll.u32 s4, $0x1;
	s4 =	sadd.s32 s22, s1  }
0x15: {  	[timem:s6], [sflag:s23] =	dma.local [hbm:s4], s21  }
0x16: {  	_ =	swait.ge [sflag:s23], s21  }
0x17: {  	s2 =	ssub.s32 $0x0, s21;
	[sflag:s23] =	ssyncset.done $0x0  }
0x18: {  	[sflag:s23] =	ssyncadd.s32 s2;
	_ =	sdelay $0x1  }
0x19: {  	s24 =	simm.s32 $0x1B8B  }
0x1a: {  	_ =	swait.ge [sflag:s24], $0x1  }
0x1b: {  	[sflag:s24] =	ssyncset.done $0x0  }
0x1c: {  	s26 =	simm.s32 $0x1B8E;
	s25 =	sld [smem:$0x3FFE];
	[sflag:s24] =	ssyncadd.s32 $0xFFFFFFFF  }
0x1d: {  	s27 =	simm.s32 $execute0_lowered;
	[smem:$0x3FD2] =	sst s26  }
0x1e: {  	s4 =	sshll.u32 s27, $0x1;
	_ =	strace $0x80000064;
	[dreg:$0x1] =	wrdreg $0xFFFFFFFF  }
0x1f: {  	s28 =	simm.s32 $_size_execute0_lowered;
	s1 =	sadd.s32 s1, s4;
	[dreg:$0x0] =	wrdreg $0x0  }
0x20: {  	s4 =	sshll.u32 s28, $0x1;
	[dreg:$0x2] =	wrdreg s1  }
0x21: {  	[dreg:$0x3] =	wrdreg s4  }
0x22: {  	[dreg:$0x4] =	wrdreg $0xC0  }
0x23: {  	_ =	task [dreg:s6], $0x5FFFF  }
0x24: {  	[dreg:$0x1] =	wrdreg $0xFFFFFFFF  }
0x25: {  	[dreg:$0x0] =	wrdreg $0x60  }
0x26: {  	[dreg:$0x2] =	wrdreg s25  }
0x27: {  	[dreg:$0x3] =	wrdreg $0x9  }
0x28: {  	_ =	task.clear_ibuf [dreg:s6], $0x4FFFF;
	_ =	strace $0x90000064  }
0x29: {  	s29 =	simm.s32 $0x9;
	_ =	strace $0x80000066  }
0x2a: {  	_ =	swait.ge [sflag:s29], $0x1  }
0x2b: {  	[sflag:s29] =	ssyncadd.s32 $0xFFFFFFFF  }
0x2c: {  	_ =	strace $0x90000066  }
0x2d: {  	_ =	sfence  }
0x2e: {  	s30 =	sld [smem:$0x0];
	_ =	sdelay $0x2  }
0x2f: {  	s31 =	sshll.u32 s3, $0xD;
	s3 =	sshrl.u32 s3, $0x2  }
0x30: {  	s2 =	sand.u32 $0x4000, s31;
	s1 =	sadd.s32 s3, s30  }
0x31: {  	s0 =	sor.u32 s2, s0;
	s1 =	sshll.u32 s1, $0x11  }
0x32: {  	s0 =	sor.u32 s1, s0  }
0x33: {  	s0 =	sadd.s32 $0x8F2B, s0  }
0x34: {  	[sflag:s0] =	ssyncadd.remote.s32 $0x1  }
0x35: {  	_ =	sfence.sel $0xFFFF  }
0x36: {  	[dreg:$0x0] =	wrdreg $0xFFFFFFFF;
	(pc) =	sbr.abs _section_cstart, $3  }
0x37: {  	[dreg:$0x1] =	wrdreg $0xFFFFFFFF  }
0x38: {  	_ =	task.clear_ibuf [dreg:s6], $0x2FFFF;
	_ =	strace $0x9FFFFFFF  }
0x39: {  	(tm) =	ssettm $0x7FFFFFFF  }
tec
execute0_lowered:
.L_overlay_start_1:
0x0: {  	(tag) =	ssettag $0x1  }
0x1: {  	s0 =	srdreg.scid  }
0x2: {  	s1 =	sshll.u32 s0, $0x4  }
0x3: {  	s4 =	rddreg [dreg:$0x0];
	s0 =	stileid.u32;
	s1 =	sand.u32 $0x10, s1  }
0x4: {  	s7 =	simm.s32 $0x1;
	s8 =	simm.s32 $0x2;
	s1 =	sor.u32 s0, s1  }
0x5: {  	s9 =	simm.s32 $0x0;
	s12 =	simm.s32 $0x0;
	s2 =	sshll.u32 s1, $0x1  }
0x6: {  	s11 =	simm.s32 $0x0;
	s3 =	sadd.s32 $0x7D7000, s4;
	s6 =	ssub.s32 $0x4E20, s2  }
.Ltmp0:
0x7: {  	s4 =	sadd.s32 $0x463FA00, s4;
	s5 =	sand.u32 $0x3E, s6;
	(pc) =	sbr.rel .LBB1_1-.Ltmp0, $4  }
0x8: {  	s1 =	rddreg [dreg:$0x1];
	_ =	strace $0x80000065;
	p0 =	sne.s32 s5, $0x0  }
0x9: {  	s6 =	sshrl.u32 s6, $0x6;
	s5 =	simm.s32 $0x1;
	s7 =	simm.s32 @!p0 $0x0  }
0xa: {  	s10 =	smov.u32 s2;
	[sflag:s5] =	ssyncpa.u1 $0x0;
	s6 =	sadd.s32 s7, s6  }
0xb: {  	[sflag:s8] =	ssyncpa.u1 $0x0;
	s8 =	simm.s32 $0x0;
	s7 =	sadd.s32 $0x1, s6  }
.LBB1_9:
0xc: {  	s14 =	sadd.s32 $0x40, s10  }
0xd: {  	p1 =	sgt.s32 s14, $0x4E1F  }
0xe: {  	s14 =	smov.u32 @p1 s2;
	p1 =	sne.s32 s11, s7  }
.Ltmp1:
0xf: {  	p0 =	slt.u32 s11, $0x2;
	(pc) =	sbr.rel @!p1 .LBB1_10-.Ltmp1, $4  }
0x10: {  	s13 =	simm.s32 @!p0 $0x2  }
0x11: {  	s15 =	sadd.s32 $0x1, s11;
	_ =	swait.ge @!p0 [sflag:s13], $0x4000  }
0x12: {  	s12 =	smov.u32 s10;
	s9 =	sadd.s32 $0x4000, s9;
	[sflag:s13] =	ssyncset.done @!p0 $0x0  }
0x13: {  	s11 =	smov.u32 s15;
	s10 =	smov.u32 s14;
	[sflag:s13] =	ssyncadd.s32 @!p0 $0xFFFFC000  }
.LBB1_1:
0x14: {  	p0 =	sge.u32 s11, s6  }
0x15: {  	s13 =	sxor.u32 @!p0 $0xFFFFFFFF, s11  }
0x16: {  	s31 =	sadd.s32 $0xFFFFFFFF, s11;
	s14 =	sshll.u32 @!p0 s10, $0xA;
	s13 =	sshll.u32 @!p0 s13, $0xE  }
0x17: {  	s15 =	simm.s32 @!p0 $0x0;
	s14 =	sadd.s32 @!p0 s3, s14;
	s13 =	sand.u32 @!p0 $0x4000, s13  }
0x18: {  	[tilespmem:s13], [sflag:$0x1] =	stream.linear.gather @!p0 [hbm4b:s14+s15], $0x4000, $0x38;
	[tilespmem:$0x10000] =	vst v63  }
0x19: {  	p0 =	sge.u32 s31, s6  }
.Ltmp2:
0x1a: {  	_ = 	snop;
	(pc) =	sbr.rel @p0 .LBB1_9-.Ltmp2, $1  }
0x1b: {  	_ =	sdelay $0x3  }
0x1c: {  	s13 =	sshll.u32 s9, $0x2  }
0x1d: {  	_ =	swait.ge [sflag:s5], $0x4000;
	s14 =	sshll.u32 s11, $0xE;
	s18 =	simm.s32 $0x0  }
0x1e: {  	p1 =	por $0x1, $0x1;
	s13 =	sand.u32 $0x10000, s13;
	[sflag:s5] =	ssyncset.done $0x0  }
0x1f: {  	s15 =	sand.u32 $0x4000, s14;
	s13 =	sshrl.u32 s13, $0x2;
	[sflag:s5] =	ssyncadd.s32 $0xFFFFC000  }
0x20: {  	s14 =	sor.u32 $0x8000, s15;
	s16 =	sor.u32 $0x8000, s13;
	s17 =	sadd.s32 $0x8400, s13  }
.LBB1_3:
0x21: {  	s19 =	sshll.u32 s18, $0x2  }
0x22: {  	s19 =	sshrl.u32 s19, $0x2  }
0x23: {  	v0 =	vmov s19;
	_ =	sdelay $0x2  }
0x24: {  	p0 =	por p1, p1;
	p1 =	por $0x0, $0x0;
	s20 =	simm.s32 $0x0  }
0x25: {  	s21 =	smov.u32 s13;
	s22 =	simm.s32 $0x0;
	s19 =	smov.u32 s16  }
.LBB1_4:
0x26: {  	_ =	sdelay $0x3  }
0x27: {  	v2 =	vld.idx.msk [tilespmem:v0+s21+$0x10 ss:$0x1], $0xffff  }
0x28: {  	v3 =	vld.idx.msk [tilespmem:v0+s21+$0x270 ss:$0x1], $0xffff  }
0x29: {  	s23 =	sshll.u32 s22, $0xA;
	v5 =	vld.idx.msk [tilespmem:v0+s21+$0x20 ss:$0x1], $0xffff  }
0x2a: {  	v8 =	vld.idx.msk [tilespmem:v0+s21+$0x30 ss:$0x1], $0xffff;
	s23 =	sadd.s32 s18, s23  }
0x2b: {  	v9 =	vld.idx.msk [tilespmem:v0+s21+$0x40 ss:$0x1], $0xffff;
	v1 =	vmov s23  }
0x2c: {  	s30 =	simm.s32 $0x0;
	v10 =	vld.idx.msk [tilespmem:v0+s21+$0x50 ss:$0x1], $0xffff  }
0x2d: {  	v11 =	vld.idx.msk [tilespmem:v0+s21+$0x60 ss:$0x1], $0xffff;
	s24 =	sand.u32 $0x100, s30  }
0x2e: {  	v12 =	vld.idx.msk [tilespmem:v0+s21+$0x70 ss:$0x1], $0xffff;
	s23 =	sand.u32 $0x80, s30;
	s24 =	sadd.s32 s24, s15;
	[tilespmem:v0+s19+$0x470 ss:$0x1] =	vst.idx.msk $0xffff, v3  }
0x2f: {  	v7 =	vld.idx.msk [tilespmem:v0+s21+$0x210 ss:$0x1], $0xffff;
	s23 =	sadd.s32 s23, s24;
	s24 =	simm.s32 $0x1;
	[tilespmem:v0+s19+$0x10 ss:$0x1] =	vst.idx.msk $0xffff, v2  }
0x30: {  	s31 =	sshll.u32 s20, $0x2;
	s24 =	simm.s32 @!p1 $0x0;
	[tilespmem:v0+s19+$0x20 ss:$0x1] =	vst.idx.msk $0xffff, v5;
	v4 =	vld.idx.msk [tilespmem:v1+s23+$0x200 ss:$0x1], $0xffff  }
0x31: {  	v6 =	vld.idx.msk [tilespmem:v0+s21+$0x220 ss:$0x1], $0xffff;
	s24 =	sshll.u32 s24, $0x9;
	[tilespmem:v0+s19+$0x30 ss:$0x1] =	vst.idx.msk $0xffff, v8;
	s23 =	sand.u32 $0xFFFFFC00, s31  }
0x32: {  	v3 =	vld.idx.msk [tilespmem:v0+s21+$0x230 ss:$0x1], $0xffff;
	[tilespmem:v0+s19+$0x40 ss:$0x1] =	vst.idx.msk $0xffff, v9;
	s23 =	sor.u32 s24, s23  }
0x33: {  	[tilespmem:v0+s19+$0x50 ss:$0x1] =	vst.idx.msk $0xffff, v10;
	v5 =	vld.idx.msk [tilespmem:v0+s21+$0x250 ss:$0x1], $0xffff;
	s23 =	sshrl.u32 s23, $0x2  }
0x34: {  	[tilespmem:v0+s19+$0x60 ss:$0x1] =	vst.idx.msk $0xffff, v11;
	v2 =	vld.idx.msk [tilespmem:v0+s21+$0x260 ss:$0x1], $0xffff;
	s23 =	sadd.s32 s23, s17  }
0x35: {  	s27 =	simm.s32 $0x80;
	s26 =	simm.s32 $0x100;
	[tilespmem:v0+s23+$0x0 ss:$0x1] =	vst.idx.msk $0xffff, v4;
	v4 =	vld.idx.msk [tilespmem:v0+s21+$0x240 ss:$0x1], $0xffff  }
0x36: {  	s25 =	smov.u32 s19;
	s28 =	sand.u32 $0x100, s27;
	v8 =	vld.idx.msk [tilespmem:v0+s21+$0x0 ss:$0x1], $0xffff;
	[tilespmem:v0+s19+$0x70 ss:$0x1] =	vst.idx.msk $0xffff, v12;
	s24 =	sadd.s32 $0x80, s21  }
.LBB1_5:
0x37: {  	p2 =	sne.s32 s26, $0x180;
	v9 =	vld.idx.msk [tilespmem:v0+s24+$0x10 ss:$0x1], $0xffff;
	s27 =	sand.u32 $0x80, s27;
	s28 =	sadd.s32 s28, s15;
	[tilespmem:v0+s25+$0x410 ss:$0x1] =	vst.idx.msk $0xffff, v7  }
0x38: {  	s28 =	sadd.s32 s27, s28;
	v7 =	vld.idx.msk [tilespmem:v0+s24+$0x270 ss:$0x1], $0xffff;
	[tilespmem:v0+s25+$0x420 ss:$0x1] =	vst.idx.msk $0xffff, v6;
	s27 =	smov.u32 s26  }
0x39: {  	v6 =	vld.idx.msk [tilespmem:v1+s28+$0x200 ss:$0x1], $0xffff;
	[tilespmem:v0+s25+$0x430 ss:$0x1] =	vst.idx.msk $0xffff, v3  }
0x3a: {  	v3 =	vld.idx.msk [tilespmem:v0+s24+$0x20 ss:$0x1], $0xffff;
	[tilespmem:v0+s25+$0x440 ss:$0x1] =	vst.idx.msk $0xffff, v4  }
0x3b: {  	v4 =	vld.idx.msk [tilespmem:v0+s24+$0x30 ss:$0x1], $0xffff;
	[tilespmem:v0+s25+$0x450 ss:$0x1] =	vst.idx.msk $0xffff, v5  }
0x3c: {  	v5 =	vld.idx.msk [tilespmem:v0+s24+$0x40 ss:$0x1], $0xffff;
	[tilespmem:v0+s25+$0x0 ss:$0x1] =	vst.idx.msk $0xffff, v8  }
0x3d: {  	v8 =	vld.idx.msk [tilespmem:v0+s24+$0x50 ss:$0x1], $0xffff;
	[tilespmem:v0+s25+$0x460 ss:$0x1] =	vst.idx.msk $0xffff, v2;
	s25 =	sadd.s32 $0x800, s25  }
0x3e: {  	s23 =	sadd.s32 $0x800, s23;
	v2 =	vld.idx.msk [tilespmem:v0+s24+$0x60 ss:$0x1], $0xffff;
	[tilespmem:v0+s25+$0x470 ss:$0x1] =	vst.idx.msk $0xffff, v7  }
0x3f: {  	v10 =	vld.idx.msk [tilespmem:v0+s24+$0x70 ss:$0x1], $0xffff;
	[tilespmem:v0+s23+$0x0 ss:$0x1] =	vst.idx.msk $0xffff, v6  }
0x40: {  	[tilespmem:v0+s25+$0x10 ss:$0x1] =	vst.idx.msk $0xffff, v9;
	v7 =	vld.idx.msk [tilespmem:v0+s24+$0x210 ss:$0x1], $0xffff  }
0x41: {  	[tilespmem:v0+s25+$0x20 ss:$0x1] =	vst.idx.msk $0xffff, v3;
	v6 =	vld.idx.msk [tilespmem:v0+s24+$0x220 ss:$0x1], $0xffff  }
.Ltmp3:
0x42: {  	[tilespmem:v0+s25+$0x30 ss:$0x1] =	vst.idx.msk $0xffff, v4;
	v3 =	vld.idx.msk [tilespmem:v0+s24+$0x230 ss:$0x1], $0xffff;
	(pc) =	sbr.rel @p2 .LBB1_5-.Ltmp3, $4  }
0x43: {  	[tilespmem:v0+s25+$0x40 ss:$0x1] =	vst.idx.msk $0xffff, v5;
	v4 =	vld.idx.msk [tilespmem:v0+s24+$0x240 ss:$0x1], $0xffff  }
0x44: {  	[tilespmem:v0+s25+$0x50 ss:$0x1] =	vst.idx.msk $0xffff, v8;
	v5 =	vld.idx.msk [tilespmem:v0+s24+$0x250 ss:$0x1], $0xffff  }
0x45: {  	[tilespmem:v0+s25+$0x60 ss:$0x1] =	vst.idx.msk $0xffff, v2;
	v2 =	vld.idx.msk [tilespmem:v0+s24+$0x260 ss:$0x1], $0xffff  }
0x46: {  	s26 =	sadd.s32 $0x80, s26;
	s28 =	sand.u32 $0x100, s27;
	v8 =	vld.idx.msk [tilespmem:v0+s24+$0x0 ss:$0x1], $0xffff;
	[tilespmem:v0+s25+$0x70 ss:$0x1] =	vst.idx.msk $0xffff, v10;
	s24 =	sadd.s32 $0x80, s24  }
0x47: {  	_ =	sdelay $0x3  }
0x48: {  	[tilespmem:v0+s25+$0x410 ss:$0x1] =	vst.idx.msk $0xffff, v7  }
0x49: {  	[tilespmem:v0+s25+$0x420 ss:$0x1] =	vst.idx.msk $0xffff, v6  }
0x4a: {  	v56 =	vld.idx.msk [tilespmem:v0+s24+$0x270 ss:$0x1], $0xffff;
	[tilespmem:v0+s25+$0x430 ss:$0x1] =	vst.idx.msk $0xffff, v3  }
0x4b: {  	v3 =	vld.idx.msk [tilespmem:v0+s24+$0x10 ss:$0x1], $0xffff;
	[tilespmem:v0+s25+$0x440 ss:$0x1] =	vst.idx.msk $0xffff, v4  }
0x4c: {  	v57 =	vld.idx.msk [tilespmem:v0+s24+$0x20 ss:$0x1], $0xffff;
	[tilespmem:v0+s25+$0x450 ss:$0x1] =	vst.idx.msk $0xffff, v5  }
0x4d: {  	s26 =	sand.u32 $0x80, s27;
	s30 =	sadd.s32 s28, s15;
	v58 =	vld.idx.msk [tilespmem:v0+s24+$0x30 ss:$0x1], $0xffff;
	[tilespmem:v0+s25+$0x460 ss:$0x1] =	vst.idx.msk $0xffff, v2  }
0x4e: {  	s31 =	sadd.s32 $0x800, s25;
	v59 =	vld.idx.msk [tilespmem:v0+s24+$0x50 ss:$0x1], $0xffff;
	s26 =	sadd.s32 s26, s30;
	[tilespmem:v0+s25+$0x0 ss:$0x1] =	vst.idx.msk $0xffff, v8  }
0x4f: {  	v1 =	vld.idx.msk [tilespmem:v1+s26+$0x200 ss:$0x1], $0xffff;
	[tilespmem:v0+s31+$0x470 ss:$0x1] =	vst.idx.msk $0xffff, v56  }
0x50: {  	v60 =	vld.idx.msk [tilespmem:v0+s24+$0x210 ss:$0x1], $0xffff;
	[tilespmem:v0+s31+$0x10 ss:$0x1] =	vst.idx.msk $0xffff, v3  }
0x51: {  	v61 =	vld.idx.msk [tilespmem:v0+s24+$0x220 ss:$0x1], $0xffff;
	[tilespmem:v0+s31+$0x20 ss:$0x1] =	vst.idx.msk $0xffff, v57  }
0x52: {  	v2 =	vld.idx.msk [tilespmem:v0+s24+$0x40 ss:$0x1], $0xffff;
	[tilespmem:v0+s31+$0x30 ss:$0x1] =	vst.idx.msk $0xffff, v58  }
0x53: {  	s23 =	sadd.s32 $0x800, s23;
	v3 =	vld.idx.msk [tilespmem:v0+s24+$0x70 ss:$0x1], $0xffff;
	[tilespmem:v0+s31+$0x50 ss:$0x1] =	vst.idx.msk $0xffff, v59  }
0x54: {  	[tilespmem:v0+s23+$0x0 ss:$0x1] =	vst.idx.msk $0xffff, v1;
	v1 =	vld.idx.msk [tilespmem:v0+s24+$0x60 ss:$0x1], $0xffff  }
0x55: {  	v62 =	vld.idx.msk [tilespmem:v0+s24+$0x240 ss:$0x1], $0xffff;
	[tilespmem:v0+s31+$0x410 ss:$0x1] =	vst.idx.msk $0xffff, v60  }
0x56: {  	v63 =	vld.idx.msk [tilespmem:v0+s24+$0x260 ss:$0x1], $0xffff;
	[tilespmem:v0+s31+$0x420 ss:$0x1] =	vst.idx.msk $0xffff, v61  }
0x57: {  	[tilespmem:v0+s31+$0x40 ss:$0x1] =	vst.idx.msk $0xffff, v2;
	v2 =	vld.idx.msk [tilespmem:v0+s24+$0x230 ss:$0x1], $0xffff  }
0x58: {  	s22 =	sadd.s32 $0x1, s22;
	[tilespmem:v0+s31+$0x70 ss:$0x1] =	vst.idx.msk $0xffff, v3;
	v3 =	vld.idx.msk [tilespmem:v0+s24+$0x0 ss:$0x1], $0xffff  }
0x59: {  	p2 =	sne.s32 s22, $0x8;
	[tilespmem:v0+s31+$0x60 ss:$0x1] =	vst.idx.msk $0xffff, v1;
	v1 =	vld.idx.msk [tilespmem:v0+s24+$0x250 ss:$0x1], $0xffff  }
.Ltmp4:
0x5a: {  	[tilespmem:v0+s31+$0x440 ss:$0x1] =	vst.idx.msk $0xffff, v62;
	(pc) =	sbr.rel @p2 .LBB1_4-.Ltmp4, $4  }
0x5b: {  	[tilespmem:v0+s31+$0x460 ss:$0x1] =	vst.idx.msk $0xffff, v63  }
0x5c: {  	[tilespmem:v0+s31+$0x430 ss:$0x1] =	vst.idx.msk $0xffff, v2  }
0x5d: {  	s21 =	sadd.s32 $0x400, s21;
	[tilespmem:v0+s31+$0x0 ss:$0x1] =	vst.idx.msk $0xffff, v3  }
0x5e: {  	s20 =	sadd.s32 $0x80, s20;
	p1 =	por !p1, !p1;
	s19 =	sadd.s32 $0x80, s19;
	[tilespmem:v0+s31+$0x450 ss:$0x1] =	vst.idx.msk $0xffff, v1  }
.Ltmp5:
0x5f: {  	(pc) =	sbr.rel @p0 .LBB1_3-.Ltmp5, $2  }
0x60: {  	_ =	sdelay $0x2  }
0x61: {  	s18 =	simm.s32 $0x2000;
	p1 =	por $0x0, $0x0  }
.Ltmp6:
0x62: {  	(pc) =	sbr.rel .LBB1_9-.Ltmp6, $4  }
0x63: {  	_ = 	snop  }
0x64: {  	s12 =	sshll.u32 s12, $0xA  }
0x65: {  	s12 =	sadd.s32 s4, s12  }
0x66: {  	[hbm4b:s12+s8] =	stream.linear.scatter [tilespmem:s14], [sflag:$0x2], $0x4000, $0x38;
	[tilespmem:$0x10000] =	vst v63  }
.LBB1_10:
0x67: {  	_ =	sfence.sel $0x180000  }
0x68: {  	s2 =	simm.s32 $0x1;
	[bflag:$0x0] =	sbarrier.arrive $0xFFFF  }
0x69: {  	s31 =	simm.s32 $0x2;
	[sflag:s2] =	ssyncpa.u1 $0x1  }
0x6a: {  	[sflag:s31] =	ssyncpa.u1 $0x1  }
0x6b: {  	p0 =	sne.s32 s0, $0x0;
	_ =	strace $0x90000065  }
0x6c: {  	s0 =	sadd.s32 @!p0 $0x100000, s1;
	[bflag:$0x2] =	sbarrier.arrive $0xFFFF  }
0x6d: {  	[sflag:s0] =	ssyncadd.tile.s32 @!p0 $0x1;
	_ =	shalt  }
.Lfunc_end1:
_tile_overlayer_lowered:
.L_overlay_start_2:
0x6e: {  	(tag) =	ssettag $0x2  }
0x6f: {  	s0 =	rddreg [dreg:$0x0];
	s2 =	stileid.u32  }
0x70: {  	s1 =	rddreg [dreg:$0x1];
	p0 =	sne.s32 s2, $0x0  }
0x71: {  	s3 =	rddreg [dreg:$0x2];
	[bflag:$0x3] =	sbarrier.arrive $0xFFFF;
	s2 =	simm.s32 @!p0 $0x1C01  }
0x72: {  	[timem:s3], [sflag:s2] =	dma.local @!p0 [hbm:s0], s1  }
0x73: {  	s0 =	simm.s32 @!p0 $0x1  }
0x74: {  	_ =	swait.ge @!p0 [sflag:s0], s1  }
0x75: {  	s1 =	ssub.s32 @!p0 $0x0, s1;
	[sflag:s0] =	ssyncset.done @!p0 $0x0  }
0x76: {  	[sflag:s0] =	ssyncadd.s32 @!p0 s1  }
0x77: {  	[bflag:$0x3] =	sbarrier.arrive $0xFFFF  }
0x78: {  	_ =	shalt  }

// kernel: sparse-core-data-format-call.4.cloned.1.call-start
scs
called_computation.7_lowered:
.L_overlay_start_0:
0x0: {  	s1 =	sld [smem:$0x3FD9]  }
0x1: {  	s2 =	sld [smem:$0x3FFE];
	_ =	sdelay $0x1  }
0x2: {  	s3 =	srdreg.scid  }
0x3: {  	s0 =	sand.u32 $0x1, s3  }
0x4: {  	s17 =	sshll.u32 s0, $0xA;
	s1 =	sadd.s32 s2, s1  }
0x5: {  	s1 =	sadd.s32 s1, s17  }
0x6: {  	[smem:$0x3FAD] =	sst s1  }
0x7: {  	_ = 	snop  }
0x8: {  	(tm) =	ssettm $0x1  }
0x9: {  	s18 =	sld [smem:$0x3FFB];
	_ =	sdelay $0x3  }
0xa: {  	_ =	strace s18  }
0xb: {  	s1 =	sld [smem:$0x3FFC];
	_ =	sdelay $0x3  }
0xc: {  	_ =	strace s1  }
0xd: {  	s1 =	sld [smem:$0x3FFD];
	_ =	sdelay $0x3  }
0xe: {  	_ =	strace s1  }
0xf: {  	_ =	strace $0x8FFFFFFF  }
0x10: {  	s19 =	sld [smem:$0x3FDB];
	_ =	sdelay $0x1  }
0x11: {  	s20 =	simm.s32 $_scs_section_size  }
0x12: {  	s4 =	simm.s32 $_size__tile_overlayer_lowered;
	s5 =	simm.s32 $_tile_overlayer_lowered  }
0x13: {  	s23 =	simm.s32 $0x1BFF;
	s22 =	sshll.u32 s5, $0x1;
	s1 =	sadd.s32 s20, s19  }
0x14: {  	s6 =	simm.s32 $0x0;
	s21 =	sshll.u32 s4, $0x1;
	s4 =	sadd.s32 s22, s1  }
0x15: {  	[timem:s6], [sflag:s23] =	dma.local [hbm:s4], s21  }
0x16: {  	_ =	swait.ge [sflag:s23], s21  }
0x17: {  	s2 =	ssub.s32 $0x0, s21;
	[sflag:s23] =	ssyncset.done $0x0  }
0x18: {  	[sflag:s23] =	ssyncadd.s32 s2;
	_ =	sdelay $0x1  }
0x19: {  	s24 =	simm.s32 $0x1B8B  }
0x1a: {  	_ =	swait.ge [sflag:s24], $0x1  }
0x1b: {  	[sflag:s24] =	ssyncset.done $0x0  }
0x1c: {  	s26 =	simm.s32 $0x1B8E;
	s25 =	sld [smem:$0x3FFE];
	[sflag:s24] =	ssyncadd.s32 $0xFFFFFFFF  }
0x1d: {  	s27 =	simm.s32 $execute0_lowered;
	[smem:$0x3FD2] =	sst s26  }
0x1e: {  	s4 =	sshll.u32 s27, $0x1;
	_ =	strace $0x80000055;
	[dreg:$0x1] =	wrdreg $0xFFFFFFFF  }
0x1f: {  	s28 =	simm.s32 $_size_execute0_lowered;
	s1 =	sadd.s32 s1, s4;
	[dreg:$0x0] =	wrdreg $0x0  }
0x20: {  	s4 =	sshll.u32 s28, $0x1;
	[dreg:$0x2] =	wrdreg s1  }
0x21: {  	[dreg:$0x3] =	wrdreg s4  }
0x22: {  	[dreg:$0x4] =	wrdreg $0xC0  }
0x23: {  	_ =	task [dreg:s6], $0x5FFFF  }
0x24: {  	[dreg:$0x1] =	wrdreg $0xFFFFFFFF  }
0x25: {  	[dreg:$0x0] =	wrdreg $0x60  }
0x26: {  	[dreg:$0x2] =	wrdreg s25  }
0x27: {  	[dreg:$0x3] =	wrdreg $0x9  }
0x28: {  	_ =	task.clear_ibuf [dreg:s6], $0x4FFFF;
	_ =	strace $0x90000055  }
0x29: {  	s29 =	simm.s32 $0x9;
	_ =	strace $0x80000057  }
0x2a: {  	_ =	swait.ge [sflag:s29], $0x1  }
0x2b: {  	[sflag:s29] =	ssyncadd.s32 $0xFFFFFFFF  }
0x2c: {  	_ =	strace $0x90000057  }
0x2d: {  	_ =	sfence  }
0x2e: {  	s30 =	sld [smem:$0x0];
	_ =	sdelay $0x2  }
0x2f: {  	s31 =	sshll.u32 s3, $0xD;
	s3 =	sshrl.u32 s3, $0x2  }
0x30: {  	s2 =	sand.u32 $0x4000, s31;
	s1 =	sadd.s32 s3, s30  }
0x31: {  	s0 =	sor.u32 s2, s0;
	s1 =	sshll.u32 s1, $0x11  }
0x32: {  	s0 =	sor.u32 s1, s0  }
0x33: {  	s0 =	sadd.s32 $0x8F2B, s0  }
0x34: {  	[sflag:s0] =	ssyncadd.remote.s32 $0x1  }
0x35: {  	_ =	sfence.sel $0xFFFF  }
0x36: {  	[dreg:$0x0] =	wrdreg $0xFFFFFFFF;
	(pc) =	sbr.abs _section_cstart, $3  }
0x37: {  	[dreg:$0x1] =	wrdreg $0xFFFFFFFF  }
0x38: {  	_ =	task.clear_ibuf [dreg:s6], $0x2FFFF;
	_ =	strace $0x9FFFFFFF  }
0x39: {  	(tm) =	ssettm $0x7FFFFFFF  }
tec
execute0_lowered:
.L_overlay_start_1:
0x0: {  	(tag) =	ssettag $0x1  }
0x1: {  	s0 =	srdreg.scid  }
0x2: {  	s6 =	rddreg [dreg:$0x0];
	s7 =	simm.s32 $0x1;
	s1 =	sshll.u32 s0, $0x4  }
0x3: {  	s8 =	simm.s32 $0x2;
	s0 =	stileid.u32;
	s1 =	sand.u32 $0x10, s1  }
0x4: {  	s13 =	simm.s32 $0x0;
	s12 =	simm.s32 $0x0;
	s1 =	sor.u32 s0, s1  }
0x5: {  	s10 =	simm.s32 $0x0;
	s11 =	simm.s32 $0x0;
	s2 =	sshll.u32 s1, $0x8  }
0x6: {  	s3 =	sadd.s32 $0xAF200, s6;
	s6 =	sadd.s32 $0x2D7000, s6;
	s5 =	ssub.s32 $0x27100, s2  }
.Ltmp0:
0x7: {  	s1 =	rddreg [dreg:$0x1];
	s4 =	sand.u32 $0x1F00, s5;
	(pc) =	sbr.rel .LBB1_1-.Ltmp0, $4  }
0x8: {  	_ =	strace $0x80000056;
	s9 =	smov.u32 s2;
	p0 =	sne.s32 s4, $0x0  }
0x9: {  	s5 =	sshrl.u32 s5, $0xD;
	s4 =	simm.s32 $0x1;
	s7 =	simm.s32 @!p0 $0x0  }
0xa: {  	[sflag:s4] =	ssyncpa.u1 $0x0;
	p0 =	por $0x0, $0x0;
	s5 =	sadd.s32 s7, s5  }
0xb: {  	[sflag:s8] =	ssyncpa.u1 $0x0;
	s8 =	simm.s32 $0x80;
	s7 =	sadd.s32 $0x1, s5  }
.LBB1_4:
0xc: {  	_ =	sdelay $0x3  }
0xd: {  	s21 =	sor.u32 s24, s23;
	v47 =	vld.idx.msk [tilespmem:v0+s16+$0x470 ss:$0x1], $0xffff  }
0xe: {  	v57 =	vld.idx.msk [tilespmem:v0+s21+$0x410 ss:$0x1], $0xffff  }
0xf: {  	v58 =	vld.idx.msk [tilespmem:v0+s21+$0x420 ss:$0x1], $0xffff  }
0x10: {  	[tilespmem:s18+$0x1860 ss:$0x41] =	vst.msk $0xffff, v8;
	v59 =	vld.idx.msk [tilespmem:v0+s21+$0x430 ss:$0x1], $0xffff  }
0x11: {  	[tilespmem:s18+$0x1C70 ss:$0x41] =	vst.msk $0xffff, v7;
	v60 =	vld.idx.msk [tilespmem:v0+s21+$0x440 ss:$0x1], $0xffff  }
0x12: {  	[tilespmem:s18+$0x2490 ss:$0x41] =	vst.msk $0xffff, v1;
	s22 =	sand.u32 $0x3B00, s21;
	v61 =	vld.idx.msk [tilespmem:v0+s21+$0x450 ss:$0x1], $0xffff  }
0x13: {  	s20 =	sand.u32 $0x80, s20;
	[tilespmem:s18+$0x28A0 ss:$0x41] =	vst.msk $0xffff, v2;
	v62 =	vld.idx.msk [tilespmem:v0+s21+$0x460 ss:$0x1], $0xffff;
	s15 =	sadd.s32 s22, s15  }
0x14: {  	[tilespmem:s18+$0x2CB0 ss:$0x41] =	vst.msk $0xffff, v3;
	v63 =	vld.idx.msk [tilespmem:v0+s21+$0x470 ss:$0x1], $0xffff;
	s15 =	sadd.s32 s20, s15  }
0x15: {  	[tilespmem:s18+$0x30C0 ss:$0x41] =	vst.msk $0xffff, v4;
	v48 =	vld [tilespmem:s15+$0x400]  }
0x16: {  	[tilespmem:s18+$0x34D0 ss:$0x41] =	vst.msk $0xffff, v5;
	v49 =	vld [tilespmem:s15+$0x0]  }
0x17: {  	s25 =	sshra.s32 s19, $0x2;
	[tilespmem:s18+$0x38E0 ss:$0x41] =	vst.msk $0xffff, v6;
	v50 =	vld [tilespmem:s15+$0x10]  }
0x18: {  	s16 =	sadd.s32 s25, s17;
	v51 =	vld [tilespmem:s15+$0x20];
	[tilespmem:s18+$0x3CF0 ss:$0x41] =	vst.msk $0xffff, v47  }
0x19: {  	v52 =	vld [tilespmem:s15+$0x30];
	[tilespmem:s16+$0x2490 ss:$0x41] =	vst.msk $0xffff, v57  }
0x1a: {  	v53 =	vld [tilespmem:s15+$0x40];
	[tilespmem:s16+$0x28A0 ss:$0x41] =	vst.msk $0xffff, v58  }
0x1b: {  	v54 =	vld [tilespmem:s15+$0x50];
	[tilespmem:s16+$0x2CB0 ss:$0x41] =	vst.msk $0xffff, v59  }
0x1c: {  	s13 =	sshll.u32 s13, $0x7;
	s26 =	sshll.u32 s12, $0x3;
	v55 =	vld [tilespmem:s15+$0x60];
	[tilespmem:s16+$0x30C0 ss:$0x41] =	vst.msk $0xffff, v60  }
0x1d: {  	s27 =	sand.u32 $0xFFFFFC00, s13;
	v56 =	vld [tilespmem:s15+$0x70];
	s15 =	sand.u32 $0xFFFFFC00, s26;
	[tilespmem:s16+$0x34D0 ss:$0x41] =	vst.msk $0xffff, v61  }
0x1e: {  	s13 =	sand.u32 $0x380, s13;
	s15 =	sadd.s32 s15, s27;
	[tilespmem:s16+$0x38E0 ss:$0x41] =	vst.msk $0xffff, v62  }
0x1f: {  	s13 =	sor.u32 s13, s15;
	[tilespmem:s16+$0x3CF0 ss:$0x41] =	vst.msk $0xffff, v63  }
0x20: {  	s13 =	sshrl.u32 s13, $0x7;
	[tilespmem:s16+$0x2080 ss:$0x41] =	vst.msk $0xffff, v48  }
0x21: {  	s28 =	smulhi.u32 $0x1A36E2F, s13;
	[tilespmem:s16+$0x0 ss:$0x41] =	vst.msk $0xffff, v49  }
0x22: {  	[tilespmem:s16+$0x410 ss:$0x41] =	vst.msk $0xffff, v50  }
0x23: {  	[tilespmem:s16+$0x820 ss:$0x41] =	vst.msk $0xffff, v51;
	s15 =	sshrl.u32 s28, $0xA  }
0x24: {  	[tilespmem:s16+$0xC30 ss:$0x41] =	vst.msk $0xffff, v52;
	s15 =	smul.u32 $0x27100, s15  }
0x25: {  	s29 =	sshrl.u32 s12, $0x3;
	[tilespmem:s16+$0x1040 ss:$0x41] =	vst.msk $0xffff, v53  }
0x26: {  	s31 =	sand.u32 $0x7, s12;
	s30 =	sand.u32 $0xF, s29;
	[tilespmem:s16+$0x1450 ss:$0x41] =	vst.msk $0xffff, v54;
	s13 =	ssub.s32 s13, s15  }
0x27: {  	s12 =	sshll.u32 s31, $0x12;
	[tilespmem:s16+$0x1860 ss:$0x41] =	vst.msk $0xffff, v55;
	s15 =	sadd.s32 s6, s30;
	s13 =	sshll.u32 s13, $0x4  }
0x28: {  	s12 =	sor.u32 $0x40, s12;
	[tilespmem:s16+$0x1C70 ss:$0x41] =	vst.msk $0xffff, v56;
	s13 =	sadd.s32 s13, s15  }
0x29: {  	[hbm4b:s13+s12] =	stream.strided.scatter [tilespmem:s14], [sflag:$0x2], $0x4000, s8, s12, $0x18;
	[tilespmem:$0x10200] =	vst v63  }
.LBB1_5:
0x2a: {  	s14 =	sadd.s32 $0x2000, s9  }
0x2b: {  	s12 =	sadd.s32 $0x40, s10;
	s16 =	smov.u32 s10;
	p2 =	sgt.s32 s14, $0x270FF  }
0x2c: {  	s16 =	smov.u32 @p2 s12  }
0x2d: {  	s14 =	smov.u32 @p2 s2;
	p2 =	sgt.s32 s16, $0x3F  }
0x2e: {  	s16 =	simm.s32 @p2 $0x0;
	p2 =	sne.s32 s11, s7  }
.Ltmp1:
0x2f: {  	p1 =	slt.u32 s11, $0x2;
	(pc) =	sbr.rel @!p2 .LBB1_6-.Ltmp1, $4  }
0x30: {  	s15 =	simm.s32 @!p1 $0x2  }
0x31: {  	s13 =	smov.u32 s9;
	p0 =	por !p0, !p0;
	_ =	swait.ge @!p1 [sflag:s15], $0x4000  }
0x32: {  	s12 =	smov.u32 s10;
	[sflag:s15] =	ssyncset.done @!p1 $0x0;
	s9 =	smov.u32 s14  }
0x33: {  	s11 =	sadd.s32 $0x1, s11;
	[sflag:s15] =	ssyncadd.s32 @!p1 $0xFFFFC000;
	s10 =	smov.u32 s16  }
.LBB1_1:
0x34: {  	p1 =	sge.u32 s11, s5  }
0x35: {  	s14 =	sshrl.u32 @!p1 s10, $0x3  }
0x36: {  	s15 =	sshll.u32 @!p1 s9, $0x3;
	s14 =	smul.u32 @!p1 $0x138800, s14  }
0x37: {  	s16 =	sshll.u32 @!p1 s10, $0x7;
	s15 =	sand.u32 @!p1 $0xFFFFFC00, s15  }
0x38: {  	s14 =	sadd.s32 @!p1 s14, s15;
	s15 =	sand.u32 @!p1 $0x380, s16  }
0x39: {  	s16 =	sand.u32 @!p1 $0x7F, s9;
	s14 =	sor.u32 @!p1 s15, s14  }
0x3a: {  	s15 =	sor.u32 @!p1 s16, s14  }
0x3b: {  	s16 =	smulhi.u32 @!p1 $0xD1B71759, s15;
	_ =	sdelay $0x1  }
0x3c: {  	s14 =	smulhi.u32 @!p1 $0xD1B71759, s14;
	s16 =	sshrl.u32 @!p1 s16, $0x11  }
0x3d: {  	s16 =	smul.u32 @!p1 $0x27100, s16  }
0x3e: {  	s31 =	sadd.s32 $0xFFFFFFFF, s11;
	s17 =	sxor.u32 @!p1 $0xFFFFFFFF, s11;
	s14 =	sshrl.u32 @!p1 s14, $0x11  }
0x3f: {  	s17 =	sshll.u32 @!p1 s17, $0xE;
	s14 =	sand.u32 @!p1 $0x3F, s14;
	s15 =	ssub.s32 @!p1 s15, s16  }
0x40: {  	s14 =	smul.u32 @!p1 $0x4E20, s14;
	s16 =	sshrl.u32 @!p1 s15, $0x3;
	s15 =	sand.u32 @!p1 $0x7, s15  }
0x41: {  	s17 =	sand.u32 @!p1 $0x4000, s17;
	s16 =	sadd.s32 @!p1 s3, s16;
	s15 =	sshll.u32 @!p1 s15, $0x12  }
0x42: {  	s14 =	sadd.s32 @!p1 s14, s16;
	s15 =	sor.u32 @!p1 $0x800, s15;
	s16 =	simm.s32 @!p1 $0x138800  }
0x43: {  	[tilespmem:s17], [sflag:$0x1] =	stream.strided.gather @!p1 [hbm4b:s14+s15], $0x4000, s16, s15, $0x38;
	[tilespmem:$0x10200] =	vst v63  }
0x44: {  	p1 =	sge.u32 s31, s5  }
.Ltmp2:
0x45: {  	_ = 	snop;
	(pc) =	sbr.rel @p1 .LBB1_5-.Ltmp2, $1  }
0x46: {  	_ =	sdelay $0x3  }
0x47: {  	s17 =	simm.s32 $0x0  }
0x48: {  	s16 =	sand.u32 $0x3800, s17;
	s18 =	sand.u32 $0x380, s17  }
0x49: {  	s14 =	sand.u32 $0x1, s11;
	s16 =	sor.u32 s18, s16  }
0x4a: {  	_ =	swait.ge [sflag:s4], $0x4000;
	s15 =	sshll.u32 s14, $0xE;
	s18 =	sand.u32 $0x3B00, s16  }
0x4b: {  	[sflag:s4] =	ssyncset.done $0x0;
	s17 =	sand.u32 $0x80, s17;
	s18 =	sadd.s32 s18, s15  }
0x4c: {  	[sflag:s4] =	ssyncadd.s32 $0xFFFFC000;
	s20 =	sadd.s32 s17, s18  }
0x4d: {  	v4 =	vld [tilespmem:s20+$0x400]  }
0x4e: {  	s19 =	simm.s32 $0x1;
	v5 =	vld [tilespmem:s20+$0x0]  }
0x4f: {  	s19 =	simm.s32 @!p0 $0x0;
	v6 =	vld [tilespmem:s20+$0x10]  }
0x50: {  	v0 =	vmov s15;
	s31 =	smul.u32 $0x10400, s19;
	v7 =	vld [tilespmem:s20+$0x20]  }
0x51: {  	v9 =	vld [tilespmem:s20+$0x30]  }
0x52: {  	s17 =	sshrl.u32 s31, $0x2;
	v10 =	vld [tilespmem:s20+$0x40]  }
0x53: {  	s17 =	sor.u32 $0x8000, s17;
	v11 =	vld [tilespmem:s20+$0x50]  }
0x54: {  	v8 =	vld [tilespmem:s20+$0x60];
	s18 =	sadd.s32 $0x0, s17  }
0x55: {  	v1 =	vld.idx.msk [tilespmem:v0+s16+$0x410 ss:$0x1], $0xffff;
	[tilespmem:s18+$0x2080 ss:$0x41] =	vst.msk $0xffff, v4  }
0x56: {  	v2 =	vld.idx.msk [tilespmem:v0+s16+$0x420 ss:$0x1], $0xffff;
	[tilespmem:s18+$0x0 ss:$0x41] =	vst.msk $0xffff, v5  }
0x57: {  	v3 =	vld.idx.msk [tilespmem:v0+s16+$0x430 ss:$0x1], $0xffff;
	[tilespmem:s18+$0x410 ss:$0x41] =	vst.msk $0xffff, v6  }
0x58: {  	s14 =	smul.u32 $0x10400, s14;
	[tilespmem:s18+$0x820 ss:$0x41] =	vst.msk $0xffff, v7;
	v7 =	vld [tilespmem:s20+$0x70]  }
0x59: {  	s21 =	simm.s32 $0x100;
	s22 =	simm.s32 $0x8;
	[tilespmem:s18+$0xC30 ss:$0x41] =	vst.msk $0xffff, v9;
	v4 =	vld.idx.msk [tilespmem:v0+s16+$0x440 ss:$0x1], $0xffff  }
0x5a: {  	s23 =	sand.u32 $0x3800, s21;
	s14 =	sshrl.u32 s14, $0x2;
	[tilespmem:s18+$0x1040 ss:$0x41] =	vst.msk $0xffff, v10;
	v5 =	vld.idx.msk [tilespmem:v0+s16+$0x450 ss:$0x1], $0xffff;
	s20 =	simm.s32 $0x80  }
0x5b: {  	s19 =	simm.s32 $0x4;
	s14 =	sor.u32 $0x8000, s14;
	[tilespmem:s18+$0x1450 ss:$0x41] =	vst.msk $0xffff, v11;
	v6 =	vld.idx.msk [tilespmem:v0+s16+$0x460 ss:$0x1], $0xffff;
	s24 =	sand.u32 $0x380, s20  }
.LBB1_3:
0x5c: {  	p1 =	sne.s32 s22, $0xFC;
	[tilespmem:s18+$0x1860 ss:$0x41] =	vst.msk $0xffff, v8;
	v8 =	vld.idx.msk [tilespmem:v0+s16+$0x470 ss:$0x1], $0xffff;
	s16 =	sor.u32 s24, s23  }
0x5d: {  	s23 =	sand.u32 $0x3B00, s16;
	v9 =	vld.idx.msk [tilespmem:v0+s16+$0x410 ss:$0x1], $0xffff;
	[tilespmem:s18+$0x1C70 ss:$0x41] =	vst.msk $0xffff, v7  }
0x5e: {  	s24 =	sand.u32 $0x80, s20;
	s23 =	sadd.s32 s23, s15;
	v7 =	vld.idx.msk [tilespmem:v0+s16+$0x420 ss:$0x1], $0xffff;
	[tilespmem:s18+$0x2490 ss:$0x41] =	vst.msk $0xffff, v1  }
0x5f: {  	s23 =	sadd.s32 s24, s23;
	v10 =	vld.idx.msk [tilespmem:v0+s16+$0x430 ss:$0x1], $0xffff;
	[tilespmem:s18+$0x28A0 ss:$0x41] =	vst.msk $0xffff, v2  }
0x60: {  	v11 =	vld [tilespmem:s23+$0x400];
	[tilespmem:s18+$0x2CB0 ss:$0x41] =	vst.msk $0xffff, v3  }
0x61: {  	v12 =	vld [tilespmem:s23+$0x0];
	[tilespmem:s18+$0x30C0 ss:$0x41] =	vst.msk $0xffff, v4  }
0x62: {  	v4 =	vld [tilespmem:s23+$0x10];
	[tilespmem:s18+$0x34D0 ss:$0x41] =	vst.msk $0xffff, v5  }
0x63: {  	s24 =	sshra.s32 s19, $0x2;
	s19 =	smov.u32 s22;
	v1 =	vmov v9;
	v5 =	vld [tilespmem:s23+$0x20];
	[tilespmem:s18+$0x38E0 ss:$0x41] =	vst.msk $0xffff, v6  }
0x64: {  	v2 =	vmov v7;
	v6 =	vld [tilespmem:s23+$0x30];
	[tilespmem:s18+$0x3CF0 ss:$0x41] =	vst.msk $0xffff, v8;
	s18 =	sadd.s32 s24, s17  }
0x65: {  	v3 =	vmov v10;
	v9 =	vld [tilespmem:s23+$0x40];
	[tilespmem:s18+$0x2080 ss:$0x41] =	vst.msk $0xffff, v11  }
0x66: {  	[tilespmem:s18+$0x0 ss:$0x41] =	vst.msk $0xffff, v12;
	v10 =	vld [tilespmem:s23+$0x50]  }
.Ltmp3:
0x67: {  	[tilespmem:s18+$0x410 ss:$0x41] =	vst.msk $0xffff, v4;
	v8 =	vld [tilespmem:s23+$0x60];
	(pc) =	sbr.rel @p1 .LBB1_3-.Ltmp3, $4  }
0x68: {  	[tilespmem:s18+$0x820 ss:$0x41] =	vst.msk $0xffff, v5;
	v7 =	vld [tilespmem:s23+$0x70]  }
0x69: {  	[tilespmem:s18+$0xC30 ss:$0x41] =	vst.msk $0xffff, v6;
	v4 =	vld.idx.msk [tilespmem:v0+s16+$0x440 ss:$0x1], $0xffff  }
0x6a: {  	s20 =	sadd.s32 $0x80, s20;
	s21 =	sadd.s32 $0x100, s21;
	[tilespmem:s18+$0x1040 ss:$0x41] =	vst.msk $0xffff, v9;
	v5 =	vld.idx.msk [tilespmem:v0+s16+$0x450 ss:$0x1], $0xffff  }
0x6b: {  	s22 =	sadd.s32 $0x4, s22;
	s24 =	sand.u32 $0x380, s20;
	s23 =	sand.u32 $0x3800, s21;
	[tilespmem:s18+$0x1450 ss:$0x41] =	vst.msk $0xffff, v10;
	v6 =	vld.idx.msk [tilespmem:v0+s16+$0x460 ss:$0x1], $0xffff  }
.Ltmp4:
0x6c: {  	_ = 	snop;
	(pc) =	sbr.rel .LBB1_4-.Ltmp4, $1  }
0x6d: {  	_ =	sdelay $0x3  }
.LBB1_6:
0x6e: {  	_ =	sfence.sel $0x180000  }
0x6f: {  	s2 =	simm.s32 $0x1;
	[bflag:$0x0] =	sbarrier.arrive $0xFFFF  }
0x70: {  	s31 =	simm.s32 $0x2;
	[sflag:s2] =	ssyncpa.u1 $0x1  }
0x71: {  	[sflag:s31] =	ssyncpa.u1 $0x1  }
0x72: {  	p0 =	sne.s32 s0, $0x0;
	_ =	strace $0x90000056  }
0x73: {  	s0 =	sadd.s32 @!p0 $0x100000, s1;
	[bflag:$0x2] =	sbarrier.arrive $0xFFFF  }
0x74: {  	[sflag:s0] =	ssyncadd.tile.s32 @!p0 $0x1;
	_ =	shalt  }
.Lfunc_end1:
_tile_overlayer_lowered:
.L_overlay_start_2:
0x75: {  	(tag) =	ssettag $0x2  }
0x76: {  	s0 =	rddreg [dreg:$0x0];
	s2 =	stileid.u32  }
0x77: {  	s1 =	rddreg [dreg:$0x1];
	p0 =	sne.s32 s2, $0x0  }
0x78: {  	s3 =	rddreg [dreg:$0x2];
	[bflag:$0x3] =	sbarrier.arrive $0xFFFF;
	s2 =	simm.s32 @!p0 $0x1C01  }
0x79: {  	[timem:s3], [sflag:s2] =	dma.local @!p0 [hbm:s0], s1  }
0x7a: {  	s0 =	simm.s32 @!p0 $0x1  }
0x7b: {  	_ =	swait.ge @!p0 [sflag:s0], s1  }
0x7c: {  	s1 =	ssub.s32 @!p0 $0x0, s1;
	[sflag:s0] =	ssyncset.done @!p0 $0x0  }
0x7d: {  	[sflag:s0] =	ssyncadd.s32 @!p0 s1  }
0x7e: {  	[bflag:$0x3] =	sbarrier.arrive $0xFFFF  }
0x7f: {  	_ =	shalt  }

// kernel: sparse-core-data-format-call.cloned.1.call-start
scs
called_computation.3_lowered:
.L_overlay_start_0:
0x0: {  	s1 =	sld [smem:$0x3FD9]  }
0x1: {  	s2 =	sld [smem:$0x3FFE];
	_ =	sdelay $0x1  }
0x2: {  	s3 =	srdreg.scid  }
0x3: {  	s0 =	sand.u32 $0x1, s3  }
0x4: {  	s17 =	sshll.u32 s0, $0xA;
	s1 =	sadd.s32 s2, s1  }
0x5: {  	s1 =	sadd.s32 s1, s17  }
0x6: {  	[smem:$0x3FAD] =	sst s1  }
0x7: {  	_ = 	snop  }
0x8: {  	(tm) =	ssettm $0x1  }
0x9: {  	s18 =	sld [smem:$0x3FFB];
	_ =	sdelay $0x3  }
0xa: {  	_ =	strace s18  }
0xb: {  	s1 =	sld [smem:$0x3FFC];
	_ =	sdelay $0x3  }
0xc: {  	_ =	strace s1  }
0xd: {  	s1 =	sld [smem:$0x3FFD];
	_ =	sdelay $0x3  }
0xe: {  	_ =	strace s1  }
0xf: {  	_ =	strace $0x8FFFFFFF  }
0x10: {  	s19 =	sld [smem:$0x3FDB];
	_ =	sdelay $0x1  }
0x11: {  	s20 =	simm.s32 $_scs_section_size  }
0x12: {  	s4 =	simm.s32 $_size__tile_overlayer_lowered;
	s5 =	simm.s32 $_tile_overlayer_lowered  }
0x13: {  	s23 =	simm.s32 $0x1BFF;
	s22 =	sshll.u32 s5, $0x1;
	s1 =	sadd.s32 s20, s19  }
0x14: {  	s6 =	simm.s32 $0x0;
	s21 =	sshll.u32 s4, $0x1;
	s4 =	sadd.s32 s22, s1  }
0x15: {  	[timem:s6], [sflag:s23] =	dma.local [hbm:s4], s21  }
0x16: {  	_ =	swait.ge [sflag:s23], s21  }
0x17: {  	s2 =	ssub.s32 $0x0, s21;
	[sflag:s23] =	ssyncset.done $0x0  }
0x18: {  	[sflag:s23] =	ssyncadd.s32 s2;
	_ =	sdelay $0x1  }
0x19: {  	s24 =	simm.s32 $0x1B8B  }
0x1a: {  	_ =	swait.ge [sflag:s24], $0x1  }
0x1b: {  	[sflag:s24] =	ssyncset.done $0x0  }
0x1c: {  	s26 =	simm.s32 $0x1B8E;
	s25 =	sld [smem:$0x3FFE];
	[sflag:s24] =	ssyncadd.s32 $0xFFFFFFFF  }
0x1d: {  	s27 =	simm.s32 $execute0_lowered;
	[smem:$0x3FD2] =	sst s26  }
0x1e: {  	s4 =	sshll.u32 s27, $0x1;
	_ =	strace $0x8000006D;
	[dreg:$0x1] =	wrdreg $0xFFFFFFFF  }
0x1f: {  	s28 =	simm.s32 $_size_execute0_lowered;
	s1 =	sadd.s32 s1, s4;
	[dreg:$0x0] =	wrdreg $0x0  }
0x20: {  	s4 =	sshll.u32 s28, $0x1;
	[dreg:$0x2] =	wrdreg s1  }
0x21: {  	[dreg:$0x3] =	wrdreg s4  }
0x22: {  	[dreg:$0x4] =	wrdreg $0xC0  }
0x23: {  	_ =	task [dreg:s6], $0x5FFFF  }
0x24: {  	[dreg:$0x1] =	wrdreg $0xFFFFFFFF  }
0x25: {  	[dreg:$0x0] =	wrdreg $0x60  }
0x26: {  	[dreg:$0x2] =	wrdreg s25  }
0x27: {  	[dreg:$0x3] =	wrdreg $0x9  }
0x28: {  	_ =	task.clear_ibuf [dreg:s6], $0x4FFFF;
	_ =	strace $0x9000006D  }
0x29: {  	s29 =	simm.s32 $0x9;
	_ =	strace $0x8000006F  }
0x2a: {  	_ =	swait.ge [sflag:s29], $0x1  }
0x2b: {  	[sflag:s29] =	ssyncadd.s32 $0xFFFFFFFF  }
0x2c: {  	_ =	strace $0x9000006F  }
0x2d: {  	_ =	sfence  }
0x2e: {  	s30 =	sld [smem:$0x0];
	_ =	sdelay $0x2  }
0x2f: {  	s31 =	sshll.u32 s3, $0xD;
	s3 =	sshrl.u32 s3, $0x2  }
0x30: {  	s2 =	sand.u32 $0x4000, s31;
	s1 =	sadd.s32 s3, s30  }
0x31: {  	s0 =	sor.u32 s2, s0;
	s1 =	sshll.u32 s1, $0x11  }
0x32: {  	s0 =	sor.u32 s1, s0  }
0x33: {  	s0 =	sadd.s32 $0x8F2B, s0  }
0x34: {  	[sflag:s0] =	ssyncadd.remote.s32 $0x1  }
0x35: {  	_ =	sfence.sel $0xFFFF  }
0x36: {  	[dreg:$0x0] =	wrdreg $0xFFFFFFFF;
	(pc) =	sbr.abs _section_cstart, $3  }
0x37: {  	[dreg:$0x1] =	wrdreg $0xFFFFFFFF  }
0x38: {  	_ =	task.clear_ibuf [dreg:s6], $0x2FFFF;
	_ =	strace $0x9FFFFFFF  }
0x39: {  	(tm) =	ssettm $0x7FFFFFFF  }
tec
execute0_lowered:
.L_overlay_start_1:
0x0: {  	(tag) =	ssettag $0x1  }
0x1: {  	s0 =	srdreg.scid  }
0x2: {  	s0 =	sshll.u32 s0, $0x4  }
0x3: {  	s2 =	stileid.u32;
	s1 =	rddreg [dreg:$0x0];
	s0 =	sand.u32 $0x10, s0  }
0x4: {  	_ =	strace $0x8000006E;
	s31 =	simm.s32 $0x1;
	s0 =	sor.u32 s2, s0  }
0x5: {  	s6 =	simm.s32 $0x1;
	s7 =	simm.s32 $0x2;
	s4 =	sshll.u32 s0, $0x1  }
0x6: {  	s12 =	simm.s32 $0x0;
	s13 =	simm.s32 $0x0;
	s0 =	ssub.s32 $0x4E2, s4  }
0x7: {  	s10 =	simm.s32 $0x0;
	s15 =	sadd.s32 $0x13C400, s1;
	s5 =	sand.u32 $0x3E, s0  }
.Ltmp0:
0x8: {  	s1 =	sadd.s32 $0x3C00, s1;
	p0 =	sne.s32 s5, $0x0;
	(pc) =	sbr.rel .LBB1_1-.Ltmp0, $4  }
0x9: {  	[dreg:$0x4] =	wrdreg s1;
	s0 =	sshrl.u32 s0, $0x6;
	s6 =	simm.s32 @!p0 $0x0  }
0xa: {  	s11 =	simm.s32 $0x0;
	[dreg:$0x3] =	wrdreg s15;
	s6 =	sadd.s32 s6, s0  }
0xb: {  	[sflag:s31] =	ssyncpa.u1 $0x0;
	[dreg:$0x2] =	wrdreg s4;
	s5 =	sadd.s32 $0x1, s6  }
0xc: {  	[sflag:s7] =	ssyncpa.u1 $0x0;
	s9 =	smov.u32 s4;
	[dreg:$0x5] =	wrdreg s5  }
.LBB1_9:
0xd: {  	s0 =	sadd.s32 $0x40, s9  }
0xe: {  	s2 =	sadd.s32 $0x4, s10;
	s3 =	smov.u32 s10;
	p1 =	sgt.s32 s0, $0x4E1  }
0xf: {  	s3 =	smov.u32 @p1 s2  }
0x10: {  	s0 =	smov.u32 @p1 s4;
	p1 =	sgt.s32 s3, $0x3  }
0x11: {  	s3 =	simm.s32 @p1 $0x0;
	p1 =	sne.s32 s11, s5  }
.Ltmp1:
0x12: {  	p0 =	slt.u32 s11, $0x2;
	(pc) =	sbr.rel @!p1 .LBB1_10-.Ltmp1, $4  }
0x13: {  	s1 =	simm.s32 @!p0 $0x2  }
0x14: {  	s12 =	smov.u32 s9;
	_ =	swait.ge @!p0 [sflag:s1], $0x4000  }
0x15: {  	s13 =	smov.u32 s10;
	[sflag:s1] =	ssyncset.done @!p0 $0x0;
	s9 =	smov.u32 s0  }
0x16: {  	s11 =	sadd.s32 $0x1, s11;
	[sflag:s1] =	ssyncadd.s32 @!p0 $0xFFFFC000;
	s10 =	smov.u32 s3  }
.LBB1_1:
0x17: {  	p0 =	sge.u32 s11, s6  }
0x18: {  	s1 =	smul.u32 @!p0 $0x4E200, s10  }
0x19: {  	s31 =	sadd.s32 $0xFFFFFFFF, s11;
	s0 =	sxor.u32 @!p0 $0xFFFFFFFF, s11;
	s8 =	sshll.u32 @!p0 s9, $0x8  }
0x1a: {  	s14 =	simm.s32 @!p0 $0x271000;
	s0 =	sshll.u32 @!p0 s0, $0xE;
	s1 =	sadd.s32 @!p0 s15, s1  }
0x1b: {  	s0 =	sand.u32 @!p0 $0x4000, s0;
	s1 =	sadd.s32 @!p0 s8, s1;
	s8 =	simm.s32 @!p0 $0x1000  }
0x1c: {  	[tilespmem:s0], [sflag:$0x1] =	stream.strided.gather @!p0 [hbm4b:s1+s8], $0x4000, s14, s8, $0x38;
	[tilespmem:$0x10000] =	vst v63  }
0x1d: {  	p0 =	sge.u32 s31, s6  }
.Ltmp2:
0x1e: {  	_ = 	snop;
	(pc) =	sbr.rel @p0 .LBB1_9-.Ltmp2, $1  }
0x1f: {  	_ =	sdelay $0x3  }
0x20: {  	s1 =	simm.s32 $0x1  }
0x21: {  	s0 =	sshll.u32 s11, $0xE;
	_ =	swait.ge [sflag:s1], $0x4000  }
0x22: {  	s15 =	sand.u32 $0x4000, s0;
	[sflag:s1] =	ssyncset.done $0x0  }
0x23: {  	s16 =	simm.s32 $0x0;
	s14 =	sor.u32 $0x8000, s15;
	[sflag:s1] =	ssyncadd.s32 $0xFFFFC000  }
.LBB1_3:
0x24: {  	s0 =	sshll.u32 s16, $0xC;
	s1 =	sshll.u32 s16, $0xB  }
0x25: {  	p1 =	por $0x1, $0x1;
	s0 =	sand.u32 $0x3FFFF000, s0;
	s31 =	sand.u32 $0x3FFFF800, s1  }
0x26: {  	s17 =	sadd.s32 s0, s15;
	s18 =	sadd.s32 s31, s14;
	s0 =	simm.s32 $0x0  }
.LBB1_4:
0x27: {  	s0 =	sshll.u32 s0, $0xD  }
0x28: {  	s8 =	simm.s32 $0x410;
	s26 =	simm.s32 $0x470;
	s21 =	simm.s32 $0x460  }
0x29: {  	s3 =	simm.s32 $0x450;
	p0 =	por p1, p1;
	s1 =	sand.u32 $0x3FFFE000, s0  }
0x2a: {  	s0 =	sshra.s32 s0, $0x2;
	s23 =	sand.u32 $0x700, s8;
	s24 =	sand.u32 $0x90, s8  }
0x2b: {  	s2 =	sand.u32 $0xF0, s26;
	s8 =	sand.u32 $0x700, s26;
	s19 =	sadd.s32 s1, s18  }
0x2c: {  	s4 =	sand.u32 $0xE0, s21;
	s20 =	sadd.s32 s0, s17;
	s25 =	sadd.s32 s23, s19  }
0x2d: {  	s1 =	sadd.s32 s23, s20;
	s23 =	sadd.s32 s8, s20;
	s8 =	sadd.s32 s8, s19  }
0x2e: {  	s22 =	sadd.s32 s24, s25;
	s0 =	sadd.s32 s24, s1;
	s24 =	sand.u32 $0x700, s21  }
0x2f: {  	s5 =	sadd.s32 s2, s23;
	s23 =	sadd.s32 s2, s8;
	s25 =	sand.u32 $0x700, s3  }
0x30: {  	s1 =	sand.u32 $0xD0, s3;
	s3 =	simm.s32 $0x440;
	s21 =	simm.s32 $0x420  }
0x31: {  	s7 =	sadd.s32 s24, s19;
	s26 =	sadd.s32 s24, s20;
	s2 =	sadd.s32 s25, s19  }
0x32: {  	s8 =	sand.u32 $0x700, s3;
	s30 =	sand.u32 $0xA0, s21;
	s24 =	sadd.s32 s4, s7  }
0x33: {  	s4 =	sadd.s32 s4, s26;
	s7 =	sadd.s32 s25, s20;
	s25 =	sadd.s32 s1, s2  }
0x34: {  	s2 =	sand.u32 $0xC0, s3;
	s3 =	simm.s32 $0x430;
	s28 =	sadd.s32 s1, s7  }
0x35: {  	s7 =	sadd.s32 s8, s20;
	s8 =	sadd.s32 s8, s19;
	s27 =	sand.u32 $0x700, s3  }
0x36: {  	s29 =	sadd.s32 s2, s7;
	s26 =	sadd.s32 s2, s8;
	s2 =	sand.u32 $0xB0, s3  }
0x37: {  	v0 =	vld [tilespmem:s0+$0x0];
	s3 =	sadd.s32 s27, s19;
	s7 =	sand.u32 $0x700, s21;
	s31 =	sadd.s32 s27, s20  }
0x38: {  	v2 =	vld [tilespmem:s5+$0x0];
	s8 =	simm.s32 $0x0;
	s21 =	simm.s32 $0x490;
	s27 =	sadd.s32 s2, s3  }
0x39: {  	v1 =	vld [tilespmem:s4+$0x0];
	s1 =	sadd.s32 s7, s19;
	s31 =	sadd.s32 s2, s31;
	s0 =	sadd.s32 s7, s20  }
.LBB1_5:
0x3a: {  	p1 =	sne.s32 s21, $0x790;
	s4 =	sand.u32 $0x300, s8;
	s1 =	sadd.s32 s30, s1;
	v3 =	vld [tilespmem:s28+$0x0]  }
0x3b: {  	s5 =	sadd.s32 s4, s20;
	s28 =	sadd.s32 s4, s19;
	s4 =	sor.u32 $0x400, s4;
	v4 =	vld [tilespmem:s29+$0x0]  }
0x3c: {  	s8 =	sand.u32 $0x80, s8;
	s0 =	sadd.s32 s30, s0;
	s29 =	sadd.s32 s4, s20;
	[tilespmem:s22+$0x0] =	vst v0;
	v0 =	vld [tilespmem:s31+$0x0]  }
0x3d: {  	s30 =	sor.u32 $0x20, s8;
	s22 =	sor.u32 $0x10, s8;
	s29 =	sadd.s32 s8, s29;
	v5 =	vld [tilespmem:s0+$0x0];
	[tilespmem:s23+$0x0] =	vst v2  }
0x3e: {  	s31 =	sor.u32 $0x50, s8;
	s0 =	sor.u32 $0x30, s8;
	s23 =	sor.u32 $0x40, s8;
	v2 =	vld [tilespmem:s29+$0x0];
	[tilespmem:s24+$0x0] =	vst v1  }
0x3f: {  	s3 =	sor.u32 $0x70, s8;
	s24 =	sadd.s32 s8, s5;
	s29 =	sor.u32 $0x60, s8;
	[tilespmem:s25+$0x0] =	vst v3  }
0x40: {  	s7 =	sadd.s32 s0, s5;
	s25 =	sadd.s32 s30, s5;
	v1 =	vld [tilespmem:s24+$0x0];
	s24 =	sadd.s32 s22, s5;
	[tilespmem:s26+$0x0] =	vst v4  }
0x41: {  	s4 =	sadd.s32 s4, s19;
	s26 =	sadd.s32 s31, s5;
	v3 =	vld [tilespmem:s24+$0x0];
	s24 =	sadd.s32 s23, s5;
	[tilespmem:s27+$0x0] =	vst v0  }
0x42: {  	s4 =	sadd.s32 s8, s4;
	v0 =	vld [tilespmem:s25+$0x0];
	s25 =	sadd.s32 s29, s5;
	s5 =	sadd.s32 s3, s5;
	[tilespmem:s1+$0x0] =	vst v5  }
0x43: {  	s27 =	sadd.s32 s30, s28;
	s1 =	sadd.s32 s8, s28;
	s8 =	sadd.s32 s22, s28;
	v4 =	vld [tilespmem:s7+$0x0];
	[tilespmem:s4+$0x0] =	vst v2  }
0x44: {  	s0 =	sadd.s32 s0, s28;
	s4 =	sadd.s32 s23, s28;
	s7 =	sadd.s32 s31, s28;
	v2 =	vld [tilespmem:s24+$0x0]  }
0x45: {  	s22 =	sand.u32 $0x700, s21;
	s3 =	sadd.s32 s3, s28;
	[tilespmem:s1+$0x0] =	vst v1;
	v1 =	vld [tilespmem:s26+$0x0];
	s1 =	sadd.s32 s29, s28  }
0x46: {  	s23 =	sand.u32 $0x90, s21;
	s24 =	sadd.s32 s22, s19;
	[tilespmem:s8+$0x0] =	vst v3;
	v3 =	vld [tilespmem:s25+$0x0];
	s8 =	sadd.s32 s22, s20  }
0x47: {  	s22 =	sadd.s32 s23, s24;
	s24 =	sadd.s32 $0x60, s21;
	[tilespmem:s27+$0x0] =	vst v0;
	v0 =	vld [tilespmem:s5+$0x0];
	s5 =	sadd.s32 s23, s8  }
0x48: {  	s8 =	sand.u32 $0xF0, s24;
	s23 =	sand.u32 $0x700, s24;
	[tilespmem:s0+$0x0] =	vst v4;
	s0 =	sadd.s32 $0x50, s21  }
0x49: {  	s24 =	sadd.s32 s23, s20;
	s23 =	sadd.s32 s23, s19;
	[tilespmem:s4+$0x0] =	vst v2;
	s4 =	sand.u32 $0x700, s0  }
0x4a: {  	s2 =	sadd.s32 s8, s24;
	s23 =	sadd.s32 s8, s23;
	s0 =	sand.u32 $0xE0, s0;
	[tilespmem:s7+$0x0] =	vst v1  }
0x4b: {  	s7 =	sadd.s32 $0x40, s21;
	s8 =	sadd.s32 s4, s19;
	s4 =	sadd.s32 s4, s20;
	[tilespmem:s1+$0x0] =	vst v3  }
0x4c: {  	s1 =	sand.u32 $0x700, s7;
	s24 =	sadd.s32 s0, s8;
	s4 =	sadd.s32 s0, s4;
	[tilespmem:s3+$0x0] =	vst v0  }
0x4d: {  	s0 =	sadd.s32 $0x30, s21;
	s3 =	sand.u32 $0xD0, s7;
	s7 =	sadd.s32 s1, s19  }
0x4e: {  	s1 =	sadd.s32 s1, s20;
	s25 =	sadd.s32 s3, s7;
	s7 =	sand.u32 $0xC0, s0  }
0x4f: {  	s0 =	sand.u32 $0x700, s0;
	s28 =	sadd.s32 s3, s1;
	s1 =	sadd.s32 $0x20, s21  }
0x50: {  	s3 =	sadd.s32 s0, s20;
	s0 =	sadd.s32 s0, s19;
	s8 =	sand.u32 $0x700, s1  }
.Ltmp3:
0x51: {  	s29 =	sadd.s32 s7, s3;
	s26 =	sadd.s32 s7, s0;
	(pc) =	sbr.rel @p1 .LBB1_5-.Ltmp3, $4  }
0x52: {  	s0 =	sadd.s32 $0x10, s21;
	s3 =	sand.u32 $0xB0, s1;
	s1 =	sadd.s32 s8, s19  }
0x53: {  	s7 =	sadd.s32 s8, s20;
	s27 =	sadd.s32 s3, s1;
	v0 =	vld [tilespmem:s5+$0x0];
	s5 =	sand.u32 $0x700, s0  }
0x54: {  	s30 =	sand.u32 $0xA0, s0;
	s31 =	sadd.s32 s3, s7;
	s1 =	sadd.s32 s5, s19;
	v2 =	vld [tilespmem:s2+$0x0]  }
0x55: {  	s8 =	sadd.s32 $0xFFFFFBF0, s21;
	s21 =	sadd.s32 $0x80, s21;
	s0 =	sadd.s32 s5, s20;
	v1 =	vld [tilespmem:s4+$0x0]  }
0x56: {  	v3 =	vld [tilespmem:s28+$0x0]  }
0x57: {  	s2 =	sand.u32 $0x300, s8;
	v4 =	vld [tilespmem:s29+$0x0];
	s4 =	sand.u32 $0x80, s8  }
0x58: {  	s0 =	sadd.s32 s30, s0;
	v54 =	vld [tilespmem:s31+$0x0];
	s7 =	sadd.s32 s2, s20;
	s8 =	sor.u32 $0x20, s4;
	[tilespmem:s22+$0x0] =	vst v0  }
0x59: {  	s3 =	sor.u32 $0x400, s2;
	v5 =	vld [tilespmem:s0+$0x0];
	s28 =	sor.u32 $0x30, s4;
	s21 =	sadd.s32 s8, s7;
	[tilespmem:s23+$0x0] =	vst v2  }
0x5a: {  	s5 =	sadd.s32 s3, s20;
	s29 =	sadd.s32 s28, s7;
	v58 =	vld [tilespmem:s21+$0x0];
	[tilespmem:s24+$0x0] =	vst v1  }
0x5b: {  	s1 =	sadd.s32 s30, s1;
	s5 =	sadd.s32 s4, s5;
	v59 =	vld [tilespmem:s29+$0x0];
	[tilespmem:s25+$0x0] =	vst v3  }
0x5c: {  	s2 =	sadd.s32 s2, s19;
	s23 =	sor.u32 $0x10, s4;
	v55 =	vld [tilespmem:s5+$0x0];
	s24 =	sadd.s32 s4, s7;
	[tilespmem:s26+$0x0] =	vst v4  }
0x5d: {  	s3 =	sadd.s32 s3, s19;
	s5 =	sor.u32 $0x40, s4;
	v56 =	vld [tilespmem:s24+$0x0];
	s25 =	sadd.s32 s23, s7;
	[tilespmem:s27+$0x0] =	vst v54  }
0x5e: {  	s19 =	sor.u32 $0x50, s4;
	s8 =	sadd.s32 s8, s2;
	s30 =	sadd.s32 s5, s7;
	v57 =	vld [tilespmem:s25+$0x0];
	[tilespmem:s1+$0x0] =	vst v5  }
0x5f: {  	s31 =	sor.u32 $0x60, s4;
	s28 =	sadd.s32 s28, s2;
	s24 =	sadd.s32 s19, s7;
	v60 =	vld [tilespmem:s30+$0x0];
	[tilespmem:s8+$0x0] =	vst v58  }
0x60: {  	s3 =	sadd.s32 s4, s3;
	s26 =	sor.u32 $0x70, s4;
	s27 =	sadd.s32 s31, s7;
	v61 =	vld [tilespmem:s24+$0x0];
	[tilespmem:s28+$0x0] =	vst v59  }
0x61: {  	s25 =	sadd.s32 s4, s2;
	s7 =	sadd.s32 s26, s7;
	v62 =	vld [tilespmem:s27+$0x0];
	[tilespmem:s3+$0x0] =	vst v55  }
0x62: {  	s0 =	sadd.s32 s23, s2;
	v63 =	vld [tilespmem:s7+$0x0];
	[tilespmem:s25+$0x0] =	vst v56  }
.Ltmp4:
0x63: {  	s29 =	sadd.s32 s5, s2;
	[tilespmem:s0+$0x0] =	vst v57;
	(pc) =	sbr.rel @p0 .LBB1_4-.Ltmp4, $4  }
0x64: {  	s30 =	sadd.s32 s19, s2;
	[tilespmem:s29+$0x0] =	vst v60  }
0x65: {  	s1 =	sadd.s32 s31, s2;
	[tilespmem:s30+$0x0] =	vst v61  }
0x66: {  	s31 =	sadd.s32 s26, s2;
	[tilespmem:s1+$0x0] =	vst v62  }
0x67: {  	p1 =	por $0x0, $0x0;
	s0 =	simm.s32 $0x1;
	[tilespmem:s31+$0x0] =	vst v63  }
0x68: {  	s16 =	sadd.s32 $0x1, s16  }
0x69: {  	p0 =	sne.s32 s16, $0x4  }
.Ltmp5:
0x6a: {  	_ = 	snop;
	(pc) =	sbr.rel @p0 .LBB1_3-.Ltmp5, $1  }
0x6b: {  	_ =	sdelay $0x3  }
.Ltmp6:
0x6c: {  	s2 =	rddreg [dreg:$0x4];
	(pc) =	sbr.rel .LBB1_9-.Ltmp6, $4  }
0x6d: {  	s0 =	sshll.u32 s13, $0x8;
	s4 =	rddreg [dreg:$0x2]  }
0x6e: {  	s1 =	sshll.u32 s12, $0xA;
	s15 =	rddreg [dreg:$0x3];
	s0 =	sadd.s32 s2, s0  }
0x6f: {  	s31 =	simm.s32 $0x0;
	s5 =	rddreg [dreg:$0x5];
	s0 =	sadd.s32 s1, s0  }
0x70: {  	[hbm4b:s0+s31] =	stream.linear.scatter [tilespmem:s14], [sflag:$0x2], $0x4000, $0x38;
	[tilespmem:$0x10000] =	vst v63  }
.LBB1_10:
0x71: {  	_ =	sfence.sel $0x180000  }
0x72: {  	s0 =	simm.s32 $0x1;
	[bflag:$0x0] =	sbarrier.arrive $0xFFFF  }
0x73: {  	s30 =	simm.s32 $0x2;
	[sflag:s0] =	ssyncpa.u1 $0x1  }
0x74: {  	[sflag:s30] =	ssyncpa.u1 $0x1  }
0x75: {  	_ =	strace $0x9000006E  }
0x76: {  	s31 =	stileid.u32;
	[bflag:$0x2] =	sbarrier.arrive $0xFFFF  }
0x77: {  	p0 =	sne.s32 s31, $0x0;
	s0 =	rddreg [dreg:$0x1]  }
0x78: {  	s0 =	sadd.s32 @!p0 $0x100000, s0  }
0x79: {  	[sflag:s0] =	ssyncadd.tile.s32 @!p0 $0x1;
	_ =	shalt  }
.Lfunc_end1:
_tile_overlayer_lowered:
.L_overlay_start_2:
0x7a: {  	(tag) =	ssettag $0x2  }
0x7b: {  	s0 =	rddreg [dreg:$0x0];
	s2 =	stileid.u32  }
0x7c: {  	s1 =	rddreg [dreg:$0x1];
	p0 =	sne.s32 s2, $0x0  }
0x7d: {  	s3 =	rddreg [dreg:$0x2];
	[bflag:$0x3] =	sbarrier.arrive $0xFFFF;
	s2 =	simm.s32 @!p0 $0x1C01  }
0x7e: {  	[timem:s3], [sflag:s2] =	dma.local @!p0 [hbm:s0], s1  }
0x7f: {  	s0 =	simm.s32 @!p0 $0x1  }
0x80: {  	_ =	swait.ge @!p0 [sflag:s0], s1  }
0x81: {  	s1 =	ssub.s32 @!p0 $0x0, s1;
	[sflag:s0] =	ssyncset.done @!p0 $0x0  }
0x82: {  	[sflag:s0] =	ssyncadd.s32 @!p0 s1  }
0x83: {  	[bflag:$0x3] =	sbarrier.arrive $0xFFFF  }
0x84: {  	_ =	shalt  }

</sc_bundles>
